<compile_context>
chip_gen: v7x
topology: tpu7x:2x2x1
jax: 0.10.2.dev20260603
libtpu: 0.0.44.dev20260713+nightly
codegen_flags: <defaults>
</compile_context>

<pallas_src>
import functools

import jax
import jax.numpy as jnp
from jax import lax
from jax.experimental import pallas as pl
from jax.experimental.pallas import tpu as pltpu
from jax.experimental.pallas import tpu_sc as plsc

A, BS, T, V = 8, 4096, 50, 32
NROWS = A * T
NC, NS = 2, 16
NW = NC * NS
SUBR = 1024

TC_ROWS = 112
SC_ROWS = NROWS - TC_ROWS
SR_PER_W = SC_ROWS * 4 // NW
PER_W = SUBR * SR_PER_W
SR_PER_CH = 9
CH = SUBR * SR_PER_CH
N_CHUNKS = SR_PER_W // SR_PER_CH
TC_BLK = 4
JV = SUBR // 16

_mesh = plsc.VectorSubcoreMesh(core_axis_name="c", subcore_axis_name="s")


@functools.partial(
    pl.kernel,
    mesh=_mesh,
    out_type=jax.ShapeDtypeStruct((NW, SR_PER_W * 16), jnp.float32),
    compiler_params=pltpu.CompilerParams(needs_layout_passes=False),
    scratch_types=[
        pltpu.VMEM((CH,), jnp.int32),
        pltpu.VMEM((CH,), jnp.int32),
        pltpu.VMEM((CH,), jnp.float32),
        pltpu.VMEM((CH,), jnp.float32),
        pltpu.VMEM((CH,), jnp.int32),
        pltpu.VMEM((CH,), jnp.int32),
        pltpu.VMEM((CH,), jnp.float32),
        pltpu.VMEM((CH,), jnp.float32),
        pltpu.VMEM((SR_PER_W * 16,), jnp.float32),
        pltpu.SemaphoreType.DMA,
        pltpu.SemaphoreType.DMA,
    ],
)
def _sc_gather_reduce(lp_hbm, act_hbm, td_hbm, out_hbm,
                      act0, act1, td0, td1, idx0, idx1, gat0, gat1,
                      acc_v, sem_in, sem_g):
    c = lax.axis_index("c")
    s = lax.axis_index("s")
    wid = s * NC + c
    pbase = wid * PER_W
    g0 = wid * SR_PER_W
    lanes = lax.iota(jnp.int32, 16)
    act_b, td_b, idx_b, gat_b = (act0, act1), (td0, td1), (idx0, idx1), (gat0, gat1)

    def load_and_index(ci, b):
        cb = pbase + ci * CH
        pltpu.async_copy(act_hbm.at[pl.ds(cb, CH)], act_b[b], sem_in)
        pltpu.async_copy(td_hbm.at[pl.ds(cb, CH)], td_b[b], sem_in).wait()
        pltpu.make_async_copy(act_hbm.at[pl.ds(cb, CH)], act_b[b],
                              sem_in).wait()

        def sub_body(r, _):
            g = g0 + ci * SR_PER_CH + r
            plane = (g >> 2) * (V * BS)
            b0 = (g & 3) << 10

            def idx_body(j, _):
                bj = b0 + j * 16
                sb = plane + ((bj >> 7) << 10) + (bj & 127)
                av = act_b[b][pl.ds(r * SUBR + j * 16, 16)]
                idx_b[b][pl.ds(r * SUBR + j * 16, 16)] = (
                    (sb + lanes) + ((av >> 3) << 15) + ((av & 7) << 7))
                return 0
            lax.fori_loop(0, JV, idx_body, 0, unroll=8)
            return 0
        lax.fori_loop(0, SR_PER_CH, sub_body, 0)

    def fire(b):
        pltpu.async_copy(lp_hbm.at[idx_b[b]], gat_b[b], sem_g)

    def drain(b):
        pltpu.make_async_copy(lp_hbm.at[idx_b[b]], gat_b[b], sem_g).wait()

    def accumulate(ci, b):
        def sub_body(r, _):
            def acc_body(j, av):
                d = r * SUBR + j * 16
                return av + gat_b[b][pl.ds(d, 16)] * td_b[b][pl.ds(d, 16)]
            av = lax.fori_loop(0, JV, acc_body, jnp.zeros((16,), jnp.float32),
                               unroll=8)
            acc_v[pl.ds((ci * SR_PER_CH + r) * 16, 16)] = av
            return 0
        lax.fori_loop(0, SR_PER_CH, sub_body, 0)

    load_and_index(0, 0)
    fire(0)
    for ci in range(1, N_CHUNKS):
        b = ci % 2
        load_and_index(ci, b)
        drain(1 - b)
        fire(b)
        accumulate(ci - 1, 1 - b)
    drain((N_CHUNKS - 1) % 2)
    accumulate(N_CHUNKS - 1, (N_CHUNKS - 1) % 2)
    pltpu.sync_copy(acc_v, out_hbm.at[wid])


def _tc_body(lp_ref, act_ref, td_ref, out_ref):
    for p in range(TC_BLK):
        act = act_ref[p]
        td = td_ref[p]
        acc = jnp.zeros((32, 128), jnp.float32)
        for v4 in range(4):
            for v8 in range(8):
                acc = acc + jnp.where(act == v4 * 8 + v8,
                                      lp_ref[p, v4, :, v8, :], 0.0)
        out_ref[p] = acc * td


_tc_select = pl.pallas_call(
    _tc_body,
    grid=(TC_ROWS // TC_BLK,),
    in_specs=[
        pl.BlockSpec((TC_BLK, 4, 32, 8, 128),
                     lambda r: (SC_ROWS // TC_BLK + r, 0, 0, 0, 0)),
        pl.BlockSpec((TC_BLK, 32, 128), lambda r: (SC_ROWS // TC_BLK + r, 0, 0)),
        pl.BlockSpec((TC_BLK, 32, 128), lambda r: (SC_ROWS // TC_BLK + r, 0, 0)),
    ],
    out_specs=pl.BlockSpec((TC_BLK, 32, 128), lambda r: (r, 0, 0)),
    out_shape=jax.ShapeDtypeStruct((TC_ROWS, 32, 128), jnp.float32),
)


def kernel(log_policies, td_errors, actions):
    lp6 = jnp.transpose(
        jnp.transpose(log_policies, (0, 2, 3, 1))
        .reshape(A, T, V // 8, 8, BS // 128, 128),
        (0, 1, 2, 4, 3, 5))
    lp_flat = lp6.reshape(-1)
    lp_rows = lp6.reshape(NROWS, V // 8, BS // 128, 8, 128)
    act_flat = jnp.transpose(actions.astype(jnp.int32), (0, 2, 3, 1)).reshape(-1)
    td_flat = jnp.transpose(td_errors.astype(jnp.float32), (0, 2, 3, 1)).reshape(-1)
    act_rows = act_flat.reshape(NROWS, BS // 128, 128)
    td_rows = td_flat.reshape(NROWS, BS // 128, 128)

    sc_partials = _sc_gather_reduce(lp_flat, act_flat, td_flat)
    tc_partials = _tc_select(lp_rows, act_rows, td_rows)

    sc_rows = sc_partials.reshape(SC_ROWS, 4 * 16).sum(axis=-1)
    tc_rows = tc_partials.reshape(TC_ROWS, 32 * 128).sum(axis=-1)
    rows = jnp.concatenate([sc_rows, tc_rows])
    return rows.reshape(A, T) * (-1.0 / BS)

# --- scband reference (transcript-rebuilt; emitter-appended) ---
"""Pipeline reference for scband-iacv-policy-loss-87325275062421 (READ-ONLY COPY).

The authoritative reference and input builder live on the scoring server;
editing this copy changes nothing except your own understanding.
"""

import jax, jax.numpy as jnp
import numpy as np

A, BS, T, V = 8, 4096, 50, 32

def setup_inputs(seed: int = 0) -> dict:
    key = jax.random.key(seed)
    k1, k2, k3 = jax.random.split(key, 3)
    log_policies = jax.random.normal(k1, (A, BS, T, V), dtype=jnp.float32)
    td_errors = jax.random.normal(k2, (A, BS, T, 1), dtype=jnp.float32)
    actions = jax.random.randint(k3, (A, BS, T, 1), 0, V, dtype=jnp.int64)
    return {"log_policies": log_policies, "td_errors": td_errors, "actions": actions}

def reference(log_policies, td_errors, actions):
    # tformat == 'a*bs*t*v' -> vdim=3, bsdim=1
    _td = jax.lax.stop_gradient(td_errors)
    _act = actions.astype(jnp.int32)
    _active_logits = jnp.take_along_axis(log_policies, _act, axis=3)
    loss_mean = -1.0 * (jnp.squeeze(_active_logits, axis=3) * jnp.squeeze(_td, axis=3)).mean(axis=1)
    return loss_mean  # shape [a, t]; output_tformat 'a*t'

if __name__ == "__main__":
    import jax
    _d = setup_inputs()
    print(jax.jit(kernel)(*tuple(_d.values())))

</pallas_src>

<mosaic_0001>
#map = affine_map<(d0, d1) -> (0)>
#map1 = affine_map<(d0, d1) -> (0, 0)>
module attributes {stable_mosaic.version = 14 : i64} {
  func.func @_sc_gather_reduce(%arg0: i32, %arg1: i32, %arg2: memref<52428800xf32, #tpu.memory_space<hbm>>, %arg3: memref<1638400xi32, #tpu.memory_space<hbm>>, %arg4: memref<1638400xf32, #tpu.memory_space<hbm>>, %arg5: memref<32x576xf32, #tpu.memory_space<hbm>>, %arg6: memref<9216xi32, #tpu.memory_space<vmem>>, %arg7: memref<9216xi32, #tpu.memory_space<vmem>>, %arg8: memref<9216xf32, #tpu.memory_space<vmem>>, %arg9: memref<9216xf32, #tpu.memory_space<vmem>>, %arg10: memref<9216xi32, #tpu.memory_space<vmem>>, %arg11: memref<9216xi32, #tpu.memory_space<vmem>>, %arg12: memref<9216xf32, #tpu.memory_space<vmem>>, %arg13: memref<9216xf32, #tpu.memory_space<vmem>>, %arg14: memref<576xf32, #tpu.memory_space<vmem>>, %arg15: memref<!tpu.dma_semaphore, #tpu.memory_space<semaphore_mem>>, %arg16: memref<!tpu.dma_semaphore, #tpu.memory_space<semaphore_mem>>) attributes {dimension_semantics = [#tpu.dimension_semantics<core_parallel>, #tpu.dimension_semantics<subcore_parallel>], iteration_bounds = array<i64: 2, 16>, scalar_prefetch = 0 : i64, scratch_operands = 11 : i64, tpu.core_type = #tpu.core_type<sc_vector_subcore>, window_params = [{transform_indices = #map}, {transform_indices = #map}, {transform_indices = #map}, {transform_indices = #map1}]} {
    %mul3A = arith.constant 2 : i32
    %mul3A_0 = arith.muli %arg1, %mul3A : i32
    %add3A = arith.addi %mul3A_0, %arg0 : i32
    %mul3A_1 = arith.constant 36864 : i32
    %mul3A_2 = arith.muli %add3A, %mul3A_1 : i32
    %mul3A_3 = arith.constant 36 : i32
    %mul3A_4 = arith.muli %add3A, %mul3A_3 : i32
    %iota3A = tpu.iota {dimensions = array<i32: 0>} : vector<16xi32>
    %add3A_5 = arith.constant 0 : i32
    %add3A_6 = arith.addi %mul3A_2, %add3A_5 : i32
    %dma_start3A = tpu.memref_slice %arg3[%add3A_6] : memref<1638400xi32, #tpu.memory_space<hbm>> -> memref<9216xi32, #tpu.memory_space<hbm>>
    %dma_start3A_7 = tpu.memref_slice %arg3[%add3A_6] : memref<1638400xi32, #tpu.memory_space<hbm>> -> memref<9216xi32, #tpu.memory_space<hbm>>
    tpu.enqueue_dma source(%dma_start3A_7 : memref<9216xi32, #tpu.memory_space<hbm>>) target(%arg6 : memref<9216xi32, #tpu.memory_space<vmem>>) target_semaphore(%arg15 : memref<!tpu.dma_semaphore, #tpu.memory_space<semaphore_mem>>)
    %dma_start3A_8 = tpu.memref_slice %arg4[%add3A_6] : memref<1638400xf32, #tpu.memory_space<hbm>> -> memref<9216xf32, #tpu.memory_space<hbm>>
    %dma_start3A_9 = tpu.memref_slice %arg4[%add3A_6] : memref<1638400xf32, #tpu.memory_space<hbm>> -> memref<9216xf32, #tpu.memory_space<hbm>>
    tpu.enqueue_dma source(%dma_start3A_9 : memref<9216xf32, #tpu.memory_space<hbm>>) target(%arg8 : memref<9216xf32, #tpu.memory_space<vmem>>) target_semaphore(%arg15 : memref<!tpu.dma_semaphore, #tpu.memory_space<semaphore_mem>>)
    %dma_wait3A = tpu.memref_slice %arg4[%add3A_6] : memref<1638400xf32, #tpu.memory_space<hbm>> -> memref<9216xf32, #tpu.memory_space<hbm>>
    %dma_wait3A_10 = tpu.memref_slice %arg4[%add3A_6] : memref<1638400xf32, #tpu.memory_space<hbm>> -> memref<9216xf32, #tpu.memory_space<hbm>>
    tpu.wait_dma2 semaphore(%arg15 : memref<!tpu.dma_semaphore, #tpu.memory_space<semaphore_mem>>) src(%dma_wait3A_10 : memref<9216xf32, #tpu.memory_space<hbm>>) dst(%arg8 : memref<9216xf32, #tpu.memory_space<vmem>>)
    %dma_wait3A_11 = tpu.memref_slice %arg3[%add3A_6] : memref<1638400xi32, #tpu.memory_space<hbm>> -> memref<9216xi32, #tpu.memory_space<hbm>>
    %dma_wait3A_12 = tpu.memref_slice %arg3[%add3A_6] : memref<1638400xi32, #tpu.memory_space<hbm>> -> memref<9216xi32, #tpu.memory_space<hbm>>
    tpu.wait_dma2 semaphore(%arg15 : memref<!tpu.dma_semaphore, #tpu.memory_space<semaphore_mem>>) src(%dma_wait3A_12 : memref<9216xi32, #tpu.memory_space<hbm>>) dst(%arg6 : memref<9216xi32, #tpu.memory_space<vmem>>)
    %scan3A = arith.constant 0 : i32
    %scan3A_13 = arith.constant 0 : i32
    %scan3A_14 = arith.constant 9 : i32
    %scan3A_15 = arith.addi %scan3A_13, %scan3A_14 : i32
    %scan3A_16 = arith.constant 1 : i32
    %scan3A_17 = scf.for %scan3A_114 = %scan3A_13 to %scan3A_15 step %scan3A_16 iter_args(%scan3A_115 = %scan3A) -> (i32)  : i32 {
      %add3A_116 = arith.constant 0 : i32
      %add3A_117 = arith.addi %mul3A_4, %add3A_116 : i32
      %add3A_118 = arith.addi %add3A_117, %scan3A_114 : i32
      %shift_right_arithmetic3A = arith.constant 2 : i32
      %shift_right_arithmetic3A_119 = arith.shrsi %add3A_118, %shift_right_arithmetic3A : i32
      %mul3A_120 = arith.constant 131072 : i32
      %mul3A_121 = arith.muli %shift_right_arithmetic3A_119, %mul3A_120 : i32
      %and3A = arith.constant 3 : i32
      %and3A_122 = arith.andi %add3A_118, %and3A : i32
      %shift_left3A = arith.constant 10 : i32
      %shift_left3A_123 = arith.shli %and3A_122, %shift_left3A : i32
      %scan3A_124 = arith.constant 0 : i32
      %scan3A_125 = arith.constant 0 : i32
      %scan3A_126 = arith.constant 64 : i32
      %scan3A_127 = arith.addi %scan3A_125, %scan3A_126 : i32
      %scan3A_128 = arith.constant 8 : i32
      %scan3A_129 = scf.for %scan3A_132 = %scan3A_125 to %scan3A_127 step %scan3A_128 iter_args(%scan3A_133 = %scan3A_124) -> (i32)  : i32 {
        %mul3A_134 = arith.constant 16 : i32
        %mul3A_135 = arith.muli %scan3A_132, %mul3A_134 : i32
        %add3A_136 = arith.addi %shift_left3A_123, %mul3A_135 : i32
        %shift_right_arithmetic3A_137 = arith.constant 7 : i32
        %shift_right_arithmetic3A_138 = arith.shrsi %add3A_136, %shift_right_arithmetic3A_137 : i32
        %shift_left3A_139 = arith.constant 10 : i32
        %shift_left3A_140 = arith.shli %shift_right_arithmetic3A_138, %shift_left3A_139 : i32
        %add3A_141 = arith.addi %mul3A_121, %shift_left3A_140 : i32
        %and3A_142 = arith.constant 127 : i32
        %and3A_143 = arith.andi %add3A_136, %and3A_142 : i32
        %add3A_144 = arith.addi %add3A_141, %and3A_143 : i32
        %mul3A_145 = arith.constant 1024 : i32
        %mul3A_146 = arith.muli %scan3A_114, %mul3A_145 : i32
        %mul3A_147 = arith.constant 16 : i32
        %mul3A_148 = arith.muli %scan3A_132, %mul3A_147 : i32
        %add3A_149 = arith.addi %mul3A_146, %mul3A_148 : i32
        %get3A = arith.index_cast %add3A_149 : i32 to index
        %get3A_150 = tpu.vector_load %arg6[%get3A] {strides = array<i32>} : memref<9216xi32, #tpu.memory_space<vmem>>, vector<16xi32>,
        %add3A_151 = vector.broadcast %add3A_144 : i32 to vector<16xi32>
        %add3A_152 = arith.addi %add3A_151, %iota3A : vector<16xi32>
        %shift_right_arithmetic3A_153 = arith.constant 3 : i32
        %shift_right_arithmetic3A_154 = vector.broadcast %shift_right_arithmetic3A_153 : i32 to vector<16xi32>
        %shift_right_arithmetic3A_155 = arith.shrsi %get3A_150, %shift_right_arithmetic3A_154 : vector<16xi32>
        %shift_left3A_156 = arith.constant 15 : i32
        %shift_left3A_157 = vector.broadcast %shift_left3A_156 : i32 to vector<16xi32>
        %shift_left3A_158 = arith.shli %shift_right_arithmetic3A_155, %shift_left3A_157 : vector<16xi32>
        %add3A_159 = arith.addi %add3A_152, %shift_left3A_158 : vector<16xi32>
        %and3A_160 = arith.constant 7 : i32
        %and3A_161 = vector.broadcast %and3A_160 : i32 to vector<16xi32>
        %and3A_162 = arith.andi %get3A_150, %and3A_161 : vector<16xi32>
        %shift_left3A_163 = arith.constant 7 : i32
        %shift_left3A_164 = vector.broadcast %shift_left3A_163 : i32 to vector<16xi32>
        %shift_left3A_165 = arith.shli %and3A_162, %shift_left3A_164 : vector<16xi32>
        %add3A_166 = arith.addi %add3A_159, %shift_left3A_165 : vector<16xi32>
        %mul3A_167 = arith.constant 1024 : i32
        %mul3A_168 = arith.muli %scan3A_114, %mul3A_167 : i32
        %mul3A_169 = arith.constant 16 : i32
        %mul3A_170 = arith.muli %scan3A_132, %mul3A_169 : i32
        %add3A_171 = arith.addi %mul3A_168, %mul3A_170 : i32
        %swap3A = arith.index_cast %add3A_171 : i32 to index
        %swap3A_172 = tpu.vector_load %arg10[%swap3A] {strides = array<i32>} : memref<9216xi32, #tpu.memory_space<vmem>>, vector<16xi32>,
        tpu.vector_store %arg10[%swap3A], %add3A_166 {strides = array<i32>} : memref<9216xi32, #tpu.memory_space<vmem>>, vector<16xi32>,
        %scan3A_173 = arith.constant 0 : i32
        %scan3A_174 = arith.constant 1 : i32
        %scan3A_175 = arith.addi %scan3A_132, %scan3A_174 : i32
        %mul3A_176 = arith.constant 16 : i32
        %mul3A_177 = arith.muli %scan3A_175, %mul3A_176 : i32
        %add3A_178 = arith.addi %shift_left3A_123, %mul3A_177 : i32
        %shift_right_arithmetic3A_179 = arith.constant 7 : i32
        %shift_right_arithmetic3A_180 = arith.shrsi %add3A_178, %shift_right_arithmetic3A_179 : i32
        %shift_left3A_181 = arith.constant 10 : i32
        %shift_left3A_182 = arith.shli %shift_right_arithmetic3A_180, %shift_left3A_181 : i32
        %add3A_183 = arith.addi %mul3A_121, %shift_left3A_182 : i32
        %and3A_184 = arith.constant 127 : i32
        %and3A_185 = arith.andi %add3A_178, %and3A_184 : i32
        %add3A_186 = arith.addi %add3A_183, %and3A_185 : i32
        %mul3A_187 = arith.constant 1024 : i32
        %mul3A_188 = arith.muli %scan3A_114, %mul3A_187 : i32
        %mul3A_189 = arith.constant 16 : i32
        %mul3A_190 = arith.muli %scan3A_175, %mul3A_189 : i32
        %add3A_191 = arith.addi %mul3A_188, %mul3A_190 : i32
        %get3A_192 = arith.index_cast %add3A_191 : i32 to index
        %get3A_193 = tpu.vector_load %arg6[%get3A_192] {strides = array<i32>} : memref<9216xi32, #tpu.memory_space<vmem>>, vector<16xi32>,
        %add3A_194 = vector.broadcast %add3A_186 : i32 to vector<16xi32>
        %add3A_195 = arith.addi %add3A_194, %iota3A : vector<16xi32>
        %shift_right_arithmetic3A_196 = arith.constant 3 : i32
        %shift_right_arithmetic3A_197 = vector.broadcast %shift_right_arithmetic3A_196 : i32 to vector<16xi32>
        %shift_right_arithmetic3A_198 = arith.shrsi %get3A_193, %shift_right_arithmetic3A_197 : vector<16xi32>
        %shift_left3A_199 = arith.constant 15 : i32
        %shift_left3A_200 = vector.broadcast %shift_left3A_199 : i32 to vector<16xi32>
        %shift_left3A_201 = arith.shli %shift_right_arithmetic3A_198, %shift_left3A_200 : vector<16xi32>
        %add3A_202 = arith.addi %add3A_195, %shift_left3A_201 : vector<16xi32>
        %and3A_203 = arith.constant 7 : i32
        %and3A_204 = vector.broadcast %and3A_203 : i32 to vector<16xi32>
        %and3A_205 = arith.andi %get3A_193, %and3A_204 : vector<16xi32>
        %shift_left3A_206 = arith.constant 7 : i32
        %shift_left3A_207 = vector.broadcast %shift_left3A_206 : i32 to vector<16xi32>
        %shift_left3A_208 = arith.shli %and3A_205, %shift_left3A_207 : vector<16xi32>
        %add3A_209 = arith.addi %add3A_202, %shift_left3A_208 : vector<16xi32>
        %mul3A_210 = arith.constant 1024 : i32
        %mul3A_211 = arith.muli %scan3A_114, %mul3A_210 : i32
        %mul3A_212 = arith.constant 16 : i32
        %mul3A_213 = arith.muli %scan3A_175, %mul3A_212 : i32
        %add3A_214 = arith.addi %mul3A_211, %mul3A_213 : i32
        %swap3A_215 = arith.index_cast %add3A_214 : i32 to index
        %swap3A_216 = tpu.vector_load %arg10[%swap3A_215] {strides = array<i32>} : memref<9216xi32, #tpu.memory_space<vmem>>, vector<16xi32>,
        tpu.vector_store %arg10[%swap3A_215], %add3A_209 {strides = array<i32>} : memref<9216xi32, #tpu.memory_space<vmem>>, vector<16xi32>,
        %scan3A_217 = arith.constant 0 : i32
        %scan3A_218 = arith.constant 2 : i32
        %scan3A_219 = arith.addi %scan3A_132, %scan3A_218 : i32
        %mul3A_220 = arith.constant 16 : i32
        %mul3A_221 = arith.muli %scan3A_219, %mul3A_220 : i32
        %add3A_222 = arith.addi %shift_left3A_123, %mul3A_221 : i32
        %shift_right_arithmetic3A_223 = arith.constant 7 : i32
        %shift_right_arithmetic3A_224 = arith.shrsi %add3A_222, %shift_right_arithmetic3A_223 : i32
        %shift_left3A_225 = arith.constant 10 : i32
        %shift_left3A_226 = arith.shli %shift_right_arithmetic3A_224, %shift_left3A_225 : i32
        %add3A_227 = arith.addi %mul3A_121, %shift_left3A_226 : i32
        %and3A_228 = arith.constant 127 : i32
        %and3A_229 = arith.andi %add3A_222, %and3A_228 : i32
        %add3A_230 = arith.addi %add3A_227, %and3A_229 : i32
        %mul3A_231 = arith.constant 1024 : i32
        %mul3A_232 = arith.muli %scan3A_114, %mul3A_231 : i32
        %mul3A_233 = arith.constant 16 : i32
        %mul3A_234 = arith.muli %scan3A_219, %mul3A_233 : i32
        %add3A_235 = arith.addi %mul3A_232, %mul3A_234 : i32
        %get3A_236 = arith.index_cast %add3A_235 : i32 to index
        %get3A_237 = tpu.vector_load %arg6[%get3A_236] {strides = array<i32>} : memref<9216xi32, #tpu.memory_space<vmem>>, vector<16xi32>,
        %add3A_238 = vector.broadcast %add3A_230 : i32 to vector<16xi32>
        %add3A_239 = arith.addi %add3A_238, %iota3A : vector<16xi32>
        %shift_right_arithmetic3A_240 = arith.constant 3 : i32
        %shift_right_arithmetic3A_241 = vector.broadcast %shift_right_arithmetic3A_240 : i32 to vector<16xi32>
        %shift_right_arithmetic3A_242 = arith.shrsi %get3A_237, %shift_right_arithmetic3A_241 : vector<16xi32>
        %shift_left3A_243 = arith.constant 15 : i32
        %shift_left3A_244 = vector.broadcast %shift_left3A_243 : i32 to vector<16xi32>
        %shift_left3A_245 = arith.shli %shift_right_arithmetic3A_242, %shift_left3A_244 : vector<16xi32>
        %add3A_246 = arith.addi %add3A_239, %shift_left3A_245 : vector<16xi32>
        %and3A_247 = arith.constant 7 : i32
        %and3A_248 = vector.broadcast %and3A_247 : i32 to vector<16xi32>
        %and3A_249 = arith.andi %get3A_237, %and3A_248 : vector<16xi32>
        %shift_left3A_250 = arith.constant 7 : i32
        %shift_left3A_251 = vector.broadcast %shift_left3A_250 : i32 to vector<16xi32>
        %shift_left3A_252 = arith.shli %and3A_249, %shift_left3A_251 : vector<16xi32>
        %add3A_253 = arith.addi %add3A_246, %shift_left3A_252 : vector<16xi32>
        %mul3A_254 = arith.constant 1024 : i32
        %mul3A_255 = arith.muli %scan3A_114, %mul3A_254 : i32
        %mul3A_256 = arith.constant 16 : i32
        %mul3A_257 = arith.muli %scan3A_219, %mul3A_256 : i32
        %add3A_258 = arith.addi %mul3A_255, %mul3A_257 : i32
        %swap3A_259 = arith.index_cast %add3A_258 : i32 to index
        %swap3A_260 = tpu.vector_load %arg10[%swap3A_259] {strides = array<i32>} : memref<9216xi32, #tpu.memory_space<vmem>>, vector<16xi32>,
        tpu.vector_store %arg10[%swap3A_259], %add3A_253 {strides = array<i32>} : memref<9216xi32, #tpu.memory_space<vmem>>, vector<16xi32>,
        %scan3A_261 = arith.constant 0 : i32
        %scan3A_262 = arith.constant 3 : i32
        %scan3A_263 = arith.addi %scan3A_132, %scan3A_262 : i32
        %mul3A_264 = arith.constant 16 : i32
        %mul3A_265 = arith.muli %scan3A_263, %mul3A_264 : i32
        %add3A_266 = arith.addi %shift_left3A_123, %mul3A_265 : i32
        %shift_right_arithmetic3A_267 = arith.constant 7 : i32
        %shift_right_arithmetic3A_268 = arith.shrsi %add3A_266, %shift_right_arithmetic3A_267 : i32
        %shift_left3A_269 = arith.constant 10 : i32
        %shift_left3A_270 = arith.shli %shift_right_arithmetic3A_268, %shift_left3A_269 : i32
        %add3A_271 = arith.addi %mul3A_121, %shift_left3A_270 : i32
        %and3A_272 = arith.constant 127 : i32
        %and3A_273 = arith.andi %add3A_266, %and3A_272 : i32
        %add3A_274 = arith.addi %add3A_271, %and3A_273 : i32
        %mul3A_275 = arith.constant 1024 : i32
        %mul3A_276 = arith.muli %scan3A_114, %mul3A_275 : i32
        %mul3A_277 = arith.constant 16 : i32
        %mul3A_278 = arith.muli %scan3A_263, %mul3A_277 : i32
        %add3A_279 = arith.addi %mul3A_276, %mul3A_278 : i32
        %get3A_280 = arith.index_cast %add3A_279 : i32 to index
        %get3A_281 = tpu.vector_load %arg6[%get3A_280] {strides = array<i32>} : memref<9216xi32, #tpu.memory_space<vmem>>, vector<16xi32>,
        %add3A_282 = vector.broadcast %add3A_274 : i32 to vector<16xi32>
        %add3A_283 = arith.addi %add3A_282, %iota3A : vector<16xi32>
        %shift_right_arithmetic3A_284 = arith.constant 3 : i32
        %shift_right_arithmetic3A_285 = vector.broadcast %shift_right_arithmetic3A_284 : i32 to vector<16xi32>
        %shift_right_arithmetic3A_286 = arith.shrsi %get3A_281, %shift_right_arithmetic3A_285 : vector<16xi32>
        %shift_left3A_287 = arith.constant 15 : i32
        %shift_left3A_288 = vector.broadcast %shift_left3A_287 : i32 to vector<16xi32>
        %shift_left3A_289 = arith.shli %shift_right_arithmetic3A_286, %shift_left3A_288 : vector<16xi32>
        %add3A_290 = arith.addi %add3A_283, %shift_left3A_289 : vector<16xi32>
        %and3A_291 = arith.constant 7 : i32
        %and3A_292 = vector.broadcast %and3A_291 : i32 to vector<16xi32>
        %and3A_293 = arith.andi %get3A_281, %and3A_292 : vector<16xi32>
        %shift_left3A_294 = arith.constant 7 : i32
        %shift_left3A_295 = vector.broadcast %shift_left3A_294 : i32 to vector<16xi32>
        %shift_left3A_296 = arith.shli %and3A_293, %shift_left3A_295 : vector<16xi32>
        %add3A_297 = arith.addi %add3A_290, %shift_left3A_296 : vector<16xi32>
        %mul3A_298 = arith.constant 1024 : i32
        %mul3A_299 = arith.muli %scan3A_114, %mul3A_298 : i32
        %mul3A_300 = arith.constant 16 : i32
        %mul3A_301 = arith.muli %scan3A_263, %mul3A_300 : i32
        %add3A_302 = arith.addi %mul3A_299, %mul3A_301 : i32
        %swap3A_303 = arith.index_cast %add3A_302 : i32 to index
        %swap3A_304 = tpu.vector_load %arg10[%swap3A_303] {strides = array<i32>} : memref<9216xi32, #tpu.memory_space<vmem>>, vector<16xi32>,
        tpu.vector_store %arg10[%swap3A_303], %add3A_297 {strides = array<i32>} : memref<9216xi32, #tpu.memory_space<vmem>>, vector<16xi32>,
        %scan3A_305 = arith.constant 0 : i32
        %scan3A_306 = arith.constant 4 : i32
        %scan3A_307 = arith.addi %scan3A_132, %scan3A_306 : i32
        %mul3A_308 = arith.constant 16 : i32
        %mul3A_309 = arith.muli %scan3A_307, %mul3A_308 : i32
        %add3A_310 = arith.addi %shift_left3A_123, %mul3A_309 : i32
        %shift_right_arithmetic3A_311 = arith.constant 7 : i32
        %shift_right_arithmetic3A_312 = arith.shrsi %add3A_310, %shift_right_arithmetic3A_311 : i32
        %shift_left3A_313 = arith.constant 10 : i32
        %shift_left3A_314 = arith.shli %shift_right_arithmetic3A_312, %shift_left3A_313 : i32
        %add3A_315 = arith.addi %mul3A_121, %shift_left3A_314 : i32
        %and3A_316 = arith.constant 127 : i32
        %and3A_317 = arith.andi %add3A_310, %and3A_316 : i32
        %add3A_318 = arith.addi %add3A_315, %and3A_317 : i32
        %mul3A_319 = arith.constant 1024 : i32
        %mul3A_320 = arith.muli %scan3A_114, %mul3A_319 : i32
        %mul3A_321 = arith.constant 16 : i32
        %mul3A_322 = arith.muli %scan3A_307, %mul3A_321 : i32
        %add3A_323 = arith.addi %mul3A_320, %mul3A_322 : i32
        %get3A_324 = arith.index_cast %add3A_323 : i32 to index
        %get3A_325 = tpu.vector_load %arg6[%get3A_324] {strides = array<i32>} : memref<9216xi32, #tpu.memory_space<vmem>>, vector<16xi32>,
        %add3A_326 = vector.broadcast %add3A_318 : i32 to vector<16xi32>
        %add3A_327 = arith.addi %add3A_326, %iota3A : vector<16xi32>
        %shift_right_arithmetic3A_328 = arith.constant 3 : i32
        %shift_right_arithmetic3A_329 = vector.broadcast %shift_right_arithmetic3A_328 : i32 to vector<16xi32>
        %shift_right_arithmetic3A_330 = arith.shrsi %get3A_325, %shift_right_arithmetic3A_329 : vector<16xi32>
        %shift_left3A_331 = arith.constant 15 : i32
        %shift_left3A_332 = vector.broadcast %shift_left3A_331 : i32 to vector<16xi32>
        %shift_left3A_333 = arith.shli %shift_right_arithmetic3A_330, %shift_left3A_332 : vector<16xi32>
        %add3A_334 = arith.addi %add3A_327, %shift_left3A_333 : vector<16xi32>
        %and3A_335 = arith.constant 7 : i32
        %and3A_336 = vector.broadcast %and3A_335 : i32 to vector<16xi32>
        %and3A_337 = arith.andi %get3A_325, %and3A_336 : vector<16xi32>
        %shift_left3A_338 = arith.constant 7 : i32
        %shift_left3A_339 = vector.broadcast %shift_left3A_338 : i32 to vector<16xi32>
        %shift_left3A_340 = arith.shli %and3A_337, %shift_left3A_339 : vector<16xi32>
        %add3A_341 = arith.addi %add3A_334, %shift_left3A_340 : vector<16xi32>
        %mul3A_342 = arith.constant 1024 : i32
        %mul3A_343 = arith.muli %scan3A_114, %mul3A_342 : i32
        %mul3A_344 = arith.constant 16 : i32
        %mul3A_345 = arith.muli %scan3A_307, %mul3A_344 : i32
        %add3A_346 = arith.addi %mul3A_343, %mul3A_345 : i32
        %swap3A_347 = arith.index_cast %add3A_346 : i32 to index
        %swap3A_348 = tpu.vector_load %arg10[%swap3A_347] {strides = array<i32>} : memref<9216xi32, #tpu.memory_space<vmem>>, vector<16xi32>,
        tpu.vector_store %arg10[%swap3A_347], %add3A_341 {strides = array<i32>} : memref<9216xi32, #tpu.memory_space<vmem>>, vector<16xi32>,
        %scan3A_349 = arith.constant 0 : i32
        %scan3A_350 = arith.constant 5 : i32
        %scan3A_351 = arith.addi %scan3A_132, %scan3A_350 : i32
        %mul3A_352 = arith.constant 16 : i32
        %mul3A_353 = arith.muli %scan3A_351, %mul3A_352 : i32
        %add3A_354 = arith.addi %shift_left3A_123, %mul3A_353 : i32
        %shift_right_arithmetic3A_355 = arith.constant 7 : i32
        %shift_right_arithmetic3A_356 = arith.shrsi %add3A_354, %shift_right_arithmetic3A_355 : i32
        %shift_left3A_357 = arith.constant 10 : i32
        %shift_left3A_358 = arith.shli %shift_right_arithmetic3A_356, %shift_left3A_357 : i32
        %add3A_359 = arith.addi %mul3A_121, %shift_left3A_358 : i32
        %and3A_360 = arith.constant 127 : i32
        %and3A_361 = arith.andi %add3A_354, %and3A_360 : i32
        %add3A_362 = arith.addi %add3A_359, %and3A_361 : i32
        %mul3A_363 = arith.constant 1024 : i32
        %mul3A_364 = arith.muli %scan3A_114, %mul3A_363 : i32
        %mul3A_365 = arith.constant 16 : i32
        %mul3A_366 = arith.muli %scan3A_351, %mul3A_365 : i32
        %add3A_367 = arith.addi %mul3A_364, %mul3A_366 : i32
        %get3A_368 = arith.index_cast %add3A_367 : i32 to index
        %get3A_369 = tpu.vector_load %arg6[%get3A_368] {strides = array<i32>} : memref<9216xi32, #tpu.memory_space<vmem>>, vector<16xi32>,
        %add3A_370 = vector.broadcast %add3A_362 : i32 to vector<16xi32>
        %add3A_371 = arith.addi %add3A_370, %iota3A : vector<16xi32>
        %shift_right_arithmetic3A_372 = arith.constant 3 : i32
        %shift_right_arithmetic3A_373 = vector.broadcast %shift_right_arithmetic3A_372 : i32 to vector<16xi32>
        %shift_right_arithmetic3A_374 = arith.shrsi %get3A_369, %shift_right_arithmetic3A_373 : vector<16xi32>
        %shift_left3A_375 = arith.constant 15 : i32
        %shift_left3A_376 = vector.broadcast %shift_left3A_375 : i32 to vector<16xi32>
        %shift_left3A_377 = arith.shli %shift_right_arithmetic3A_374, %shift_left3A_376 : vector<16xi32>
        %add3A_378 = arith.addi %add3A_371, %shift_left3A_377 : vector<16xi32>
        %and3A_379 = arith.constant 7 : i32
        %and3A_380 = vector.broadcast %and3A_379 : i32 to vector<16xi32>
        %and3A_381 = arith.andi %get3A_369, %and3A_380 : vector<16xi32>
        %shift_left3A_382 = arith.constant 7 : i32
        %shift_left3A_383 = vector.broadcast %shift_left3A_382 : i32 to vector<16xi32>
        %shift_left3A_384 = arith.shli %and3A_381, %shift_left3A_383 : vector<16xi32>
        %add3A_385 = arith.addi %add3A_378, %shift_left3A_384 : vector<16xi32>
        %mul3A_386 = arith.constant 1024 : i32
        %mul3A_387 = arith.muli %scan3A_114, %mul3A_386 : i32
        %mul3A_388 = arith.constant 16 : i32
        %mul3A_389 = arith.muli %scan3A_351, %mul3A_388 : i32
        %add3A_390 = arith.addi %mul3A_387, %mul3A_389 : i32
        %swap3A_391 = arith.index_cast %add3A_390 : i32 to index
        %swap3A_392 = tpu.vector_load %arg10[%swap3A_391] {strides = array<i32>} : memref<9216xi32, #tpu.memory_space<vmem>>, vector<16xi32>,
        tpu.vector_store %arg10[%swap3A_391], %add3A_385 {strides = array<i32>} : memref<9216xi32, #tpu.memory_space<vmem>>, vector<16xi32>,
        %scan3A_393 = arith.constant 0 : i32
        %scan3A_394 = arith.constant 6 : i32
        %scan3A_395 = arith.addi %scan3A_132, %scan3A_394 : i32
        %mul3A_396 = arith.constant 16 : i32
        %mul3A_397 = arith.muli %scan3A_395, %mul3A_396 : i32
        %add3A_398 = arith.addi %shift_left3A_123, %mul3A_397 : i32
        %shift_right_arithmetic3A_399 = arith.constant 7 : i32
        %shift_right_arithmetic3A_400 = arith.shrsi %add3A_398, %shift_right_arithmetic3A_399 : i32
        %shift_left3A_401 = arith.constant 10 : i32
        %shift_left3A_402 = arith.shli %shift_right_arithmetic3A_400, %shift_left3A_401 : i32
        %add3A_403 = arith.addi %mul3A_121, %shift_left3A_402 : i32
        %and3A_404 = arith.constant 127 : i32
        %and3A_405 = arith.andi %add3A_398, %and3A_404 : i32
        %add3A_406 = arith.addi %add3A_403, %and3A_405 : i32
        %mul3A_407 = arith.constant 1024 : i32
        %mul3A_408 = arith.muli %scan3A_114, %mul3A_407 : i32
        %mul3A_409 = arith.constant 16 : i32
        %mul3A_410 = arith.muli %scan3A_395, %mul3A_409 : i32
        %add3A_411 = arith.addi %mul3A_408, %mul3A_410 : i32
        %get3A_412 = arith.index_cast %add3A_411 : i32 to index
        %get3A_413 = tpu.vector_load %arg6[%get3A_412] {strides = array<i32>} : memref<9216xi32, #tpu.memory_space<vmem>>, vector<16xi32>,
        %add3A_414 = vector.broadcast %add3A_406 : i32 to vector<16xi32>
        %add3A_415 = arith.addi %add3A_414, %iota3A : vector<16xi32>
        %shift_right_arithmetic3A_416 = arith.constant 3 : i32
        %shift_right_arithmetic3A_417 = vector.broadcast %shift_right_arithmetic3A_416 : i32 to vector<16xi32>
        %shift_right_arithmetic3A_418 = arith.shrsi %get3A_413, %shift_right_arithmetic3A_417 : vector<16xi32>
        %shift_left3A_419 = arith.constant 15 : i32
        %shift_left3A_420 = vector.broadcast %shift_left3A_419 : i32 to vector<16xi32>
        %shift_left3A_421 = arith.shli %shift_right_arithmetic3A_418, %shift_left3A_420 : vector<16xi32>
        %add3A_422 = arith.addi %add3A_415, %shift_left3A_421 : vector<16xi32>
        %and3A_423 = arith.constant 7 : i32
        %and3A_424 = vector.broadcast %and3A_423 : i32 to vector<16xi32>
        %and3A_425 = arith.andi %get3A_413, %and3A_424 : vector<16xi32>
        %shift_left3A_426 = arith.constant 7 : i32
        %shift_left3A_427 = vector.broadcast %shift_left3A_426 : i32 to vector<16xi32>
        %shift_left3A_428 = arith.shli %and3A_425, %shift_left3A_427 : vector<16xi32>
        %add3A_429 = arith.addi %add3A_422, %shift_left3A_428 : vector<16xi32>
        %mul3A_430 = arith.constant 1024 : i32
        %mul3A_431 = arith.muli %scan3A_114, %mul3A_430 : i32
        %mul3A_432 = arith.constant 16 : i32
        %mul3A_433 = arith.muli %scan3A_395, %mul3A_432 : i32
        %add3A_434 = arith.addi %mul3A_431, %mul3A_433 : i32
        %swap3A_435 = arith.index_cast %add3A_434 : i32 to index
        %swap3A_436 = tpu.vector_load %arg10[%swap3A_435] {strides = array<i32>} : memref<9216xi32, #tpu.memory_space<vmem>>, vector<16xi32>,
        tpu.vector_store %arg10[%swap3A_435], %add3A_429 {strides = array<i32>} : memref<9216xi32, #tpu.memory_space<vmem>>, vector<16xi32>,
        %scan3A_437 = arith.constant 0 : i32
        %scan3A_438 = arith.constant 7 : i32
        %scan3A_439 = arith.addi %scan3A_132, %scan3A_438 : i32
        %mul3A_440 = arith.constant 16 : i32
        %mul3A_441 = arith.muli %scan3A_439, %mul3A_440 : i32
        %add3A_442 = arith.addi %shift_left3A_123, %mul3A_441 : i32
        %shift_right_arithmetic3A_443 = arith.constant 7 : i32
        %shift_right_arithmetic3A_444 = arith.shrsi %add3A_442, %shift_right_arithmetic3A_443 : i32
        %shift_left3A_445 = arith.constant 10 : i32
        %shift_left3A_446 = arith.shli %shift_right_arithmetic3A_444, %shift_left3A_445 : i32
        %add3A_447 = arith.addi %mul3A_121, %shift_left3A_446 : i32
        %and3A_448 = arith.constant 127 : i32
        %and3A_449 = arith.andi %add3A_442, %and3A_448 : i32
        %add3A_450 = arith.addi %add3A_447, %and3A_449 : i32
        %mul3A_451 = arith.constant 1024 : i32
        %mul3A_452 = arith.muli %scan3A_114, %mul3A_451 : i32
        %mul3A_453 = arith.constant 16 : i32
        %mul3A_454 = arith.muli %scan3A_439, %mul3A_453 : i32
        %add3A_455 = arith.addi %mul3A_452, %mul3A_454 : i32
        %get3A_456 = arith.index_cast %add3A_455 : i32 to index
        %get3A_457 = tpu.vector_load %arg6[%get3A_456] {strides = array<i32>} : memref<9216xi32, #tpu.memory_space<vmem>>, vector<16xi32>,
        %add3A_458 = vector.broadcast %add3A_450 : i32 to vector<16xi32>
        %add3A_459 = arith.addi %add3A_458, %iota3A : vector<16xi32>
        %shift_right_arithmetic3A_460 = arith.constant 3 : i32
        %shift_right_arithmetic3A_461 = vector.broadcast %shift_right_arithmetic3A_460 : i32 to vector<16xi32>
        %shift_right_arithmetic3A_462 = arith.shrsi %get3A_457, %shift_right_arithmetic3A_461 : vector<16xi32>
        %shift_left3A_463 = arith.constant 15 : i32
        %shift_left3A_464 = vector.broadcast %shift_left3A_463 : i32 to vector<16xi32>
        %shift_left3A_465 = arith.shli %shift_right_arithmetic3A_462, %shift_left3A_464 : vector<16xi32>
        %add3A_466 = arith.addi %add3A_459, %shift_left3A_465 : vector<16xi32>
        %and3A_467 = arith.constant 7 : i32
        %and3A_468 = vector.broadcast %and3A_467 : i32 to vector<16xi32>
        %and3A_469 = arith.andi %get3A_457, %and3A_468 : vector<16xi32>
        %shift_left3A_470 = arith.constant 7 : i32
        %shift_left3A_471 = vector.broadcast %shift_left3A_470 : i32 to vector<16xi32>
        %shift_left3A_472 = arith.shli %and3A_469, %shift_left3A_471 : vector<16xi32>
        %add3A_473 = arith.addi %add3A_466, %shift_left3A_472 : vector<16xi32>
        %mul3A_474 = arith.constant 1024 : i32
        %mul3A_475 = arith.muli %scan3A_114, %mul3A_474 : i32
        %mul3A_476 = arith.constant 16 : i32
        %mul3A_477 = arith.muli %scan3A_439, %mul3A_476 : i32
        %add3A_478 = arith.addi %mul3A_475, %mul3A_477 : i32
        %swap3A_479 = arith.index_cast %add3A_478 : i32 to index
        %swap3A_480 = tpu.vector_load %arg10[%swap3A_479] {strides = array<i32>} : memref<9216xi32, #tpu.memory_space<vmem>>, vector<16xi32>,
        tpu.vector_store %arg10[%swap3A_479], %add3A_473 {strides = array<i32>} : memref<9216xi32, #tpu.memory_space<vmem>>, vector<16xi32>,
        %scan3A_481 = arith.constant 0 : i32
        scf.yield %scan3A_481 : i32
      }
      %scan3A_130 = arith.constant 64 : i32
      %scan3A_131 = arith.constant 0 : i32
      scf.yield %scan3A_131 : i32
    }
    %scan3A_18 = arith.constant 9 : i32
    %dma_start3A_19 = arith.constant 0 : i32
    %dma_start3A_20 = tpu.memref_slice %arg2[%dma_start3A_19] : memref<52428800xf32, #tpu.memory_space<hbm>> -> memref<52428800xf32, #tpu.memory_space<hbm>>
    tpu.enqueue_indirect_dma source(%dma_start3A_20 : memref<52428800xf32, #tpu.memory_space<hbm>>) target(%arg12 : memref<9216xf32, #tpu.memory_space<vmem>>) offsets(%arg10 : memref<9216xi32, #tpu.memory_space<vmem>>) semaphore(%arg16 : memref<!tpu.dma_semaphore, #tpu.memory_space<semaphore_mem>>)
    %add3A_21 = arith.constant 9216 : i32
    %add3A_22 = arith.addi %mul3A_2, %add3A_21 : i32
    %dma_start3A_23 = tpu.memref_slice %arg3[%add3A_22] : memref<1638400xi32, #tpu.memory_space<hbm>> -> memref<9216xi32, #tpu.memory_space<hbm>>
    %dma_start3A_24 = tpu.memref_slice %arg3[%add3A_22] : memref<1638400xi32, #tpu.memory_space<hbm>> -> memref<9216xi32, #tpu.memory_space<hbm>>
    tpu.enqueue_dma source(%dma_start3A_24 : memref<9216xi32, #tpu.memory_space<hbm>>) target(%arg7 : memref<9216xi32, #tpu.memory_space<vmem>>) target_semaphore(%arg15 : memref<!tpu.dma_semaphore, #tpu.memory_space<semaphore_mem>>)
    %dma_start3A_25 = tpu.memref_slice %arg4[%add3A_22] : memref<1638400xf32, #tpu.memory_space<hbm>> -> memref<9216xf32, #tpu.memory_space<hbm>>
    %dma_start3A_26 = tpu.memref_slice %arg4[%add3A_22] : memref<1638400xf32, #tpu.memory_space<hbm>> -> memref<9216xf32, #tpu.memory_space<hbm>>
    tpu.enqueue_dma source(%dma_start3A_26 : memref<9216xf32, #tpu.memory_space<hbm>>) target(%arg9 : memref<9216xf32, #tpu.memory_space<vmem>>) target_semaphore(%arg15 : memref<!tpu.dma_semaphore, #tpu.memory_space<semaphore_mem>>)
    %dma_wait3A_27 = tpu.memref_slice %arg4[%add3A_22] : memref<1638400xf32, #tpu.memory_space<hbm>> -> memref<9216xf32, #tpu.memory_space<hbm>>
    %dma_wait3A_28 = tpu.memref_slice %arg4[%add3A_22] : memref<1638400xf32, #tpu.memory_space<hbm>> -> memref<9216xf32, #tpu.memory_space<hbm>>
    tpu.wait_dma2 semaphore(%arg15 : memref<!tpu.dma_semaphore, #tpu.memory_space<semaphore_mem>>) src(%dma_wait3A_28 : memref<9216xf32, #tpu.memory_space<hbm>>) dst(%arg9 : memref<9216xf32, #tpu.memory_space<vmem>>)
    %dma_wait3A_29 = tpu.memref_slice %arg3[%add3A_22] : memref<1638400xi32, #tpu.memory_space<hbm>> -> memref<9216xi32, #tpu.memory_space<hbm>>
    %dma_wait3A_30 = tpu.memref_slice %arg3[%add3A_22] : memref<1638400xi32, #tpu.memory_space<hbm>> -> memref<9216xi32, #tpu.memory_space<hbm>>
    tpu.wait_dma2 semaphore(%arg15 : memref<!tpu.dma_semaphore, #tpu.memory_space<semaphore_mem>>) src(%dma_wait3A_30 : memref<9216xi32, #tpu.memory_space<hbm>>) dst(%arg7 : memref<9216xi32, #tpu.memory_space<vmem>>)
    %scan3A_31 = arith.constant 0 : i32
    %scan3A_32 = arith.constant 0 : i32
    %scan3A_33 = arith.constant 9 : i32
    %scan3A_34 = arith.addi %scan3A_32, %scan3A_33 : i32
    %scan3A_35 = arith.constant 1 : i32
    %scan3A_36 = scf.for %scan3A_114 = %scan3A_32 to %scan3A_34 step %scan3A_35 iter_args(%scan3A_115 = %scan3A_31) -> (i32)  : i32 {
      %add3A_116 = arith.constant 9 : i32
      %add3A_117 = arith.addi %mul3A_4, %add3A_116 : i32
      %add3A_118 = arith.addi %add3A_117, %scan3A_114 : i32
      %shift_right_arithmetic3A = arith.constant 2 : i32
      %shift_right_arithmetic3A_119 = arith.shrsi %add3A_118, %shift_right_arithmetic3A : i32
      %mul3A_120 = arith.constant 131072 : i32
      %mul3A_121 = arith.muli %shift_right_arithmetic3A_119, %mul3A_120 : i32
      %and3A = arith.constant 3 : i32
      %and3A_122 = arith.andi %add3A_118, %and3A : i32
      %shift_left3A = arith.constant 10 : i32
      %shift_left3A_123 = arith.shli %and3A_122, %shift_left3A : i32
      %scan3A_124 = arith.constant 0 : i32
      %scan3A_125 = arith.constant 0 : i32
      %scan3A_126 = arith.constant 64 : i32
      %scan3A_127 = arith.addi %scan3A_125, %scan3A_126 : i32
      %scan3A_128 = arith.constant 8 : i32
      %scan3A_129 = scf.for %scan3A_132 = %scan3A_125 to %scan3A_127 step %scan3A_128 iter_args(%scan3A_133 = %scan3A_124) -> (i32)  : i32 {
        %mul3A_134 = arith.constant 16 : i32
        %mul3A_135 = arith.muli %scan3A_132, %mul3A_134 : i32
        %add3A_136 = arith.addi %shift_left3A_123, %mul3A_135 : i32
        %shift_right_arithmetic3A_137 = arith.constant 7 : i32
        %shift_right_arithmetic3A_138 = arith.shrsi %add3A_136, %shift_right_arithmetic3A_137 : i32
        %shift_left3A_139 = arith.constant 10 : i32
        %shift_left3A_140 = arith.shli %shift_right_arithmetic3A_138, %shift_left3A_139 : i32
        %add3A_141 = arith.addi %mul3A_121, %shift_left3A_140 : i32
        %and3A_142 = arith.constant 127 : i32
        %and3A_143 = arith.andi %add3A_136, %and3A_142 : i32
        %add3A_144 = arith.addi %add3A_141, %and3A_143 : i32
        %mul3A_145 = arith.constant 1024 : i32
        %mul3A_146 = arith.muli %scan3A_114, %mul3A_145 : i32
        %mul3A_147 = arith.constant 16 : i32
        %mul3A_148 = arith.muli %scan3A_132, %mul3A_147 : i32
        %add3A_149 = arith.addi %mul3A_146, %mul3A_148 : i32
        %get3A = arith.index_cast %add3A_149 : i32 to index
        %get3A_150 = tpu.vector_load %arg7[%get3A] {strides = array<i32>} : memref<9216xi32, #tpu.memory_space<vmem>>, vector<16xi32>,
        %add3A_151 = vector.broadcast %add3A_144 : i32 to vector<16xi32>
        %add3A_152 = arith.addi %add3A_151, %iota3A : vector<16xi32>
        %shift_right_arithmetic3A_153 = arith.constant 3 : i32
        %shift_right_arithmetic3A_154 = vector.broadcast %shift_right_arithmetic3A_153 : i32 to vector<16xi32>
        %shift_right_arithmetic3A_155 = arith.shrsi %get3A_150, %shift_right_arithmetic3A_154 : vector<16xi32>
        %shift_left3A_156 = arith.constant 15 : i32
        %shift_left3A_157 = vector.broadcast %shift_left3A_156 : i32 to vector<16xi32>
        %shift_left3A_158 = arith.shli %shift_right_arithmetic3A_155, %shift_left3A_157 : vector<16xi32>
        %add3A_159 = arith.addi %add3A_152, %shift_left3A_158 : vector<16xi32>
        %and3A_160 = arith.constant 7 : i32
        %and3A_161 = vector.broadcast %and3A_160 : i32 to vector<16xi32>
        %and3A_162 = arith.andi %get3A_150, %and3A_161 : vector<16xi32>
        %shift_left3A_163 = arith.constant 7 : i32
        %shift_left3A_164 = vector.broadcast %shift_left3A_163 : i32 to vector<16xi32>
        %shift_left3A_165 = arith.shli %and3A_162, %shift_left3A_164 : vector<16xi32>
        %add3A_166 = arith.addi %add3A_159, %shift_left3A_165 : vector<16xi32>
        %mul3A_167 = arith.constant 1024 : i32
        %mul3A_168 = arith.muli %scan3A_114, %mul3A_167 : i32
        %mul3A_169 = arith.constant 16 : i32
        %mul3A_170 = arith.muli %scan3A_132, %mul3A_169 : i32
        %add3A_171 = arith.addi %mul3A_168, %mul3A_170 : i32
        %swap3A = arith.index_cast %add3A_171 : i32 to index
        %swap3A_172 = tpu.vector_load %arg11[%swap3A] {strides = array<i32>} : memref<9216xi32, #tpu.memory_space<vmem>>, vector<16xi32>,
        tpu.vector_store %arg11[%swap3A], %add3A_166 {strides = array<i32>} : memref<9216xi32, #tpu.memory_space<vmem>>, vector<16xi32>,
        %scan3A_173 = arith.constant 0 : i32
        %scan3A_174 = arith.constant 1 : i32
        %scan3A_175 = arith.addi %scan3A_132, %scan3A_174 : i32
        %mul3A_176 = arith.constant 16 : i32
        %mul3A_177 = arith.muli %scan3A_175, %mul3A_176 : i32
        %add3A_178 = arith.addi %shift_left3A_123, %mul3A_177 : i32
        %shift_right_arithmetic3A_179 = arith.constant 7 : i32
        %shift_right_arithmetic3A_180 = arith.shrsi %add3A_178, %shift_right_arithmetic3A_179 : i32
        %shift_left3A_181 = arith.constant 10 : i32
        %shift_left3A_182 = arith.shli %shift_right_arithmetic3A_180, %shift_left3A_181 : i32
        %add3A_183 = arith.addi %mul3A_121, %shift_left3A_182 : i32
        %and3A_184 = arith.constant 127 : i32
        %and3A_185 = arith.andi %add3A_178, %and3A_184 : i32
        %add3A_186 = arith.addi %add3A_183, %and3A_185 : i32
        %mul3A_187 = arith.constant 1024 : i32
        %mul3A_188 = arith.muli %scan3A_114, %mul3A_187 : i32
        %mul3A_189 = arith.constant 16 : i32
        %mul3A_190 = arith.muli %scan3A_175, %mul3A_189 : i32
        %add3A_191 = arith.addi %mul3A_188, %mul3A_190 : i32
        %get3A_192 = arith.index_cast %add3A_191 : i32 to index
        %get3A_193 = tpu.vector_load %arg7[%get3A_192] {strides = array<i32>} : memref<9216xi32, #tpu.memory_space<vmem>>, vector<16xi32>,
        %add3A_194 = vector.broadcast %add3A_186 : i32 to vector<16xi32>
        %add3A_195 = arith.addi %add3A_194, %iota3A : vector<16xi32>
        %shift_right_arithmetic3A_196 = arith.constant 3 : i32
        %shift_right_arithmetic3A_197 = vector.broadcast %shift_right_arithmetic3A_196 : i32 to vector<16xi32>
        %shift_right_arithmetic3A_198 = arith.shrsi %get3A_193, %shift_right_arithmetic3A_197 : vector<16xi32>
        %shift_left3A_199 = arith.constant 15 : i32
        %shift_left3A_200 = vector.broadcast %shift_left3A_199 : i32 to vector<16xi32>
        %shift_left3A_201 = arith.shli %shift_right_arithmetic3A_198, %shift_left3A_200 : vector<16xi32>
        %add3A_202 = arith.addi %add3A_195, %shift_left3A_201 : vector<16xi32>
        %and3A_203 = arith.constant 7 : i32
        %and3A_204 = vector.broadcast %and3A_203 : i32 to vector<16xi32>
        %and3A_205 = arith.andi %get3A_193, %and3A_204 : vector<16xi32>
        %shift_left3A_206 = arith.constant 7 : i32
        %shift_left3A_207 = vector.broadcast %shift_left3A_206 : i32 to vector<16xi32>
        %shift_left3A_208 = arith.shli %and3A_205, %shift_left3A_207 : vector<16xi32>
        %add3A_209 = arith.addi %add3A_202, %shift_left3A_208 : vector<16xi32>
        %mul3A_210 = arith.constant 1024 : i32
        %mul3A_211 = arith.muli %scan3A_114, %mul3A_210 : i32
        %mul3A_212 = arith.constant 16 : i32
        %mul3A_213 = arith.muli %scan3A_175, %mul3A_212 : i32
        %add3A_214 = arith.addi %mul3A_211, %mul3A_213 : i32
        %swap3A_215 = arith.index_cast %add3A_214 : i32 to index
        %swap3A_216 = tpu.vector_load %arg11[%swap3A_215] {strides = array<i32>} : memref<9216xi32, #tpu.memory_space<vmem>>, vector<16xi32>,
        tpu.vector_store %arg11[%swap3A_215], %add3A_209 {strides = array<i32>} : memref<9216xi32, #tpu.memory_space<vmem>>, vector<16xi32>,
        %scan3A_217 = arith.constant 0 : i32
        %scan3A_218 = arith.constant 2 : i32
        %scan3A_219 = arith.addi %scan3A_132, %scan3A_218 : i32
        %mul3A_220 = arith.constant 16 : i32
        %mul3A_221 = arith.muli %scan3A_219, %mul3A_220 : i32
        %add3A_222 = arith.addi %shift_left3A_123, %mul3A_221 : i32
        %shift_right_arithmetic3A_223 = arith.constant 7 : i32
        %shift_right_arithmetic3A_224 = arith.shrsi %add3A_222, %shift_right_arithmetic3A_223 : i32
        %shift_left3A_225 = arith.constant 10 : i32
        %shift_left3A_226 = arith.shli %shift_right_arithmetic3A_224, %shift_left3A_225 : i32
        %add3A_227 = arith.addi %mul3A_121, %shift_left3A_226 : i32
        %and3A_228 = arith.constant 127 : i32
        %and3A_229 = arith.andi %add3A_222, %and3A_228 : i32
        %add3A_230 = arith.addi %add3A_227, %and3A_229 : i32
        %mul3A_231 = arith.constant 1024 : i32
        %mul3A_232 = arith.muli %scan3A_114, %mul3A_231 : i32
        %mul3A_233 = arith.constant 16 : i32
        %mul3A_234 = arith.muli %scan3A_219, %mul3A_233 : i32
        %add3A_235 = arith.addi %mul3A_232, %mul3A_234 : i32
        %get3A_236 = arith.index_cast %add3A_235 : i32 to index
        %get3A_237 = tpu.vector_load %arg7[%get3A_236] {strides = array<i32>} : memref<9216xi32, #tpu.memory_space<vmem>>, vector<16xi32>,
        %add3A_238 = vector.broadcast %add3A_230 : i32 to vector<16xi32>
        %add3A_239 = arith.addi %add3A_238, %iota3A : vector<16xi32>
        %shift_right_arithmetic3A_240 = arith.constant 3 : i32
        %shift_right_arithmetic3A_241 = vector.broadcast %shift_right_arithmetic3A_240 : i32 to vector<16xi32>
        %shift_right_arithmetic3A_242 = arith.shrsi %get3A_237, %shift_right_arithmetic3A_241 : vector<16xi32>
        %shift_left3A_243 = arith.constant 15 : i32
        %shift_left3A_244 = vector.broadcast %shift_left3A_243 : i32 to vector<16xi32>
        %shift_left3A_245 = arith.shli %shift_right_arithmetic3A_242, %shift_left3A_244 : vector<16xi32>
        %add3A_246 = arith.addi %add3A_239, %shift_left3A_245 : vector<16xi32>
        %and3A_247 = arith.constant 7 : i32
        %and3A_248 = vector.broadcast %and3A_247 : i32 to vector<16xi32>
        %and3A_249 = arith.andi %get3A_237, %and3A_248 : vector<16xi32>
        %shift_left3A_250 = arith.constant 7 : i32
        %shift_left3A_251 = vector.broadcast %shift_left3A_250 : i32 to vector<16xi32>
        %shift_left3A_252 = arith.shli %and3A_249, %shift_left3A_251 : vector<16xi32>
        %add3A_253 = arith.addi %add3A_246, %shift_left3A_252 : vector<16xi32>
        %mul3A_254 = arith.constant 1024 : i32
        %mul3A_255 = arith.muli %scan3A_114, %mul3A_254 : i32
        %mul3A_256 = arith.constant 16 : i32
        %mul3A_257 = arith.muli %scan3A_219, %mul3A_256 : i32
        %add3A_258 = arith.addi %mul3A_255, %mul3A_257 : i32
        %swap3A_259 = arith.index_cast %add3A_258 : i32 to index
        %swap3A_260 = tpu.vector_load %arg11[%swap3A_259] {strides = array<i32>} : memref<9216xi32, #tpu.memory_space<vmem>>, vector<16xi32>,
        tpu.vector_store %arg11[%swap3A_259], %add3A_253 {strides = array<i32>} : memref<9216xi32, #tpu.memory_space<vmem>>, vector<16xi32>,
        %scan3A_261 = arith.constant 0 : i32
        %scan3A_262 = arith.constant 3 : i32
        %scan3A_263 = arith.addi %scan3A_132, %scan3A_262 : i32
        %mul3A_264 = arith.constant 16 : i32
        %mul3A_265 = arith.muli %scan3A_263, %mul3A_264 : i32
        %add3A_266 = arith.addi %shift_left3A_123, %mul3A_265 : i32
        %shift_right_arithmetic3A_267 = arith.constant 7 : i32
        %shift_right_arithmetic3A_268 = arith.shrsi %add3A_266, %shift_right_arithmetic3A_267 : i32
        %shift_left3A_269 = arith.constant 10 : i32
        %shift_left3A_270 = arith.shli %shift_right_arithmetic3A_268, %shift_left3A_269 : i32
        %add3A_271 = arith.addi %mul3A_121, %shift_left3A_270 : i32
        %and3A_272 = arith.constant 127 : i32
        %and3A_273 = arith.andi %add3A_266, %and3A_272 : i32
        %add3A_274 = arith.addi %add3A_271, %and3A_273 : i32
        %mul3A_275 = arith.constant 1024 : i32
        %mul3A_276 = arith.muli %scan3A_114, %mul3A_275 : i32
        %mul3A_277 = arith.constant 16 : i32
        %mul3A_278 = arith.muli %scan3A_263, %mul3A_277 : i32
        %add3A_279 = arith.addi %mul3A_276, %mul3A_278 : i32
        %get3A_280 = arith.index_cast %add3A_279 : i32 to index
        %get3A_281 = tpu.vector_load %arg7[%get3A_280] {strides = array<i32>} : memref<9216xi32, #tpu.memory_space<vmem>>, vector<16xi32>,
        %add3A_282 = vector.broadcast %add3A_274 : i32 to vector<16xi32>
        %add3A_283 = arith.addi %add3A_282, %iota3A : vector<16xi32>
        %shift_right_arithmetic3A_284 = arith.constant 3 : i32
        %shift_right_arithmetic3A_285 = vector.broadcast %shift_right_arithmetic3A_284 : i32 to vector<16xi32>
        %shift_right_arithmetic3A_286 = arith.shrsi %get3A_281, %shift_right_arithmetic3A_285 : vector<16xi32>
        %shift_left3A_287 = arith.constant 15 : i32
        %shift_left3A_288 = vector.broadcast %shift_left3A_287 : i32 to vector<16xi32>
        %shift_left3A_289 = arith.shli %shift_right_arithmetic3A_286, %shift_left3A_288 : vector<16xi32>
        %add3A_290 = arith.addi %add3A_283, %shift_left3A_289 : vector<16xi32>
        %and3A_291 = arith.constant 7 : i32
        %and3A_292 = vector.broadcast %and3A_291 : i32 to vector<16xi32>
        %and3A_293 = arith.andi %get3A_281, %and3A_292 : vector<16xi32>
        %shift_left3A_294 = arith.constant 7 : i32
        %shift_left3A_295 = vector.broadcast %shift_left3A_294 : i32 to vector<16xi32>
        %shift_left3A_296 = arith.shli %and3A_293, %shift_left3A_295 : vector<16xi32>
        %add3A_297 = arith.addi %add3A_290, %shift_left3A_296 : vector<16xi32>
        %mul3A_298 = arith.constant 1024 : i32
        %mul3A_299 = arith.muli %scan3A_114, %mul3A_298 : i32
        %mul3A_300 = arith.constant 16 : i32
        %mul3A_301 = arith.muli %scan3A_263, %mul3A_300 : i32
        %add3A_302 = arith.addi %mul3A_299, %mul3A_301 : i32
        %swap3A_303 = arith.index_cast %add3A_302 : i32 to index
        %swap3A_304 = tpu.vector_load %arg11[%swap3A_303] {strides = array<i32>} : memref<9216xi32, #tpu.memory_space<vmem>>, vector<16xi32>,
        tpu.vector_store %arg11[%swap3A_303], %add3A_297 {strides = array<i32>} : memref<9216xi32, #tpu.memory_space<vmem>>, vector<16xi32>,
        %scan3A_305 = arith.constant 0 : i32
        %scan3A_306 = arith.constant 4 : i32
        %scan3A_307 = arith.addi %scan3A_132, %scan3A_306 : i32
        %mul3A_308 = arith.constant 16 : i32
        %mul3A_309 = arith.muli %scan3A_307, %mul3A_308 : i32
        %add3A_310 = arith.addi %shift_left3A_123, %mul3A_309 : i32
        %shift_right_arithmetic3A_311 = arith.constant 7 : i32
        %shift_right_arithmetic3A_312 = arith.shrsi %add3A_310, %shift_right_arithmetic3A_311 : i32
        %shift_left3A_313 = arith.constant 10 : i32
        %shift_left3A_314 = arith.shli %shift_right_arithmetic3A_312, %shift_left3A_313 : i32
        %add3A_315 = arith.addi %mul3A_121, %shift_left3A_314 : i32
        %and3A_316 = arith.constant 127 : i32
        %and3A_317 = arith.andi %add3A_310, %and3A_316 : i32
        %add3A_318 = arith.addi %add3A_315, %and3A_317 : i32
        %mul3A_319 = arith.constant 1024 : i32
        %mul3A_320 = arith.muli %scan3A_114, %mul3A_319 : i32
        %mul3A_321 = arith.constant 16 : i32
        %mul3A_322 = arith.muli %scan3A_307, %mul3A_321 : i32
        %add3A_323 = arith.addi %mul3A_320, %mul3A_322 : i32
        %get3A_324 = arith.index_cast %add3A_323 : i32 to index
        %get3A_325 = tpu.vector_load %arg7[%get3A_324] {strides = array<i32>} : memref<9216xi32, #tpu.memory_space<vmem>>, vector<16xi32>,
        %add3A_326 = vector.broadcast %add3A_318 : i32 to vector<16xi32>
        %add3A_327 = arith.addi %add3A_326, %iota3A : vector<16xi32>
        %shift_right_arithmetic3A_328 = arith.constant 3 : i32
        %shift_right_arithmetic3A_329 = vector.broadcast %shift_right_arithmetic3A_328 : i32 to vector<16xi32>
        %shift_right_arithmetic3A_330 = arith.shrsi %get3A_325, %shift_right_arithmetic3A_329 : vector<16xi32>
        %shift_left3A_331 = arith.constant 15 : i32
        %shift_left3A_332 = vector.broadcast %shift_left3A_331 : i32 to vector<16xi32>
        %shift_left3A_333 = arith.shli %shift_right_arithmetic3A_330, %shift_left3A_332 : vector<16xi32>
        %add3A_334 = arith.addi %add3A_327, %shift_left3A_333 : vector<16xi32>
        %and3A_335 = arith.constant 7 : i32
        %and3A_336 = vector.broadcast %and3A_335 : i32 to vector<16xi32>
        %and3A_337 = arith.andi %get3A_325, %and3A_336 : vector<16xi32>
        %shift_left3A_338 = arith.constant 7 : i32
        %shift_left3A_339 = vector.broadcast %shift_left3A_338 : i32 to vector<16xi32>
        %shift_left3A_340 = arith.shli %and3A_337, %shift_left3A_339 : vector<16xi32>
        %add3A_341 = arith.addi %add3A_334, %shift_left3A_340 : vector<16xi32>
        %mul3A_342 = arith.constant 1024 : i32
        %mul3A_343 = arith.muli %scan3A_114, %mul3A_342 : i32
        %mul3A_344 = arith.constant 16 : i32
        %mul3A_345 = arith.muli %scan3A_307, %mul3A_344 : i32
        %add3A_346 = arith.addi %mul3A_343, %mul3A_345 : i32
        %swap3A_347 = arith.index_cast %add3A_346 : i32 to index
        %swap3A_348 = tpu.vector_load %arg11[%swap3A_347] {strides = array<i32>} : memref<9216xi32, #tpu.memory_space<vmem>>, vector<16xi32>,
        tpu.vector_store %arg11[%swap3A_347], %add3A_341 {strides = array<i32>} : memref<9216xi32, #tpu.memory_space<vmem>>, vector<16xi32>,
        %scan3A_349 = arith.constant 0 : i32
        %scan3A_350 = arith.constant 5 : i32
        %scan3A_351 = arith.addi %scan3A_132, %scan3A_350 : i32
        %mul3A_352 = arith.constant 16 : i32
        %mul3A_353 = arith.muli %scan3A_351, %mul3A_352 : i32
        %add3A_354 = arith.addi %shift_left3A_123, %mul3A_353 : i32
        %shift_right_arithmetic3A_355 = arith.constant 7 : i32
        %shift_right_arithmetic3A_356 = arith.shrsi %add3A_354, %shift_right_arithmetic3A_355 : i32
        %shift_left3A_357 = arith.constant 10 : i32
        %shift_left3A_358 = arith.shli %shift_right_arithmetic3A_356, %shift_left3A_357 : i32
        %add3A_359 = arith.addi %mul3A_121, %shift_left3A_358 : i32
        %and3A_360 = arith.constant 127 : i32
        %and3A_361 = arith.andi %add3A_354, %and3A_360 : i32
        %add3A_362 = arith.addi %add3A_359, %and3A_361 : i32
        %mul3A_363 = arith.constant 1024 : i32
        %mul3A_364 = arith.muli %scan3A_114, %mul3A_363 : i32
        %mul3A_365 = arith.constant 16 : i32
        %mul3A_366 = arith.muli %scan3A_351, %mul3A_365 : i32
        %add3A_367 = arith.addi %mul3A_364, %mul3A_366 : i32
        %get3A_368 = arith.index_cast %add3A_367 : i32 to index
        %get3A_369 = tpu.vector_load %arg7[%get3A_368] {strides = array<i32>} : memref<9216xi32, #tpu.memory_space<vmem>>, vector<16xi32>,
        %add3A_370 = vector.broadcast %add3A_362 : i32 to vector<16xi32>
        %add3A_371 = arith.addi %add3A_370, %iota3A : vector<16xi32>
        %shift_right_arithmetic3A_372 = arith.constant 3 : i32
        %shift_right_arithmetic3A_373 = vector.broadcast %shift_right_arithmetic3A_372 : i32 to vector<16xi32>
        %shift_right_arithmetic3A_374 = arith.shrsi %get3A_369, %shift_right_arithmetic3A_373 : vector<16xi32>
        %shift_left3A_375 = arith.constant 15 : i32
        %shift_left3A_376 = vector.broadcast %shift_left3A_375 : i32 to vector<16xi32>
        %shift_left3A_377 = arith.shli %shift_right_arithmetic3A_374, %shift_left3A_376 : vector<16xi32>
        %add3A_378 = arith.addi %add3A_371, %shift_left3A_377 : vector<16xi32>
        %and3A_379 = arith.constant 7 : i32
        %and3A_380 = vector.broadcast %and3A_379 : i32 to vector<16xi32>
        %and3A_381 = arith.andi %get3A_369, %and3A_380 : vector<16xi32>
        %shift_left3A_382 = arith.constant 7 : i32
        %shift_left3A_383 = vector.broadcast %shift_left3A_382 : i32 to vector<16xi32>
        %shift_left3A_384 = arith.shli %and3A_381, %shift_left3A_383 : vector<16xi32>
        %add3A_385 = arith.addi %add3A_378, %shift_left3A_384 : vector<16xi32>
        %mul3A_386 = arith.constant 1024 : i32
        %mul3A_387 = arith.muli %scan3A_114, %mul3A_386 : i32
        %mul3A_388 = arith.constant 16 : i32
        %mul3A_389 = arith.muli %scan3A_351, %mul3A_388 : i32
        %add3A_390 = arith.addi %mul3A_387, %mul3A_389 : i32
        %swap3A_391 = arith.index_cast %add3A_390 : i32 to index
        %swap3A_392 = tpu.vector_load %arg11[%swap3A_391] {strides = array<i32>} : memref<9216xi32, #tpu.memory_space<vmem>>, vector<16xi32>,
        tpu.vector_store %arg11[%swap3A_391], %add3A_385 {strides = array<i32>} : memref<9216xi32, #tpu.memory_space<vmem>>, vector<16xi32>,
        %scan3A_393 = arith.constant 0 : i32
        %scan3A_394 = arith.constant 6 : i32
        %scan3A_395 = arith.addi %scan3A_132, %scan3A_394 : i32
        %mul3A_396 = arith.constant 16 : i32
        %mul3A_397 = arith.muli %scan3A_395, %mul3A_396 : i32
        %add3A_398 = arith.addi %shift_left3A_123, %mul3A_397 : i32
        %shift_right_arithmetic3A_399 = arith.constant 7 : i32
        %shift_right_arithmetic3A_400 = arith.shrsi %add3A_398, %shift_right_arithmetic3A_399 : i32
        %shift_left3A_401 = arith.constant 10 : i32
        %shift_left3A_402 = arith.shli %shift_right_arithmetic3A_400, %shift_left3A_401 : i32
        %add3A_403 = arith.addi %mul3A_121, %shift_left3A_402 : i32
        %and3A_404 = arith.constant 127 : i32
        %and3A_405 = arith.andi %add3A_398, %and3A_404 : i32
        %add3A_406 = arith.addi %add3A_403, %and3A_405 : i32
        %mul3A_407 = arith.constant 1024 : i32
        %mul3A_408 = arith.muli %scan3A_114, %mul3A_407 : i32
        %mul3A_409 = arith.constant 16 : i32
        %mul3A_410 = arith.muli %scan3A_395, %mul3A_409 : i32
        %add3A_411 = arith.addi %mul3A_408, %mul3A_410 : i32
        %get3A_412 = arith.index_cast %add3A_411 : i32 to index
        %get3A_413 = tpu.vector_load %arg7[%get3A_412] {strides = array<i32>} : memref<9216xi32, #tpu.memory_space<vmem>>, vector<16xi32>,
        %add3A_414 = vector.broadcast %add3A_406 : i32 to vector<16xi32>
        %add3A_415 = arith.addi %add3A_414, %iota3A : vector<16xi32>
        %shift_right_arithmetic3A_416 = arith.constant 3 : i32
        %shift_right_arithmetic3A_417 = vector.broadcast %shift_right_arithmetic3A_416 : i32 to vector<16xi32>
        %shift_right_arithmetic3A_418 = arith.shrsi %get3A_413, %shift_right_arithmetic3A_417 : vector<16xi32>
        %shift_left3A_419 = arith.constant 15 : i32
        %shift_left3A_420 = vector.broadcast %shift_left3A_419 : i32 to vector<16xi32>
        %shift_left3A_421 = arith.shli %shift_right_arithmetic3A_418, %shift_left3A_420 : vector<16xi32>
        %add3A_422 = arith.addi %add3A_415, %shift_left3A_421 : vector<16xi32>
        %and3A_423 = arith.constant 7 : i32
        %and3A_424 = vector.broadcast %and3A_423 : i32 to vector<16xi32>
        %and3A_425 = arith.andi %get3A_413, %and3A_424 : vector<16xi32>
        %shift_left3A_426 = arith.constant 7 : i32
        %shift_left3A_427 = vector.broadcast %shift_left3A_426 : i32 to vector<16xi32>
        %shift_left3A_428 = arith.shli %and3A_425, %shift_left3A_427 : vector<16xi32>
        %add3A_429 = arith.addi %add3A_422, %shift_left3A_428 : vector<16xi32>
        %mul3A_430 = arith.constant 1024 : i32
        %mul3A_431 = arith.muli %scan3A_114, %mul3A_430 : i32
        %mul3A_432 = arith.constant 16 : i32
        %mul3A_433 = arith.muli %scan3A_395, %mul3A_432 : i32
        %add3A_434 = arith.addi %mul3A_431, %mul3A_433 : i32
        %swap3A_435 = arith.index_cast %add3A_434 : i32 to index
        %swap3A_436 = tpu.vector_load %arg11[%swap3A_435] {strides = array<i32>} : memref<9216xi32, #tpu.memory_space<vmem>>, vector<16xi32>,
        tpu.vector_store %arg11[%swap3A_435], %add3A_429 {strides = array<i32>} : memref<9216xi32, #tpu.memory_space<vmem>>, vector<16xi32>,
        %scan3A_437 = arith.constant 0 : i32
        %scan3A_438 = arith.constant 7 : i32
        %scan3A_439 = arith.addi %scan3A_132, %scan3A_438 : i32
        %mul3A_440 = arith.constant 16 : i32
        %mul3A_441 = arith.muli %scan3A_439, %mul3A_440 : i32
        %add3A_442 = arith.addi %shift_left3A_123, %mul3A_441 : i32
        %shift_right_arithmetic3A_443 = arith.constant 7 : i32
        %shift_right_arithmetic3A_444 = arith.shrsi %add3A_442, %shift_right_arithmetic3A_443 : i32
        %shift_left3A_445 = arith.constant 10 : i32
        %shift_left3A_446 = arith.shli %shift_right_arithmetic3A_444, %shift_left3A_445 : i32
        %add3A_447 = arith.addi %mul3A_121, %shift_left3A_446 : i32
        %and3A_448 = arith.constant 127 : i32
        %and3A_449 = arith.andi %add3A_442, %and3A_448 : i32
        %add3A_450 = arith.addi %add3A_447, %and3A_449 : i32
        %mul3A_451 = arith.constant 1024 : i32
        %mul3A_452 = arith.muli %scan3A_114, %mul3A_451 : i32
        %mul3A_453 = arith.constant 16 : i32
        %mul3A_454 = arith.muli %scan3A_439, %mul3A_453 : i32
        %add3A_455 = arith.addi %mul3A_452, %mul3A_454 : i32
        %get3A_456 = arith.index_cast %add3A_455 : i32 to index
        %get3A_457 = tpu.vector_load %arg7[%get3A_456] {strides = array<i32>} : memref<9216xi32, #tpu.memory_space<vmem>>, vector<16xi32>,
        %add3A_458 = vector.broadcast %add3A_450 : i32 to vector<16xi32>
        %add3A_459 = arith.addi %add3A_458, %iota3A : vector<16xi32>
        %shift_right_arithmetic3A_460 = arith.constant 3 : i32
        %shift_right_arithmetic3A_461 = vector.broadcast %shift_right_arithmetic3A_460 : i32 to vector<16xi32>
        %shift_right_arithmetic3A_462 = arith.shrsi %get3A_457, %shift_right_arithmetic3A_461 : vector<16xi32>
        %shift_left3A_463 = arith.constant 15 : i32
        %shift_left3A_464 = vector.broadcast %shift_left3A_463 : i32 to vector<16xi32>
        %shift_left3A_465 = arith.shli %shift_right_arithmetic3A_462, %shift_left3A_464 : vector<16xi32>
        %add3A_466 = arith.addi %add3A_459, %shift_left3A_465 : vector<16xi32>
        %and3A_467 = arith.constant 7 : i32
        %and3A_468 = vector.broadcast %and3A_467 : i32 to vector<16xi32>
        %and3A_469 = arith.andi %get3A_457, %and3A_468 : vector<16xi32>
        %shift_left3A_470 = arith.constant 7 : i32
        %shift_left3A_471 = vector.broadcast %shift_left3A_470 : i32 to vector<16xi32>
        %shift_left3A_472 = arith.shli %and3A_469, %shift_left3A_471 : vector<16xi32>
        %add3A_473 = arith.addi %add3A_466, %shift_left3A_472 : vector<16xi32>
        %mul3A_474 = arith.constant 1024 : i32
        %mul3A_475 = arith.muli %scan3A_114, %mul3A_474 : i32
        %mul3A_476 = arith.constant 16 : i32
        %mul3A_477 = arith.muli %scan3A_439, %mul3A_476 : i32
        %add3A_478 = arith.addi %mul3A_475, %mul3A_477 : i32
        %swap3A_479 = arith.index_cast %add3A_478 : i32 to index
        %swap3A_480 = tpu.vector_load %arg11[%swap3A_479] {strides = array<i32>} : memref<9216xi32, #tpu.memory_space<vmem>>, vector<16xi32>,
        tpu.vector_store %arg11[%swap3A_479], %add3A_473 {strides = array<i32>} : memref<9216xi32, #tpu.memory_space<vmem>>, vector<16xi32>,
        %scan3A_481 = arith.constant 0 : i32
        scf.yield %scan3A_481 : i32
      }
      %scan3A_130 = arith.constant 64 : i32
      %scan3A_131 = arith.constant 0 : i32
      scf.yield %scan3A_131 : i32
    }
    %scan3A_37 = arith.constant 9 : i32
    %dma_wait3A_38 = arith.constant 0 : i32
    %dma_wait3A_39 = tpu.memref_slice %arg2[%dma_wait3A_38] : memref<52428800xf32, #tpu.memory_space<hbm>> -> memref<52428800xf32, #tpu.memory_space<hbm>>
    tpu.wait_indirect_dma semaphore(%arg16 : memref<!tpu.dma_semaphore, #tpu.memory_space<semaphore_mem>>) src(%dma_wait3A_39 : memref<52428800xf32, #tpu.memory_space<hbm>>) dst(%arg12 : memref<9216xf32, #tpu.memory_space<vmem>>)
    %dma_start3A_40 = arith.constant 0 : i32
    %dma_start3A_41 = tpu.memref_slice %arg2[%dma_start3A_40] : memref<52428800xf32, #tpu.memory_space<hbm>> -> memref<52428800xf32, #tpu.memory_space<hbm>>
    tpu.enqueue_indirect_dma source(%dma_start3A_41 : memref<52428800xf32, #tpu.memory_space<hbm>>) target(%arg13 : memref<9216xf32, #tpu.memory_space<vmem>>) offsets(%arg11 : memref<9216xi32, #tpu.memory_space<vmem>>) semaphore(%arg16 : memref<!tpu.dma_semaphore, #tpu.memory_space<semaphore_mem>>)
    %scan3A_42 = arith.constant 0 : i32
    %scan3A_43 = arith.constant 0 : i32
    %scan3A_44 = arith.constant 9 : i32
    %scan3A_45 = arith.addi %scan3A_43, %scan3A_44 : i32
    %scan3A_46 = arith.constant 1 : i32
    %scan3A_47 = scf.for %scan3A_114 = %scan3A_43 to %scan3A_45 step %scan3A_46 iter_args(%scan3A_115 = %scan3A_42) -> (i32)  : i32 {
      %broadcast_in_dim3A = arith.constant 0.000000e+00 : f32
      %broadcast_in_dim3A_116 = vector.broadcast %broadcast_in_dim3A : f32 to vector<16xf32>
      %scan3A_117 = arith.constant 0 : i32
      %scan3A_118 = arith.constant 64 : i32
      %scan3A_119 = arith.addi %scan3A_117, %scan3A_118 : i32
      %scan3A_120 = arith.constant 8 : i32
      %scan3A_121 = scf.for %scan3A_129 = %scan3A_117 to %scan3A_119 step %scan3A_120 iter_args(%scan3A_130 = %broadcast_in_dim3A_116) -> (vector<16xf32>)  : i32 {
        %mul3A_131 = arith.constant 1024 : i32
        %mul3A_132 = arith.muli %scan3A_114, %mul3A_131 : i32
        %mul3A_133 = arith.constant 16 : i32
        %mul3A_134 = arith.muli %scan3A_129, %mul3A_133 : i32
        %add3A_135 = arith.addi %mul3A_132, %mul3A_134 : i32
        %get3A = arith.index_cast %add3A_135 : i32 to index
        %get3A_136 = tpu.vector_load %arg12[%get3A] {strides = array<i32>} : memref<9216xf32, #tpu.memory_space<vmem>>, vector<16xf32>,
        %get3A_137 = arith.index_cast %add3A_135 : i32 to index
        %get3A_138 = tpu.vector_load %arg8[%get3A_137] {strides = array<i32>} : memref<9216xf32, #tpu.memory_space<vmem>>, vector<16xf32>,
        %mul3A_139 = arith.mulf %get3A_136, %get3A_138 : vector<16xf32>
        %add3A_140 = arith.addf %scan3A_130, %mul3A_139 : vector<16xf32>
        %scan3A_141 = arith.constant 1 : i32
        %scan3A_142 = arith.addi %scan3A_129, %scan3A_141 : i32
        %mul3A_143 = arith.constant 1024 : i32
        %mul3A_144 = arith.muli %scan3A_114, %mul3A_143 : i32
        %mul3A_145 = arith.constant 16 : i32
        %mul3A_146 = arith.muli %scan3A_142, %mul3A_145 : i32
        %add3A_147 = arith.addi %mul3A_144, %mul3A_146 : i32
        %get3A_148 = arith.index_cast %add3A_147 : i32 to index
        %get3A_149 = tpu.vector_load %arg12[%get3A_148] {strides = array<i32>} : memref<9216xf32, #tpu.memory_space<vmem>>, vector<16xf32>,
        %get3A_150 = arith.index_cast %add3A_147 : i32 to index
        %get3A_151 = tpu.vector_load %arg8[%get3A_150] {strides = array<i32>} : memref<9216xf32, #tpu.memory_space<vmem>>, vector<16xf32>,
        %mul3A_152 = arith.mulf %get3A_149, %get3A_151 : vector<16xf32>
        %add3A_153 = arith.addf %add3A_140, %mul3A_152 : vector<16xf32>
        %scan3A_154 = arith.constant 2 : i32
        %scan3A_155 = arith.addi %scan3A_129, %scan3A_154 : i32
        %mul3A_156 = arith.constant 1024 : i32
        %mul3A_157 = arith.muli %scan3A_114, %mul3A_156 : i32
        %mul3A_158 = arith.constant 16 : i32
        %mul3A_159 = arith.muli %scan3A_155, %mul3A_158 : i32
        %add3A_160 = arith.addi %mul3A_157, %mul3A_159 : i32
        %get3A_161 = arith.index_cast %add3A_160 : i32 to index
        %get3A_162 = tpu.vector_load %arg12[%get3A_161] {strides = array<i32>} : memref<9216xf32, #tpu.memory_space<vmem>>, vector<16xf32>,
        %get3A_163 = arith.index_cast %add3A_160 : i32 to index
        %get3A_164 = tpu.vector_load %arg8[%get3A_163] {strides = array<i32>} : memref<9216xf32, #tpu.memory_space<vmem>>, vector<16xf32>,
        %mul3A_165 = arith.mulf %get3A_162, %get3A_164 : vector<16xf32>
        %add3A_166 = arith.addf %add3A_153, %mul3A_165 : vector<16xf32>
        %scan3A_167 = arith.constant 3 : i32
        %scan3A_168 = arith.addi %scan3A_129, %scan3A_167 : i32
        %mul3A_169 = arith.constant 1024 : i32
        %mul3A_170 = arith.muli %scan3A_114, %mul3A_169 : i32
        %mul3A_171 = arith.constant 16 : i32
        %mul3A_172 = arith.muli %scan3A_168, %mul3A_171 : i32
        %add3A_173 = arith.addi %mul3A_170, %mul3A_172 : i32
        %get3A_174 = arith.index_cast %add3A_173 : i32 to index
        %get3A_175 = tpu.vector_load %arg12[%get3A_174] {strides = array<i32>} : memref<9216xf32, #tpu.memory_space<vmem>>, vector<16xf32>,
        %get3A_176 = arith.index_cast %add3A_173 : i32 to index
        %get3A_177 = tpu.vector_load %arg8[%get3A_176] {strides = array<i32>} : memref<9216xf32, #tpu.memory_space<vmem>>, vector<16xf32>,
        %mul3A_178 = arith.mulf %get3A_175, %get3A_177 : vector<16xf32>
        %add3A_179 = arith.addf %add3A_166, %mul3A_178 : vector<16xf32>
        %scan3A_180 = arith.constant 4 : i32
        %scan3A_181 = arith.addi %scan3A_129, %scan3A_180 : i32
        %mul3A_182 = arith.constant 1024 : i32
        %mul3A_183 = arith.muli %scan3A_114, %mul3A_182 : i32
        %mul3A_184 = arith.constant 16 : i32
        %mul3A_185 = arith.muli %scan3A_181, %mul3A_184 : i32
        %add3A_186 = arith.addi %mul3A_183, %mul3A_185 : i32
        %get3A_187 = arith.index_cast %add3A_186 : i32 to index
        %get3A_188 = tpu.vector_load %arg12[%get3A_187] {strides = array<i32>} : memref<9216xf32, #tpu.memory_space<vmem>>, vector<16xf32>,
        %get3A_189 = arith.index_cast %add3A_186 : i32 to index
        %get3A_190 = tpu.vector_load %arg8[%get3A_189] {strides = array<i32>} : memref<9216xf32, #tpu.memory_space<vmem>>, vector<16xf32>,
        %mul3A_191 = arith.mulf %get3A_188, %get3A_190 : vector<16xf32>
        %add3A_192 = arith.addf %add3A_179, %mul3A_191 : vector<16xf32>
        %scan3A_193 = arith.constant 5 : i32
        %scan3A_194 = arith.addi %scan3A_129, %scan3A_193 : i32
        %mul3A_195 = arith.constant 1024 : i32
        %mul3A_196 = arith.muli %scan3A_114, %mul3A_195 : i32
        %mul3A_197 = arith.constant 16 : i32
        %mul3A_198 = arith.muli %scan3A_194, %mul3A_197 : i32
        %add3A_199 = arith.addi %mul3A_196, %mul3A_198 : i32
        %get3A_200 = arith.index_cast %add3A_199 : i32 to index
        %get3A_201 = tpu.vector_load %arg12[%get3A_200] {strides = array<i32>} : memref<9216xf32, #tpu.memory_space<vmem>>, vector<16xf32>,
        %get3A_202 = arith.index_cast %add3A_199 : i32 to index
        %get3A_203 = tpu.vector_load %arg8[%get3A_202] {strides = array<i32>} : memref<9216xf32, #tpu.memory_space<vmem>>, vector<16xf32>,
        %mul3A_204 = arith.mulf %get3A_201, %get3A_203 : vector<16xf32>
        %add3A_205 = arith.addf %add3A_192, %mul3A_204 : vector<16xf32>
        %scan3A_206 = arith.constant 6 : i32
        %scan3A_207 = arith.addi %scan3A_129, %scan3A_206 : i32
        %mul3A_208 = arith.constant 1024 : i32
        %mul3A_209 = arith.muli %scan3A_114, %mul3A_208 : i32
        %mul3A_210 = arith.constant 16 : i32
        %mul3A_211 = arith.muli %scan3A_207, %mul3A_210 : i32
        %add3A_212 = arith.addi %mul3A_209, %mul3A_211 : i32
        %get3A_213 = arith.index_cast %add3A_212 : i32 to index
        %get3A_214 = tpu.vector_load %arg12[%get3A_213] {strides = array<i32>} : memref<9216xf32, #tpu.memory_space<vmem>>, vector<16xf32>,
        %get3A_215 = arith.index_cast %add3A_212 : i32 to index
        %get3A_216 = tpu.vector_load %arg8[%get3A_215] {strides = array<i32>} : memref<9216xf32, #tpu.memory_space<vmem>>, vector<16xf32>,
        %mul3A_217 = arith.mulf %get3A_214, %get3A_216 : vector<16xf32>
        %add3A_218 = arith.addf %add3A_205, %mul3A_217 : vector<16xf32>
        %scan3A_219 = arith.constant 7 : i32
        %scan3A_220 = arith.addi %scan3A_129, %scan3A_219 : i32
        %mul3A_221 = arith.constant 1024 : i32
        %mul3A_222 = arith.muli %scan3A_114, %mul3A_221 : i32
        %mul3A_223 = arith.constant 16 : i32
        %mul3A_224 = arith.muli %scan3A_220, %mul3A_223 : i32
        %add3A_225 = arith.addi %mul3A_222, %mul3A_224 : i32
        %get3A_226 = arith.index_cast %add3A_225 : i32 to index
        %get3A_227 = tpu.vector_load %arg12[%get3A_226] {strides = array<i32>} : memref<9216xf32, #tpu.memory_space<vmem>>, vector<16xf32>,
        %get3A_228 = arith.index_cast %add3A_225 : i32 to index
        %get3A_229 = tpu.vector_load %arg8[%get3A_228] {strides = array<i32>} : memref<9216xf32, #tpu.memory_space<vmem>>, vector<16xf32>,
        %mul3A_230 = arith.mulf %get3A_227, %get3A_229 : vector<16xf32>
        %add3A_231 = arith.addf %add3A_218, %mul3A_230 : vector<16xf32>
        scf.yield %add3A_231 : vector<16xf32>
      }
      %scan3A_122 = arith.constant 64 : i32
      %add3A_123 = arith.constant 0 : i32
      %add3A_124 = arith.addi %add3A_123, %scan3A_114 : i32
      %mul3A_125 = arith.constant 16 : i32
      %mul3A_126 = arith.muli %add3A_124, %mul3A_125 : i32
      %swap3A = arith.index_cast %mul3A_126 : i32 to index
      %swap3A_127 = tpu.vector_load %arg14[%swap3A] {strides = array<i32>} : memref<576xf32, #tpu.memory_space<vmem>>, vector<16xf32>,
      tpu.vector_store %arg14[%swap3A], %scan3A_121 {strides = array<i32>} : memref<576xf32, #tpu.memory_space<vmem>>, vector<16xf32>,
      %scan3A_128 = arith.constant 0 : i32
      scf.yield %scan3A_128 : i32
    }
    %scan3A_48 = arith.constant 9 : i32
    %add3A_49 = arith.constant 18432 : i32
    %add3A_50 = arith.addi %mul3A_2, %add3A_49 : i32
    %dma_start3A_51 = tpu.memref_slice %arg3[%add3A_50] : memref<1638400xi32, #tpu.memory_space<hbm>> -> memref<9216xi32, #tpu.memory_space<hbm>>
    %dma_start3A_52 = tpu.memref_slice %arg3[%add3A_50] : memref<1638400xi32, #tpu.memory_space<hbm>> -> memref<9216xi32, #tpu.memory_space<hbm>>
    tpu.enqueue_dma source(%dma_start3A_52 : memref<9216xi32, #tpu.memory_space<hbm>>) target(%arg6 : memref<9216xi32, #tpu.memory_space<vmem>>) target_semaphore(%arg15 : memref<!tpu.dma_semaphore, #tpu.memory_space<semaphore_mem>>)
    %dma_start3A_53 = tpu.memref_slice %arg4[%add3A_50] : memref<1638400xf32, #tpu.memory_space<hbm>> -> memref<9216xf32, #tpu.memory_space<hbm>>
    %dma_start3A_54 = tpu.memref_slice %arg4[%add3A_50] : memref<1638400xf32, #tpu.memory_space<hbm>> -> memref<9216xf32, #tpu.memory_space<hbm>>
    tpu.enqueue_dma source(%dma_start3A_54 : memref<9216xf32, #tpu.memory_space<hbm>>) target(%arg8 : memref<9216xf32, #tpu.memory_space<vmem>>) target_semaphore(%arg15 : memref<!tpu.dma_semaphore, #tpu.memory_space<semaphore_mem>>)
    %dma_wait3A_55 = tpu.memref_slice %arg4[%add3A_50] : memref<1638400xf32, #tpu.memory_space<hbm>> -> memref<9216xf32, #tpu.memory_space<hbm>>
    %dma_wait3A_56 = tpu.memref_slice %arg4[%add3A_50] : memref<1638400xf32, #tpu.memory_space<hbm>> -> memref<9216xf32, #tpu.memory_space<hbm>>
    tpu.wait_dma2 semaphore(%arg15 : memref<!tpu.dma_semaphore, #tpu.memory_space<semaphore_mem>>) src(%dma_wait3A_56 : memref<9216xf32, #tpu.memory_space<hbm>>) dst(%arg8 : memref<9216xf32, #tpu.memory_space<vmem>>)
    %dma_wait3A_57 = tpu.memref_slice %arg3[%add3A_50] : memref<1638400xi32, #tpu.memory_space<hbm>> -> memref<9216xi32, #tpu.memory_space<hbm>>
    %dma_wait3A_58 = tpu.memref_slice %arg3[%add3A_50] : memref<1638400xi32, #tpu.memory_space<hbm>> -> memref<9216xi32, #tpu.memory_space<hbm>>
    tpu.wait_dma2 semaphore(%arg15 : memref<!tpu.dma_semaphore, #tpu.memory_space<semaphore_mem>>) src(%dma_wait3A_58 : memref<9216xi32, #tpu.memory_space<hbm>>) dst(%arg6 : memref<9216xi32, #tpu.memory_space<vmem>>)
    %scan3A_59 = arith.constant 0 : i32
    %scan3A_60 = arith.constant 0 : i32
    %scan3A_61 = arith.constant 9 : i32
    %scan3A_62 = arith.addi %scan3A_60, %scan3A_61 : i32
    %scan3A_63 = arith.constant 1 : i32
    %scan3A_64 = scf.for %scan3A_114 = %scan3A_60 to %scan3A_62 step %scan3A_63 iter_args(%scan3A_115 = %scan3A_59) -> (i32)  : i32 {
      %add3A_116 = arith.constant 18 : i32
      %add3A_117 = arith.addi %mul3A_4, %add3A_116 : i32
      %add3A_118 = arith.addi %add3A_117, %scan3A_114 : i32
      %shift_right_arithmetic3A = arith.constant 2 : i32
      %shift_right_arithmetic3A_119 = arith.shrsi %add3A_118, %shift_right_arithmetic3A : i32
      %mul3A_120 = arith.constant 131072 : i32
      %mul3A_121 = arith.muli %shift_right_arithmetic3A_119, %mul3A_120 : i32
      %and3A = arith.constant 3 : i32
      %and3A_122 = arith.andi %add3A_118, %and3A : i32
      %shift_left3A = arith.constant 10 : i32
      %shift_left3A_123 = arith.shli %and3A_122, %shift_left3A : i32
      %scan3A_124 = arith.constant 0 : i32
      %scan3A_125 = arith.constant 0 : i32
      %scan3A_126 = arith.constant 64 : i32
      %scan3A_127 = arith.addi %scan3A_125, %scan3A_126 : i32
      %scan3A_128 = arith.constant 8 : i32
      %scan3A_129 = scf.for %scan3A_132 = %scan3A_125 to %scan3A_127 step %scan3A_128 iter_args(%scan3A_133 = %scan3A_124) -> (i32)  : i32 {
        %mul3A_134 = arith.constant 16 : i32
        %mul3A_135 = arith.muli %scan3A_132, %mul3A_134 : i32
        %add3A_136 = arith.addi %shift_left3A_123, %mul3A_135 : i32
        %shift_right_arithmetic3A_137 = arith.constant 7 : i32
        %shift_right_arithmetic3A_138 = arith.shrsi %add3A_136, %shift_right_arithmetic3A_137 : i32
        %shift_left3A_139 = arith.constant 10 : i32
        %shift_left3A_140 = arith.shli %shift_right_arithmetic3A_138, %shift_left3A_139 : i32
        %add3A_141 = arith.addi %mul3A_121, %shift_left3A_140 : i32
        %and3A_142 = arith.constant 127 : i32
        %and3A_143 = arith.andi %add3A_136, %and3A_142 : i32
        %add3A_144 = arith.addi %add3A_141, %and3A_143 : i32
        %mul3A_145 = arith.constant 1024 : i32
        %mul3A_146 = arith.muli %scan3A_114, %mul3A_145 : i32
        %mul3A_147 = arith.constant 16 : i32
        %mul3A_148 = arith.muli %scan3A_132, %mul3A_147 : i32
        %add3A_149 = arith.addi %mul3A_146, %mul3A_148 : i32
        %get3A = arith.index_cast %add3A_149 : i32 to index
        %get3A_150 = tpu.vector_load %arg6[%get3A] {strides = array<i32>} : memref<9216xi32, #tpu.memory_space<vmem>>, vector<16xi32>,
        %add3A_151 = vector.broadcast %add3A_144 : i32 to vector<16xi32>
        %add3A_152 = arith.addi %add3A_151, %iota3A : vector<16xi32>
        %shift_right_arithmetic3A_153 = arith.constant 3 : i32
        %shift_right_arithmetic3A_154 = vector.broadcast %shift_right_arithmetic3A_153 : i32 to vector<16xi32>
        %shift_right_arithmetic3A_155 = arith.shrsi %get3A_150, %shift_right_arithmetic3A_154 : vector<16xi32>
        %shift_left3A_156 = arith.constant 15 : i32
        %shift_left3A_157 = vector.broadcast %shift_left3A_156 : i32 to vector<16xi32>
        %shift_left3A_158 = arith.shli %shift_right_arithmetic3A_155, %shift_left3A_157 : vector<16xi32>
        %add3A_159 = arith.addi %add3A_152, %shift_left3A_158 : vector<16xi32>
        %and3A_160 = arith.constant 7 : i32
        %and3A_161 = vector.broadcast %and3A_160 : i32 to vector<16xi32>
        %and3A_162 = arith.andi %get3A_150, %and3A_161 : vector<16xi32>
        %shift_left3A_163 = arith.constant 7 : i32
        %shift_left3A_164 = vector.broadcast %shift_left3A_163 : i32 to vector<16xi32>
        %shift_left3A_165 = arith.shli %and3A_162, %shift_left3A_164 : vector<16xi32>
        %add3A_166 = arith.addi %add3A_159, %shift_left3A_165 : vector<16xi32>
        %mul3A_167 = arith.constant 1024 : i32
        %mul3A_168 = arith.muli %scan3A_114, %mul3A_167 : i32
        %mul3A_169 = arith.constant 16 : i32
        %mul3A_170 = arith.muli %scan3A_132, %mul3A_169 : i32
        %add3A_171 = arith.addi %mul3A_168, %mul3A_170 : i32
        %swap3A = arith.index_cast %add3A_171 : i32 to index
        %swap3A_172 = tpu.vector_load %arg10[%swap3A] {strides = array<i32>} : memref<9216xi32, #tpu.memory_space<vmem>>, vector<16xi32>,
        tpu.vector_store %arg10[%swap3A], %add3A_166 {strides = array<i32>} : memref<9216xi32, #tpu.memory_space<vmem>>, vector<16xi32>,
        %scan3A_173 = arith.constant 0 : i32
        %scan3A_174 = arith.constant 1 : i32
        %scan3A_175 = arith.addi %scan3A_132, %scan3A_174 : i32
        %mul3A_176 = arith.constant 16 : i32
        %mul3A_177 = arith.muli %scan3A_175, %mul3A_176 : i32
        %add3A_178 = arith.addi %shift_left3A_123, %mul3A_177 : i32
        %shift_right_arithmetic3A_179 = arith.constant 7 : i32
        %shift_right_arithmetic3A_180 = arith.shrsi %add3A_178, %shift_right_arithmetic3A_179 : i32
        %shift_left3A_181 = arith.constant 10 : i32
        %shift_left3A_182 = arith.shli %shift_right_arithmetic3A_180, %shift_left3A_181 : i32
        %add3A_183 = arith.addi %mul3A_121, %shift_left3A_182 : i32
        %and3A_184 = arith.constant 127 : i32
        %and3A_185 = arith.andi %add3A_178, %and3A_184 : i32
        %add3A_186 = arith.addi %add3A_183, %and3A_185 : i32
        %mul3A_187 = arith.constant 1024 : i32
        %mul3A_188 = arith.muli %scan3A_114, %mul3A_187 : i32
        %mul3A_189 = arith.constant 16 : i32
        %mul3A_190 = arith.muli %scan3A_175, %mul3A_189 : i32
        %add3A_191 = arith.addi %mul3A_188, %mul3A_190 : i32
        %get3A_192 = arith.index_cast %add3A_191 : i32 to index
        %get3A_193 = tpu.vector_load %arg6[%get3A_192] {strides = array<i32>} : memref<9216xi32, #tpu.memory_space<vmem>>, vector<16xi32>,
        %add3A_194 = vector.broadcast %add3A_186 : i32 to vector<16xi32>
        %add3A_195 = arith.addi %add3A_194, %iota3A : vector<16xi32>
        %shift_right_arithmetic3A_196 = arith.constant 3 : i32
        %shift_right_arithmetic3A_197 = vector.broadcast %shift_right_arithmetic3A_196 : i32 to vector<16xi32>
        %shift_right_arithmetic3A_198 = arith.shrsi %get3A_193, %shift_right_arithmetic3A_197 : vector<16xi32>
        %shift_left3A_199 = arith.constant 15 : i32
        %shift_left3A_200 = vector.broadcast %shift_left3A_199 : i32 to vector<16xi32>
        %shift_left3A_201 = arith.shli %shift_right_arithmetic3A_198, %shift_left3A_200 : vector<16xi32>
        %add3A_202 = arith.addi %add3A_195, %shift_left3A_201 : vector<16xi32>
        %and3A_203 = arith.constant 7 : i32
        %and3A_204 = vector.broadcast %and3A_203 : i32 to vector<16xi32>
        %and3A_205 = arith.andi %get3A_193, %and3A_204 : vector<16xi32>
        %shift_left3A_206 = arith.constant 7 : i32
        %shift_left3A_207 = vector.broadcast %shift_left3A_206 : i32 to vector<16xi32>
        %shift_left3A_208 = arith.shli %and3A_205, %shift_left3A_207 : vector<16xi32>
        %add3A_209 = arith.addi %add3A_202, %shift_left3A_208 : vector<16xi32>
        %mul3A_210 = arith.constant 1024 : i32
        %mul3A_211 = arith.muli %scan3A_114, %mul3A_210 : i32
        %mul3A_212 = arith.constant 16 : i32
        %mul3A_213 = arith.muli %scan3A_175, %mul3A_212 : i32
        %add3A_214 = arith.addi %mul3A_211, %mul3A_213 : i32
        %swap3A_215 = arith.index_cast %add3A_214 : i32 to index
        %swap3A_216 = tpu.vector_load %arg10[%swap3A_215] {strides = array<i32>} : memref<9216xi32, #tpu.memory_space<vmem>>, vector<16xi32>,
        tpu.vector_store %arg10[%swap3A_215], %add3A_209 {strides = array<i32>} : memref<9216xi32, #tpu.memory_space<vmem>>, vector<16xi32>,
        %scan3A_217 = arith.constant 0 : i32
        %scan3A_218 = arith.constant 2 : i32
        %scan3A_219 = arith.addi %scan3A_132, %scan3A_218 : i32
        %mul3A_220 = arith.constant 16 : i32
        %mul3A_221 = arith.muli %scan3A_219, %mul3A_220 : i32
        %add3A_222 = arith.addi %shift_left3A_123, %mul3A_221 : i32
        %shift_right_arithmetic3A_223 = arith.constant 7 : i32
        %shift_right_arithmetic3A_224 = arith.shrsi %add3A_222, %shift_right_arithmetic3A_223 : i32
        %shift_left3A_225 = arith.constant 10 : i32
        %shift_left3A_226 = arith.shli %shift_right_arithmetic3A_224, %shift_left3A_225 : i32
        %add3A_227 = arith.addi %mul3A_121, %shift_left3A_226 : i32
        %and3A_228 = arith.constant 127 : i32
        %and3A_229 = arith.andi %add3A_222, %and3A_228 : i32
        %add3A_230 = arith.addi %add3A_227, %and3A_229 : i32
        %mul3A_231 = arith.constant 1024 : i32
        %mul3A_232 = arith.muli %scan3A_114, %mul3A_231 : i32
        %mul3A_233 = arith.constant 16 : i32
        %mul3A_234 = arith.muli %scan3A_219, %mul3A_233 : i32
        %add3A_235 = arith.addi %mul3A_232, %mul3A_234 : i32
        %get3A_236 = arith.index_cast %add3A_235 : i32 to index
        %get3A_237 = tpu.vector_load %arg6[%get3A_236] {strides = array<i32>} : memref<9216xi32, #tpu.memory_space<vmem>>, vector<16xi32>,
        %add3A_238 = vector.broadcast %add3A_230 : i32 to vector<16xi32>
        %add3A_239 = arith.addi %add3A_238, %iota3A : vector<16xi32>
        %shift_right_arithmetic3A_240 = arith.constant 3 : i32
        %shift_right_arithmetic3A_241 = vector.broadcast %shift_right_arithmetic3A_240 : i32 to vector<16xi32>
        %shift_right_arithmetic3A_242 = arith.shrsi %get3A_237, %shift_right_arithmetic3A_241 : vector<16xi32>
        %shift_left3A_243 = arith.constant 15 : i32
        %shift_left3A_244 = vector.broadcast %shift_left3A_243 : i32 to vector<16xi32>
        %shift_left3A_245 = arith.shli %shift_right_arithmetic3A_242, %shift_left3A_244 : vector<16xi32>
        %add3A_246 = arith.addi %add3A_239, %shift_left3A_245 : vector<16xi32>
        %and3A_247 = arith.constant 7 : i32
        %and3A_248 = vector.broadcast %and3A_247 : i32 to vector<16xi32>
        %and3A_249 = arith.andi %get3A_237, %and3A_248 : vector<16xi32>
        %shift_left3A_250 = arith.constant 7 : i32
        %shift_left3A_251 = vector.broadcast %shift_left3A_250 : i32 to vector<16xi32>
        %shift_left3A_252 = arith.shli %and3A_249, %shift_left3A_251 : vector<16xi32>
        %add3A_253 = arith.addi %add3A_246, %shift_left3A_252 : vector<16xi32>
        %mul3A_254 = arith.constant 1024 : i32
        %mul3A_255 = arith.muli %scan3A_114, %mul3A_254 : i32
        %mul3A_256 = arith.constant 16 : i32
        %mul3A_257 = arith.muli %scan3A_219, %mul3A_256 : i32
        %add3A_258 = arith.addi %mul3A_255, %mul3A_257 : i32
        %swap3A_259 = arith.index_cast %add3A_258 : i32 to index
        %swap3A_260 = tpu.vector_load %arg10[%swap3A_259] {strides = array<i32>} : memref<9216xi32, #tpu.memory_space<vmem>>, vector<16xi32>,
        tpu.vector_store %arg10[%swap3A_259], %add3A_253 {strides = array<i32>} : memref<9216xi32, #tpu.memory_space<vmem>>, vector<16xi32>,
        %scan3A_261 = arith.constant 0 : i32
        %scan3A_262 = arith.constant 3 : i32
        %scan3A_263 = arith.addi %scan3A_132, %scan3A_262 : i32
        %mul3A_264 = arith.constant 16 : i32
        %mul3A_265 = arith.muli %scan3A_263, %mul3A_264 : i32
        %add3A_266 = arith.addi %shift_left3A_123, %mul3A_265 : i32
        %shift_right_arithmetic3A_267 = arith.constant 7 : i32
        %shift_right_arithmetic3A_268 = arith.shrsi %add3A_266, %shift_right_arithmetic3A_267 : i32
        %shift_left3A_269 = arith.constant 10 : i32
        %shift_left3A_270 = arith.shli %shift_right_arithmetic3A_268, %shift_left3A_269 : i32
        %add3A_271 = arith.addi %mul3A_121, %shift_left3A_270 : i32
        %and3A_272 = arith.constant 127 : i32
        %and3A_273 = arith.andi %add3A_266, %and3A_272 : i32
        %add3A_274 = arith.addi %add3A_271, %and3A_273 : i32
        %mul3A_275 = arith.constant 1024 : i32
        %mul3A_276 = arith.muli %scan3A_114, %mul3A_275 : i32
        %mul3A_277 = arith.constant 16 : i32
        %mul3A_278 = arith.muli %scan3A_263, %mul3A_277 : i32
        %add3A_279 = arith.addi %mul3A_276, %mul3A_278 : i32
        %get3A_280 = arith.index_cast %add3A_279 : i32 to index
        %get3A_281 = tpu.vector_load %arg6[%get3A_280] {strides = array<i32>} : memref<9216xi32, #tpu.memory_space<vmem>>, vector<16xi32>,
        %add3A_282 = vector.broadcast %add3A_274 : i32 to vector<16xi32>
        %add3A_283 = arith.addi %add3A_282, %iota3A : vector<16xi32>
        %shift_right_arithmetic3A_284 = arith.constant 3 : i32
        %shift_right_arithmetic3A_285 = vector.broadcast %shift_right_arithmetic3A_284 : i32 to vector<16xi32>
        %shift_right_arithmetic3A_286 = arith.shrsi %get3A_281, %shift_right_arithmetic3A_285 : vector<16xi32>
        %shift_left3A_287 = arith.constant 15 : i32
        %shift_left3A_288 = vector.broadcast %shift_left3A_287 : i32 to vector<16xi32>
        %shift_left3A_289 = arith.shli %shift_right_arithmetic3A_286, %shift_left3A_288 : vector<16xi32>
        %add3A_290 = arith.addi %add3A_283, %shift_left3A_289 : vector<16xi32>
        %and3A_291 = arith.constant 7 : i32
        %and3A_292 = vector.broadcast %and3A_291 : i32 to vector<16xi32>
        %and3A_293 = arith.andi %get3A_281, %and3A_292 : vector<16xi32>
        %shift_left3A_294 = arith.constant 7 : i32
        %shift_left3A_295 = vector.broadcast %shift_left3A_294 : i32 to vector<16xi32>
        %shift_left3A_296 = arith.shli %and3A_293, %shift_left3A_295 : vector<16xi32>
        %add3A_297 = arith.addi %add3A_290, %shift_left3A_296 : vector<16xi32>
        %mul3A_298 = arith.constant 1024 : i32
        %mul3A_299 = arith.muli %scan3A_114, %mul3A_298 : i32
        %mul3A_300 = arith.constant 16 : i32
        %mul3A_301 = arith.muli %scan3A_263, %mul3A_300 : i32
        %add3A_302 = arith.addi %mul3A_299, %mul3A_301 : i32
        %swap3A_303 = arith.index_cast %add3A_302 : i32 to index
        %swap3A_304 = tpu.vector_load %arg10[%swap3A_303] {strides = array<i32>} : memref<9216xi32, #tpu.memory_space<vmem>>, vector<16xi32>,
        tpu.vector_store %arg10[%swap3A_303], %add3A_297 {strides = array<i32>} : memref<9216xi32, #tpu.memory_space<vmem>>, vector<16xi32>,
        %scan3A_305 = arith.constant 0 : i32
        %scan3A_306 = arith.constant 4 : i32
        %scan3A_307 = arith.addi %scan3A_132, %scan3A_306 : i32
        %mul3A_308 = arith.constant 16 : i32
        %mul3A_309 = arith.muli %scan3A_307, %mul3A_308 : i32
        %add3A_310 = arith.addi %shift_left3A_123, %mul3A_309 : i32
        %shift_right_arithmetic3A_311 = arith.constant 7 : i32
        %shift_right_arithmetic3A_312 = arith.shrsi %add3A_310, %shift_right_arithmetic3A_311 : i32
        %shift_left3A_313 = arith.constant 10 : i32
        %shift_left3A_314 = arith.shli %shift_right_arithmetic3A_312, %shift_left3A_313 : i32
        %add3A_315 = arith.addi %mul3A_121, %shift_left3A_314 : i32
        %and3A_316 = arith.constant 127 : i32
        %and3A_317 = arith.andi %add3A_310, %and3A_316 : i32
        %add3A_318 = arith.addi %add3A_315, %and3A_317 : i32
        %mul3A_319 = arith.constant 1024 : i32
        %mul3A_320 = arith.muli %scan3A_114, %mul3A_319 : i32
        %mul3A_321 = arith.constant 16 : i32
        %mul3A_322 = arith.muli %scan3A_307, %mul3A_321 : i32
        %add3A_323 = arith.addi %mul3A_320, %mul3A_322 : i32
        %get3A_324 = arith.index_cast %add3A_323 : i32 to index
        %get3A_325 = tpu.vector_load %arg6[%get3A_324] {strides = array<i32>} : memref<9216xi32, #tpu.memory_space<vmem>>, vector<16xi32>,
        %add3A_326 = vector.broadcast %add3A_318 : i32 to vector<16xi32>
        %add3A_327 = arith.addi %add3A_326, %iota3A : vector<16xi32>
        %shift_right_arithmetic3A_328 = arith.constant 3 : i32
        %shift_right_arithmetic3A_329 = vector.broadcast %shift_right_arithmetic3A_328 : i32 to vector<16xi32>
        %shift_right_arithmetic3A_330 = arith.shrsi %get3A_325, %shift_right_arithmetic3A_329 : vector<16xi32>
        %shift_left3A_331 = arith.constant 15 : i32
        %shift_left3A_332 = vector.broadcast %shift_left3A_331 : i32 to vector<16xi32>
        %shift_left3A_333 = arith.shli %shift_right_arithmetic3A_330, %shift_left3A_332 : vector<16xi32>
        %add3A_334 = arith.addi %add3A_327, %shift_left3A_333 : vector<16xi32>
        %and3A_335 = arith.constant 7 : i32
        %and3A_336 = vector.broadcast %and3A_335 : i32 to vector<16xi32>
        %and3A_337 = arith.andi %get3A_325, %and3A_336 : vector<16xi32>
        %shift_left3A_338 = arith.constant 7 : i32
        %shift_left3A_339 = vector.broadcast %shift_left3A_338 : i32 to vector<16xi32>
        %shift_left3A_340 = arith.shli %and3A_337, %shift_left3A_339 : vector<16xi32>
        %add3A_341 = arith.addi %add3A_334, %shift_left3A_340 : vector<16xi32>
        %mul3A_342 = arith.constant 1024 : i32
        %mul3A_343 = arith.muli %scan3A_114, %mul3A_342 : i32
        %mul3A_344 = arith.constant 16 : i32
        %mul3A_345 = arith.muli %scan3A_307, %mul3A_344 : i32
        %add3A_346 = arith.addi %mul3A_343, %mul3A_345 : i32
        %swap3A_347 = arith.index_cast %add3A_346 : i32 to index
        %swap3A_348 = tpu.vector_load %arg10[%swap3A_347] {strides = array<i32>} : memref<9216xi32, #tpu.memory_space<vmem>>, vector<16xi32>,
        tpu.vector_store %arg10[%swap3A_347], %add3A_341 {strides = array<i32>} : memref<9216xi32, #tpu.memory_space<vmem>>, vector<16xi32>,
        %scan3A_349 = arith.constant 0 : i32
        %scan3A_350 = arith.constant 5 : i32
        %scan3A_351 = arith.addi %scan3A_132, %scan3A_350 : i32
        %mul3A_352 = arith.constant 16 : i32
        %mul3A_353 = arith.muli %scan3A_351, %mul3A_352 : i32
        %add3A_354 = arith.addi %shift_left3A_123, %mul3A_353 : i32
        %shift_right_arithmetic3A_355 = arith.constant 7 : i32
        %shift_right_arithmetic3A_356 = arith.shrsi %add3A_354, %shift_right_arithmetic3A_355 : i32
        %shift_left3A_357 = arith.constant 10 : i32
        %shift_left3A_358 = arith.shli %shift_right_arithmetic3A_356, %shift_left3A_357 : i32
        %add3A_359 = arith.addi %mul3A_121, %shift_left3A_358 : i32
        %and3A_360 = arith.constant 127 : i32
        %and3A_361 = arith.andi %add3A_354, %and3A_360 : i32
        %add3A_362 = arith.addi %add3A_359, %and3A_361 : i32
        %mul3A_363 = arith.constant 1024 : i32
        %mul3A_364 = arith.muli %scan3A_114, %mul3A_363 : i32
        %mul3A_365 = arith.constant 16 : i32
        %mul3A_366 = arith.muli %scan3A_351, %mul3A_365 : i32
        %add3A_367 = arith.addi %mul3A_364, %mul3A_366 : i32
        %get3A_368 = arith.index_cast %add3A_367 : i32 to index
        %get3A_369 = tpu.vector_load %arg6[%get3A_368] {strides = array<i32>} : memref<9216xi32, #tpu.memory_space<vmem>>, vector<16xi32>,
        %add3A_370 = vector.broadcast %add3A_362 : i32 to vector<16xi32>
        %add3A_371 = arith.addi %add3A_370, %iota3A : vector<16xi32>
        %shift_right_arithmetic3A_372 = arith.constant 3 : i32
        %shift_right_arithmetic3A_373 = vector.broadcast %shift_right_arithmetic3A_372 : i32 to vector<16xi32>
        %shift_right_arithmetic3A_374 = arith.shrsi %get3A_369, %shift_right_arithmetic3A_373 : vector<16xi32>
        %shift_left3A_375 = arith.constant 15 : i32
        %shift_left3A_376 = vector.broadcast %shift_left3A_375 : i32 to vector<16xi32>
        %shift_left3A_377 = arith.shli %shift_right_arithmetic3A_374, %shift_left3A_376 : vector<16xi32>
        %add3A_378 = arith.addi %add3A_371, %shift_left3A_377 : vector<16xi32>
        %and3A_379 = arith.constant 7 : i32
        %and3A_380 = vector.broadcast %and3A_379 : i32 to vector<16xi32>
        %and3A_381 = arith.andi %get3A_369, %and3A_380 : vector<16xi32>
        %shift_left3A_382 = arith.constant 7 : i32
        %shift_left3A_383 = vector.broadcast %shift_left3A_382 : i32 to vector<16xi32>
        %shift_left3A_384 = arith.shli %and3A_381, %shift_left3A_383 : vector<16xi32>
        %add3A_385 = arith.addi %add3A_378, %shift_left3A_384 : vector<16xi32>
        %mul3A_386 = arith.constant 1024 : i32
        %mul3A_387 = arith.muli %scan3A_114, %mul3A_386 : i32
        %mul3A_388 = arith.constant 16 : i32
        %mul3A_389 = arith.muli %scan3A_351, %mul3A_388 : i32
        %add3A_390 = arith.addi %mul3A_387, %mul3A_389 : i32
        %swap3A_391 = arith.index_cast %add3A_390 : i32 to index
        %swap3A_392 = tpu.vector_load %arg10[%swap3A_391] {strides = array<i32>} : memref<9216xi32, #tpu.memory_space<vmem>>, vector<16xi32>,
        tpu.vector_store %arg10[%swap3A_391], %add3A_385 {strides = array<i32>} : memref<9216xi32, #tpu.memory_space<vmem>>, vector<16xi32>,
        %scan3A_393 = arith.constant 0 : i32
        %scan3A_394 = arith.constant 6 : i32
        %scan3A_395 = arith.addi %scan3A_132, %scan3A_394 : i32
        %mul3A_396 = arith.constant 16 : i32
        %mul3A_397 = arith.muli %scan3A_395, %mul3A_396 : i32
        %add3A_398 = arith.addi %shift_left3A_123, %mul3A_397 : i32
        %shift_right_arithmetic3A_399 = arith.constant 7 : i32
        %shift_right_arithmetic3A_400 = arith.shrsi %add3A_398, %shift_right_arithmetic3A_399 : i32
        %shift_left3A_401 = arith.constant 10 : i32
        %shift_left3A_402 = arith.shli %shift_right_arithmetic3A_400, %shift_left3A_401 : i32
        %add3A_403 = arith.addi %mul3A_121, %shift_left3A_402 : i32
        %and3A_404 = arith.constant 127 : i32
        %and3A_405 = arith.andi %add3A_398, %and3A_404 : i32
        %add3A_406 = arith.addi %add3A_403, %and3A_405 : i32
        %mul3A_407 = arith.constant 1024 : i32
        %mul3A_408 = arith.muli %scan3A_114, %mul3A_407 : i32
        %mul3A_409 = arith.constant 16 : i32
        %mul3A_410 = arith.muli %scan3A_395, %mul3A_409 : i32
        %add3A_411 = arith.addi %mul3A_408, %mul3A_410 : i32
        %get3A_412 = arith.index_cast %add3A_411 : i32 to index
        %get3A_413 = tpu.vector_load %arg6[%get3A_412] {strides = array<i32>} : memref<9216xi32, #tpu.memory_space<vmem>>, vector<16xi32>,
        %add3A_414 = vector.broadcast %add3A_406 : i32 to vector<16xi32>
        %add3A_415 = arith.addi %add3A_414, %iota3A : vector<16xi32>
        %shift_right_arithmetic3A_416 = arith.constant 3 : i32
        %shift_right_arithmetic3A_417 = vector.broadcast %shift_right_arithmetic3A_416 : i32 to vector<16xi32>
        %shift_right_arithmetic3A_418 = arith.shrsi %get3A_413, %shift_right_arithmetic3A_417 : vector<16xi32>
        %shift_left3A_419 = arith.constant 15 : i32
        %shift_left3A_420 = vector.broadcast %shift_left3A_419 : i32 to vector<16xi32>
        %shift_left3A_421 = arith.shli %shift_right_arithmetic3A_418, %shift_left3A_420 : vector<16xi32>
        %add3A_422 = arith.addi %add3A_415, %shift_left3A_421 : vector<16xi32>
        %and3A_423 = arith.constant 7 : i32
        %and3A_424 = vector.broadcast %and3A_423 : i32 to vector<16xi32>
        %and3A_425 = arith.andi %get3A_413, %and3A_424 : vector<16xi32>
        %shift_left3A_426 = arith.constant 7 : i32
        %shift_left3A_427 = vector.broadcast %shift_left3A_426 : i32 to vector<16xi32>
        %shift_left3A_428 = arith.shli %and3A_425, %shift_left3A_427 : vector<16xi32>
        %add3A_429 = arith.addi %add3A_422, %shift_left3A_428 : vector<16xi32>
        %mul3A_430 = arith.constant 1024 : i32
        %mul3A_431 = arith.muli %scan3A_114, %mul3A_430 : i32
        %mul3A_432 = arith.constant 16 : i32
        %mul3A_433 = arith.muli %scan3A_395, %mul3A_432 : i32
        %add3A_434 = arith.addi %mul3A_431, %mul3A_433 : i32
        %swap3A_435 = arith.index_cast %add3A_434 : i32 to index
        %swap3A_436 = tpu.vector_load %arg10[%swap3A_435] {strides = array<i32>} : memref<9216xi32, #tpu.memory_space<vmem>>, vector<16xi32>,
        tpu.vector_store %arg10[%swap3A_435], %add3A_429 {strides = array<i32>} : memref<9216xi32, #tpu.memory_space<vmem>>, vector<16xi32>,
        %scan3A_437 = arith.constant 0 : i32
        %scan3A_438 = arith.constant 7 : i32
        %scan3A_439 = arith.addi %scan3A_132, %scan3A_438 : i32
        %mul3A_440 = arith.constant 16 : i32
        %mul3A_441 = arith.muli %scan3A_439, %mul3A_440 : i32
        %add3A_442 = arith.addi %shift_left3A_123, %mul3A_441 : i32
        %shift_right_arithmetic3A_443 = arith.constant 7 : i32
        %shift_right_arithmetic3A_444 = arith.shrsi %add3A_442, %shift_right_arithmetic3A_443 : i32
        %shift_left3A_445 = arith.constant 10 : i32
        %shift_left3A_446 = arith.shli %shift_right_arithmetic3A_444, %shift_left3A_445 : i32
        %add3A_447 = arith.addi %mul3A_121, %shift_left3A_446 : i32
        %and3A_448 = arith.constant 127 : i32
        %and3A_449 = arith.andi %add3A_442, %and3A_448 : i32
        %add3A_450 = arith.addi %add3A_447, %and3A_449 : i32
        %mul3A_451 = arith.constant 1024 : i32
        %mul3A_452 = arith.muli %scan3A_114, %mul3A_451 : i32
        %mul3A_453 = arith.constant 16 : i32
        %mul3A_454 = arith.muli %scan3A_439, %mul3A_453 : i32
        %add3A_455 = arith.addi %mul3A_452, %mul3A_454 : i32
        %get3A_456 = arith.index_cast %add3A_455 : i32 to index
        %get3A_457 = tpu.vector_load %arg6[%get3A_456] {strides = array<i32>} : memref<9216xi32, #tpu.memory_space<vmem>>, vector<16xi32>,
        %add3A_458 = vector.broadcast %add3A_450 : i32 to vector<16xi32>
        %add3A_459 = arith.addi %add3A_458, %iota3A : vector<16xi32>
        %shift_right_arithmetic3A_460 = arith.constant 3 : i32
        %shift_right_arithmetic3A_461 = vector.broadcast %shift_right_arithmetic3A_460 : i32 to vector<16xi32>
        %shift_right_arithmetic3A_462 = arith.shrsi %get3A_457, %shift_right_arithmetic3A_461 : vector<16xi32>
        %shift_left3A_463 = arith.constant 15 : i32
        %shift_left3A_464 = vector.broadcast %shift_left3A_463 : i32 to vector<16xi32>
        %shift_left3A_465 = arith.shli %shift_right_arithmetic3A_462, %shift_left3A_464 : vector<16xi32>
        %add3A_466 = arith.addi %add3A_459, %shift_left3A_465 : vector<16xi32>
        %and3A_467 = arith.constant 7 : i32
        %and3A_468 = vector.broadcast %and3A_467 : i32 to vector<16xi32>
        %and3A_469 = arith.andi %get3A_457, %and3A_468 : vector<16xi32>
        %shift_left3A_470 = arith.constant 7 : i32
        %shift_left3A_471 = vector.broadcast %shift_left3A_470 : i32 to vector<16xi32>
        %shift_left3A_472 = arith.shli %and3A_469, %shift_left3A_471 : vector<16xi32>
        %add3A_473 = arith.addi %add3A_466, %shift_left3A_472 : vector<16xi32>
        %mul3A_474 = arith.constant 1024 : i32
        %mul3A_475 = arith.muli %scan3A_114, %mul3A_474 : i32
        %mul3A_476 = arith.constant 16 : i32
        %mul3A_477 = arith.muli %scan3A_439, %mul3A_476 : i32
        %add3A_478 = arith.addi %mul3A_475, %mul3A_477 : i32
        %swap3A_479 = arith.index_cast %add3A_478 : i32 to index
        %swap3A_480 = tpu.vector_load %arg10[%swap3A_479] {strides = array<i32>} : memref<9216xi32, #tpu.memory_space<vmem>>, vector<16xi32>,
        tpu.vector_store %arg10[%swap3A_479], %add3A_473 {strides = array<i32>} : memref<9216xi32, #tpu.memory_space<vmem>>, vector<16xi32>,
        %scan3A_481 = arith.constant 0 : i32
        scf.yield %scan3A_481 : i32
      }
      %scan3A_130 = arith.constant 64 : i32
      %scan3A_131 = arith.constant 0 : i32
      scf.yield %scan3A_131 : i32
    }
    %scan3A_65 = arith.constant 9 : i32
    %dma_wait3A_66 = arith.constant 0 : i32
    %dma_wait3A_67 = tpu.memref_slice %arg2[%dma_wait3A_66] : memref<52428800xf32, #tpu.memory_space<hbm>> -> memref<52428800xf32, #tpu.memory_space<hbm>>
    tpu.wait_indirect_dma semaphore(%arg16 : memref<!tpu.dma_semaphore, #tpu.memory_space<semaphore_mem>>) src(%dma_wait3A_67 : memref<52428800xf32, #tpu.memory_space<hbm>>) dst(%arg13 : memref<9216xf32, #tpu.memory_space<vmem>>)
    %dma_start3A_68 = arith.constant 0 : i32
    %dma_start3A_69 = tpu.memref_slice %arg2[%dma_start3A_68] : memref<52428800xf32, #tpu.memory_space<hbm>> -> memref<52428800xf32, #tpu.memory_space<hbm>>
    tpu.enqueue_indirect_dma source(%dma_start3A_69 : memref<52428800xf32, #tpu.memory_space<hbm>>) target(%arg12 : memref<9216xf32, #tpu.memory_space<vmem>>) offsets(%arg10 : memref<9216xi32, #tpu.memory_space<vmem>>) semaphore(%arg16 : memref<!tpu.dma_semaphore, #tpu.memory_space<semaphore_mem>>)
    %scan3A_70 = arith.constant 0 : i32
    %scan3A_71 = arith.constant 0 : i32
    %scan3A_72 = arith.constant 9 : i32
    %scan3A_73 = arith.addi %scan3A_71, %scan3A_72 : i32
    %scan3A_74 = arith.constant 1 : i32
    %scan3A_75 = scf.for %scan3A_114 = %scan3A_71 to %scan3A_73 step %scan3A_74 iter_args(%scan3A_115 = %scan3A_70) -> (i32)  : i32 {
      %broadcast_in_dim3A = arith.constant 0.000000e+00 : f32
      %broadcast_in_dim3A_116 = vector.broadcast %broadcast_in_dim3A : f32 to vector<16xf32>
      %scan3A_117 = arith.constant 0 : i32
      %scan3A_118 = arith.constant 64 : i32
      %scan3A_119 = arith.addi %scan3A_117, %scan3A_118 : i32
      %scan3A_120 = arith.constant 8 : i32
      %scan3A_121 = scf.for %scan3A_129 = %scan3A_117 to %scan3A_119 step %scan3A_120 iter_args(%scan3A_130 = %broadcast_in_dim3A_116) -> (vector<16xf32>)  : i32 {
        %mul3A_131 = arith.constant 1024 : i32
        %mul3A_132 = arith.muli %scan3A_114, %mul3A_131 : i32
        %mul3A_133 = arith.constant 16 : i32
        %mul3A_134 = arith.muli %scan3A_129, %mul3A_133 : i32
        %add3A_135 = arith.addi %mul3A_132, %mul3A_134 : i32
        %get3A = arith.index_cast %add3A_135 : i32 to index
        %get3A_136 = tpu.vector_load %arg13[%get3A] {strides = array<i32>} : memref<9216xf32, #tpu.memory_space<vmem>>, vector<16xf32>,
        %get3A_137 = arith.index_cast %add3A_135 : i32 to index
        %get3A_138 = tpu.vector_load %arg9[%get3A_137] {strides = array<i32>} : memref<9216xf32, #tpu.memory_space<vmem>>, vector<16xf32>,
        %mul3A_139 = arith.mulf %get3A_136, %get3A_138 : vector<16xf32>
        %add3A_140 = arith.addf %scan3A_130, %mul3A_139 : vector<16xf32>
        %scan3A_141 = arith.constant 1 : i32
        %scan3A_142 = arith.addi %scan3A_129, %scan3A_141 : i32
        %mul3A_143 = arith.constant 1024 : i32
        %mul3A_144 = arith.muli %scan3A_114, %mul3A_143 : i32
        %mul3A_145 = arith.constant 16 : i32
        %mul3A_146 = arith.muli %scan3A_142, %mul3A_145 : i32
        %add3A_147 = arith.addi %mul3A_144, %mul3A_146 : i32
        %get3A_148 = arith.index_cast %add3A_147 : i32 to index
        %get3A_149 = tpu.vector_load %arg13[%get3A_148] {strides = array<i32>} : memref<9216xf32, #tpu.memory_space<vmem>>, vector<16xf32>,
        %get3A_150 = arith.index_cast %add3A_147 : i32 to index
        %get3A_151 = tpu.vector_load %arg9[%get3A_150] {strides = array<i32>} : memref<9216xf32, #tpu.memory_space<vmem>>, vector<16xf32>,
        %mul3A_152 = arith.mulf %get3A_149, %get3A_151 : vector<16xf32>
        %add3A_153 = arith.addf %add3A_140, %mul3A_152 : vector<16xf32>
        %scan3A_154 = arith.constant 2 : i32
        %scan3A_155 = arith.addi %scan3A_129, %scan3A_154 : i32
        %mul3A_156 = arith.constant 1024 : i32
        %mul3A_157 = arith.muli %scan3A_114, %mul3A_156 : i32
        %mul3A_158 = arith.constant 16 : i32
        %mul3A_159 = arith.muli %scan3A_155, %mul3A_158 : i32
        %add3A_160 = arith.addi %mul3A_157, %mul3A_159 : i32
        %get3A_161 = arith.index_cast %add3A_160 : i32 to index
        %get3A_162 = tpu.vector_load %arg13[%get3A_161] {strides = array<i32>} : memref<9216xf32, #tpu.memory_space<vmem>>, vector<16xf32>,
        %get3A_163 = arith.index_cast %add3A_160 : i32 to index
        %get3A_164 = tpu.vector_load %arg9[%get3A_163] {strides = array<i32>} : memref<9216xf32, #tpu.memory_space<vmem>>, vector<16xf32>,
        %mul3A_165 = arith.mulf %get3A_162, %get3A_164 : vector<16xf32>
        %add3A_166 = arith.addf %add3A_153, %mul3A_165 : vector<16xf32>
        %scan3A_167 = arith.constant 3 : i32
        %scan3A_168 = arith.addi %scan3A_129, %scan3A_167 : i32
        %mul3A_169 = arith.constant 1024 : i32
        %mul3A_170 = arith.muli %scan3A_114, %mul3A_169 : i32
        %mul3A_171 = arith.constant 16 : i32
        %mul3A_172 = arith.muli %scan3A_168, %mul3A_171 : i32
        %add3A_173 = arith.addi %mul3A_170, %mul3A_172 : i32
        %get3A_174 = arith.index_cast %add3A_173 : i32 to index
        %get3A_175 = tpu.vector_load %arg13[%get3A_174] {strides = array<i32>} : memref<9216xf32, #tpu.memory_space<vmem>>, vector<16xf32>,
        %get3A_176 = arith.index_cast %add3A_173 : i32 to index
        %get3A_177 = tpu.vector_load %arg9[%get3A_176] {strides = array<i32>} : memref<9216xf32, #tpu.memory_space<vmem>>, vector<16xf32>,
        %mul3A_178 = arith.mulf %get3A_175, %get3A_177 : vector<16xf32>
        %add3A_179 = arith.addf %add3A_166, %mul3A_178 : vector<16xf32>
        %scan3A_180 = arith.constant 4 : i32
        %scan3A_181 = arith.addi %scan3A_129, %scan3A_180 : i32
        %mul3A_182 = arith.constant 1024 : i32
        %mul3A_183 = arith.muli %scan3A_114, %mul3A_182 : i32
        %mul3A_184 = arith.constant 16 : i32
        %mul3A_185 = arith.muli %scan3A_181, %mul3A_184 : i32
        %add3A_186 = arith.addi %mul3A_183, %mul3A_185 : i32
        %get3A_187 = arith.index_cast %add3A_186 : i32 to index
        %get3A_188 = tpu.vector_load %arg13[%get3A_187] {strides = array<i32>} : memref<9216xf32, #tpu.memory_space<vmem>>, vector<16xf32>,
        %get3A_189 = arith.index_cast %add3A_186 : i32 to index
        %get3A_190 = tpu.vector_load %arg9[%get3A_189] {strides = array<i32>} : memref<9216xf32, #tpu.memory_space<vmem>>, vector<16xf32>,
        %mul3A_191 = arith.mulf %get3A_188, %get3A_190 : vector<16xf32>
        %add3A_192 = arith.addf %add3A_179, %mul3A_191 : vector<16xf32>
        %scan3A_193 = arith.constant 5 : i32
        %scan3A_194 = arith.addi %scan3A_129, %scan3A_193 : i32
        %mul3A_195 = arith.constant 1024 : i32
        %mul3A_196 = arith.muli %scan3A_114, %mul3A_195 : i32
        %mul3A_197 = arith.constant 16 : i32
        %mul3A_198 = arith.muli %scan3A_194, %mul3A_197 : i32
        %add3A_199 = arith.addi %mul3A_196, %mul3A_198 : i32
        %get3A_200 = arith.index_cast %add3A_199 : i32 to index
        %get3A_201 = tpu.vector_load %arg13[%get3A_200] {strides = array<i32>} : memref<9216xf32, #tpu.memory_space<vmem>>, vector<16xf32>,
        %get3A_202 = arith.index_cast %add3A_199 : i32 to index
        %get3A_203 = tpu.vector_load %arg9[%get3A_202] {strides = array<i32>} : memref<9216xf32, #tpu.memory_space<vmem>>, vector<16xf32>,
        %mul3A_204 = arith.mulf %get3A_201, %get3A_203 : vector<16xf32>
        %add3A_205 = arith.addf %add3A_192, %mul3A_204 : vector<16xf32>
        %scan3A_206 = arith.constant 6 : i32
        %scan3A_207 = arith.addi %scan3A_129, %scan3A_206 : i32
        %mul3A_208 = arith.constant 1024 : i32
        %mul3A_209 = arith.muli %scan3A_114, %mul3A_208 : i32
        %mul3A_210 = arith.constant 16 : i32
        %mul3A_211 = arith.muli %scan3A_207, %mul3A_210 : i32
        %add3A_212 = arith.addi %mul3A_209, %mul3A_211 : i32
        %get3A_213 = arith.index_cast %add3A_212 : i32 to index
        %get3A_214 = tpu.vector_load %arg13[%get3A_213] {strides = array<i32>} : memref<9216xf32, #tpu.memory_space<vmem>>, vector<16xf32>,
        %get3A_215 = arith.index_cast %add3A_212 : i32 to index
        %get3A_216 = tpu.vector_load %arg9[%get3A_215] {strides = array<i32>} : memref<9216xf32, #tpu.memory_space<vmem>>, vector<16xf32>,
        %mul3A_217 = arith.mulf %get3A_214, %get3A_216 : vector<16xf32>
        %add3A_218 = arith.addf %add3A_205, %mul3A_217 : vector<16xf32>
        %scan3A_219 = arith.constant 7 : i32
        %scan3A_220 = arith.addi %scan3A_129, %scan3A_219 : i32
        %mul3A_221 = arith.constant 1024 : i32
        %mul3A_222 = arith.muli %scan3A_114, %mul3A_221 : i32
        %mul3A_223 = arith.constant 16 : i32
        %mul3A_224 = arith.muli %scan3A_220, %mul3A_223 : i32
        %add3A_225 = arith.addi %mul3A_222, %mul3A_224 : i32
        %get3A_226 = arith.index_cast %add3A_225 : i32 to index
        %get3A_227 = tpu.vector_load %arg13[%get3A_226] {strides = array<i32>} : memref<9216xf32, #tpu.memory_space<vmem>>, vector<16xf32>,
        %get3A_228 = arith.index_cast %add3A_225 : i32 to index
        %get3A_229 = tpu.vector_load %arg9[%get3A_228] {strides = array<i32>} : memref<9216xf32, #tpu.memory_space<vmem>>, vector<16xf32>,
        %mul3A_230 = arith.mulf %get3A_227, %get3A_229 : vector<16xf32>
        %add3A_231 = arith.addf %add3A_218, %mul3A_230 : vector<16xf32>
        scf.yield %add3A_231 : vector<16xf32>
      }
      %scan3A_122 = arith.constant 64 : i32
      %add3A_123 = arith.constant 9 : i32
      %add3A_124 = arith.addi %add3A_123, %scan3A_114 : i32
      %mul3A_125 = arith.constant 16 : i32
      %mul3A_126 = arith.muli %add3A_124, %mul3A_125 : i32
      %swap3A = arith.index_cast %mul3A_126 : i32 to index
      %swap3A_127 = tpu.vector_load %arg14[%swap3A] {strides = array<i32>} : memref<576xf32, #tpu.memory_space<vmem>>, vector<16xf32>,
      tpu.vector_store %arg14[%swap3A], %scan3A_121 {strides = array<i32>} : memref<576xf32, #tpu.memory_space<vmem>>, vector<16xf32>,
      %scan3A_128 = arith.constant 0 : i32
      scf.yield %scan3A_128 : i32
    }
    %scan3A_76 = arith.constant 9 : i32
    %add3A_77 = arith.constant 27648 : i32
    %add3A_78 = arith.addi %mul3A_2, %add3A_77 : i32
    %dma_start3A_79 = tpu.memref_slice %arg3[%add3A_78] : memref<1638400xi32, #tpu.memory_space<hbm>> -> memref<9216xi32, #tpu.memory_space<hbm>>
    %dma_start3A_80 = tpu.memref_slice %arg3[%add3A_78] : memref<1638400xi32, #tpu.memory_space<hbm>> -> memref<9216xi32, #tpu.memory_space<hbm>>
    tpu.enqueue_dma source(%dma_start3A_80 : memref<9216xi32, #tpu.memory_space<hbm>>) target(%arg7 : memref<9216xi32, #tpu.memory_space<vmem>>) target_semaphore(%arg15 : memref<!tpu.dma_semaphore, #tpu.memory_space<semaphore_mem>>)
    %dma_start3A_81 = tpu.memref_slice %arg4[%add3A_78] : memref<1638400xf32, #tpu.memory_space<hbm>> -> memref<9216xf32, #tpu.memory_space<hbm>>
    %dma_start3A_82 = tpu.memref_slice %arg4[%add3A_78] : memref<1638400xf32, #tpu.memory_space<hbm>> -> memref<9216xf32, #tpu.memory_space<hbm>>
    tpu.enqueue_dma source(%dma_start3A_82 : memref<9216xf32, #tpu.memory_space<hbm>>) target(%arg9 : memref<9216xf32, #tpu.memory_space<vmem>>) target_semaphore(%arg15 : memref<!tpu.dma_semaphore, #tpu.memory_space<semaphore_mem>>)
    %dma_wait3A_83 = tpu.memref_slice %arg4[%add3A_78] : memref<1638400xf32, #tpu.memory_space<hbm>> -> memref<9216xf32, #tpu.memory_space<hbm>>
    %dma_wait3A_84 = tpu.memref_slice %arg4[%add3A_78] : memref<1638400xf32, #tpu.memory_space<hbm>> -> memref<9216xf32, #tpu.memory_space<hbm>>
    tpu.wait_dma2 semaphore(%arg15 : memref<!tpu.dma_semaphore, #tpu.memory_space<semaphore_mem>>) src(%dma_wait3A_84 : memref<9216xf32, #tpu.memory_space<hbm>>) dst(%arg9 : memref<9216xf32, #tpu.memory_space<vmem>>)
    %dma_wait3A_85 = tpu.memref_slice %arg3[%add3A_78] : memref<1638400xi32, #tpu.memory_space<hbm>> -> memref<9216xi32, #tpu.memory_space<hbm>>
    %dma_wait3A_86 = tpu.memref_slice %arg3[%add3A_78] : memref<1638400xi32, #tpu.memory_space<hbm>> -> memref<9216xi32, #tpu.memory_space<hbm>>
    tpu.wait_dma2 semaphore(%arg15 : memref<!tpu.dma_semaphore, #tpu.memory_space<semaphore_mem>>) src(%dma_wait3A_86 : memref<9216xi32, #tpu.memory_space<hbm>>) dst(%arg7 : memref<9216xi32, #tpu.memory_space<vmem>>)
    %scan3A_87 = arith.constant 0 : i32
    %scan3A_88 = arith.constant 0 : i32
    %scan3A_89 = arith.constant 9 : i32
    %scan3A_90 = arith.addi %scan3A_88, %scan3A_89 : i32
    %scan3A_91 = arith.constant 1 : i32
    %scan3A_92 = scf.for %scan3A_114 = %scan3A_88 to %scan3A_90 step %scan3A_91 iter_args(%scan3A_115 = %scan3A_87) -> (i32)  : i32 {
      %add3A_116 = arith.constant 27 : i32
      %add3A_117 = arith.addi %mul3A_4, %add3A_116 : i32
      %add3A_118 = arith.addi %add3A_117, %scan3A_114 : i32
      %shift_right_arithmetic3A = arith.constant 2 : i32
      %shift_right_arithmetic3A_119 = arith.shrsi %add3A_118, %shift_right_arithmetic3A : i32
      %mul3A_120 = arith.constant 131072 : i32
      %mul3A_121 = arith.muli %shift_right_arithmetic3A_119, %mul3A_120 : i32
      %and3A = arith.constant 3 : i32
      %and3A_122 = arith.andi %add3A_118, %and3A : i32
      %shift_left3A = arith.constant 10 : i32
      %shift_left3A_123 = arith.shli %and3A_122, %shift_left3A : i32
      %scan3A_124 = arith.constant 0 : i32
      %scan3A_125 = arith.constant 0 : i32
      %scan3A_126 = arith.constant 64 : i32
      %scan3A_127 = arith.addi %scan3A_125, %scan3A_126 : i32
      %scan3A_128 = arith.constant 8 : i32
      %scan3A_129 = scf.for %scan3A_132 = %scan3A_125 to %scan3A_127 step %scan3A_128 iter_args(%scan3A_133 = %scan3A_124) -> (i32)  : i32 {
        %mul3A_134 = arith.constant 16 : i32
        %mul3A_135 = arith.muli %scan3A_132, %mul3A_134 : i32
        %add3A_136 = arith.addi %shift_left3A_123, %mul3A_135 : i32
        %shift_right_arithmetic3A_137 = arith.constant 7 : i32
        %shift_right_arithmetic3A_138 = arith.shrsi %add3A_136, %shift_right_arithmetic3A_137 : i32
        %shift_left3A_139 = arith.constant 10 : i32
        %shift_left3A_140 = arith.shli %shift_right_arithmetic3A_138, %shift_left3A_139 : i32
        %add3A_141 = arith.addi %mul3A_121, %shift_left3A_140 : i32
        %and3A_142 = arith.constant 127 : i32
        %and3A_143 = arith.andi %add3A_136, %and3A_142 : i32
        %add3A_144 = arith.addi %add3A_141, %and3A_143 : i32
        %mul3A_145 = arith.constant 1024 : i32
        %mul3A_146 = arith.muli %scan3A_114, %mul3A_145 : i32
        %mul3A_147 = arith.constant 16 : i32
        %mul3A_148 = arith.muli %scan3A_132, %mul3A_147 : i32
        %add3A_149 = arith.addi %mul3A_146, %mul3A_148 : i32
        %get3A = arith.index_cast %add3A_149 : i32 to index
        %get3A_150 = tpu.vector_load %arg7[%get3A] {strides = array<i32>} : memref<9216xi32, #tpu.memory_space<vmem>>, vector<16xi32>,
        %add3A_151 = vector.broadcast %add3A_144 : i32 to vector<16xi32>
        %add3A_152 = arith.addi %add3A_151, %iota3A : vector<16xi32>
        %shift_right_arithmetic3A_153 = arith.constant 3 : i32
        %shift_right_arithmetic3A_154 = vector.broadcast %shift_right_arithmetic3A_153 : i32 to vector<16xi32>
        %shift_right_arithmetic3A_155 = arith.shrsi %get3A_150, %shift_right_arithmetic3A_154 : vector<16xi32>
        %shift_left3A_156 = arith.constant 15 : i32
        %shift_left3A_157 = vector.broadcast %shift_left3A_156 : i32 to vector<16xi32>
        %shift_left3A_158 = arith.shli %shift_right_arithmetic3A_155, %shift_left3A_157 : vector<16xi32>
        %add3A_159 = arith.addi %add3A_152, %shift_left3A_158 : vector<16xi32>
        %and3A_160 = arith.constant 7 : i32
        %and3A_161 = vector.broadcast %and3A_160 : i32 to vector<16xi32>
        %and3A_162 = arith.andi %get3A_150, %and3A_161 : vector<16xi32>
        %shift_left3A_163 = arith.constant 7 : i32
        %shift_left3A_164 = vector.broadcast %shift_left3A_163 : i32 to vector<16xi32>
        %shift_left3A_165 = arith.shli %and3A_162, %shift_left3A_164 : vector<16xi32>
        %add3A_166 = arith.addi %add3A_159, %shift_left3A_165 : vector<16xi32>
        %mul3A_167 = arith.constant 1024 : i32
        %mul3A_168 = arith.muli %scan3A_114, %mul3A_167 : i32
        %mul3A_169 = arith.constant 16 : i32
        %mul3A_170 = arith.muli %scan3A_132, %mul3A_169 : i32
        %add3A_171 = arith.addi %mul3A_168, %mul3A_170 : i32
        %swap3A = arith.index_cast %add3A_171 : i32 to index
        %swap3A_172 = tpu.vector_load %arg11[%swap3A] {strides = array<i32>} : memref<9216xi32, #tpu.memory_space<vmem>>, vector<16xi32>,
        tpu.vector_store %arg11[%swap3A], %add3A_166 {strides = array<i32>} : memref<9216xi32, #tpu.memory_space<vmem>>, vector<16xi32>,
        %scan3A_173 = arith.constant 0 : i32
        %scan3A_174 = arith.constant 1 : i32
        %scan3A_175 = arith.addi %scan3A_132, %scan3A_174 : i32
        %mul3A_176 = arith.constant 16 : i32
        %mul3A_177 = arith.muli %scan3A_175, %mul3A_176 : i32
        %add3A_178 = arith.addi %shift_left3A_123, %mul3A_177 : i32
        %shift_right_arithmetic3A_179 = arith.constant 7 : i32
        %shift_right_arithmetic3A_180 = arith.shrsi %add3A_178, %shift_right_arithmetic3A_179 : i32
        %shift_left3A_181 = arith.constant 10 : i32
        %shift_left3A_182 = arith.shli %shift_right_arithmetic3A_180, %shift_left3A_181 : i32
        %add3A_183 = arith.addi %mul3A_121, %shift_left3A_182 : i32
        %and3A_184 = arith.constant 127 : i32
        %and3A_185 = arith.andi %add3A_178, %and3A_184 : i32
        %add3A_186 = arith.addi %add3A_183, %and3A_185 : i32
        %mul3A_187 = arith.constant 1024 : i32
        %mul3A_188 = arith.muli %scan3A_114, %mul3A_187 : i32
        %mul3A_189 = arith.constant 16 : i32
        %mul3A_190 = arith.muli %scan3A_175, %mul3A_189 : i32
        %add3A_191 = arith.addi %mul3A_188, %mul3A_190 : i32
        %get3A_192 = arith.index_cast %add3A_191 : i32 to index
        %get3A_193 = tpu.vector_load %arg7[%get3A_192] {strides = array<i32>} : memref<9216xi32, #tpu.memory_space<vmem>>, vector<16xi32>,
        %add3A_194 = vector.broadcast %add3A_186 : i32 to vector<16xi32>
        %add3A_195 = arith.addi %add3A_194, %iota3A : vector<16xi32>
        %shift_right_arithmetic3A_196 = arith.constant 3 : i32
        %shift_right_arithmetic3A_197 = vector.broadcast %shift_right_arithmetic3A_196 : i32 to vector<16xi32>
        %shift_right_arithmetic3A_198 = arith.shrsi %get3A_193, %shift_right_arithmetic3A_197 : vector<16xi32>
        %shift_left3A_199 = arith.constant 15 : i32
        %shift_left3A_200 = vector.broadcast %shift_left3A_199 : i32 to vector<16xi32>
        %shift_left3A_201 = arith.shli %shift_right_arithmetic3A_198, %shift_left3A_200 : vector<16xi32>
        %add3A_202 = arith.addi %add3A_195, %shift_left3A_201 : vector<16xi32>
        %and3A_203 = arith.constant 7 : i32
        %and3A_204 = vector.broadcast %and3A_203 : i32 to vector<16xi32>
        %and3A_205 = arith.andi %get3A_193, %and3A_204 : vector<16xi32>
        %shift_left3A_206 = arith.constant 7 : i32
        %shift_left3A_207 = vector.broadcast %shift_left3A_206 : i32 to vector<16xi32>
        %shift_left3A_208 = arith.shli %and3A_205, %shift_left3A_207 : vector<16xi32>
        %add3A_209 = arith.addi %add3A_202, %shift_left3A_208 : vector<16xi32>
        %mul3A_210 = arith.constant 1024 : i32
        %mul3A_211 = arith.muli %scan3A_114, %mul3A_210 : i32
        %mul3A_212 = arith.constant 16 : i32
        %mul3A_213 = arith.muli %scan3A_175, %mul3A_212 : i32
        %add3A_214 = arith.addi %mul3A_211, %mul3A_213 : i32
        %swap3A_215 = arith.index_cast %add3A_214 : i32 to index
        %swap3A_216 = tpu.vector_load %arg11[%swap3A_215] {strides = array<i32>} : memref<9216xi32, #tpu.memory_space<vmem>>, vector<16xi32>,
        tpu.vector_store %arg11[%swap3A_215], %add3A_209 {strides = array<i32>} : memref<9216xi32, #tpu.memory_space<vmem>>, vector<16xi32>,
        %scan3A_217 = arith.constant 0 : i32
        %scan3A_218 = arith.constant 2 : i32
        %scan3A_219 = arith.addi %scan3A_132, %scan3A_218 : i32
        %mul3A_220 = arith.constant 16 : i32
        %mul3A_221 = arith.muli %scan3A_219, %mul3A_220 : i32
        %add3A_222 = arith.addi %shift_left3A_123, %mul3A_221 : i32
        %shift_right_arithmetic3A_223 = arith.constant 7 : i32
        %shift_right_arithmetic3A_224 = arith.shrsi %add3A_222, %shift_right_arithmetic3A_223 : i32
        %shift_left3A_225 = arith.constant 10 : i32
        %shift_left3A_226 = arith.shli %shift_right_arithmetic3A_224, %shift_left3A_225 : i32
        %add3A_227 = arith.addi %mul3A_121, %shift_left3A_226 : i32
        %and3A_228 = arith.constant 127 : i32
        %and3A_229 = arith.andi %add3A_222, %and3A_228 : i32
        %add3A_230 = arith.addi %add3A_227, %and3A_229 : i32
        %mul3A_231 = arith.constant 1024 : i32
        %mul3A_232 = arith.muli %scan3A_114, %mul3A_231 : i32
        %mul3A_233 = arith.constant 16 : i32
        %mul3A_234 = arith.muli %scan3A_219, %mul3A_233 : i32
        %add3A_235 = arith.addi %mul3A_232, %mul3A_234 : i32
        %get3A_236 = arith.index_cast %add3A_235 : i32 to index
        %get3A_237 = tpu.vector_load %arg7[%get3A_236] {strides = array<i32>} : memref<9216xi32, #tpu.memory_space<vmem>>, vector<16xi32>,
        %add3A_238 = vector.broadcast %add3A_230 : i32 to vector<16xi32>
        %add3A_239 = arith.addi %add3A_238, %iota3A : vector<16xi32>
        %shift_right_arithmetic3A_240 = arith.constant 3 : i32
        %shift_right_arithmetic3A_241 = vector.broadcast %shift_right_arithmetic3A_240 : i32 to vector<16xi32>
        %shift_right_arithmetic3A_242 = arith.shrsi %get3A_237, %shift_right_arithmetic3A_241 : vector<16xi32>
        %shift_left3A_243 = arith.constant 15 : i32
        %shift_left3A_244 = vector.broadcast %shift_left3A_243 : i32 to vector<16xi32>
        %shift_left3A_245 = arith.shli %shift_right_arithmetic3A_242, %shift_left3A_244 : vector<16xi32>
        %add3A_246 = arith.addi %add3A_239, %shift_left3A_245 : vector<16xi32>
        %and3A_247 = arith.constant 7 : i32
        %and3A_248 = vector.broadcast %and3A_247 : i32 to vector<16xi32>
        %and3A_249 = arith.andi %get3A_237, %and3A_248 : vector<16xi32>
        %shift_left3A_250 = arith.constant 7 : i32
        %shift_left3A_251 = vector.broadcast %shift_left3A_250 : i32 to vector<16xi32>
        %shift_left3A_252 = arith.shli %and3A_249, %shift_left3A_251 : vector<16xi32>
        %add3A_253 = arith.addi %add3A_246, %shift_left3A_252 : vector<16xi32>
        %mul3A_254 = arith.constant 1024 : i32
        %mul3A_255 = arith.muli %scan3A_114, %mul3A_254 : i32
        %mul3A_256 = arith.constant 16 : i32
        %mul3A_257 = arith.muli %scan3A_219, %mul3A_256 : i32
        %add3A_258 = arith.addi %mul3A_255, %mul3A_257 : i32
        %swap3A_259 = arith.index_cast %add3A_258 : i32 to index
        %swap3A_260 = tpu.vector_load %arg11[%swap3A_259] {strides = array<i32>} : memref<9216xi32, #tpu.memory_space<vmem>>, vector<16xi32>,
        tpu.vector_store %arg11[%swap3A_259], %add3A_253 {strides = array<i32>} : memref<9216xi32, #tpu.memory_space<vmem>>, vector<16xi32>,
        %scan3A_261 = arith.constant 0 : i32
        %scan3A_262 = arith.constant 3 : i32
        %scan3A_263 = arith.addi %scan3A_132, %scan3A_262 : i32
        %mul3A_264 = arith.constant 16 : i32
        %mul3A_265 = arith.muli %scan3A_263, %mul3A_264 : i32
        %add3A_266 = arith.addi %shift_left3A_123, %mul3A_265 : i32
        %shift_right_arithmetic3A_267 = arith.constant 7 : i32
        %shift_right_arithmetic3A_268 = arith.shrsi %add3A_266, %shift_right_arithmetic3A_267 : i32
        %shift_left3A_269 = arith.constant 10 : i32
        %shift_left3A_270 = arith.shli %shift_right_arithmetic3A_268, %shift_left3A_269 : i32
        %add3A_271 = arith.addi %mul3A_121, %shift_left3A_270 : i32
        %and3A_272 = arith.constant 127 : i32
        %and3A_273 = arith.andi %add3A_266, %and3A_272 : i32
        %add3A_274 = arith.addi %add3A_271, %and3A_273 : i32
        %mul3A_275 = arith.constant 1024 : i32
        %mul3A_276 = arith.muli %scan3A_114, %mul3A_275 : i32
        %mul3A_277 = arith.constant 16 : i32
        %mul3A_278 = arith.muli %scan3A_263, %mul3A_277 : i32
        %add3A_279 = arith.addi %mul3A_276, %mul3A_278 : i32
        %get3A_280 = arith.index_cast %add3A_279 : i32 to index
        %get3A_281 = tpu.vector_load %arg7[%get3A_280] {strides = array<i32>} : memref<9216xi32, #tpu.memory_space<vmem>>, vector<16xi32>,
        %add3A_282 = vector.broadcast %add3A_274 : i32 to vector<16xi32>
        %add3A_283 = arith.addi %add3A_282, %iota3A : vector<16xi32>
        %shift_right_arithmetic3A_284 = arith.constant 3 : i32
        %shift_right_arithmetic3A_285 = vector.broadcast %shift_right_arithmetic3A_284 : i32 to vector<16xi32>
        %shift_right_arithmetic3A_286 = arith.shrsi %get3A_281, %shift_right_arithmetic3A_285 : vector<16xi32>
        %shift_left3A_287 = arith.constant 15 : i32
        %shift_left3A_288 = vector.broadcast %shift_left3A_287 : i32 to vector<16xi32>
        %shift_left3A_289 = arith.shli %shift_right_arithmetic3A_286, %shift_left3A_288 : vector<16xi32>
        %add3A_290 = arith.addi %add3A_283, %shift_left3A_289 : vector<16xi32>
        %and3A_291 = arith.constant 7 : i32
        %and3A_292 = vector.broadcast %and3A_291 : i32 to vector<16xi32>
        %and3A_293 = arith.andi %get3A_281, %and3A_292 : vector<16xi32>
        %shift_left3A_294 = arith.constant 7 : i32
        %shift_left3A_295 = vector.broadcast %shift_left3A_294 : i32 to vector<16xi32>
        %shift_left3A_296 = arith.shli %and3A_293, %shift_left3A_295 : vector<16xi32>
        %add3A_297 = arith.addi %add3A_290, %shift_left3A_296 : vector<16xi32>
        %mul3A_298 = arith.constant 1024 : i32
        %mul3A_299 = arith.muli %scan3A_114, %mul3A_298 : i32
        %mul3A_300 = arith.constant 16 : i32
        %mul3A_301 = arith.muli %scan3A_263, %mul3A_300 : i32
        %add3A_302 = arith.addi %mul3A_299, %mul3A_301 : i32
        %swap3A_303 = arith.index_cast %add3A_302 : i32 to index
        %swap3A_304 = tpu.vector_load %arg11[%swap3A_303] {strides = array<i32>} : memref<9216xi32, #tpu.memory_space<vmem>>, vector<16xi32>,
        tpu.vector_store %arg11[%swap3A_303], %add3A_297 {strides = array<i32>} : memref<9216xi32, #tpu.memory_space<vmem>>, vector<16xi32>,
        %scan3A_305 = arith.constant 0 : i32
        %scan3A_306 = arith.constant 4 : i32
        %scan3A_307 = arith.addi %scan3A_132, %scan3A_306 : i32
        %mul3A_308 = arith.constant 16 : i32
        %mul3A_309 = arith.muli %scan3A_307, %mul3A_308 : i32
        %add3A_310 = arith.addi %shift_left3A_123, %mul3A_309 : i32
        %shift_right_arithmetic3A_311 = arith.constant 7 : i32
        %shift_right_arithmetic3A_312 = arith.shrsi %add3A_310, %shift_right_arithmetic3A_311 : i32
        %shift_left3A_313 = arith.constant 10 : i32
        %shift_left3A_314 = arith.shli %shift_right_arithmetic3A_312, %shift_left3A_313 : i32
        %add3A_315 = arith.addi %mul3A_121, %shift_left3A_314 : i32
        %and3A_316 = arith.constant 127 : i32
        %and3A_317 = arith.andi %add3A_310, %and3A_316 : i32
        %add3A_318 = arith.addi %add3A_315, %and3A_317 : i32
        %mul3A_319 = arith.constant 1024 : i32
        %mul3A_320 = arith.muli %scan3A_114, %mul3A_319 : i32
        %mul3A_321 = arith.constant 16 : i32
        %mul3A_322 = arith.muli %scan3A_307, %mul3A_321 : i32
        %add3A_323 = arith.addi %mul3A_320, %mul3A_322 : i32
        %get3A_324 = arith.index_cast %add3A_323 : i32 to index
        %get3A_325 = tpu.vector_load %arg7[%get3A_324] {strides = array<i32>} : memref<9216xi32, #tpu.memory_space<vmem>>, vector<16xi32>,
        %add3A_326 = vector.broadcast %add3A_318 : i32 to vector<16xi32>
        %add3A_327 = arith.addi %add3A_326, %iota3A : vector<16xi32>
        %shift_right_arithmetic3A_328 = arith.constant 3 : i32
        %shift_right_arithmetic3A_329 = vector.broadcast %shift_right_arithmetic3A_328 : i32 to vector<16xi32>
        %shift_right_arithmetic3A_330 = arith.shrsi %get3A_325, %shift_right_arithmetic3A_329 : vector<16xi32>
        %shift_left3A_331 = arith.constant 15 : i32
        %shift_left3A_332 = vector.broadcast %shift_left3A_331 : i32 to vector<16xi32>
        %shift_left3A_333 = arith.shli %shift_right_arithmetic3A_330, %shift_left3A_332 : vector<16xi32>
        %add3A_334 = arith.addi %add3A_327, %shift_left3A_333 : vector<16xi32>
        %and3A_335 = arith.constant 7 : i32
        %and3A_336 = vector.broadcast %and3A_335 : i32 to vector<16xi32>
        %and3A_337 = arith.andi %get3A_325, %and3A_336 : vector<16xi32>
        %shift_left3A_338 = arith.constant 7 : i32
        %shift_left3A_339 = vector.broadcast %shift_left3A_338 : i32 to vector<16xi32>
        %shift_left3A_340 = arith.shli %and3A_337, %shift_left3A_339 : vector<16xi32>
        %add3A_341 = arith.addi %add3A_334, %shift_left3A_340 : vector<16xi32>
        %mul3A_342 = arith.constant 1024 : i32
        %mul3A_343 = arith.muli %scan3A_114, %mul3A_342 : i32
        %mul3A_344 = arith.constant 16 : i32
        %mul3A_345 = arith.muli %scan3A_307, %mul3A_344 : i32
        %add3A_346 = arith.addi %mul3A_343, %mul3A_345 : i32
        %swap3A_347 = arith.index_cast %add3A_346 : i32 to index
        %swap3A_348 = tpu.vector_load %arg11[%swap3A_347] {strides = array<i32>} : memref<9216xi32, #tpu.memory_space<vmem>>, vector<16xi32>,
        tpu.vector_store %arg11[%swap3A_347], %add3A_341 {strides = array<i32>} : memref<9216xi32, #tpu.memory_space<vmem>>, vector<16xi32>,
        %scan3A_349 = arith.constant 0 : i32
        %scan3A_350 = arith.constant 5 : i32
        %scan3A_351 = arith.addi %scan3A_132, %scan3A_350 : i32
        %mul3A_352 = arith.constant 16 : i32
        %mul3A_353 = arith.muli %scan3A_351, %mul3A_352 : i32
        %add3A_354 = arith.addi %shift_left3A_123, %mul3A_353 : i32
        %shift_right_arithmetic3A_355 = arith.constant 7 : i32
        %shift_right_arithmetic3A_356 = arith.shrsi %add3A_354, %shift_right_arithmetic3A_355 : i32
        %shift_left3A_357 = arith.constant 10 : i32
        %shift_left3A_358 = arith.shli %shift_right_arithmetic3A_356, %shift_left3A_357 : i32
        %add3A_359 = arith.addi %mul3A_121, %shift_left3A_358 : i32
        %and3A_360 = arith.constant 127 : i32
        %and3A_361 = arith.andi %add3A_354, %and3A_360 : i32
        %add3A_362 = arith.addi %add3A_359, %and3A_361 : i32
        %mul3A_363 = arith.constant 1024 : i32
        %mul3A_364 = arith.muli %scan3A_114, %mul3A_363 : i32
        %mul3A_365 = arith.constant 16 : i32
        %mul3A_366 = arith.muli %scan3A_351, %mul3A_365 : i32
        %add3A_367 = arith.addi %mul3A_364, %mul3A_366 : i32
        %get3A_368 = arith.index_cast %add3A_367 : i32 to index
        %get3A_369 = tpu.vector_load %arg7[%get3A_368] {strides = array<i32>} : memref<9216xi32, #tpu.memory_space<vmem>>, vector<16xi32>,
        %add3A_370 = vector.broadcast %add3A_362 : i32 to vector<16xi32>
        %add3A_371 = arith.addi %add3A_370, %iota3A : vector<16xi32>
        %shift_right_arithmetic3A_372 = arith.constant 3 : i32
        %shift_right_arithmetic3A_373 = vector.broadcast %shift_right_arithmetic3A_372 : i32 to vector<16xi32>
        %shift_right_arithmetic3A_374 = arith.shrsi %get3A_369, %shift_right_arithmetic3A_373 : vector<16xi32>
        %shift_left3A_375 = arith.constant 15 : i32
        %shift_left3A_376 = vector.broadcast %shift_left3A_375 : i32 to vector<16xi32>
        %shift_left3A_377 = arith.shli %shift_right_arithmetic3A_374, %shift_left3A_376 : vector<16xi32>
        %add3A_378 = arith.addi %add3A_371, %shift_left3A_377 : vector<16xi32>
        %and3A_379 = arith.constant 7 : i32
        %and3A_380 = vector.broadcast %and3A_379 : i32 to vector<16xi32>
        %and3A_381 = arith.andi %get3A_369, %and3A_380 : vector<16xi32>
        %shift_left3A_382 = arith.constant 7 : i32
        %shift_left3A_383 = vector.broadcast %shift_left3A_382 : i32 to vector<16xi32>
        %shift_left3A_384 = arith.shli %and3A_381, %shift_left3A_383 : vector<16xi32>
        %add3A_385 = arith.addi %add3A_378, %shift_left3A_384 : vector<16xi32>
        %mul3A_386 = arith.constant 1024 : i32
        %mul3A_387 = arith.muli %scan3A_114, %mul3A_386 : i32
        %mul3A_388 = arith.constant 16 : i32
        %mul3A_389 = arith.muli %scan3A_351, %mul3A_388 : i32
        %add3A_390 = arith.addi %mul3A_387, %mul3A_389 : i32
        %swap3A_391 = arith.index_cast %add3A_390 : i32 to index
        %swap3A_392 = tpu.vector_load %arg11[%swap3A_391] {strides = array<i32>} : memref<9216xi32, #tpu.memory_space<vmem>>, vector<16xi32>,
        tpu.vector_store %arg11[%swap3A_391], %add3A_385 {strides = array<i32>} : memref<9216xi32, #tpu.memory_space<vmem>>, vector<16xi32>,
        %scan3A_393 = arith.constant 0 : i32
        %scan3A_394 = arith.constant 6 : i32
        %scan3A_395 = arith.addi %scan3A_132, %scan3A_394 : i32
        %mul3A_396 = arith.constant 16 : i32
        %mul3A_397 = arith.muli %scan3A_395, %mul3A_396 : i32
        %add3A_398 = arith.addi %shift_left3A_123, %mul3A_397 : i32
        %shift_right_arithmetic3A_399 = arith.constant 7 : i32
        %shift_right_arithmetic3A_400 = arith.shrsi %add3A_398, %shift_right_arithmetic3A_399 : i32
        %shift_left3A_401 = arith.constant 10 : i32
        %shift_left3A_402 = arith.shli %shift_right_arithmetic3A_400, %shift_left3A_401 : i32
        %add3A_403 = arith.addi %mul3A_121, %shift_left3A_402 : i32
        %and3A_404 = arith.constant 127 : i32
        %and3A_405 = arith.andi %add3A_398, %and3A_404 : i32
        %add3A_406 = arith.addi %add3A_403, %and3A_405 : i32
        %mul3A_407 = arith.constant 1024 : i32
        %mul3A_408 = arith.muli %scan3A_114, %mul3A_407 : i32
        %mul3A_409 = arith.constant 16 : i32
        %mul3A_410 = arith.muli %scan3A_395, %mul3A_409 : i32
        %add3A_411 = arith.addi %mul3A_408, %mul3A_410 : i32
        %get3A_412 = arith.index_cast %add3A_411 : i32 to index
        %get3A_413 = tpu.vector_load %arg7[%get3A_412] {strides = array<i32>} : memref<9216xi32, #tpu.memory_space<vmem>>, vector<16xi32>,
        %add3A_414 = vector.broadcast %add3A_406 : i32 to vector<16xi32>
        %add3A_415 = arith.addi %add3A_414, %iota3A : vector<16xi32>
        %shift_right_arithmetic3A_416 = arith.constant 3 : i32
        %shift_right_arithmetic3A_417 = vector.broadcast %shift_right_arithmetic3A_416 : i32 to vector<16xi32>
        %shift_right_arithmetic3A_418 = arith.shrsi %get3A_413, %shift_right_arithmetic3A_417 : vector<16xi32>
        %shift_left3A_419 = arith.constant 15 : i32
        %shift_left3A_420 = vector.broadcast %shift_left3A_419 : i32 to vector<16xi32>
        %shift_left3A_421 = arith.shli %shift_right_arithmetic3A_418, %shift_left3A_420 : vector<16xi32>
        %add3A_422 = arith.addi %add3A_415, %shift_left3A_421 : vector<16xi32>
        %and3A_423 = arith.constant 7 : i32
        %and3A_424 = vector.broadcast %and3A_423 : i32 to vector<16xi32>
        %and3A_425 = arith.andi %get3A_413, %and3A_424 : vector<16xi32>
        %shift_left3A_426 = arith.constant 7 : i32
        %shift_left3A_427 = vector.broadcast %shift_left3A_426 : i32 to vector<16xi32>
        %shift_left3A_428 = arith.shli %and3A_425, %shift_left3A_427 : vector<16xi32>
        %add3A_429 = arith.addi %add3A_422, %shift_left3A_428 : vector<16xi32>
        %mul3A_430 = arith.constant 1024 : i32
        %mul3A_431 = arith.muli %scan3A_114, %mul3A_430 : i32
        %mul3A_432 = arith.constant 16 : i32
        %mul3A_433 = arith.muli %scan3A_395, %mul3A_432 : i32
        %add3A_434 = arith.addi %mul3A_431, %mul3A_433 : i32
        %swap3A_435 = arith.index_cast %add3A_434 : i32 to index
        %swap3A_436 = tpu.vector_load %arg11[%swap3A_435] {strides = array<i32>} : memref<9216xi32, #tpu.memory_space<vmem>>, vector<16xi32>,
        tpu.vector_store %arg11[%swap3A_435], %add3A_429 {strides = array<i32>} : memref<9216xi32, #tpu.memory_space<vmem>>, vector<16xi32>,
        %scan3A_437 = arith.constant 0 : i32
        %scan3A_438 = arith.constant 7 : i32
        %scan3A_439 = arith.addi %scan3A_132, %scan3A_438 : i32
        %mul3A_440 = arith.constant 16 : i32
        %mul3A_441 = arith.muli %scan3A_439, %mul3A_440 : i32
        %add3A_442 = arith.addi %shift_left3A_123, %mul3A_441 : i32
        %shift_right_arithmetic3A_443 = arith.constant 7 : i32
        %shift_right_arithmetic3A_444 = arith.shrsi %add3A_442, %shift_right_arithmetic3A_443 : i32
        %shift_left3A_445 = arith.constant 10 : i32
        %shift_left3A_446 = arith.shli %shift_right_arithmetic3A_444, %shift_left3A_445 : i32
        %add3A_447 = arith.addi %mul3A_121, %shift_left3A_446 : i32
        %and3A_448 = arith.constant 127 : i32
        %and3A_449 = arith.andi %add3A_442, %and3A_448 : i32
        %add3A_450 = arith.addi %add3A_447, %and3A_449 : i32
        %mul3A_451 = arith.constant 1024 : i32
        %mul3A_452 = arith.muli %scan3A_114, %mul3A_451 : i32
        %mul3A_453 = arith.constant 16 : i32
        %mul3A_454 = arith.muli %scan3A_439, %mul3A_453 : i32
        %add3A_455 = arith.addi %mul3A_452, %mul3A_454 : i32
        %get3A_456 = arith.index_cast %add3A_455 : i32 to index
        %get3A_457 = tpu.vector_load %arg7[%get3A_456] {strides = array<i32>} : memref<9216xi32, #tpu.memory_space<vmem>>, vector<16xi32>,
        %add3A_458 = vector.broadcast %add3A_450 : i32 to vector<16xi32>
        %add3A_459 = arith.addi %add3A_458, %iota3A : vector<16xi32>
        %shift_right_arithmetic3A_460 = arith.constant 3 : i32
        %shift_right_arithmetic3A_461 = vector.broadcast %shift_right_arithmetic3A_460 : i32 to vector<16xi32>
        %shift_right_arithmetic3A_462 = arith.shrsi %get3A_457, %shift_right_arithmetic3A_461 : vector<16xi32>
        %shift_left3A_463 = arith.constant 15 : i32
        %shift_left3A_464 = vector.broadcast %shift_left3A_463 : i32 to vector<16xi32>
        %shift_left3A_465 = arith.shli %shift_right_arithmetic3A_462, %shift_left3A_464 : vector<16xi32>
        %add3A_466 = arith.addi %add3A_459, %shift_left3A_465 : vector<16xi32>
        %and3A_467 = arith.constant 7 : i32
        %and3A_468 = vector.broadcast %and3A_467 : i32 to vector<16xi32>
        %and3A_469 = arith.andi %get3A_457, %and3A_468 : vector<16xi32>
        %shift_left3A_470 = arith.constant 7 : i32
        %shift_left3A_471 = vector.broadcast %shift_left3A_470 : i32 to vector<16xi32>
        %shift_left3A_472 = arith.shli %and3A_469, %shift_left3A_471 : vector<16xi32>
        %add3A_473 = arith.addi %add3A_466, %shift_left3A_472 : vector<16xi32>
        %mul3A_474 = arith.constant 1024 : i32
        %mul3A_475 = arith.muli %scan3A_114, %mul3A_474 : i32
        %mul3A_476 = arith.constant 16 : i32
        %mul3A_477 = arith.muli %scan3A_439, %mul3A_476 : i32
        %add3A_478 = arith.addi %mul3A_475, %mul3A_477 : i32
        %swap3A_479 = arith.index_cast %add3A_478 : i32 to index
        %swap3A_480 = tpu.vector_load %arg11[%swap3A_479] {strides = array<i32>} : memref<9216xi32, #tpu.memory_space<vmem>>, vector<16xi32>,
        tpu.vector_store %arg11[%swap3A_479], %add3A_473 {strides = array<i32>} : memref<9216xi32, #tpu.memory_space<vmem>>, vector<16xi32>,
        %scan3A_481 = arith.constant 0 : i32
        scf.yield %scan3A_481 : i32
      }
      %scan3A_130 = arith.constant 64 : i32
      %scan3A_131 = arith.constant 0 : i32
      scf.yield %scan3A_131 : i32
    }
    %scan3A_93 = arith.constant 9 : i32
    %dma_wait3A_94 = arith.constant 0 : i32
    %dma_wait3A_95 = tpu.memref_slice %arg2[%dma_wait3A_94] : memref<52428800xf32, #tpu.memory_space<hbm>> -> memref<52428800xf32, #tpu.memory_space<hbm>>
    tpu.wait_indirect_dma semaphore(%arg16 : memref<!tpu.dma_semaphore, #tpu.memory_space<semaphore_mem>>) src(%dma_wait3A_95 : memref<52428800xf32, #tpu.memory_space<hbm>>) dst(%arg12 : memref<9216xf32, #tpu.memory_space<vmem>>)
    %dma_start3A_96 = arith.constant 0 : i32
    %dma_start3A_97 = tpu.memref_slice %arg2[%dma_start3A_96] : memref<52428800xf32, #tpu.memory_space<hbm>> -> memref<52428800xf32, #tpu.memory_space<hbm>>
    tpu.enqueue_indirect_dma source(%dma_start3A_97 : memref<52428800xf32, #tpu.memory_space<hbm>>) target(%arg13 : memref<9216xf32, #tpu.memory_space<vmem>>) offsets(%arg11 : memref<9216xi32, #tpu.memory_space<vmem>>) semaphore(%arg16 : memref<!tpu.dma_semaphore, #tpu.memory_space<semaphore_mem>>)
    %scan3A_98 = arith.constant 0 : i32
    %scan3A_99 = arith.constant 0 : i32
    %scan3A_100 = arith.constant 9 : i32
    %scan3A_101 = arith.addi %scan3A_99, %scan3A_100 : i32
    %scan3A_102 = arith.constant 1 : i32
    %scan3A_103 = scf.for %scan3A_114 = %scan3A_99 to %scan3A_101 step %scan3A_102 iter_args(%scan3A_115 = %scan3A_98) -> (i32)  : i32 {
      %broadcast_in_dim3A = arith.constant 0.000000e+00 : f32
      %broadcast_in_dim3A_116 = vector.broadcast %broadcast_in_dim3A : f32 to vector<16xf32>
      %scan3A_117 = arith.constant 0 : i32
      %scan3A_118 = arith.constant 64 : i32
      %scan3A_119 = arith.addi %scan3A_117, %scan3A_118 : i32
      %scan3A_120 = arith.constant 8 : i32
      %scan3A_121 = scf.for %scan3A_129 = %scan3A_117 to %scan3A_119 step %scan3A_120 iter_args(%scan3A_130 = %broadcast_in_dim3A_116) -> (vector<16xf32>)  : i32 {
        %mul3A_131 = arith.constant 1024 : i32
        %mul3A_132 = arith.muli %scan3A_114, %mul3A_131 : i32
        %mul3A_133 = arith.constant 16 : i32
        %mul3A_134 = arith.muli %scan3A_129, %mul3A_133 : i32
        %add3A_135 = arith.addi %mul3A_132, %mul3A_134 : i32
        %get3A = arith.index_cast %add3A_135 : i32 to index
        %get3A_136 = tpu.vector_load %arg12[%get3A] {strides = array<i32>} : memref<9216xf32, #tpu.memory_space<vmem>>, vector<16xf32>,
        %get3A_137 = arith.index_cast %add3A_135 : i32 to index
        %get3A_138 = tpu.vector_load %arg8[%get3A_137] {strides = array<i32>} : memref<9216xf32, #tpu.memory_space<vmem>>, vector<16xf32>,
        %mul3A_139 = arith.mulf %get3A_136, %get3A_138 : vector<16xf32>
        %add3A_140 = arith.addf %scan3A_130, %mul3A_139 : vector<16xf32>
        %scan3A_141 = arith.constant 1 : i32
        %scan3A_142 = arith.addi %scan3A_129, %scan3A_141 : i32
        %mul3A_143 = arith.constant 1024 : i32
        %mul3A_144 = arith.muli %scan3A_114, %mul3A_143 : i32
        %mul3A_145 = arith.constant 16 : i32
        %mul3A_146 = arith.muli %scan3A_142, %mul3A_145 : i32
        %add3A_147 = arith.addi %mul3A_144, %mul3A_146 : i32
        %get3A_148 = arith.index_cast %add3A_147 : i32 to index
        %get3A_149 = tpu.vector_load %arg12[%get3A_148] {strides = array<i32>} : memref<9216xf32, #tpu.memory_space<vmem>>, vector<16xf32>,
        %get3A_150 = arith.index_cast %add3A_147 : i32 to index
        %get3A_151 = tpu.vector_load %arg8[%get3A_150] {strides = array<i32>} : memref<9216xf32, #tpu.memory_space<vmem>>, vector<16xf32>,
        %mul3A_152 = arith.mulf %get3A_149, %get3A_151 : vector<16xf32>
        %add3A_153 = arith.addf %add3A_140, %mul3A_152 : vector<16xf32>
        %scan3A_154 = arith.constant 2 : i32
        %scan3A_155 = arith.addi %scan3A_129, %scan3A_154 : i32
        %mul3A_156 = arith.constant 1024 : i32
        %mul3A_157 = arith.muli %scan3A_114, %mul3A_156 : i32
        %mul3A_158 = arith.constant 16 : i32
        %mul3A_159 = arith.muli %scan3A_155, %mul3A_158 : i32
        %add3A_160 = arith.addi %mul3A_157, %mul3A_159 : i32
        %get3A_161 = arith.index_cast %add3A_160 : i32 to index
        %get3A_162 = tpu.vector_load %arg12[%get3A_161] {strides = array<i32>} : memref<9216xf32, #tpu.memory_space<vmem>>, vector<16xf32>,
        %get3A_163 = arith.index_cast %add3A_160 : i32 to index
        %get3A_164 = tpu.vector_load %arg8[%get3A_163] {strides = array<i32>} : memref<9216xf32, #tpu.memory_space<vmem>>, vector<16xf32>,
        %mul3A_165 = arith.mulf %get3A_162, %get3A_164 : vector<16xf32>
        %add3A_166 = arith.addf %add3A_153, %mul3A_165 : vector<16xf32>
        %scan3A_167 = arith.constant 3 : i32
        %scan3A_168 = arith.addi %scan3A_129, %scan3A_167 : i32
        %mul3A_169 = arith.constant 1024 : i32
        %mul3A_170 = arith.muli %scan3A_114, %mul3A_169 : i32
        %mul3A_171 = arith.constant 16 : i32
        %mul3A_172 = arith.muli %scan3A_168, %mul3A_171 : i32
        %add3A_173 = arith.addi %mul3A_170, %mul3A_172 : i32
        %get3A_174 = arith.index_cast %add3A_173 : i32 to index
        %get3A_175 = tpu.vector_load %arg12[%get3A_174] {strides = array<i32>} : memref<9216xf32, #tpu.memory_space<vmem>>, vector<16xf32>,
        %get3A_176 = arith.index_cast %add3A_173 : i32 to index
        %get3A_177 = tpu.vector_load %arg8[%get3A_176] {strides = array<i32>} : memref<9216xf32, #tpu.memory_space<vmem>>, vector<16xf32>,
        %mul3A_178 = arith.mulf %get3A_175, %get3A_177 : vector<16xf32>
        %add3A_179 = arith.addf %add3A_166, %mul3A_178 : vector<16xf32>
        %scan3A_180 = arith.constant 4 : i32
        %scan3A_181 = arith.addi %scan3A_129, %scan3A_180 : i32
        %mul3A_182 = arith.constant 1024 : i32
        %mul3A_183 = arith.muli %scan3A_114, %mul3A_182 : i32
        %mul3A_184 = arith.constant 16 : i32
        %mul3A_185 = arith.muli %scan3A_181, %mul3A_184 : i32
        %add3A_186 = arith.addi %mul3A_183, %mul3A_185 : i32
        %get3A_187 = arith.index_cast %add3A_186 : i32 to index
        %get3A_188 = tpu.vector_load %arg12[%get3A_187] {strides = array<i32>} : memref<9216xf32, #tpu.memory_space<vmem>>, vector<16xf32>,
        %get3A_189 = arith.index_cast %add3A_186 : i32 to index
        %get3A_190 = tpu.vector_load %arg8[%get3A_189] {strides = array<i32>} : memref<9216xf32, #tpu.memory_space<vmem>>, vector<16xf32>,
        %mul3A_191 = arith.mulf %get3A_188, %get3A_190 : vector<16xf32>
        %add3A_192 = arith.addf %add3A_179, %mul3A_191 : vector<16xf32>
        %scan3A_193 = arith.constant 5 : i32
        %scan3A_194 = arith.addi %scan3A_129, %scan3A_193 : i32
        %mul3A_195 = arith.constant 1024 : i32
        %mul3A_196 = arith.muli %scan3A_114, %mul3A_195 : i32
        %mul3A_197 = arith.constant 16 : i32
        %mul3A_198 = arith.muli %scan3A_194, %mul3A_197 : i32
        %add3A_199 = arith.addi %mul3A_196, %mul3A_198 : i32
        %get3A_200 = arith.index_cast %add3A_199 : i32 to index
        %get3A_201 = tpu.vector_load %arg12[%get3A_200] {strides = array<i32>} : memref<9216xf32, #tpu.memory_space<vmem>>, vector<16xf32>,
        %get3A_202 = arith.index_cast %add3A_199 : i32 to index
        %get3A_203 = tpu.vector_load %arg8[%get3A_202] {strides = array<i32>} : memref<9216xf32, #tpu.memory_space<vmem>>, vector<16xf32>,
        %mul3A_204 = arith.mulf %get3A_201, %get3A_203 : vector<16xf32>
        %add3A_205 = arith.addf %add3A_192, %mul3A_204 : vector<16xf32>
        %scan3A_206 = arith.constant 6 : i32
        %scan3A_207 = arith.addi %scan3A_129, %scan3A_206 : i32
        %mul3A_208 = arith.constant 1024 : i32
        %mul3A_209 = arith.muli %scan3A_114, %mul3A_208 : i32
        %mul3A_210 = arith.constant 16 : i32
        %mul3A_211 = arith.muli %scan3A_207, %mul3A_210 : i32
        %add3A_212 = arith.addi %mul3A_209, %mul3A_211 : i32
        %get3A_213 = arith.index_cast %add3A_212 : i32 to index
        %get3A_214 = tpu.vector_load %arg12[%get3A_213] {strides = array<i32>} : memref<9216xf32, #tpu.memory_space<vmem>>, vector<16xf32>,
        %get3A_215 = arith.index_cast %add3A_212 : i32 to index
        %get3A_216 = tpu.vector_load %arg8[%get3A_215] {strides = array<i32>} : memref<9216xf32, #tpu.memory_space<vmem>>, vector<16xf32>,
        %mul3A_217 = arith.mulf %get3A_214, %get3A_216 : vector<16xf32>
        %add3A_218 = arith.addf %add3A_205, %mul3A_217 : vector<16xf32>
        %scan3A_219 = arith.constant 7 : i32
        %scan3A_220 = arith.addi %scan3A_129, %scan3A_219 : i32
        %mul3A_221 = arith.constant 1024 : i32
        %mul3A_222 = arith.muli %scan3A_114, %mul3A_221 : i32
        %mul3A_223 = arith.constant 16 : i32
        %mul3A_224 = arith.muli %scan3A_220, %mul3A_223 : i32
        %add3A_225 = arith.addi %mul3A_222, %mul3A_224 : i32
        %get3A_226 = arith.index_cast %add3A_225 : i32 to index
        %get3A_227 = tpu.vector_load %arg12[%get3A_226] {strides = array<i32>} : memref<9216xf32, #tpu.memory_space<vmem>>, vector<16xf32>,
        %get3A_228 = arith.index_cast %add3A_225 : i32 to index
        %get3A_229 = tpu.vector_load %arg8[%get3A_228] {strides = array<i32>} : memref<9216xf32, #tpu.memory_space<vmem>>, vector<16xf32>,
        %mul3A_230 = arith.mulf %get3A_227, %get3A_229 : vector<16xf32>
        %add3A_231 = arith.addf %add3A_218, %mul3A_230 : vector<16xf32>
        scf.yield %add3A_231 : vector<16xf32>
      }
      %scan3A_122 = arith.constant 64 : i32
      %add3A_123 = arith.constant 18 : i32
      %add3A_124 = arith.addi %add3A_123, %scan3A_114 : i32
      %mul3A_125 = arith.constant 16 : i32
      %mul3A_126 = arith.muli %add3A_124, %mul3A_125 : i32
      %swap3A = arith.index_cast %mul3A_126 : i32 to index
      %swap3A_127 = tpu.vector_load %arg14[%swap3A] {strides = array<i32>} : memref<576xf32, #tpu.memory_space<vmem>>, vector<16xf32>,
      tpu.vector_store %arg14[%swap3A], %scan3A_121 {strides = array<i32>} : memref<576xf32, #tpu.memory_space<vmem>>, vector<16xf32>,
      %scan3A_128 = arith.constant 0 : i32
      scf.yield %scan3A_128 : i32
    }
    %scan3A_104 = arith.constant 9 : i32
    %dma_wait3A_105 = arith.constant 0 : i32
    %dma_wait3A_106 = tpu.memref_slice %arg2[%dma_wait3A_105] : memref<52428800xf32, #tpu.memory_space<hbm>> -> memref<52428800xf32, #tpu.memory_space<hbm>>
    tpu.wait_indirect_dma semaphore(%arg16 : memref<!tpu.dma_semaphore, #tpu.memory_space<semaphore_mem>>) src(%dma_wait3A_106 : memref<52428800xf32, #tpu.memory_space<hbm>>) dst(%arg13 : memref<9216xf32, #tpu.memory_space<vmem>>)
    %scan3A_107 = arith.constant 0 : i32
    %scan3A_108 = arith.constant 0 : i32
    %scan3A_109 = arith.constant 9 : i32
    %scan3A_110 = arith.addi %scan3A_108, %scan3A_109 : i32
    %scan3A_111 = arith.constant 1 : i32
    %scan3A_112 = scf.for %scan3A_114 = %scan3A_108 to %scan3A_110 step %scan3A_111 iter_args(%scan3A_115 = %scan3A_107) -> (i32)  : i32 {
      %broadcast_in_dim3A = arith.constant 0.000000e+00 : f32
      %broadcast_in_dim3A_116 = vector.broadcast %broadcast_in_dim3A : f32 to vector<16xf32>
      %scan3A_117 = arith.constant 0 : i32
      %scan3A_118 = arith.constant 64 : i32
      %scan3A_119 = arith.addi %scan3A_117, %scan3A_118 : i32
      %scan3A_120 = arith.constant 8 : i32
      %scan3A_121 = scf.for %scan3A_129 = %scan3A_117 to %scan3A_119 step %scan3A_120 iter_args(%scan3A_130 = %broadcast_in_dim3A_116) -> (vector<16xf32>)  : i32 {
        %mul3A_131 = arith.constant 1024 : i32
        %mul3A_132 = arith.muli %scan3A_114, %mul3A_131 : i32
        %mul3A_133 = arith.constant 16 : i32
        %mul3A_134 = arith.muli %scan3A_129, %mul3A_133 : i32
        %add3A_135 = arith.addi %mul3A_132, %mul3A_134 : i32
        %get3A = arith.index_cast %add3A_135 : i32 to index
        %get3A_136 = tpu.vector_load %arg13[%get3A] {strides = array<i32>} : memref<9216xf32, #tpu.memory_space<vmem>>, vector<16xf32>,
        %get3A_137 = arith.index_cast %add3A_135 : i32 to index
        %get3A_138 = tpu.vector_load %arg9[%get3A_137] {strides = array<i32>} : memref<9216xf32, #tpu.memory_space<vmem>>, vector<16xf32>,
        %mul3A_139 = arith.mulf %get3A_136, %get3A_138 : vector<16xf32>
        %add3A_140 = arith.addf %scan3A_130, %mul3A_139 : vector<16xf32>
        %scan3A_141 = arith.constant 1 : i32
        %scan3A_142 = arith.addi %scan3A_129, %scan3A_141 : i32
        %mul3A_143 = arith.constant 1024 : i32
        %mul3A_144 = arith.muli %scan3A_114, %mul3A_143 : i32
        %mul3A_145 = arith.constant 16 : i32
        %mul3A_146 = arith.muli %scan3A_142, %mul3A_145 : i32
        %add3A_147 = arith.addi %mul3A_144, %mul3A_146 : i32
        %get3A_148 = arith.index_cast %add3A_147 : i32 to index
        %get3A_149 = tpu.vector_load %arg13[%get3A_148] {strides = array<i32>} : memref<9216xf32, #tpu.memory_space<vmem>>, vector<16xf32>,
        %get3A_150 = arith.index_cast %add3A_147 : i32 to index
        %get3A_151 = tpu.vector_load %arg9[%get3A_150] {strides = array<i32>} : memref<9216xf32, #tpu.memory_space<vmem>>, vector<16xf32>,
        %mul3A_152 = arith.mulf %get3A_149, %get3A_151 : vector<16xf32>
        %add3A_153 = arith.addf %add3A_140, %mul3A_152 : vector<16xf32>
        %scan3A_154 = arith.constant 2 : i32
        %scan3A_155 = arith.addi %scan3A_129, %scan3A_154 : i32
        %mul3A_156 = arith.constant 1024 : i32
        %mul3A_157 = arith.muli %scan3A_114, %mul3A_156 : i32
        %mul3A_158 = arith.constant 16 : i32
        %mul3A_159 = arith.muli %scan3A_155, %mul3A_158 : i32
        %add3A_160 = arith.addi %mul3A_157, %mul3A_159 : i32
        %get3A_161 = arith.index_cast %add3A_160 : i32 to index
        %get3A_162 = tpu.vector_load %arg13[%get3A_161] {strides = array<i32>} : memref<9216xf32, #tpu.memory_space<vmem>>, vector<16xf32>,
        %get3A_163 = arith.index_cast %add3A_160 : i32 to index
        %get3A_164 = tpu.vector_load %arg9[%get3A_163] {strides = array<i32>} : memref<9216xf32, #tpu.memory_space<vmem>>, vector<16xf32>,
        %mul3A_165 = arith.mulf %get3A_162, %get3A_164 : vector<16xf32>
        %add3A_166 = arith.addf %add3A_153, %mul3A_165 : vector<16xf32>
        %scan3A_167 = arith.constant 3 : i32
        %scan3A_168 = arith.addi %scan3A_129, %scan3A_167 : i32
        %mul3A_169 = arith.constant 1024 : i32
        %mul3A_170 = arith.muli %scan3A_114, %mul3A_169 : i32
        %mul3A_171 = arith.constant 16 : i32
        %mul3A_172 = arith.muli %scan3A_168, %mul3A_171 : i32
        %add3A_173 = arith.addi %mul3A_170, %mul3A_172 : i32
        %get3A_174 = arith.index_cast %add3A_173 : i32 to index
        %get3A_175 = tpu.vector_load %arg13[%get3A_174] {strides = array<i32>} : memref<9216xf32, #tpu.memory_space<vmem>>, vector<16xf32>,
        %get3A_176 = arith.index_cast %add3A_173 : i32 to index
        %get3A_177 = tpu.vector_load %arg9[%get3A_176] {strides = array<i32>} : memref<9216xf32, #tpu.memory_space<vmem>>, vector<16xf32>,
        %mul3A_178 = arith.mulf %get3A_175, %get3A_177 : vector<16xf32>
        %add3A_179 = arith.addf %add3A_166, %mul3A_178 : vector<16xf32>
        %scan3A_180 = arith.constant 4 : i32
        %scan3A_181 = arith.addi %scan3A_129, %scan3A_180 : i32
        %mul3A_182 = arith.constant 1024 : i32
        %mul3A_183 = arith.muli %scan3A_114, %mul3A_182 : i32
        %mul3A_184 = arith.constant 16 : i32
        %mul3A_185 = arith.muli %scan3A_181, %mul3A_184 : i32
        %add3A_186 = arith.addi %mul3A_183, %mul3A_185 : i32
        %get3A_187 = arith.index_cast %add3A_186 : i32 to index
        %get3A_188 = tpu.vector_load %arg13[%get3A_187] {strides = array<i32>} : memref<9216xf32, #tpu.memory_space<vmem>>, vector<16xf32>,
        %get3A_189 = arith.index_cast %add3A_186 : i32 to index
        %get3A_190 = tpu.vector_load %arg9[%get3A_189] {strides = array<i32>} : memref<9216xf32, #tpu.memory_space<vmem>>, vector<16xf32>,
        %mul3A_191 = arith.mulf %get3A_188, %get3A_190 : vector<16xf32>
        %add3A_192 = arith.addf %add3A_179, %mul3A_191 : vector<16xf32>
        %scan3A_193 = arith.constant 5 : i32
        %scan3A_194 = arith.addi %scan3A_129, %scan3A_193 : i32
        %mul3A_195 = arith.constant 1024 : i32
        %mul3A_196 = arith.muli %scan3A_114, %mul3A_195 : i32
        %mul3A_197 = arith.constant 16 : i32
        %mul3A_198 = arith.muli %scan3A_194, %mul3A_197 : i32
        %add3A_199 = arith.addi %mul3A_196, %mul3A_198 : i32
        %get3A_200 = arith.index_cast %add3A_199 : i32 to index
        %get3A_201 = tpu.vector_load %arg13[%get3A_200] {strides = array<i32>} : memref<9216xf32, #tpu.memory_space<vmem>>, vector<16xf32>,
        %get3A_202 = arith.index_cast %add3A_199 : i32 to index
        %get3A_203 = tpu.vector_load %arg9[%get3A_202] {strides = array<i32>} : memref<9216xf32, #tpu.memory_space<vmem>>, vector<16xf32>,
        %mul3A_204 = arith.mulf %get3A_201, %get3A_203 : vector<16xf32>
        %add3A_205 = arith.addf %add3A_192, %mul3A_204 : vector<16xf32>
        %scan3A_206 = arith.constant 6 : i32
        %scan3A_207 = arith.addi %scan3A_129, %scan3A_206 : i32
        %mul3A_208 = arith.constant 1024 : i32
        %mul3A_209 = arith.muli %scan3A_114, %mul3A_208 : i32
        %mul3A_210 = arith.constant 16 : i32
        %mul3A_211 = arith.muli %scan3A_207, %mul3A_210 : i32
        %add3A_212 = arith.addi %mul3A_209, %mul3A_211 : i32
        %get3A_213 = arith.index_cast %add3A_212 : i32 to index
        %get3A_214 = tpu.vector_load %arg13[%get3A_213] {strides = array<i32>} : memref<9216xf32, #tpu.memory_space<vmem>>, vector<16xf32>,
        %get3A_215 = arith.index_cast %add3A_212 : i32 to index
        %get3A_216 = tpu.vector_load %arg9[%get3A_215] {strides = array<i32>} : memref<9216xf32, #tpu.memory_space<vmem>>, vector<16xf32>,
        %mul3A_217 = arith.mulf %get3A_214, %get3A_216 : vector<16xf32>
        %add3A_218 = arith.addf %add3A_205, %mul3A_217 : vector<16xf32>
        %scan3A_219 = arith.constant 7 : i32
        %scan3A_220 = arith.addi %scan3A_129, %scan3A_219 : i32
        %mul3A_221 = arith.constant 1024 : i32
        %mul3A_222 = arith.muli %scan3A_114, %mul3A_221 : i32
        %mul3A_223 = arith.constant 16 : i32
        %mul3A_224 = arith.muli %scan3A_220, %mul3A_223 : i32
        %add3A_225 = arith.addi %mul3A_222, %mul3A_224 : i32
        %get3A_226 = arith.index_cast %add3A_225 : i32 to index
        %get3A_227 = tpu.vector_load %arg13[%get3A_226] {strides = array<i32>} : memref<9216xf32, #tpu.memory_space<vmem>>, vector<16xf32>,
        %get3A_228 = arith.index_cast %add3A_225 : i32 to index
        %get3A_229 = tpu.vector_load %arg9[%get3A_228] {strides = array<i32>} : memref<9216xf32, #tpu.memory_space<vmem>>, vector<16xf32>,
        %mul3A_230 = arith.mulf %get3A_227, %get3A_229 : vector<16xf32>
        %add3A_231 = arith.addf %add3A_218, %mul3A_230 : vector<16xf32>
        scf.yield %add3A_231 : vector<16xf32>
      }
      %scan3A_122 = arith.constant 64 : i32
      %add3A_123 = arith.constant 27 : i32
      %add3A_124 = arith.addi %add3A_123, %scan3A_114 : i32
      %mul3A_125 = arith.constant 16 : i32
      %mul3A_126 = arith.muli %add3A_124, %mul3A_125 : i32
      %swap3A = arith.index_cast %mul3A_126 : i32 to index
      %swap3A_127 = tpu.vector_load %arg14[%swap3A] {strides = array<i32>} : memref<576xf32, #tpu.memory_space<vmem>>, vector<16xf32>,
      tpu.vector_store %arg14[%swap3A], %scan3A_121 {strides = array<i32>} : memref<576xf32, #tpu.memory_space<vmem>>, vector<16xf32>,
      %scan3A_128 = arith.constant 0 : i32
      scf.yield %scan3A_128 : i32
    }
    %scan3A_113 = arith.constant 9 : i32
    "tpu.region"() ({
      %run_scoped3A = tpu.sem_alloc : memref<!tpu.dma_semaphore, #tpu.memory_space<semaphore_mem>>
      %dma_start3A_114 = arith.constant 0 : i32
      %dma_start3A_115 = tpu.memref_slice %arg5[%add3A, %dma_start3A_114] : memref<32x576xf32, #tpu.memory_space<hbm>> -> memref<1x576xf32, #tpu.memory_space<hbm>>
      %dma_start3A_116 = tpu.memref_squeeze %dma_start3A_115 : memref<1x576xf32, #tpu.memory_space<hbm>> -> memref<576xf32, #tpu.memory_space<hbm>>
      %dma_start3A_117 = arith.constant 0 : i32
      %dma_start3A_118 = tpu.memref_slice %arg5[%add3A, %dma_start3A_117] : memref<32x576xf32, #tpu.memory_space<hbm>> -> memref<1x576xf32, #tpu.memory_space<hbm>>
      %dma_start3A_119 = tpu.memref_squeeze %dma_start3A_118 : memref<1x576xf32, #tpu.memory_space<hbm>> -> memref<576xf32, #tpu.memory_space<hbm>>
      tpu.enqueue_dma source(%arg14 : memref<576xf32, #tpu.memory_space<vmem>>) target(%dma_start3A_119 : memref<576xf32, #tpu.memory_space<hbm>>) target_semaphore(%run_scoped3A : memref<!tpu.dma_semaphore, #tpu.memory_space<semaphore_mem>>)
      %dma_wait3A_120 = arith.constant 0 : i32
      %dma_wait3A_121 = tpu.memref_slice %arg5[%add3A, %dma_wait3A_120] : memref<32x576xf32, #tpu.memory_space<hbm>> -> memref<1x576xf32, #tpu.memory_space<hbm>>
      %dma_wait3A_122 = tpu.memref_squeeze %dma_wait3A_121 : memref<1x576xf32, #tpu.memory_space<hbm>> -> memref<576xf32, #tpu.memory_space<hbm>>
      %dma_wait3A_123 = arith.constant 0 : i32
      %dma_wait3A_124 = tpu.memref_slice %arg5[%add3A, %dma_wait3A_123] : memref<32x576xf32, #tpu.memory_space<hbm>> -> memref<1x576xf32, #tpu.memory_space<hbm>>
      %dma_wait3A_125 = tpu.memref_squeeze %dma_wait3A_124 : memref<1x576xf32, #tpu.memory_space<hbm>> -> memref<576xf32, #tpu.memory_space<hbm>>
      tpu.wait_dma2 semaphore(%run_scoped3A : memref<!tpu.dma_semaphore, #tpu.memory_space<semaphore_mem>>) src(%arg14 : memref<576xf32, #tpu.memory_space<vmem>>) dst(%dma_wait3A_125 : memref<576xf32, #tpu.memory_space<hbm>>)
      tpu.yield
    }) : () -> ()
    return
  }
}

module attributes {stable_mosaic.version = 14 : i64} {
  func.func @_tc_body(%arg0: i32, %arg1: memref<4x4x32x8x128xf32, #tpu.memory_space<vmem>>, %arg2: memref<4x32x128xi32, #tpu.memory_space<vmem>>, %arg3: memref<4x32x128xf32, #tpu.memory_space<vmem>>, %arg4: memref<4x32x128xf32, #tpu.memory_space<vmem>>) attributes {dimension_semantics = [#tpu.dimension_semantics<arbitrary>], iteration_bounds = array<i64: 28>, scalar_prefetch = 0 : i64, scratch_operands = 0 : i64, tpu.core_type = #tpu.core_type<tc>, window_params = [{transform_indices = @transform_0, window_bounds = array<i64: 4, 4, 32, 8, 128>}, {transform_indices = @transform_1, window_bounds = array<i64: 4, 32, 128>}, {transform_indices = @transform_2, window_bounds = array<i64: 4, 32, 128>}, {transform_indices = @transform_3, window_bounds = array<i64: 4, 32, 128>}]} {
    %get3A = arith.constant 0 : index
    %get3A_0 = arith.constant 0 : index
    %get3A_1 = arith.constant 0 : index
    %get3A_2 = vector.load %arg2[%get3A, %get3A_0, %get3A_1] : memref<4x32x128xi32, #tpu.memory_space<vmem>>, vector<1x32x128xi32>
    %get3A_3 = vector.shape_cast %get3A_2 : vector<1x32x128xi32> to vector<32x128xi32>
    %get3A_4 = arith.constant 0 : index
    %get3A_5 = arith.constant 0 : index
    %get3A_6 = arith.constant 0 : index
    %get3A_7 = vector.load %arg3[%get3A_4, %get3A_5, %get3A_6] : memref<4x32x128xf32, #tpu.memory_space<vmem>>, vector<1x32x128xf32>
    %get3A_8 = vector.shape_cast %get3A_7 : vector<1x32x128xf32> to vector<32x128xf32>
    %broadcast_in_dim3A = arith.constant 0.000000e+00 : f32
    %broadcast_in_dim3A_9 = vector.broadcast %broadcast_in_dim3A : f32 to vector<32x128xf32>
    %eq3A = arith.constant 0 : i32
    %eq3A_10 = vector.broadcast %eq3A : i32 to vector<32x128xi32>
    %eq3A_11 = arith.cmpi eq, %get3A_3, %eq3A_10 : vector<32x128xi32>
    %get3A_12 = arith.constant 0 : index
    %get3A_13 = arith.constant 0 : index
    %get3A_14 = arith.constant 0 : index
    %get3A_15 = arith.constant 0 : index
    %get3A_16 = arith.constant 0 : index
    %get3A_17 = vector.load %arg1[%get3A_12, %get3A_13, %get3A_14, %get3A_15, %get3A_16] : memref<4x4x32x8x128xf32, #tpu.memory_space<vmem>>, vector<1x1x32x1x128xf32>
    %get3A_18 = vector.shape_cast %get3A_17 : vector<1x1x32x1x128xf32> to vector<32x128xf32>
    %jit3A = arith.constant 0.000000e+00 : f32
    %broadcast_in_dim3A_19 = vector.broadcast %jit3A : f32 to vector<32x128xf32>
    %select_n3A = arith.select %eq3A_11, %get3A_18, %broadcast_in_dim3A_19 : vector<32x128xi1>, vector<32x128xf32>
    %add3A = arith.addf %broadcast_in_dim3A_9, %select_n3A : vector<32x128xf32>
    %eq3A_20 = arith.constant 1 : i32
    %eq3A_21 = vector.broadcast %eq3A_20 : i32 to vector<32x128xi32>
    %eq3A_22 = arith.cmpi eq, %get3A_3, %eq3A_21 : vector<32x128xi32>
    %get3A_23 = arith.constant 0 : index
    %get3A_24 = arith.constant 0 : index
    %get3A_25 = arith.constant 0 : index
    %get3A_26 = arith.constant 1 : index
    %get3A_27 = arith.constant 0 : index
    %get3A_28 = vector.load %arg1[%get3A_23, %get3A_24, %get3A_25, %get3A_26, %get3A_27] : memref<4x4x32x8x128xf32, #tpu.memory_space<vmem>>, vector<1x1x32x1x128xf32>
    %get3A_29 = vector.shape_cast %get3A_28 : vector<1x1x32x1x128xf32> to vector<32x128xf32>
    %jit3A_30 = arith.constant 0.000000e+00 : f32
    %broadcast_in_dim3A_31 = vector.broadcast %jit3A_30 : f32 to vector<32x128xf32>
    %select_n3A_32 = arith.select %eq3A_22, %get3A_29, %broadcast_in_dim3A_31 : vector<32x128xi1>, vector<32x128xf32>
    %add3A_33 = arith.addf %add3A, %select_n3A_32 : vector<32x128xf32>
    %eq3A_34 = arith.constant 2 : i32
    %eq3A_35 = vector.broadcast %eq3A_34 : i32 to vector<32x128xi32>
    %eq3A_36 = arith.cmpi eq, %get3A_3, %eq3A_35 : vector<32x128xi32>
    %get3A_37 = arith.constant 0 : index
    %get3A_38 = arith.constant 0 : index
    %get3A_39 = arith.constant 0 : index
    %get3A_40 = arith.constant 2 : index
    %get3A_41 = arith.constant 0 : index
    %get3A_42 = vector.load %arg1[%get3A_37, %get3A_38, %get3A_39, %get3A_40, %get3A_41] : memref<4x4x32x8x128xf32, #tpu.memory_space<vmem>>, vector<1x1x32x1x128xf32>
    %get3A_43 = vector.shape_cast %get3A_42 : vector<1x1x32x1x128xf32> to vector<32x128xf32>
    %jit3A_44 = arith.constant 0.000000e+00 : f32
    %broadcast_in_dim3A_45 = vector.broadcast %jit3A_44 : f32 to vector<32x128xf32>
    %select_n3A_46 = arith.select %eq3A_36, %get3A_43, %broadcast_in_dim3A_45 : vector<32x128xi1>, vector<32x128xf32>
    %add3A_47 = arith.addf %add3A_33, %select_n3A_46 : vector<32x128xf32>
    %eq3A_48 = arith.constant 3 : i32
    %eq3A_49 = vector.broadcast %eq3A_48 : i32 to vector<32x128xi32>
    %eq3A_50 = arith.cmpi eq, %get3A_3, %eq3A_49 : vector<32x128xi32>
    %get3A_51 = arith.constant 0 : index
    %get3A_52 = arith.constant 0 : index
    %get3A_53 = arith.constant 0 : index
    %get3A_54 = arith.constant 3 : index
    %get3A_55 = arith.constant 0 : index
    %get3A_56 = vector.load %arg1[%get3A_51, %get3A_52, %get3A_53, %get3A_54, %get3A_55] : memref<4x4x32x8x128xf32, #tpu.memory_space<vmem>>, vector<1x1x32x1x128xf32>
    %get3A_57 = vector.shape_cast %get3A_56 : vector<1x1x32x1x128xf32> to vector<32x128xf32>
    %jit3A_58 = arith.constant 0.000000e+00 : f32
    %broadcast_in_dim3A_59 = vector.broadcast %jit3A_58 : f32 to vector<32x128xf32>
    %select_n3A_60 = arith.select %eq3A_50, %get3A_57, %broadcast_in_dim3A_59 : vector<32x128xi1>, vector<32x128xf32>
    %add3A_61 = arith.addf %add3A_47, %select_n3A_60 : vector<32x128xf32>
    %eq3A_62 = arith.constant 4 : i32
    %eq3A_63 = vector.broadcast %eq3A_62 : i32 to vector<32x128xi32>
    %eq3A_64 = arith.cmpi eq, %get3A_3, %eq3A_63 : vector<32x128xi32>
    %get3A_65 = arith.constant 0 : index
    %get3A_66 = arith.constant 0 : index
    %get3A_67 = arith.constant 0 : index
    %get3A_68 = arith.constant 4 : index
    %get3A_69 = arith.constant 0 : index
    %get3A_70 = vector.load %arg1[%get3A_65, %get3A_66, %get3A_67, %get3A_68, %get3A_69] : memref<4x4x32x8x128xf32, #tpu.memory_space<vmem>>, vector<1x1x32x1x128xf32>
    %get3A_71 = vector.shape_cast %get3A_70 : vector<1x1x32x1x128xf32> to vector<32x128xf32>
    %jit3A_72 = arith.constant 0.000000e+00 : f32
    %broadcast_in_dim3A_73 = vector.broadcast %jit3A_72 : f32 to vector<32x128xf32>
    %select_n3A_74 = arith.select %eq3A_64, %get3A_71, %broadcast_in_dim3A_73 : vector<32x128xi1>, vector<32x128xf32>
    %add3A_75 = arith.addf %add3A_61, %select_n3A_74 : vector<32x128xf32>
    %eq3A_76 = arith.constant 5 : i32
    %eq3A_77 = vector.broadcast %eq3A_76 : i32 to vector<32x128xi32>
    %eq3A_78 = arith.cmpi eq, %get3A_3, %eq3A_77 : vector<32x128xi32>
    %get3A_79 = arith.constant 0 : index
    %get3A_80 = arith.constant 0 : index
    %get3A_81 = arith.constant 0 : index
    %get3A_82 = arith.constant 5 : index
    %get3A_83 = arith.constant 0 : index
    %get3A_84 = vector.load %arg1[%get3A_79, %get3A_80, %get3A_81, %get3A_82, %get3A_83] : memref<4x4x32x8x128xf32, #tpu.memory_space<vmem>>, vector<1x1x32x1x128xf32>
    %get3A_85 = vector.shape_cast %get3A_84 : vector<1x1x32x1x128xf32> to vector<32x128xf32>
    %jit3A_86 = arith.constant 0.000000e+00 : f32
    %broadcast_in_dim3A_87 = vector.broadcast %jit3A_86 : f32 to vector<32x128xf32>
    %select_n3A_88 = arith.select %eq3A_78, %get3A_85, %broadcast_in_dim3A_87 : vector<32x128xi1>, vector<32x128xf32>
    %add3A_89 = arith.addf %add3A_75, %select_n3A_88 : vector<32x128xf32>
    %eq3A_90 = arith.constant 6 : i32
    %eq3A_91 = vector.broadcast %eq3A_90 : i32 to vector<32x128xi32>
    %eq3A_92 = arith.cmpi eq, %get3A_3, %eq3A_91 : vector<32x128xi32>
    %get3A_93 = arith.constant 0 : index
    %get3A_94 = arith.constant 0 : index
    %get3A_95 = arith.constant 0 : index
    %get3A_96 = arith.constant 6 : index
    %get3A_97 = arith.constant 0 : index
    %get3A_98 = vector.load %arg1[%get3A_93, %get3A_94, %get3A_95, %get3A_96, %get3A_97] : memref<4x4x32x8x128xf32, #tpu.memory_space<vmem>>, vector<1x1x32x1x128xf32>
    %get3A_99 = vector.shape_cast %get3A_98 : vector<1x1x32x1x128xf32> to vector<32x128xf32>
    %jit3A_100 = arith.constant 0.000000e+00 : f32
    %broadcast_in_dim3A_101 = vector.broadcast %jit3A_100 : f32 to vector<32x128xf32>
    %select_n3A_102 = arith.select %eq3A_92, %get3A_99, %broadcast_in_dim3A_101 : vector<32x128xi1>, vector<32x128xf32>
    %add3A_103 = arith.addf %add3A_89, %select_n3A_102 : vector<32x128xf32>
    %eq3A_104 = arith.constant 7 : i32
    %eq3A_105 = vector.broadcast %eq3A_104 : i32 to vector<32x128xi32>
    %eq3A_106 = arith.cmpi eq, %get3A_3, %eq3A_105 : vector<32x128xi32>
    %get3A_107 = arith.constant 0 : index
    %get3A_108 = arith.constant 0 : index
    %get3A_109 = arith.constant 0 : index
    %get3A_110 = arith.constant 7 : index
    %get3A_111 = arith.constant 0 : index
    %get3A_112 = vector.load %arg1[%get3A_107, %get3A_108, %get3A_109, %get3A_110, %get3A_111] : memref<4x4x32x8x128xf32, #tpu.memory_space<vmem>>, vector<1x1x32x1x128xf32>
    %get3A_113 = vector.shape_cast %get3A_112 : vector<1x1x32x1x128xf32> to vector<32x128xf32>
    %jit3A_114 = arith.constant 0.000000e+00 : f32
    %broadcast_in_dim3A_115 = vector.broadcast %jit3A_114 : f32 to vector<32x128xf32>
    %select_n3A_116 = arith.select %eq3A_106, %get3A_113, %broadcast_in_dim3A_115 : vector<32x128xi1>, vector<32x128xf32>
    %add3A_117 = arith.addf %add3A_103, %select_n3A_116 : vector<32x128xf32>
    %eq3A_118 = arith.constant 8 : i32
    %eq3A_119 = vector.broadcast %eq3A_118 : i32 to vector<32x128xi32>
    %eq3A_120 = arith.cmpi eq, %get3A_3, %eq3A_119 : vector<32x128xi32>
    %get3A_121 = arith.constant 0 : index
    %get3A_122 = arith.constant 1 : index
    %get3A_123 = arith.constant 0 : index
    %get3A_124 = arith.constant 0 : index
    %get3A_125 = arith.constant 0 : index
    %get3A_126 = vector.load %arg1[%get3A_121, %get3A_122, %get3A_123, %get3A_124, %get3A_125] : memref<4x4x32x8x128xf32, #tpu.memory_space<vmem>>, vector<1x1x32x1x128xf32>
    %get3A_127 = vector.shape_cast %get3A_126 : vector<1x1x32x1x128xf32> to vector<32x128xf32>
    %jit3A_128 = arith.constant 0.000000e+00 : f32
    %broadcast_in_dim3A_129 = vector.broadcast %jit3A_128 : f32 to vector<32x128xf32>
    %select_n3A_130 = arith.select %eq3A_120, %get3A_127, %broadcast_in_dim3A_129 : vector<32x128xi1>, vector<32x128xf32>
    %add3A_131 = arith.addf %add3A_117, %select_n3A_130 : vector<32x128xf32>
    %eq3A_132 = arith.constant 9 : i32
    %eq3A_133 = vector.broadcast %eq3A_132 : i32 to vector<32x128xi32>
    %eq3A_134 = arith.cmpi eq, %get3A_3, %eq3A_133 : vector<32x128xi32>
    %get3A_135 = arith.constant 0 : index
    %get3A_136 = arith.constant 1 : index
    %get3A_137 = arith.constant 0 : index
    %get3A_138 = arith.constant 1 : index
    %get3A_139 = arith.constant 0 : index
    %get3A_140 = vector.load %arg1[%get3A_135, %get3A_136, %get3A_137, %get3A_138, %get3A_139] : memref<4x4x32x8x128xf32, #tpu.memory_space<vmem>>, vector<1x1x32x1x128xf32>
    %get3A_141 = vector.shape_cast %get3A_140 : vector<1x1x32x1x128xf32> to vector<32x128xf32>
    %jit3A_142 = arith.constant 0.000000e+00 : f32
    %broadcast_in_dim3A_143 = vector.broadcast %jit3A_142 : f32 to vector<32x128xf32>
    %select_n3A_144 = arith.select %eq3A_134, %get3A_141, %broadcast_in_dim3A_143 : vector<32x128xi1>, vector<32x128xf32>
    %add3A_145 = arith.addf %add3A_131, %select_n3A_144 : vector<32x128xf32>
    %eq3A_146 = arith.constant 10 : i32
    %eq3A_147 = vector.broadcast %eq3A_146 : i32 to vector<32x128xi32>
    %eq3A_148 = arith.cmpi eq, %get3A_3, %eq3A_147 : vector<32x128xi32>
    %get3A_149 = arith.constant 0 : index
    %get3A_150 = arith.constant 1 : index
    %get3A_151 = arith.constant 0 : index
    %get3A_152 = arith.constant 2 : index
    %get3A_153 = arith.constant 0 : index
    %get3A_154 = vector.load %arg1[%get3A_149, %get3A_150, %get3A_151, %get3A_152, %get3A_153] : memref<4x4x32x8x128xf32, #tpu.memory_space<vmem>>, vector<1x1x32x1x128xf32>
    %get3A_155 = vector.shape_cast %get3A_154 : vector<1x1x32x1x128xf32> to vector<32x128xf32>
    %jit3A_156 = arith.constant 0.000000e+00 : f32
    %broadcast_in_dim3A_157 = vector.broadcast %jit3A_156 : f32 to vector<32x128xf32>
    %select_n3A_158 = arith.select %eq3A_148, %get3A_155, %broadcast_in_dim3A_157 : vector<32x128xi1>, vector<32x128xf32>
    %add3A_159 = arith.addf %add3A_145, %select_n3A_158 : vector<32x128xf32>
    %eq3A_160 = arith.constant 11 : i32
    %eq3A_161 = vector.broadcast %eq3A_160 : i32 to vector<32x128xi32>
    %eq3A_162 = arith.cmpi eq, %get3A_3, %eq3A_161 : vector<32x128xi32>
    %get3A_163 = arith.constant 0 : index
    %get3A_164 = arith.constant 1 : index
    %get3A_165 = arith.constant 0 : index
    %get3A_166 = arith.constant 3 : index
    %get3A_167 = arith.constant 0 : index
    %get3A_168 = vector.load %arg1[%get3A_163, %get3A_164, %get3A_165, %get3A_166, %get3A_167] : memref<4x4x32x8x128xf32, #tpu.memory_space<vmem>>, vector<1x1x32x1x128xf32>
    %get3A_169 = vector.shape_cast %get3A_168 : vector<1x1x32x1x128xf32> to vector<32x128xf32>
    %jit3A_170 = arith.constant 0.000000e+00 : f32
    %broadcast_in_dim3A_171 = vector.broadcast %jit3A_170 : f32 to vector<32x128xf32>
    %select_n3A_172 = arith.select %eq3A_162, %get3A_169, %broadcast_in_dim3A_171 : vector<32x128xi1>, vector<32x128xf32>
    %add3A_173 = arith.addf %add3A_159, %select_n3A_172 : vector<32x128xf32>
    %eq3A_174 = arith.constant 12 : i32
    %eq3A_175 = vector.broadcast %eq3A_174 : i32 to vector<32x128xi32>
    %eq3A_176 = arith.cmpi eq, %get3A_3, %eq3A_175 : vector<32x128xi32>
    %get3A_177 = arith.constant 0 : index
    %get3A_178 = arith.constant 1 : index
    %get3A_179 = arith.constant 0 : index
    %get3A_180 = arith.constant 4 : index
    %get3A_181 = arith.constant 0 : index
    %get3A_182 = vector.load %arg1[%get3A_177, %get3A_178, %get3A_179, %get3A_180, %get3A_181] : memref<4x4x32x8x128xf32, #tpu.memory_space<vmem>>, vector<1x1x32x1x128xf32>
    %get3A_183 = vector.shape_cast %get3A_182 : vector<1x1x32x1x128xf32> to vector<32x128xf32>
    %jit3A_184 = arith.constant 0.000000e+00 : f32
    %broadcast_in_dim3A_185 = vector.broadcast %jit3A_184 : f32 to vector<32x128xf32>
    %select_n3A_186 = arith.select %eq3A_176, %get3A_183, %broadcast_in_dim3A_185 : vector<32x128xi1>, vector<32x128xf32>
    %add3A_187 = arith.addf %add3A_173, %select_n3A_186 : vector<32x128xf32>
    %eq3A_188 = arith.constant 13 : i32
    %eq3A_189 = vector.broadcast %eq3A_188 : i32 to vector<32x128xi32>
    %eq3A_190 = arith.cmpi eq, %get3A_3, %eq3A_189 : vector<32x128xi32>
    %get3A_191 = arith.constant 0 : index
    %get3A_192 = arith.constant 1 : index
    %get3A_193 = arith.constant 0 : index
    %get3A_194 = arith.constant 5 : index
    %get3A_195 = arith.constant 0 : index
    %get3A_196 = vector.load %arg1[%get3A_191, %get3A_192, %get3A_193, %get3A_194, %get3A_195] : memref<4x4x32x8x128xf32, #tpu.memory_space<vmem>>, vector<1x1x32x1x128xf32>
    %get3A_197 = vector.shape_cast %get3A_196 : vector<1x1x32x1x128xf32> to vector<32x128xf32>
    %jit3A_198 = arith.constant 0.000000e+00 : f32
    %broadcast_in_dim3A_199 = vector.broadcast %jit3A_198 : f32 to vector<32x128xf32>
    %select_n3A_200 = arith.select %eq3A_190, %get3A_197, %broadcast_in_dim3A_199 : vector<32x128xi1>, vector<32x128xf32>
    %add3A_201 = arith.addf %add3A_187, %select_n3A_200 : vector<32x128xf32>
    %eq3A_202 = arith.constant 14 : i32
    %eq3A_203 = vector.broadcast %eq3A_202 : i32 to vector<32x128xi32>
    %eq3A_204 = arith.cmpi eq, %get3A_3, %eq3A_203 : vector<32x128xi32>
    %get3A_205 = arith.constant 0 : index
    %get3A_206 = arith.constant 1 : index
    %get3A_207 = arith.constant 0 : index
    %get3A_208 = arith.constant 6 : index
    %get3A_209 = arith.constant 0 : index
    %get3A_210 = vector.load %arg1[%get3A_205, %get3A_206, %get3A_207, %get3A_208, %get3A_209] : memref<4x4x32x8x128xf32, #tpu.memory_space<vmem>>, vector<1x1x32x1x128xf32>
    %get3A_211 = vector.shape_cast %get3A_210 : vector<1x1x32x1x128xf32> to vector<32x128xf32>
    %jit3A_212 = arith.constant 0.000000e+00 : f32
    %broadcast_in_dim3A_213 = vector.broadcast %jit3A_212 : f32 to vector<32x128xf32>
    %select_n3A_214 = arith.select %eq3A_204, %get3A_211, %broadcast_in_dim3A_213 : vector<32x128xi1>, vector<32x128xf32>
    %add3A_215 = arith.addf %add3A_201, %select_n3A_214 : vector<32x128xf32>
    %eq3A_216 = arith.constant 15 : i32
    %eq3A_217 = vector.broadcast %eq3A_216 : i32 to vector<32x128xi32>
    %eq3A_218 = arith.cmpi eq, %get3A_3, %eq3A_217 : vector<32x128xi32>
    %get3A_219 = arith.constant 0 : index
    %get3A_220 = arith.constant 1 : index
    %get3A_221 = arith.constant 0 : index
    %get3A_222 = arith.constant 7 : index
    %get3A_223 = arith.constant 0 : index
    %get3A_224 = vector.load %arg1[%get3A_219, %get3A_220, %get3A_221, %get3A_222, %get3A_223] : memref<4x4x32x8x128xf32, #tpu.memory_space<vmem>>, vector<1x1x32x1x128xf32>
    %get3A_225 = vector.shape_cast %get3A_224 : vector<1x1x32x1x128xf32> to vector<32x128xf32>
    %jit3A_226 = arith.constant 0.000000e+00 : f32
    %broadcast_in_dim3A_227 = vector.broadcast %jit3A_226 : f32 to vector<32x128xf32>
    %select_n3A_228 = arith.select %eq3A_218, %get3A_225, %broadcast_in_dim3A_227 : vector<32x128xi1>, vector<32x128xf32>
    %add3A_229 = arith.addf %add3A_215, %select_n3A_228 : vector<32x128xf32>
    %eq3A_230 = arith.constant 16 : i32
    %eq3A_231 = vector.broadcast %eq3A_230 : i32 to vector<32x128xi32>
    %eq3A_232 = arith.cmpi eq, %get3A_3, %eq3A_231 : vector<32x128xi32>
    %get3A_233 = arith.constant 0 : index
    %get3A_234 = arith.constant 2 : index
    %get3A_235 = arith.constant 0 : index
    %get3A_236 = arith.constant 0 : index
    %get3A_237 = arith.constant 0 : index
    %get3A_238 = vector.load %arg1[%get3A_233, %get3A_234, %get3A_235, %get3A_236, %get3A_237] : memref<4x4x32x8x128xf32, #tpu.memory_space<vmem>>, vector<1x1x32x1x128xf32>
    %get3A_239 = vector.shape_cast %get3A_238 : vector<1x1x32x1x128xf32> to vector<32x128xf32>
    %jit3A_240 = arith.constant 0.000000e+00 : f32
    %broadcast_in_dim3A_241 = vector.broadcast %jit3A_240 : f32 to vector<32x128xf32>
    %select_n3A_242 = arith.select %eq3A_232, %get3A_239, %broadcast_in_dim3A_241 : vector<32x128xi1>, vector<32x128xf32>
    %add3A_243 = arith.addf %add3A_229, %select_n3A_242 : vector<32x128xf32>
    %eq3A_244 = arith.constant 17 : i32
    %eq3A_245 = vector.broadcast %eq3A_244 : i32 to vector<32x128xi32>
    %eq3A_246 = arith.cmpi eq, %get3A_3, %eq3A_245 : vector<32x128xi32>
    %get3A_247 = arith.constant 0 : index
    %get3A_248 = arith.constant 2 : index
    %get3A_249 = arith.constant 0 : index
    %get3A_250 = arith.constant 1 : index
    %get3A_251 = arith.constant 0 : index
    %get3A_252 = vector.load %arg1[%get3A_247, %get3A_248, %get3A_249, %get3A_250, %get3A_251] : memref<4x4x32x8x128xf32, #tpu.memory_space<vmem>>, vector<1x1x32x1x128xf32>
    %get3A_253 = vector.shape_cast %get3A_252 : vector<1x1x32x1x128xf32> to vector<32x128xf32>
    %jit3A_254 = arith.constant 0.000000e+00 : f32
    %broadcast_in_dim3A_255 = vector.broadcast %jit3A_254 : f32 to vector<32x128xf32>
    %select_n3A_256 = arith.select %eq3A_246, %get3A_253, %broadcast_in_dim3A_255 : vector<32x128xi1>, vector<32x128xf32>
    %add3A_257 = arith.addf %add3A_243, %select_n3A_256 : vector<32x128xf32>
    %eq3A_258 = arith.constant 18 : i32
    %eq3A_259 = vector.broadcast %eq3A_258 : i32 to vector<32x128xi32>
    %eq3A_260 = arith.cmpi eq, %get3A_3, %eq3A_259 : vector<32x128xi32>
    %get3A_261 = arith.constant 0 : index
    %get3A_262 = arith.constant 2 : index
    %get3A_263 = arith.constant 0 : index
    %get3A_264 = arith.constant 2 : index
    %get3A_265 = arith.constant 0 : index
    %get3A_266 = vector.load %arg1[%get3A_261, %get3A_262, %get3A_263, %get3A_264, %get3A_265] : memref<4x4x32x8x128xf32, #tpu.memory_space<vmem>>, vector<1x1x32x1x128xf32>
    %get3A_267 = vector.shape_cast %get3A_266 : vector<1x1x32x1x128xf32> to vector<32x128xf32>
    %jit3A_268 = arith.constant 0.000000e+00 : f32
    %broadcast_in_dim3A_269 = vector.broadcast %jit3A_268 : f32 to vector<32x128xf32>
    %select_n3A_270 = arith.select %eq3A_260, %get3A_267, %broadcast_in_dim3A_269 : vector<32x128xi1>, vector<32x128xf32>
    %add3A_271 = arith.addf %add3A_257, %select_n3A_270 : vector<32x128xf32>
    %eq3A_272 = arith.constant 19 : i32
    %eq3A_273 = vector.broadcast %eq3A_272 : i32 to vector<32x128xi32>
    %eq3A_274 = arith.cmpi eq, %get3A_3, %eq3A_273 : vector<32x128xi32>
    %get3A_275 = arith.constant 0 : index
    %get3A_276 = arith.constant 2 : index
    %get3A_277 = arith.constant 0 : index
    %get3A_278 = arith.constant 3 : index
    %get3A_279 = arith.constant 0 : index
    %get3A_280 = vector.load %arg1[%get3A_275, %get3A_276, %get3A_277, %get3A_278, %get3A_279] : memref<4x4x32x8x128xf32, #tpu.memory_space<vmem>>, vector<1x1x32x1x128xf32>
    %get3A_281 = vector.shape_cast %get3A_280 : vector<1x1x32x1x128xf32> to vector<32x128xf32>
    %jit3A_282 = arith.constant 0.000000e+00 : f32
    %broadcast_in_dim3A_283 = vector.broadcast %jit3A_282 : f32 to vector<32x128xf32>
    %select_n3A_284 = arith.select %eq3A_274, %get3A_281, %broadcast_in_dim3A_283 : vector<32x128xi1>, vector<32x128xf32>
    %add3A_285 = arith.addf %add3A_271, %select_n3A_284 : vector<32x128xf32>
    %eq3A_286 = arith.constant 20 : i32
    %eq3A_287 = vector.broadcast %eq3A_286 : i32 to vector<32x128xi32>
    %eq3A_288 = arith.cmpi eq, %get3A_3, %eq3A_287 : vector<32x128xi32>
    %get3A_289 = arith.constant 0 : index
    %get3A_290 = arith.constant 2 : index
    %get3A_291 = arith.constant 0 : index
    %get3A_292 = arith.constant 4 : index
    %get3A_293 = arith.constant 0 : index
    %get3A_294 = vector.load %arg1[%get3A_289, %get3A_290, %get3A_291, %get3A_292, %get3A_293] : memref<4x4x32x8x128xf32, #tpu.memory_space<vmem>>, vector<1x1x32x1x128xf32>
    %get3A_295 = vector.shape_cast %get3A_294 : vector<1x1x32x1x128xf32> to vector<32x128xf32>
    %jit3A_296 = arith.constant 0.000000e+00 : f32
    %broadcast_in_dim3A_297 = vector.broadcast %jit3A_296 : f32 to vector<32x128xf32>
    %select_n3A_298 = arith.select %eq3A_288, %get3A_295, %broadcast_in_dim3A_297 : vector<32x128xi1>, vector<32x128xf32>
    %add3A_299 = arith.addf %add3A_285, %select_n3A_298 : vector<32x128xf32>
    %eq3A_300 = arith.constant 21 : i32
    %eq3A_301 = vector.broadcast %eq3A_300 : i32 to vector<32x128xi32>
    %eq3A_302 = arith.cmpi eq, %get3A_3, %eq3A_301 : vector<32x128xi32>
    %get3A_303 = arith.constant 0 : index
    %get3A_304 = arith.constant 2 : index
    %get3A_305 = arith.constant 0 : index
    %get3A_306 = arith.constant 5 : index
    %get3A_307 = arith.constant 0 : index
    %get3A_308 = vector.load %arg1[%get3A_303, %get3A_304, %get3A_305, %get3A_306, %get3A_307] : memref<4x4x32x8x128xf32, #tpu.memory_space<vmem>>, vector<1x1x32x1x128xf32>
    %get3A_309 = vector.shape_cast %get3A_308 : vector<1x1x32x1x128xf32> to vector<32x128xf32>
    %jit3A_310 = arith.constant 0.000000e+00 : f32
    %broadcast_in_dim3A_311 = vector.broadcast %jit3A_310 : f32 to vector<32x128xf32>
    %select_n3A_312 = arith.select %eq3A_302, %get3A_309, %broadcast_in_dim3A_311 : vector<32x128xi1>, vector<32x128xf32>
    %add3A_313 = arith.addf %add3A_299, %select_n3A_312 : vector<32x128xf32>
    %eq3A_314 = arith.constant 22 : i32
    %eq3A_315 = vector.broadcast %eq3A_314 : i32 to vector<32x128xi32>
    %eq3A_316 = arith.cmpi eq, %get3A_3, %eq3A_315 : vector<32x128xi32>
    %get3A_317 = arith.constant 0 : index
    %get3A_318 = arith.constant 2 : index
    %get3A_319 = arith.constant 0 : index
    %get3A_320 = arith.constant 6 : index
    %get3A_321 = arith.constant 0 : index
    %get3A_322 = vector.load %arg1[%get3A_317, %get3A_318, %get3A_319, %get3A_320, %get3A_321] : memref<4x4x32x8x128xf32, #tpu.memory_space<vmem>>, vector<1x1x32x1x128xf32>
    %get3A_323 = vector.shape_cast %get3A_322 : vector<1x1x32x1x128xf32> to vector<32x128xf32>
    %jit3A_324 = arith.constant 0.000000e+00 : f32
    %broadcast_in_dim3A_325 = vector.broadcast %jit3A_324 : f32 to vector<32x128xf32>
    %select_n3A_326 = arith.select %eq3A_316, %get3A_323, %broadcast_in_dim3A_325 : vector<32x128xi1>, vector<32x128xf32>
    %add3A_327 = arith.addf %add3A_313, %select_n3A_326 : vector<32x128xf32>
    %eq3A_328 = arith.constant 23 : i32
    %eq3A_329 = vector.broadcast %eq3A_328 : i32 to vector<32x128xi32>
    %eq3A_330 = arith.cmpi eq, %get3A_3, %eq3A_329 : vector<32x128xi32>
    %get3A_331 = arith.constant 0 : index
    %get3A_332 = arith.constant 2 : index
    %get3A_333 = arith.constant 0 : index
    %get3A_334 = arith.constant 7 : index
    %get3A_335 = arith.constant 0 : index
    %get3A_336 = vector.load %arg1[%get3A_331, %get3A_332, %get3A_333, %get3A_334, %get3A_335] : memref<4x4x32x8x128xf32, #tpu.memory_space<vmem>>, vector<1x1x32x1x128xf32>
    %get3A_337 = vector.shape_cast %get3A_336 : vector<1x1x32x1x128xf32> to vector<32x128xf32>
    %jit3A_338 = arith.constant 0.000000e+00 : f32
    %broadcast_in_dim3A_339 = vector.broadcast %jit3A_338 : f32 to vector<32x128xf32>
    %select_n3A_340 = arith.select %eq3A_330, %get3A_337, %broadcast_in_dim3A_339 : vector<32x128xi1>, vector<32x128xf32>
    %add3A_341 = arith.addf %add3A_327, %select_n3A_340 : vector<32x128xf32>
    %eq3A_342 = arith.constant 24 : i32
    %eq3A_343 = vector.broadcast %eq3A_342 : i32 to vector<32x128xi32>
    %eq3A_344 = arith.cmpi eq, %get3A_3, %eq3A_343 : vector<32x128xi32>
    %get3A_345 = arith.constant 0 : index
    %get3A_346 = arith.constant 3 : index
    %get3A_347 = arith.constant 0 : index
    %get3A_348 = arith.constant 0 : index
    %get3A_349 = arith.constant 0 : index
    %get3A_350 = vector.load %arg1[%get3A_345, %get3A_346, %get3A_347, %get3A_348, %get3A_349] : memref<4x4x32x8x128xf32, #tpu.memory_space<vmem>>, vector<1x1x32x1x128xf32>
    %get3A_351 = vector.shape_cast %get3A_350 : vector<1x1x32x1x128xf32> to vector<32x128xf32>
    %jit3A_352 = arith.constant 0.000000e+00 : f32
    %broadcast_in_dim3A_353 = vector.broadcast %jit3A_352 : f32 to vector<32x128xf32>
    %select_n3A_354 = arith.select %eq3A_344, %get3A_351, %broadcast_in_dim3A_353 : vector<32x128xi1>, vector<32x128xf32>
    %add3A_355 = arith.addf %add3A_341, %select_n3A_354 : vector<32x128xf32>
    %eq3A_356 = arith.constant 25 : i32
    %eq3A_357 = vector.broadcast %eq3A_356 : i32 to vector<32x128xi32>
    %eq3A_358 = arith.cmpi eq, %get3A_3, %eq3A_357 : vector<32x128xi32>
    %get3A_359 = arith.constant 0 : index
    %get3A_360 = arith.constant 3 : index
    %get3A_361 = arith.constant 0 : index
    %get3A_362 = arith.constant 1 : index
    %get3A_363 = arith.constant 0 : index
    %get3A_364 = vector.load %arg1[%get3A_359, %get3A_360, %get3A_361, %get3A_362, %get3A_363] : memref<4x4x32x8x128xf32, #tpu.memory_space<vmem>>, vector<1x1x32x1x128xf32>
    %get3A_365 = vector.shape_cast %get3A_364 : vector<1x1x32x1x128xf32> to vector<32x128xf32>
    %jit3A_366 = arith.constant 0.000000e+00 : f32
    %broadcast_in_dim3A_367 = vector.broadcast %jit3A_366 : f32 to vector<32x128xf32>
    %select_n3A_368 = arith.select %eq3A_358, %get3A_365, %broadcast_in_dim3A_367 : vector<32x128xi1>, vector<32x128xf32>
    %add3A_369 = arith.addf %add3A_355, %select_n3A_368 : vector<32x128xf32>
    %eq3A_370 = arith.constant 26 : i32
    %eq3A_371 = vector.broadcast %eq3A_370 : i32 to vector<32x128xi32>
    %eq3A_372 = arith.cmpi eq, %get3A_3, %eq3A_371 : vector<32x128xi32>
    %get3A_373 = arith.constant 0 : index
    %get3A_374 = arith.constant 3 : index
    %get3A_375 = arith.constant 0 : index
    %get3A_376 = arith.constant 2 : index
    %get3A_377 = arith.constant 0 : index
    %get3A_378 = vector.load %arg1[%get3A_373, %get3A_374, %get3A_375, %get3A_376, %get3A_377] : memref<4x4x32x8x128xf32, #tpu.memory_space<vmem>>, vector<1x1x32x1x128xf32>
    %get3A_379 = vector.shape_cast %get3A_378 : vector<1x1x32x1x128xf32> to vector<32x128xf32>
    %jit3A_380 = arith.constant 0.000000e+00 : f32
    %broadcast_in_dim3A_381 = vector.broadcast %jit3A_380 : f32 to vector<32x128xf32>
    %select_n3A_382 = arith.select %eq3A_372, %get3A_379, %broadcast_in_dim3A_381 : vector<32x128xi1>, vector<32x128xf32>
    %add3A_383 = arith.addf %add3A_369, %select_n3A_382 : vector<32x128xf32>
    %eq3A_384 = arith.constant 27 : i32
    %eq3A_385 = vector.broadcast %eq3A_384 : i32 to vector<32x128xi32>
    %eq3A_386 = arith.cmpi eq, %get3A_3, %eq3A_385 : vector<32x128xi32>
    %get3A_387 = arith.constant 0 : index
    %get3A_388 = arith.constant 3 : index
    %get3A_389 = arith.constant 0 : index
    %get3A_390 = arith.constant 3 : index
    %get3A_391 = arith.constant 0 : index
    %get3A_392 = vector.load %arg1[%get3A_387, %get3A_388, %get3A_389, %get3A_390, %get3A_391] : memref<4x4x32x8x128xf32, #tpu.memory_space<vmem>>, vector<1x1x32x1x128xf32>
    %get3A_393 = vector.shape_cast %get3A_392 : vector<1x1x32x1x128xf32> to vector<32x128xf32>
    %jit3A_394 = arith.constant 0.000000e+00 : f32
    %broadcast_in_dim3A_395 = vector.broadcast %jit3A_394 : f32 to vector<32x128xf32>
    %select_n3A_396 = arith.select %eq3A_386, %get3A_393, %broadcast_in_dim3A_395 : vector<32x128xi1>, vector<32x128xf32>
    %add3A_397 = arith.addf %add3A_383, %select_n3A_396 : vector<32x128xf32>
    %eq3A_398 = arith.constant 28 : i32
    %eq3A_399 = vector.broadcast %eq3A_398 : i32 to vector<32x128xi32>
    %eq3A_400 = arith.cmpi eq, %get3A_3, %eq3A_399 : vector<32x128xi32>
    %get3A_401 = arith.constant 0 : index
    %get3A_402 = arith.constant 3 : index
    %get3A_403 = arith.constant 0 : index
    %get3A_404 = arith.constant 4 : index
    %get3A_405 = arith.constant 0 : index
    %get3A_406 = vector.load %arg1[%get3A_401, %get3A_402, %get3A_403, %get3A_404, %get3A_405] : memref<4x4x32x8x128xf32, #tpu.memory_space<vmem>>, vector<1x1x32x1x128xf32>
    %get3A_407 = vector.shape_cast %get3A_406 : vector<1x1x32x1x128xf32> to vector<32x128xf32>
    %jit3A_408 = arith.constant 0.000000e+00 : f32
    %broadcast_in_dim3A_409 = vector.broadcast %jit3A_408 : f32 to vector<32x128xf32>
    %select_n3A_410 = arith.select %eq3A_400, %get3A_407, %broadcast_in_dim3A_409 : vector<32x128xi1>, vector<32x128xf32>
    %add3A_411 = arith.addf %add3A_397, %select_n3A_410 : vector<32x128xf32>
    %eq3A_412 = arith.constant 29 : i32
    %eq3A_413 = vector.broadcast %eq3A_412 : i32 to vector<32x128xi32>
    %eq3A_414 = arith.cmpi eq, %get3A_3, %eq3A_413 : vector<32x128xi32>
    %get3A_415 = arith.constant 0 : index
    %get3A_416 = arith.constant 3 : index
    %get3A_417 = arith.constant 0 : index
    %get3A_418 = arith.constant 5 : index
    %get3A_419 = arith.constant 0 : index
    %get3A_420 = vector.load %arg1[%get3A_415, %get3A_416, %get3A_417, %get3A_418, %get3A_419] : memref<4x4x32x8x128xf32, #tpu.memory_space<vmem>>, vector<1x1x32x1x128xf32>
    %get3A_421 = vector.shape_cast %get3A_420 : vector<1x1x32x1x128xf32> to vector<32x128xf32>
    %jit3A_422 = arith.constant 0.000000e+00 : f32
    %broadcast_in_dim3A_423 = vector.broadcast %jit3A_422 : f32 to vector<32x128xf32>
    %select_n3A_424 = arith.select %eq3A_414, %get3A_421, %broadcast_in_dim3A_423 : vector<32x128xi1>, vector<32x128xf32>
    %add3A_425 = arith.addf %add3A_411, %select_n3A_424 : vector<32x128xf32>
    %eq3A_426 = arith.constant 30 : i32
    %eq3A_427 = vector.broadcast %eq3A_426 : i32 to vector<32x128xi32>
    %eq3A_428 = arith.cmpi eq, %get3A_3, %eq3A_427 : vector<32x128xi32>
    %get3A_429 = arith.constant 0 : index
    %get3A_430 = arith.constant 3 : index
    %get3A_431 = arith.constant 0 : index
    %get3A_432 = arith.constant 6 : index
    %get3A_433 = arith.constant 0 : index
    %get3A_434 = vector.load %arg1[%get3A_429, %get3A_430, %get3A_431, %get3A_432, %get3A_433] : memref<4x4x32x8x128xf32, #tpu.memory_space<vmem>>, vector<1x1x32x1x128xf32>
    %get3A_435 = vector.shape_cast %get3A_434 : vector<1x1x32x1x128xf32> to vector<32x128xf32>
    %jit3A_436 = arith.constant 0.000000e+00 : f32
    %broadcast_in_dim3A_437 = vector.broadcast %jit3A_436 : f32 to vector<32x128xf32>
    %select_n3A_438 = arith.select %eq3A_428, %get3A_435, %broadcast_in_dim3A_437 : vector<32x128xi1>, vector<32x128xf32>
    %add3A_439 = arith.addf %add3A_425, %select_n3A_438 : vector<32x128xf32>
    %eq3A_440 = arith.constant 31 : i32
    %eq3A_441 = vector.broadcast %eq3A_440 : i32 to vector<32x128xi32>
    %eq3A_442 = arith.cmpi eq, %get3A_3, %eq3A_441 : vector<32x128xi32>
    %get3A_443 = arith.constant 0 : index
    %get3A_444 = arith.constant 3 : index
    %get3A_445 = arith.constant 0 : index
    %get3A_446 = arith.constant 7 : index
    %get3A_447 = arith.constant 0 : index
    %get3A_448 = vector.load %arg1[%get3A_443, %get3A_444, %get3A_445, %get3A_446, %get3A_447] : memref<4x4x32x8x128xf32, #tpu.memory_space<vmem>>, vector<1x1x32x1x128xf32>
    %get3A_449 = vector.shape_cast %get3A_448 : vector<1x1x32x1x128xf32> to vector<32x128xf32>
    %jit3A_450 = arith.constant 0.000000e+00 : f32
    %broadcast_in_dim3A_451 = vector.broadcast %jit3A_450 : f32 to vector<32x128xf32>
    %select_n3A_452 = arith.select %eq3A_442, %get3A_449, %broadcast_in_dim3A_451 : vector<32x128xi1>, vector<32x128xf32>
    %add3A_453 = arith.addf %add3A_439, %select_n3A_452 : vector<32x128xf32>
    %mul3A = arith.mulf %add3A_453, %get3A_8 : vector<32x128xf32>
    %swap3A = arith.constant 0 : index
    %swap3A_454 = arith.constant 0 : index
    %swap3A_455 = arith.constant 0 : index
    %swap3A_456 = vector.load %arg4[%swap3A, %swap3A_454, %swap3A_455] : memref<4x32x128xf32, #tpu.memory_space<vmem>>, vector<1x32x128xf32>
    %swap3A_457 = vector.shape_cast %swap3A_456 : vector<1x32x128xf32> to vector<32x128xf32>
    %swap3A_458 = vector.shape_cast %mul3A : vector<32x128xf32> to vector<1x32x128xf32>
    tpu.vector_store %arg4[%swap3A, %swap3A_454, %swap3A_455], %swap3A_458 {strides = array<i32>} : memref<4x32x128xf32, #tpu.memory_space<vmem>>, vector<1x32x128xf32>,
    %get3A_459 = arith.constant 1 : index
    %get3A_460 = arith.constant 0 : index
    %get3A_461 = arith.constant 0 : index
    %get3A_462 = vector.load %arg2[%get3A_459, %get3A_460, %get3A_461] : memref<4x32x128xi32, #tpu.memory_space<vmem>>, vector<1x32x128xi32>
    %get3A_463 = vector.shape_cast %get3A_462 : vector<1x32x128xi32> to vector<32x128xi32>
    %get3A_464 = arith.constant 1 : index
    %get3A_465 = arith.constant 0 : index
    %get3A_466 = arith.constant 0 : index
    %get3A_467 = vector.load %arg3[%get3A_464, %get3A_465, %get3A_466] : memref<4x32x128xf32, #tpu.memory_space<vmem>>, vector<1x32x128xf32>
    %get3A_468 = vector.shape_cast %get3A_467 : vector<1x32x128xf32> to vector<32x128xf32>
    %broadcast_in_dim3A_469 = arith.constant 0.000000e+00 : f32
    %broadcast_in_dim3A_470 = vector.broadcast %broadcast_in_dim3A_469 : f32 to vector<32x128xf32>
    %eq3A_471 = arith.constant 0 : i32
    %eq3A_472 = vector.broadcast %eq3A_471 : i32 to vector<32x128xi32>
    %eq3A_473 = arith.cmpi eq, %get3A_463, %eq3A_472 : vector<32x128xi32>
    %get3A_474 = arith.constant 1 : index
    %get3A_475 = arith.constant 0 : index
    %get3A_476 = arith.constant 0 : index
    %get3A_477 = arith.constant 0 : index
    %get3A_478 = arith.constant 0 : index
    %get3A_479 = vector.load %arg1[%get3A_474, %get3A_475, %get3A_476, %get3A_477, %get3A_478] : memref<4x4x32x8x128xf32, #tpu.memory_space<vmem>>, vector<1x1x32x1x128xf32>
    %get3A_480 = vector.shape_cast %get3A_479 : vector<1x1x32x1x128xf32> to vector<32x128xf32>
    %jit3A_481 = arith.constant 0.000000e+00 : f32
    %broadcast_in_dim3A_482 = vector.broadcast %jit3A_481 : f32 to vector<32x128xf32>
    %select_n3A_483 = arith.select %eq3A_473, %get3A_480, %broadcast_in_dim3A_482 : vector<32x128xi1>, vector<32x128xf32>
    %add3A_484 = arith.addf %broadcast_in_dim3A_470, %select_n3A_483 : vector<32x128xf32>
    %eq3A_485 = arith.constant 1 : i32
    %eq3A_486 = vector.broadcast %eq3A_485 : i32 to vector<32x128xi32>
    %eq3A_487 = arith.cmpi eq, %get3A_463, %eq3A_486 : vector<32x128xi32>
    %get3A_488 = arith.constant 1 : index
    %get3A_489 = arith.constant 0 : index
    %get3A_490 = arith.constant 0 : index
    %get3A_491 = arith.constant 1 : index
    %get3A_492 = arith.constant 0 : index
    %get3A_493 = vector.load %arg1[%get3A_488, %get3A_489, %get3A_490, %get3A_491, %get3A_492] : memref<4x4x32x8x128xf32, #tpu.memory_space<vmem>>, vector<1x1x32x1x128xf32>
    %get3A_494 = vector.shape_cast %get3A_493 : vector<1x1x32x1x128xf32> to vector<32x128xf32>
    %jit3A_495 = arith.constant 0.000000e+00 : f32
    %broadcast_in_dim3A_496 = vector.broadcast %jit3A_495 : f32 to vector<32x128xf32>
    %select_n3A_497 = arith.select %eq3A_487, %get3A_494, %broadcast_in_dim3A_496 : vector<32x128xi1>, vector<32x128xf32>
    %add3A_498 = arith.addf %add3A_484, %select_n3A_497 : vector<32x128xf32>
    %eq3A_499 = arith.constant 2 : i32
    %eq3A_500 = vector.broadcast %eq3A_499 : i32 to vector<32x128xi32>
    %eq3A_501 = arith.cmpi eq, %get3A_463, %eq3A_500 : vector<32x128xi32>
    %get3A_502 = arith.constant 1 : index
    %get3A_503 = arith.constant 0 : index
    %get3A_504 = arith.constant 0 : index
    %get3A_505 = arith.constant 2 : index
    %get3A_506 = arith.constant 0 : index
    %get3A_507 = vector.load %arg1[%get3A_502, %get3A_503, %get3A_504, %get3A_505, %get3A_506] : memref<4x4x32x8x128xf32, #tpu.memory_space<vmem>>, vector<1x1x32x1x128xf32>
    %get3A_508 = vector.shape_cast %get3A_507 : vector<1x1x32x1x128xf32> to vector<32x128xf32>
    %jit3A_509 = arith.constant 0.000000e+00 : f32
    %broadcast_in_dim3A_510 = vector.broadcast %jit3A_509 : f32 to vector<32x128xf32>
    %select_n3A_511 = arith.select %eq3A_501, %get3A_508, %broadcast_in_dim3A_510 : vector<32x128xi1>, vector<32x128xf32>
    %add3A_512 = arith.addf %add3A_498, %select_n3A_511 : vector<32x128xf32>
    %eq3A_513 = arith.constant 3 : i32
    %eq3A_514 = vector.broadcast %eq3A_513 : i32 to vector<32x128xi32>
    %eq3A_515 = arith.cmpi eq, %get3A_463, %eq3A_514 : vector<32x128xi32>
    %get3A_516 = arith.constant 1 : index
    %get3A_517 = arith.constant 0 : index
    %get3A_518 = arith.constant 0 : index
    %get3A_519 = arith.constant 3 : index
    %get3A_520 = arith.constant 0 : index
    %get3A_521 = vector.load %arg1[%get3A_516, %get3A_517, %get3A_518, %get3A_519, %get3A_520] : memref<4x4x32x8x128xf32, #tpu.memory_space<vmem>>, vector<1x1x32x1x128xf32>
    %get3A_522 = vector.shape_cast %get3A_521 : vector<1x1x32x1x128xf32> to vector<32x128xf32>
    %jit3A_523 = arith.constant 0.000000e+00 : f32
    %broadcast_in_dim3A_524 = vector.broadcast %jit3A_523 : f32 to vector<32x128xf32>
    %select_n3A_525 = arith.select %eq3A_515, %get3A_522, %broadcast_in_dim3A_524 : vector<32x128xi1>, vector<32x128xf32>
    %add3A_526 = arith.addf %add3A_512, %select_n3A_525 : vector<32x128xf32>
    %eq3A_527 = arith.constant 4 : i32
    %eq3A_528 = vector.broadcast %eq3A_527 : i32 to vector<32x128xi32>
    %eq3A_529 = arith.cmpi eq, %get3A_463, %eq3A_528 : vector<32x128xi32>
    %get3A_530 = arith.constant 1 : index
    %get3A_531 = arith.constant 0 : index
    %get3A_532 = arith.constant 0 : index
    %get3A_533 = arith.constant 4 : index
    %get3A_534 = arith.constant 0 : index
    %get3A_535 = vector.load %arg1[%get3A_530, %get3A_531, %get3A_532, %get3A_533, %get3A_534] : memref<4x4x32x8x128xf32, #tpu.memory_space<vmem>>, vector<1x1x32x1x128xf32>
    %get3A_536 = vector.shape_cast %get3A_535 : vector<1x1x32x1x128xf32> to vector<32x128xf32>
    %jit3A_537 = arith.constant 0.000000e+00 : f32
    %broadcast_in_dim3A_538 = vector.broadcast %jit3A_537 : f32 to vector<32x128xf32>
    %select_n3A_539 = arith.select %eq3A_529, %get3A_536, %broadcast_in_dim3A_538 : vector<32x128xi1>, vector<32x128xf32>
    %add3A_540 = arith.addf %add3A_526, %select_n3A_539 : vector<32x128xf32>
    %eq3A_541 = arith.constant 5 : i32
    %eq3A_542 = vector.broadcast %eq3A_541 : i32 to vector<32x128xi32>
    %eq3A_543 = arith.cmpi eq, %get3A_463, %eq3A_542 : vector<32x128xi32>
    %get3A_544 = arith.constant 1 : index
    %get3A_545 = arith.constant 0 : index
    %get3A_546 = arith.constant 0 : index
    %get3A_547 = arith.constant 5 : index
    %get3A_548 = arith.constant 0 : index
    %get3A_549 = vector.load %arg1[%get3A_544, %get3A_545, %get3A_546, %get3A_547, %get3A_548] : memref<4x4x32x8x128xf32, #tpu.memory_space<vmem>>, vector<1x1x32x1x128xf32>
    %get3A_550 = vector.shape_cast %get3A_549 : vector<1x1x32x1x128xf32> to vector<32x128xf32>
    %jit3A_551 = arith.constant 0.000000e+00 : f32
    %broadcast_in_dim3A_552 = vector.broadcast %jit3A_551 : f32 to vector<32x128xf32>
    %select_n3A_553 = arith.select %eq3A_543, %get3A_550, %broadcast_in_dim3A_552 : vector<32x128xi1>, vector<32x128xf32>
    %add3A_554 = arith.addf %add3A_540, %select_n3A_553 : vector<32x128xf32>
    %eq3A_555 = arith.constant 6 : i32
    %eq3A_556 = vector.broadcast %eq3A_555 : i32 to vector<32x128xi32>
    %eq3A_557 = arith.cmpi eq, %get3A_463, %eq3A_556 : vector<32x128xi32>
    %get3A_558 = arith.constant 1 : index
    %get3A_559 = arith.constant 0 : index
    %get3A_560 = arith.constant 0 : index
    %get3A_561 = arith.constant 6 : index
    %get3A_562 = arith.constant 0 : index
    %get3A_563 = vector.load %arg1[%get3A_558, %get3A_559, %get3A_560, %get3A_561, %get3A_562] : memref<4x4x32x8x128xf32, #tpu.memory_space<vmem>>, vector<1x1x32x1x128xf32>
    %get3A_564 = vector.shape_cast %get3A_563 : vector<1x1x32x1x128xf32> to vector<32x128xf32>
    %jit3A_565 = arith.constant 0.000000e+00 : f32
    %broadcast_in_dim3A_566 = vector.broadcast %jit3A_565 : f32 to vector<32x128xf32>
    %select_n3A_567 = arith.select %eq3A_557, %get3A_564, %broadcast_in_dim3A_566 : vector<32x128xi1>, vector<32x128xf32>
    %add3A_568 = arith.addf %add3A_554, %select_n3A_567 : vector<32x128xf32>
    %eq3A_569 = arith.constant 7 : i32
    %eq3A_570 = vector.broadcast %eq3A_569 : i32 to vector<32x128xi32>
    %eq3A_571 = arith.cmpi eq, %get3A_463, %eq3A_570 : vector<32x128xi32>
    %get3A_572 = arith.constant 1 : index
    %get3A_573 = arith.constant 0 : index
    %get3A_574 = arith.constant 0 : index
    %get3A_575 = arith.constant 7 : index
    %get3A_576 = arith.constant 0 : index
    %get3A_577 = vector.load %arg1[%get3A_572, %get3A_573, %get3A_574, %get3A_575, %get3A_576] : memref<4x4x32x8x128xf32, #tpu.memory_space<vmem>>, vector<1x1x32x1x128xf32>
    %get3A_578 = vector.shape_cast %get3A_577 : vector<1x1x32x1x128xf32> to vector<32x128xf32>
    %jit3A_579 = arith.constant 0.000000e+00 : f32
    %broadcast_in_dim3A_580 = vector.broadcast %jit3A_579 : f32 to vector<32x128xf32>
    %select_n3A_581 = arith.select %eq3A_571, %get3A_578, %broadcast_in_dim3A_580 : vector<32x128xi1>, vector<32x128xf32>
    %add3A_582 = arith.addf %add3A_568, %select_n3A_581 : vector<32x128xf32>
    %eq3A_583 = arith.constant 8 : i32
    %eq3A_584 = vector.broadcast %eq3A_583 : i32 to vector<32x128xi32>
    %eq3A_585 = arith.cmpi eq, %get3A_463, %eq3A_584 : vector<32x128xi32>
    %get3A_586 = arith.constant 1 : index
    %get3A_587 = arith.constant 1 : index
    %get3A_588 = arith.constant 0 : index
    %get3A_589 = arith.constant 0 : index
    %get3A_590 = arith.constant 0 : index
    %get3A_591 = vector.load %arg1[%get3A_586, %get3A_587, %get3A_588, %get3A_589, %get3A_590] : memref<4x4x32x8x128xf32, #tpu.memory_space<vmem>>, vector<1x1x32x1x128xf32>
    %get3A_592 = vector.shape_cast %get3A_591 : vector<1x1x32x1x128xf32> to vector<32x128xf32>
    %jit3A_593 = arith.constant 0.000000e+00 : f32
    %broadcast_in_dim3A_594 = vector.broadcast %jit3A_593 : f32 to vector<32x128xf32>
    %select_n3A_595 = arith.select %eq3A_585, %get3A_592, %broadcast_in_dim3A_594 : vector<32x128xi1>, vector<32x128xf32>
    %add3A_596 = arith.addf %add3A_582, %select_n3A_595 : vector<32x128xf32>
    %eq3A_597 = arith.constant 9 : i32
    %eq3A_598 = vector.broadcast %eq3A_597 : i32 to vector<32x128xi32>
    %eq3A_599 = arith.cmpi eq, %get3A_463, %eq3A_598 : vector<32x128xi32>
    %get3A_600 = arith.constant 1 : index
    %get3A_601 = arith.constant 1 : index
    %get3A_602 = arith.constant 0 : index
    %get3A_603 = arith.constant 1 : index
    %get3A_604 = arith.constant 0 : index
    %get3A_605 = vector.load %arg1[%get3A_600, %get3A_601, %get3A_602, %get3A_603, %get3A_604] : memref<4x4x32x8x128xf32, #tpu.memory_space<vmem>>, vector<1x1x32x1x128xf32>
    %get3A_606 = vector.shape_cast %get3A_605 : vector<1x1x32x1x128xf32> to vector<32x128xf32>
    %jit3A_607 = arith.constant 0.000000e+00 : f32
    %broadcast_in_dim3A_608 = vector.broadcast %jit3A_607 : f32 to vector<32x128xf32>
    %select_n3A_609 = arith.select %eq3A_599, %get3A_606, %broadcast_in_dim3A_608 : vector<32x128xi1>, vector<32x128xf32>
    %add3A_610 = arith.addf %add3A_596, %select_n3A_609 : vector<32x128xf32>
    %eq3A_611 = arith.constant 10 : i32
    %eq3A_612 = vector.broadcast %eq3A_611 : i32 to vector<32x128xi32>
    %eq3A_613 = arith.cmpi eq, %get3A_463, %eq3A_612 : vector<32x128xi32>
    %get3A_614 = arith.constant 1 : index
    %get3A_615 = arith.constant 1 : index
    %get3A_616 = arith.constant 0 : index
    %get3A_617 = arith.constant 2 : index
    %get3A_618 = arith.constant 0 : index
    %get3A_619 = vector.load %arg1[%get3A_614, %get3A_615, %get3A_616, %get3A_617, %get3A_618] : memref<4x4x32x8x128xf32, #tpu.memory_space<vmem>>, vector<1x1x32x1x128xf32>
    %get3A_620 = vector.shape_cast %get3A_619 : vector<1x1x32x1x128xf32> to vector<32x128xf32>
    %jit3A_621 = arith.constant 0.000000e+00 : f32
    %broadcast_in_dim3A_622 = vector.broadcast %jit3A_621 : f32 to vector<32x128xf32>
    %select_n3A_623 = arith.select %eq3A_613, %get3A_620, %broadcast_in_dim3A_622 : vector<32x128xi1>, vector<32x128xf32>
    %add3A_624 = arith.addf %add3A_610, %select_n3A_623 : vector<32x128xf32>
    %eq3A_625 = arith.constant 11 : i32
    %eq3A_626 = vector.broadcast %eq3A_625 : i32 to vector<32x128xi32>
    %eq3A_627 = arith.cmpi eq, %get3A_463, %eq3A_626 : vector<32x128xi32>
    %get3A_628 = arith.constant 1 : index
    %get3A_629 = arith.constant 1 : index
    %get3A_630 = arith.constant 0 : index
    %get3A_631 = arith.constant 3 : index
    %get3A_632 = arith.constant 0 : index
    %get3A_633 = vector.load %arg1[%get3A_628, %get3A_629, %get3A_630, %get3A_631, %get3A_632] : memref<4x4x32x8x128xf32, #tpu.memory_space<vmem>>, vector<1x1x32x1x128xf32>
    %get3A_634 = vector.shape_cast %get3A_633 : vector<1x1x32x1x128xf32> to vector<32x128xf32>
    %jit3A_635 = arith.constant 0.000000e+00 : f32
    %broadcast_in_dim3A_636 = vector.broadcast %jit3A_635 : f32 to vector<32x128xf32>
    %select_n3A_637 = arith.select %eq3A_627, %get3A_634, %broadcast_in_dim3A_636 : vector<32x128xi1>, vector<32x128xf32>
    %add3A_638 = arith.addf %add3A_624, %select_n3A_637 : vector<32x128xf32>
    %eq3A_639 = arith.constant 12 : i32
    %eq3A_640 = vector.broadcast %eq3A_639 : i32 to vector<32x128xi32>
    %eq3A_641 = arith.cmpi eq, %get3A_463, %eq3A_640 : vector<32x128xi32>
    %get3A_642 = arith.constant 1 : index
    %get3A_643 = arith.constant 1 : index
    %get3A_644 = arith.constant 0 : index
    %get3A_645 = arith.constant 4 : index
    %get3A_646 = arith.constant 0 : index
    %get3A_647 = vector.load %arg1[%get3A_642, %get3A_643, %get3A_644, %get3A_645, %get3A_646] : memref<4x4x32x8x128xf32, #tpu.memory_space<vmem>>, vector<1x1x32x1x128xf32>
    %get3A_648 = vector.shape_cast %get3A_647 : vector<1x1x32x1x128xf32> to vector<32x128xf32>
    %jit3A_649 = arith.constant 0.000000e+00 : f32
    %broadcast_in_dim3A_650 = vector.broadcast %jit3A_649 : f32 to vector<32x128xf32>
    %select_n3A_651 = arith.select %eq3A_641, %get3A_648, %broadcast_in_dim3A_650 : vector<32x128xi1>, vector<32x128xf32>
    %add3A_652 = arith.addf %add3A_638, %select_n3A_651 : vector<32x128xf32>
    %eq3A_653 = arith.constant 13 : i32
    %eq3A_654 = vector.broadcast %eq3A_653 : i32 to vector<32x128xi32>
    %eq3A_655 = arith.cmpi eq, %get3A_463, %eq3A_654 : vector<32x128xi32>
    %get3A_656 = arith.constant 1 : index
    %get3A_657 = arith.constant 1 : index
    %get3A_658 = arith.constant 0 : index
    %get3A_659 = arith.constant 5 : index
    %get3A_660 = arith.constant 0 : index
    %get3A_661 = vector.load %arg1[%get3A_656, %get3A_657, %get3A_658, %get3A_659, %get3A_660] : memref<4x4x32x8x128xf32, #tpu.memory_space<vmem>>, vector<1x1x32x1x128xf32>
    %get3A_662 = vector.shape_cast %get3A_661 : vector<1x1x32x1x128xf32> to vector<32x128xf32>
    %jit3A_663 = arith.constant 0.000000e+00 : f32
    %broadcast_in_dim3A_664 = vector.broadcast %jit3A_663 : f32 to vector<32x128xf32>
    %select_n3A_665 = arith.select %eq3A_655, %get3A_662, %broadcast_in_dim3A_664 : vector<32x128xi1>, vector<32x128xf32>
    %add3A_666 = arith.addf %add3A_652, %select_n3A_665 : vector<32x128xf32>
    %eq3A_667 = arith.constant 14 : i32
    %eq3A_668 = vector.broadcast %eq3A_667 : i32 to vector<32x128xi32>
    %eq3A_669 = arith.cmpi eq, %get3A_463, %eq3A_668 : vector<32x128xi32>
    %get3A_670 = arith.constant 1 : index
    %get3A_671 = arith.constant 1 : index
    %get3A_672 = arith.constant 0 : index
    %get3A_673 = arith.constant 6 : index
    %get3A_674 = arith.constant 0 : index
    %get3A_675 = vector.load %arg1[%get3A_670, %get3A_671, %get3A_672, %get3A_673, %get3A_674] : memref<4x4x32x8x128xf32, #tpu.memory_space<vmem>>, vector<1x1x32x1x128xf32>
    %get3A_676 = vector.shape_cast %get3A_675 : vector<1x1x32x1x128xf32> to vector<32x128xf32>
    %jit3A_677 = arith.constant 0.000000e+00 : f32
    %broadcast_in_dim3A_678 = vector.broadcast %jit3A_677 : f32 to vector<32x128xf32>
    %select_n3A_679 = arith.select %eq3A_669, %get3A_676, %broadcast_in_dim3A_678 : vector<32x128xi1>, vector<32x128xf32>
    %add3A_680 = arith.addf %add3A_666, %select_n3A_679 : vector<32x128xf32>
    %eq3A_681 = arith.constant 15 : i32
    %eq3A_682 = vector.broadcast %eq3A_681 : i32 to vector<32x128xi32>
    %eq3A_683 = arith.cmpi eq, %get3A_463, %eq3A_682 : vector<32x128xi32>
    %get3A_684 = arith.constant 1 : index
    %get3A_685 = arith.constant 1 : index
    %get3A_686 = arith.constant 0 : index
    %get3A_687 = arith.constant 7 : index
    %get3A_688 = arith.constant 0 : index
    %get3A_689 = vector.load %arg1[%get3A_684, %get3A_685, %get3A_686, %get3A_687, %get3A_688] : memref<4x4x32x8x128xf32, #tpu.memory_space<vmem>>, vector<1x1x32x1x128xf32>
    %get3A_690 = vector.shape_cast %get3A_689 : vector<1x1x32x1x128xf32> to vector<32x128xf32>
    %jit3A_691 = arith.constant 0.000000e+00 : f32
    %broadcast_in_dim3A_692 = vector.broadcast %jit3A_691 : f32 to vector<32x128xf32>
    %select_n3A_693 = arith.select %eq3A_683, %get3A_690, %broadcast_in_dim3A_692 : vector<32x128xi1>, vector<32x128xf32>
    %add3A_694 = arith.addf %add3A_680, %select_n3A_693 : vector<32x128xf32>
    %eq3A_695 = arith.constant 16 : i32
    %eq3A_696 = vector.broadcast %eq3A_695 : i32 to vector<32x128xi32>
    %eq3A_697 = arith.cmpi eq, %get3A_463, %eq3A_696 : vector<32x128xi32>
    %get3A_698 = arith.constant 1 : index
    %get3A_699 = arith.constant 2 : index
    %get3A_700 = arith.constant 0 : index
    %get3A_701 = arith.constant 0 : index
    %get3A_702 = arith.constant 0 : index
    %get3A_703 = vector.load %arg1[%get3A_698, %get3A_699, %get3A_700, %get3A_701, %get3A_702] : memref<4x4x32x8x128xf32, #tpu.memory_space<vmem>>, vector<1x1x32x1x128xf32>
    %get3A_704 = vector.shape_cast %get3A_703 : vector<1x1x32x1x128xf32> to vector<32x128xf32>
    %jit3A_705 = arith.constant 0.000000e+00 : f32
    %broadcast_in_dim3A_706 = vector.broadcast %jit3A_705 : f32 to vector<32x128xf32>
    %select_n3A_707 = arith.select %eq3A_697, %get3A_704, %broadcast_in_dim3A_706 : vector<32x128xi1>, vector<32x128xf32>
    %add3A_708 = arith.addf %add3A_694, %select_n3A_707 : vector<32x128xf32>
    %eq3A_709 = arith.constant 17 : i32
    %eq3A_710 = vector.broadcast %eq3A_709 : i32 to vector<32x128xi32>
    %eq3A_711 = arith.cmpi eq, %get3A_463, %eq3A_710 : vector<32x128xi32>
    %get3A_712 = arith.constant 1 : index
    %get3A_713 = arith.constant 2 : index
    %get3A_714 = arith.constant 0 : index
    %get3A_715 = arith.constant 1 : index
    %get3A_716 = arith.constant 0 : index
    %get3A_717 = vector.load %arg1[%get3A_712, %get3A_713, %get3A_714, %get3A_715, %get3A_716] : memref<4x4x32x8x128xf32, #tpu.memory_space<vmem>>, vector<1x1x32x1x128xf32>
    %get3A_718 = vector.shape_cast %get3A_717 : vector<1x1x32x1x128xf32> to vector<32x128xf32>
    %jit3A_719 = arith.constant 0.000000e+00 : f32
    %broadcast_in_dim3A_720 = vector.broadcast %jit3A_719 : f32 to vector<32x128xf32>
    %select_n3A_721 = arith.select %eq3A_711, %get3A_718, %broadcast_in_dim3A_720 : vector<32x128xi1>, vector<32x128xf32>
    %add3A_722 = arith.addf %add3A_708, %select_n3A_721 : vector<32x128xf32>
    %eq3A_723 = arith.constant 18 : i32
    %eq3A_724 = vector.broadcast %eq3A_723 : i32 to vector<32x128xi32>
    %eq3A_725 = arith.cmpi eq, %get3A_463, %eq3A_724 : vector<32x128xi32>
    %get3A_726 = arith.constant 1 : index
    %get3A_727 = arith.constant 2 : index
    %get3A_728 = arith.constant 0 : index
    %get3A_729 = arith.constant 2 : index
    %get3A_730 = arith.constant 0 : index
    %get3A_731 = vector.load %arg1[%get3A_726, %get3A_727, %get3A_728, %get3A_729, %get3A_730] : memref<4x4x32x8x128xf32, #tpu.memory_space<vmem>>, vector<1x1x32x1x128xf32>
    %get3A_732 = vector.shape_cast %get3A_731 : vector<1x1x32x1x128xf32> to vector<32x128xf32>
    %jit3A_733 = arith.constant 0.000000e+00 : f32
    %broadcast_in_dim3A_734 = vector.broadcast %jit3A_733 : f32 to vector<32x128xf32>
    %select_n3A_735 = arith.select %eq3A_725, %get3A_732, %broadcast_in_dim3A_734 : vector<32x128xi1>, vector<32x128xf32>
    %add3A_736 = arith.addf %add3A_722, %select_n3A_735 : vector<32x128xf32>
    %eq3A_737 = arith.constant 19 : i32
    %eq3A_738 = vector.broadcast %eq3A_737 : i32 to vector<32x128xi32>
    %eq3A_739 = arith.cmpi eq, %get3A_463, %eq3A_738 : vector<32x128xi32>
    %get3A_740 = arith.constant 1 : index
    %get3A_741 = arith.constant 2 : index
    %get3A_742 = arith.constant 0 : index
    %get3A_743 = arith.constant 3 : index
    %get3A_744 = arith.constant 0 : index
    %get3A_745 = vector.load %arg1[%get3A_740, %get3A_741, %get3A_742, %get3A_743, %get3A_744] : memref<4x4x32x8x128xf32, #tpu.memory_space<vmem>>, vector<1x1x32x1x128xf32>
    %get3A_746 = vector.shape_cast %get3A_745 : vector<1x1x32x1x128xf32> to vector<32x128xf32>
    %jit3A_747 = arith.constant 0.000000e+00 : f32
    %broadcast_in_dim3A_748 = vector.broadcast %jit3A_747 : f32 to vector<32x128xf32>
    %select_n3A_749 = arith.select %eq3A_739, %get3A_746, %broadcast_in_dim3A_748 : vector<32x128xi1>, vector<32x128xf32>
    %add3A_750 = arith.addf %add3A_736, %select_n3A_749 : vector<32x128xf32>
    %eq3A_751 = arith.constant 20 : i32
    %eq3A_752 = vector.broadcast %eq3A_751 : i32 to vector<32x128xi32>
    %eq3A_753 = arith.cmpi eq, %get3A_463, %eq3A_752 : vector<32x128xi32>
    %get3A_754 = arith.constant 1 : index
    %get3A_755 = arith.constant 2 : index
    %get3A_756 = arith.constant 0 : index
    %get3A_757 = arith.constant 4 : index
    %get3A_758 = arith.constant 0 : index
    %get3A_759 = vector.load %arg1[%get3A_754, %get3A_755, %get3A_756, %get3A_757, %get3A_758] : memref<4x4x32x8x128xf32, #tpu.memory_space<vmem>>, vector<1x1x32x1x128xf32>
    %get3A_760 = vector.shape_cast %get3A_759 : vector<1x1x32x1x128xf32> to vector<32x128xf32>
    %jit3A_761 = arith.constant 0.000000e+00 : f32
    %broadcast_in_dim3A_762 = vector.broadcast %jit3A_761 : f32 to vector<32x128xf32>
    %select_n3A_763 = arith.select %eq3A_753, %get3A_760, %broadcast_in_dim3A_762 : vector<32x128xi1>, vector<32x128xf32>
    %add3A_764 = arith.addf %add3A_750, %select_n3A_763 : vector<32x128xf32>
    %eq3A_765 = arith.constant 21 : i32
    %eq3A_766 = vector.broadcast %eq3A_765 : i32 to vector<32x128xi32>
    %eq3A_767 = arith.cmpi eq, %get3A_463, %eq3A_766 : vector<32x128xi32>
    %get3A_768 = arith.constant 1 : index
    %get3A_769 = arith.constant 2 : index
    %get3A_770 = arith.constant 0 : index
    %get3A_771 = arith.constant 5 : index
    %get3A_772 = arith.constant 0 : index
    %get3A_773 = vector.load %arg1[%get3A_768, %get3A_769, %get3A_770, %get3A_771, %get3A_772] : memref<4x4x32x8x128xf32, #tpu.memory_space<vmem>>, vector<1x1x32x1x128xf32>
    %get3A_774 = vector.shape_cast %get3A_773 : vector<1x1x32x1x128xf32> to vector<32x128xf32>
    %jit3A_775 = arith.constant 0.000000e+00 : f32
    %broadcast_in_dim3A_776 = vector.broadcast %jit3A_775 : f32 to vector<32x128xf32>
    %select_n3A_777 = arith.select %eq3A_767, %get3A_774, %broadcast_in_dim3A_776 : vector<32x128xi1>, vector<32x128xf32>
    %add3A_778 = arith.addf %add3A_764, %select_n3A_777 : vector<32x128xf32>
    %eq3A_779 = arith.constant 22 : i32
    %eq3A_780 = vector.broadcast %eq3A_779 : i32 to vector<32x128xi32>
    %eq3A_781 = arith.cmpi eq, %get3A_463, %eq3A_780 : vector<32x128xi32>
    %get3A_782 = arith.constant 1 : index
    %get3A_783 = arith.constant 2 : index
    %get3A_784 = arith.constant 0 : index
    %get3A_785 = arith.constant 6 : index
    %get3A_786 = arith.constant 0 : index
    %get3A_787 = vector.load %arg1[%get3A_782, %get3A_783, %get3A_784, %get3A_785, %get3A_786] : memref<4x4x32x8x128xf32, #tpu.memory_space<vmem>>, vector<1x1x32x1x128xf32>
    %get3A_788 = vector.shape_cast %get3A_787 : vector<1x1x32x1x128xf32> to vector<32x128xf32>
    %jit3A_789 = arith.constant 0.000000e+00 : f32
    %broadcast_in_dim3A_790 = vector.broadcast %jit3A_789 : f32 to vector<32x128xf32>
    %select_n3A_791 = arith.select %eq3A_781, %get3A_788, %broadcast_in_dim3A_790 : vector<32x128xi1>, vector<32x128xf32>
    %add3A_792 = arith.addf %add3A_778, %select_n3A_791 : vector<32x128xf32>
    %eq3A_793 = arith.constant 23 : i32
    %eq3A_794 = vector.broadcast %eq3A_793 : i32 to vector<32x128xi32>
    %eq3A_795 = arith.cmpi eq, %get3A_463, %eq3A_794 : vector<32x128xi32>
    %get3A_796 = arith.constant 1 : index
    %get3A_797 = arith.constant 2 : index
    %get3A_798 = arith.constant 0 : index
    %get3A_799 = arith.constant 7 : index
    %get3A_800 = arith.constant 0 : index
    %get3A_801 = vector.load %arg1[%get3A_796, %get3A_797, %get3A_798, %get3A_799, %get3A_800] : memref<4x4x32x8x128xf32, #tpu.memory_space<vmem>>, vector<1x1x32x1x128xf32>
    %get3A_802 = vector.shape_cast %get3A_801 : vector<1x1x32x1x128xf32> to vector<32x128xf32>
    %jit3A_803 = arith.constant 0.000000e+00 : f32
    %broadcast_in_dim3A_804 = vector.broadcast %jit3A_803 : f32 to vector<32x128xf32>
    %select_n3A_805 = arith.select %eq3A_795, %get3A_802, %broadcast_in_dim3A_804 : vector<32x128xi1>, vector<32x128xf32>
    %add3A_806 = arith.addf %add3A_792, %select_n3A_805 : vector<32x128xf32>
    %eq3A_807 = arith.constant 24 : i32
    %eq3A_808 = vector.broadcast %eq3A_807 : i32 to vector<32x128xi32>
    %eq3A_809 = arith.cmpi eq, %get3A_463, %eq3A_808 : vector<32x128xi32>
    %get3A_810 = arith.constant 1 : index
    %get3A_811 = arith.constant 3 : index
    %get3A_812 = arith.constant 0 : index
    %get3A_813 = arith.constant 0 : index
    %get3A_814 = arith.constant 0 : index
    %get3A_815 = vector.load %arg1[%get3A_810, %get3A_811, %get3A_812, %get3A_813, %get3A_814] : memref<4x4x32x8x128xf32, #tpu.memory_space<vmem>>, vector<1x1x32x1x128xf32>
    %get3A_816 = vector.shape_cast %get3A_815 : vector<1x1x32x1x128xf32> to vector<32x128xf32>
    %jit3A_817 = arith.constant 0.000000e+00 : f32
    %broadcast_in_dim3A_818 = vector.broadcast %jit3A_817 : f32 to vector<32x128xf32>
    %select_n3A_819 = arith.select %eq3A_809, %get3A_816, %broadcast_in_dim3A_818 : vector<32x128xi1>, vector<32x128xf32>
    %add3A_820 = arith.addf %add3A_806, %select_n3A_819 : vector<32x128xf32>
    %eq3A_821 = arith.constant 25 : i32
    %eq3A_822 = vector.broadcast %eq3A_821 : i32 to vector<32x128xi32>
    %eq3A_823 = arith.cmpi eq, %get3A_463, %eq3A_822 : vector<32x128xi32>
    %get3A_824 = arith.constant 1 : index
    %get3A_825 = arith.constant 3 : index
    %get3A_826 = arith.constant 0 : index
    %get3A_827 = arith.constant 1 : index
    %get3A_828 = arith.constant 0 : index
    %get3A_829 = vector.load %arg1[%get3A_824, %get3A_825, %get3A_826, %get3A_827, %get3A_828] : memref<4x4x32x8x128xf32, #tpu.memory_space<vmem>>, vector<1x1x32x1x128xf32>
    %get3A_830 = vector.shape_cast %get3A_829 : vector<1x1x32x1x128xf32> to vector<32x128xf32>
    %jit3A_831 = arith.constant 0.000000e+00 : f32
    %broadcast_in_dim3A_832 = vector.broadcast %jit3A_831 : f32 to vector<32x128xf32>
    %select_n3A_833 = arith.select %eq3A_823, %get3A_830, %broadcast_in_dim3A_832 : vector<32x128xi1>, vector<32x128xf32>
    %add3A_834 = arith.addf %add3A_820, %select_n3A_833 : vector<32x128xf32>
    %eq3A_835 = arith.constant 26 : i32
    %eq3A_836 = vector.broadcast %eq3A_835 : i32 to vector<32x128xi32>
    %eq3A_837 = arith.cmpi eq, %get3A_463, %eq3A_836 : vector<32x128xi32>
    %get3A_838 = arith.constant 1 : index
    %get3A_839 = arith.constant 3 : index
    %get3A_840 = arith.constant 0 : index
    %get3A_841 = arith.constant 2 : index
    %get3A_842 = arith.constant 0 : index
    %get3A_843 = vector.load %arg1[%get3A_838, %get3A_839, %get3A_840, %get3A_841, %get3A_842] : memref<4x4x32x8x128xf32, #tpu.memory_space<vmem>>, vector<1x1x32x1x128xf32>
    %get3A_844 = vector.shape_cast %get3A_843 : vector<1x1x32x1x128xf32> to vector<32x128xf32>
    %jit3A_845 = arith.constant 0.000000e+00 : f32
    %broadcast_in_dim3A_846 = vector.broadcast %jit3A_845 : f32 to vector<32x128xf32>
    %select_n3A_847 = arith.select %eq3A_837, %get3A_844, %broadcast_in_dim3A_846 : vector<32x128xi1>, vector<32x128xf32>
    %add3A_848 = arith.addf %add3A_834, %select_n3A_847 : vector<32x128xf32>
    %eq3A_849 = arith.constant 27 : i32
    %eq3A_850 = vector.broadcast %eq3A_849 : i32 to vector<32x128xi32>
    %eq3A_851 = arith.cmpi eq, %get3A_463, %eq3A_850 : vector<32x128xi32>
    %get3A_852 = arith.constant 1 : index
    %get3A_853 = arith.constant 3 : index
    %get3A_854 = arith.constant 0 : index
    %get3A_855 = arith.constant 3 : index
    %get3A_856 = arith.constant 0 : index
    %get3A_857 = vector.load %arg1[%get3A_852, %get3A_853, %get3A_854, %get3A_855, %get3A_856] : memref<4x4x32x8x128xf32, #tpu.memory_space<vmem>>, vector<1x1x32x1x128xf32>
    %get3A_858 = vector.shape_cast %get3A_857 : vector<1x1x32x1x128xf32> to vector<32x128xf32>
    %jit3A_859 = arith.constant 0.000000e+00 : f32
    %broadcast_in_dim3A_860 = vector.broadcast %jit3A_859 : f32 to vector<32x128xf32>
    %select_n3A_861 = arith.select %eq3A_851, %get3A_858, %broadcast_in_dim3A_860 : vector<32x128xi1>, vector<32x128xf32>
    %add3A_862 = arith.addf %add3A_848, %select_n3A_861 : vector<32x128xf32>
    %eq3A_863 = arith.constant 28 : i32
    %eq3A_864 = vector.broadcast %eq3A_863 : i32 to vector<32x128xi32>
    %eq3A_865 = arith.cmpi eq, %get3A_463, %eq3A_864 : vector<32x128xi32>
    %get3A_866 = arith.constant 1 : index
    %get3A_867 = arith.constant 3 : index
    %get3A_868 = arith.constant 0 : index
    %get3A_869 = arith.constant 4 : index
    %get3A_870 = arith.constant 0 : index
    %get3A_871 = vector.load %arg1[%get3A_866, %get3A_867, %get3A_868, %get3A_869, %get3A_870] : memref<4x4x32x8x128xf32, #tpu.memory_space<vmem>>, vector<1x1x32x1x128xf32>
    %get3A_872 = vector.shape_cast %get3A_871 : vector<1x1x32x1x128xf32> to vector<32x128xf32>
    %jit3A_873 = arith.constant 0.000000e+00 : f32
    %broadcast_in_dim3A_874 = vector.broadcast %jit3A_873 : f32 to vector<32x128xf32>
    %select_n3A_875 = arith.select %eq3A_865, %get3A_872, %broadcast_in_dim3A_874 : vector<32x128xi1>, vector<32x128xf32>
    %add3A_876 = arith.addf %add3A_862, %select_n3A_875 : vector<32x128xf32>
    %eq3A_877 = arith.constant 29 : i32
    %eq3A_878 = vector.broadcast %eq3A_877 : i32 to vector<32x128xi32>
    %eq3A_879 = arith.cmpi eq, %get3A_463, %eq3A_878 : vector<32x128xi32>
    %get3A_880 = arith.constant 1 : index
    %get3A_881 = arith.constant 3 : index
    %get3A_882 = arith.constant 0 : index
    %get3A_883 = arith.constant 5 : index
    %get3A_884 = arith.constant 0 : index
    %get3A_885 = vector.load %arg1[%get3A_880, %get3A_881, %get3A_882, %get3A_883, %get3A_884] : memref<4x4x32x8x128xf32, #tpu.memory_space<vmem>>, vector<1x1x32x1x128xf32>
    %get3A_886 = vector.shape_cast %get3A_885 : vector<1x1x32x1x128xf32> to vector<32x128xf32>
    %jit3A_887 = arith.constant 0.000000e+00 : f32
    %broadcast_in_dim3A_888 = vector.broadcast %jit3A_887 : f32 to vector<32x128xf32>
    %select_n3A_889 = arith.select %eq3A_879, %get3A_886, %broadcast_in_dim3A_888 : vector<32x128xi1>, vector<32x128xf32>
    %add3A_890 = arith.addf %add3A_876, %select_n3A_889 : vector<32x128xf32>
    %eq3A_891 = arith.constant 30 : i32
    %eq3A_892 = vector.broadcast %eq3A_891 : i32 to vector<32x128xi32>
    %eq3A_893 = arith.cmpi eq, %get3A_463, %eq3A_892 : vector<32x128xi32>
    %get3A_894 = arith.constant 1 : index
    %get3A_895 = arith.constant 3 : index
    %get3A_896 = arith.constant 0 : index
    %get3A_897 = arith.constant 6 : index
    %get3A_898 = arith.constant 0 : index
    %get3A_899 = vector.load %arg1[%get3A_894, %get3A_895, %get3A_896, %get3A_897, %get3A_898] : memref<4x4x32x8x128xf32, #tpu.memory_space<vmem>>, vector<1x1x32x1x128xf32>
    %get3A_900 = vector.shape_cast %get3A_899 : vector<1x1x32x1x128xf32> to vector<32x128xf32>
    %jit3A_901 = arith.constant 0.000000e+00 : f32
    %broadcast_in_dim3A_902 = vector.broadcast %jit3A_901 : f32 to vector<32x128xf32>
    %select_n3A_903 = arith.select %eq3A_893, %get3A_900, %broadcast_in_dim3A_902 : vector<32x128xi1>, vector<32x128xf32>
    %add3A_904 = arith.addf %add3A_890, %select_n3A_903 : vector<32x128xf32>
    %eq3A_905 = arith.constant 31 : i32
    %eq3A_906 = vector.broadcast %eq3A_905 : i32 to vector<32x128xi32>
    %eq3A_907 = arith.cmpi eq, %get3A_463, %eq3A_906 : vector<32x128xi32>
    %get3A_908 = arith.constant 1 : index
    %get3A_909 = arith.constant 3 : index
    %get3A_910 = arith.constant 0 : index
    %get3A_911 = arith.constant 7 : index
    %get3A_912 = arith.constant 0 : index
    %get3A_913 = vector.load %arg1[%get3A_908, %get3A_909, %get3A_910, %get3A_911, %get3A_912] : memref<4x4x32x8x128xf32, #tpu.memory_space<vmem>>, vector<1x1x32x1x128xf32>
    %get3A_914 = vector.shape_cast %get3A_913 : vector<1x1x32x1x128xf32> to vector<32x128xf32>
    %jit3A_915 = arith.constant 0.000000e+00 : f32
    %broadcast_in_dim3A_916 = vector.broadcast %jit3A_915 : f32 to vector<32x128xf32>
    %select_n3A_917 = arith.select %eq3A_907, %get3A_914, %broadcast_in_dim3A_916 : vector<32x128xi1>, vector<32x128xf32>
    %add3A_918 = arith.addf %add3A_904, %select_n3A_917 : vector<32x128xf32>
    %mul3A_919 = arith.mulf %add3A_918, %get3A_468 : vector<32x128xf32>
    %swap3A_920 = arith.constant 1 : index
    %swap3A_921 = arith.constant 0 : index
    %swap3A_922 = arith.constant 0 : index
    %swap3A_923 = vector.load %arg4[%swap3A_920, %swap3A_921, %swap3A_922] : memref<4x32x128xf32, #tpu.memory_space<vmem>>, vector<1x32x128xf32>
    %swap3A_924 = vector.shape_cast %swap3A_923 : vector<1x32x128xf32> to vector<32x128xf32>
    %swap3A_925 = vector.shape_cast %mul3A_919 : vector<32x128xf32> to vector<1x32x128xf32>
    tpu.vector_store %arg4[%swap3A_920, %swap3A_921, %swap3A_922], %swap3A_925 {strides = array<i32>} : memref<4x32x128xf32, #tpu.memory_space<vmem>>, vector<1x32x128xf32>,
    %get3A_926 = arith.constant 2 : index
    %get3A_927 = arith.constant 0 : index
    %get3A_928 = arith.constant 0 : index
    %get3A_929 = vector.load %arg2[%get3A_926, %get3A_927, %get3A_928] : memref<4x32x128xi32, #tpu.memory_space<vmem>>, vector<1x32x128xi32>
    %get3A_930 = vector.shape_cast %get3A_929 : vector<1x32x128xi32> to vector<32x128xi32>
    %get3A_931 = arith.constant 2 : index
    %get3A_932 = arith.constant 0 : index
    %get3A_933 = arith.constant 0 : index
    %get3A_934 = vector.load %arg3[%get3A_931, %get3A_932, %get3A_933] : memref<4x32x128xf32, #tpu.memory_space<vmem>>, vector<1x32x128xf32>
    %get3A_935 = vector.shape_cast %get3A_934 : vector<1x32x128xf32> to vector<32x128xf32>
    %broadcast_in_dim3A_936 = arith.constant 0.000000e+00 : f32
    %broadcast_in_dim3A_937 = vector.broadcast %broadcast_in_dim3A_936 : f32 to vector<32x128xf32>
    %eq3A_938 = arith.constant 0 : i32
    %eq3A_939 = vector.broadcast %eq3A_938 : i32 to vector<32x128xi32>
    %eq3A_940 = arith.cmpi eq, %get3A_930, %eq3A_939 : vector<32x128xi32>
    %get3A_941 = arith.constant 2 : index
    %get3A_942 = arith.constant 0 : index
    %get3A_943 = arith.constant 0 : index
    %get3A_944 = arith.constant 0 : index
    %get3A_945 = arith.constant 0 : index
    %get3A_946 = vector.load %arg1[%get3A_941, %get3A_942, %get3A_943, %get3A_944, %get3A_945] : memref<4x4x32x8x128xf32, #tpu.memory_space<vmem>>, vector<1x1x32x1x128xf32>
    %get3A_947 = vector.shape_cast %get3A_946 : vector<1x1x32x1x128xf32> to vector<32x128xf32>
    %jit3A_948 = arith.constant 0.000000e+00 : f32
    %broadcast_in_dim3A_949 = vector.broadcast %jit3A_948 : f32 to vector<32x128xf32>
    %select_n3A_950 = arith.select %eq3A_940, %get3A_947, %broadcast_in_dim3A_949 : vector<32x128xi1>, vector<32x128xf32>
    %add3A_951 = arith.addf %broadcast_in_dim3A_937, %select_n3A_950 : vector<32x128xf32>
    %eq3A_952 = arith.constant 1 : i32
    %eq3A_953 = vector.broadcast %eq3A_952 : i32 to vector<32x128xi32>
    %eq3A_954 = arith.cmpi eq, %get3A_930, %eq3A_953 : vector<32x128xi32>
    %get3A_955 = arith.constant 2 : index
    %get3A_956 = arith.constant 0 : index
    %get3A_957 = arith.constant 0 : index
    %get3A_958 = arith.constant 1 : index
    %get3A_959 = arith.constant 0 : index
    %get3A_960 = vector.load %arg1[%get3A_955, %get3A_956, %get3A_957, %get3A_958, %get3A_959] : memref<4x4x32x8x128xf32, #tpu.memory_space<vmem>>, vector<1x1x32x1x128xf32>
    %get3A_961 = vector.shape_cast %get3A_960 : vector<1x1x32x1x128xf32> to vector<32x128xf32>
    %jit3A_962 = arith.constant 0.000000e+00 : f32
    %broadcast_in_dim3A_963 = vector.broadcast %jit3A_962 : f32 to vector<32x128xf32>
    %select_n3A_964 = arith.select %eq3A_954, %get3A_961, %broadcast_in_dim3A_963 : vector<32x128xi1>, vector<32x128xf32>
    %add3A_965 = arith.addf %add3A_951, %select_n3A_964 : vector<32x128xf32>
    %eq3A_966 = arith.constant 2 : i32
    %eq3A_967 = vector.broadcast %eq3A_966 : i32 to vector<32x128xi32>
    %eq3A_968 = arith.cmpi eq, %get3A_930, %eq3A_967 : vector<32x128xi32>
    %get3A_969 = arith.constant 2 : index
    %get3A_970 = arith.constant 0 : index
    %get3A_971 = arith.constant 0 : index
    %get3A_972 = arith.constant 2 : index
    %get3A_973 = arith.constant 0 : index
    %get3A_974 = vector.load %arg1[%get3A_969, %get3A_970, %get3A_971, %get3A_972, %get3A_973] : memref<4x4x32x8x128xf32, #tpu.memory_space<vmem>>, vector<1x1x32x1x128xf32>
    %get3A_975 = vector.shape_cast %get3A_974 : vector<1x1x32x1x128xf32> to vector<32x128xf32>
    %jit3A_976 = arith.constant 0.000000e+00 : f32
    %broadcast_in_dim3A_977 = vector.broadcast %jit3A_976 : f32 to vector<32x128xf32>
    %select_n3A_978 = arith.select %eq3A_968, %get3A_975, %broadcast_in_dim3A_977 : vector<32x128xi1>, vector<32x128xf32>
    %add3A_979 = arith.addf %add3A_965, %select_n3A_978 : vector<32x128xf32>
    %eq3A_980 = arith.constant 3 : i32
    %eq3A_981 = vector.broadcast %eq3A_980 : i32 to vector<32x128xi32>
    %eq3A_982 = arith.cmpi eq, %get3A_930, %eq3A_981 : vector<32x128xi32>
    %get3A_983 = arith.constant 2 : index
    %get3A_984 = arith.constant 0 : index
    %get3A_985 = arith.constant 0 : index
    %get3A_986 = arith.constant 3 : index
    %get3A_987 = arith.constant 0 : index
    %get3A_988 = vector.load %arg1[%get3A_983, %get3A_984, %get3A_985, %get3A_986, %get3A_987] : memref<4x4x32x8x128xf32, #tpu.memory_space<vmem>>, vector<1x1x32x1x128xf32>
    %get3A_989 = vector.shape_cast %get3A_988 : vector<1x1x32x1x128xf32> to vector<32x128xf32>
    %jit3A_990 = arith.constant 0.000000e+00 : f32
    %broadcast_in_dim3A_991 = vector.broadcast %jit3A_990 : f32 to vector<32x128xf32>
    %select_n3A_992 = arith.select %eq3A_982, %get3A_989, %broadcast_in_dim3A_991 : vector<32x128xi1>, vector<32x128xf32>
    %add3A_993 = arith.addf %add3A_979, %select_n3A_992 : vector<32x128xf32>
    %eq3A_994 = arith.constant 4 : i32
    %eq3A_995 = vector.broadcast %eq3A_994 : i32 to vector<32x128xi32>
    %eq3A_996 = arith.cmpi eq, %get3A_930, %eq3A_995 : vector<32x128xi32>
    %get3A_997 = arith.constant 2 : index
    %get3A_998 = arith.constant 0 : index
    %get3A_999 = arith.constant 0 : index
    %get3A_1000 = arith.constant 4 : index
    %get3A_1001 = arith.constant 0 : index
    %get3A_1002 = vector.load %arg1[%get3A_997, %get3A_998, %get3A_999, %get3A_1000, %get3A_1001] : memref<4x4x32x8x128xf32, #tpu.memory_space<vmem>>, vector<1x1x32x1x128xf32>
    %get3A_1003 = vector.shape_cast %get3A_1002 : vector<1x1x32x1x128xf32> to vector<32x128xf32>
    %jit3A_1004 = arith.constant 0.000000e+00 : f32
    %broadcast_in_dim3A_1005 = vector.broadcast %jit3A_1004 : f32 to vector<32x128xf32>
    %select_n3A_1006 = arith.select %eq3A_996, %get3A_1003, %broadcast_in_dim3A_1005 : vector<32x128xi1>, vector<32x128xf32>
    %add3A_1007 = arith.addf %add3A_993, %select_n3A_1006 : vector<32x128xf32>
    %eq3A_1008 = arith.constant 5 : i32
    %eq3A_1009 = vector.broadcast %eq3A_1008 : i32 to vector<32x128xi32>
    %eq3A_1010 = arith.cmpi eq, %get3A_930, %eq3A_1009 : vector<32x128xi32>
    %get3A_1011 = arith.constant 2 : index
    %get3A_1012 = arith.constant 0 : index
    %get3A_1013 = arith.constant 0 : index
    %get3A_1014 = arith.constant 5 : index
    %get3A_1015 = arith.constant 0 : index
    %get3A_1016 = vector.load %arg1[%get3A_1011, %get3A_1012, %get3A_1013, %get3A_1014, %get3A_1015] : memref<4x4x32x8x128xf32, #tpu.memory_space<vmem>>, vector<1x1x32x1x128xf32>
    %get3A_1017 = vector.shape_cast %get3A_1016 : vector<1x1x32x1x128xf32> to vector<32x128xf32>
    %jit3A_1018 = arith.constant 0.000000e+00 : f32
    %broadcast_in_dim3A_1019 = vector.broadcast %jit3A_1018 : f32 to vector<32x128xf32>
    %select_n3A_1020 = arith.select %eq3A_1010, %get3A_1017, %broadcast_in_dim3A_1019 : vector<32x128xi1>, vector<32x128xf32>
    %add3A_1021 = arith.addf %add3A_1007, %select_n3A_1020 : vector<32x128xf32>
    %eq3A_1022 = arith.constant 6 : i32
    %eq3A_1023 = vector.broadcast %eq3A_1022 : i32 to vector<32x128xi32>
    %eq3A_1024 = arith.cmpi eq, %get3A_930, %eq3A_1023 : vector<32x128xi32>
    %get3A_1025 = arith.constant 2 : index
    %get3A_1026 = arith.constant 0 : index
    %get3A_1027 = arith.constant 0 : index
    %get3A_1028 = arith.constant 6 : index
    %get3A_1029 = arith.constant 0 : index
    %get3A_1030 = vector.load %arg1[%get3A_1025, %get3A_1026, %get3A_1027, %get3A_1028, %get3A_1029] : memref<4x4x32x8x128xf32, #tpu.memory_space<vmem>>, vector<1x1x32x1x128xf32>
    %get3A_1031 = vector.shape_cast %get3A_1030 : vector<1x1x32x1x128xf32> to vector<32x128xf32>
    %jit3A_1032 = arith.constant 0.000000e+00 : f32
    %broadcast_in_dim3A_1033 = vector.broadcast %jit3A_1032 : f32 to vector<32x128xf32>
    %select_n3A_1034 = arith.select %eq3A_1024, %get3A_1031, %broadcast_in_dim3A_1033 : vector<32x128xi1>, vector<32x128xf32>
    %add3A_1035 = arith.addf %add3A_1021, %select_n3A_1034 : vector<32x128xf32>
    %eq3A_1036 = arith.constant 7 : i32
    %eq3A_1037 = vector.broadcast %eq3A_1036 : i32 to vector<32x128xi32>
    %eq3A_1038 = arith.cmpi eq, %get3A_930, %eq3A_1037 : vector<32x128xi32>
    %get3A_1039 = arith.constant 2 : index
    %get3A_1040 = arith.constant 0 : index
    %get3A_1041 = arith.constant 0 : index
    %get3A_1042 = arith.constant 7 : index
    %get3A_1043 = arith.constant 0 : index
    %get3A_1044 = vector.load %arg1[%get3A_1039, %get3A_1040, %get3A_1041, %get3A_1042, %get3A_1043] : memref<4x4x32x8x128xf32, #tpu.memory_space<vmem>>, vector<1x1x32x1x128xf32>
    %get3A_1045 = vector.shape_cast %get3A_1044 : vector<1x1x32x1x128xf32> to vector<32x128xf32>
    %jit3A_1046 = arith.constant 0.000000e+00 : f32
    %broadcast_in_dim3A_1047 = vector.broadcast %jit3A_1046 : f32 to vector<32x128xf32>
    %select_n3A_1048 = arith.select %eq3A_1038, %get3A_1045, %broadcast_in_dim3A_1047 : vector<32x128xi1>, vector<32x128xf32>
    %add3A_1049 = arith.addf %add3A_1035, %select_n3A_1048 : vector<32x128xf32>
    %eq3A_1050 = arith.constant 8 : i32
    %eq3A_1051 = vector.broadcast %eq3A_1050 : i32 to vector<32x128xi32>
    %eq3A_1052 = arith.cmpi eq, %get3A_930, %eq3A_1051 : vector<32x128xi32>
    %get3A_1053 = arith.constant 2 : index
    %get3A_1054 = arith.constant 1 : index
    %get3A_1055 = arith.constant 0 : index
    %get3A_1056 = arith.constant 0 : index
    %get3A_1057 = arith.constant 0 : index
    %get3A_1058 = vector.load %arg1[%get3A_1053, %get3A_1054, %get3A_1055, %get3A_1056, %get3A_1057] : memref<4x4x32x8x128xf32, #tpu.memory_space<vmem>>, vector<1x1x32x1x128xf32>
    %get3A_1059 = vector.shape_cast %get3A_1058 : vector<1x1x32x1x128xf32> to vector<32x128xf32>
    %jit3A_1060 = arith.constant 0.000000e+00 : f32
    %broadcast_in_dim3A_1061 = vector.broadcast %jit3A_1060 : f32 to vector<32x128xf32>
    %select_n3A_1062 = arith.select %eq3A_1052, %get3A_1059, %broadcast_in_dim3A_1061 : vector<32x128xi1>, vector<32x128xf32>
    %add3A_1063 = arith.addf %add3A_1049, %select_n3A_1062 : vector<32x128xf32>
    %eq3A_1064 = arith.constant 9 : i32
    %eq3A_1065 = vector.broadcast %eq3A_1064 : i32 to vector<32x128xi32>
    %eq3A_1066 = arith.cmpi eq, %get3A_930, %eq3A_1065 : vector<32x128xi32>
    %get3A_1067 = arith.constant 2 : index
    %get3A_1068 = arith.constant 1 : index
    %get3A_1069 = arith.constant 0 : index
    %get3A_1070 = arith.constant 1 : index
    %get3A_1071 = arith.constant 0 : index
    %get3A_1072 = vector.load %arg1[%get3A_1067, %get3A_1068, %get3A_1069, %get3A_1070, %get3A_1071] : memref<4x4x32x8x128xf32, #tpu.memory_space<vmem>>, vector<1x1x32x1x128xf32>
    %get3A_1073 = vector.shape_cast %get3A_1072 : vector<1x1x32x1x128xf32> to vector<32x128xf32>
    %jit3A_1074 = arith.constant 0.000000e+00 : f32
    %broadcast_in_dim3A_1075 = vector.broadcast %jit3A_1074 : f32 to vector<32x128xf32>
    %select_n3A_1076 = arith.select %eq3A_1066, %get3A_1073, %broadcast_in_dim3A_1075 : vector<32x128xi1>, vector<32x128xf32>
    %add3A_1077 = arith.addf %add3A_1063, %select_n3A_1076 : vector<32x128xf32>
    %eq3A_1078 = arith.constant 10 : i32
    %eq3A_1079 = vector.broadcast %eq3A_1078 : i32 to vector<32x128xi32>
    %eq3A_1080 = arith.cmpi eq, %get3A_930, %eq3A_1079 : vector<32x128xi32>
    %get3A_1081 = arith.constant 2 : index
    %get3A_1082 = arith.constant 1 : index
    %get3A_1083 = arith.constant 0 : index
    %get3A_1084 = arith.constant 2 : index
    %get3A_1085 = arith.constant 0 : index
    %get3A_1086 = vector.load %arg1[%get3A_1081, %get3A_1082, %get3A_1083, %get3A_1084, %get3A_1085] : memref<4x4x32x8x128xf32, #tpu.memory_space<vmem>>, vector<1x1x32x1x128xf32>
    %get3A_1087 = vector.shape_cast %get3A_1086 : vector<1x1x32x1x128xf32> to vector<32x128xf32>
    %jit3A_1088 = arith.constant 0.000000e+00 : f32
    %broadcast_in_dim3A_1089 = vector.broadcast %jit3A_1088 : f32 to vector<32x128xf32>
    %select_n3A_1090 = arith.select %eq3A_1080, %get3A_1087, %broadcast_in_dim3A_1089 : vector<32x128xi1>, vector<32x128xf32>
    %add3A_1091 = arith.addf %add3A_1077, %select_n3A_1090 : vector<32x128xf32>
    %eq3A_1092 = arith.constant 11 : i32
    %eq3A_1093 = vector.broadcast %eq3A_1092 : i32 to vector<32x128xi32>
    %eq3A_1094 = arith.cmpi eq, %get3A_930, %eq3A_1093 : vector<32x128xi32>
    %get3A_1095 = arith.constant 2 : index
    %get3A_1096 = arith.constant 1 : index
    %get3A_1097 = arith.constant 0 : index
    %get3A_1098 = arith.constant 3 : index
    %get3A_1099 = arith.constant 0 : index
    %get3A_1100 = vector.load %arg1[%get3A_1095, %get3A_1096, %get3A_1097, %get3A_1098, %get3A_1099] : memref<4x4x32x8x128xf32, #tpu.memory_space<vmem>>, vector<1x1x32x1x128xf32>
    %get3A_1101 = vector.shape_cast %get3A_1100 : vector<1x1x32x1x128xf32> to vector<32x128xf32>
    %jit3A_1102 = arith.constant 0.000000e+00 : f32
    %broadcast_in_dim3A_1103 = vector.broadcast %jit3A_1102 : f32 to vector<32x128xf32>
    %select_n3A_1104 = arith.select %eq3A_1094, %get3A_1101, %broadcast_in_dim3A_1103 : vector<32x128xi1>, vector<32x128xf32>
    %add3A_1105 = arith.addf %add3A_1091, %select_n3A_1104 : vector<32x128xf32>
    %eq3A_1106 = arith.constant 12 : i32
    %eq3A_1107 = vector.broadcast %eq3A_1106 : i32 to vector<32x128xi32>
    %eq3A_1108 = arith.cmpi eq, %get3A_930, %eq3A_1107 : vector<32x128xi32>
    %get3A_1109 = arith.constant 2 : index
    %get3A_1110 = arith.constant 1 : index
    %get3A_1111 = arith.constant 0 : index
    %get3A_1112 = arith.constant 4 : index
    %get3A_1113 = arith.constant 0 : index
    %get3A_1114 = vector.load %arg1[%get3A_1109, %get3A_1110, %get3A_1111, %get3A_1112, %get3A_1113] : memref<4x4x32x8x128xf32, #tpu.memory_space<vmem>>, vector<1x1x32x1x128xf32>
    %get3A_1115 = vector.shape_cast %get3A_1114 : vector<1x1x32x1x128xf32> to vector<32x128xf32>
    %jit3A_1116 = arith.constant 0.000000e+00 : f32
    %broadcast_in_dim3A_1117 = vector.broadcast %jit3A_1116 : f32 to vector<32x128xf32>
    %select_n3A_1118 = arith.select %eq3A_1108, %get3A_1115, %broadcast_in_dim3A_1117 : vector<32x128xi1>, vector<32x128xf32>
    %add3A_1119 = arith.addf %add3A_1105, %select_n3A_1118 : vector<32x128xf32>
    %eq3A_1120 = arith.constant 13 : i32
    %eq3A_1121 = vector.broadcast %eq3A_1120 : i32 to vector<32x128xi32>
    %eq3A_1122 = arith.cmpi eq, %get3A_930, %eq3A_1121 : vector<32x128xi32>
    %get3A_1123 = arith.constant 2 : index
    %get3A_1124 = arith.constant 1 : index
    %get3A_1125 = arith.constant 0 : index
    %get3A_1126 = arith.constant 5 : index
    %get3A_1127 = arith.constant 0 : index
    %get3A_1128 = vector.load %arg1[%get3A_1123, %get3A_1124, %get3A_1125, %get3A_1126, %get3A_1127] : memref<4x4x32x8x128xf32, #tpu.memory_space<vmem>>, vector<1x1x32x1x128xf32>
    %get3A_1129 = vector.shape_cast %get3A_1128 : vector<1x1x32x1x128xf32> to vector<32x128xf32>
    %jit3A_1130 = arith.constant 0.000000e+00 : f32
    %broadcast_in_dim3A_1131 = vector.broadcast %jit3A_1130 : f32 to vector<32x128xf32>
    %select_n3A_1132 = arith.select %eq3A_1122, %get3A_1129, %broadcast_in_dim3A_1131 : vector<32x128xi1>, vector<32x128xf32>
    %add3A_1133 = arith.addf %add3A_1119, %select_n3A_1132 : vector<32x128xf32>
    %eq3A_1134 = arith.constant 14 : i32
    %eq3A_1135 = vector.broadcast %eq3A_1134 : i32 to vector<32x128xi32>
    %eq3A_1136 = arith.cmpi eq, %get3A_930, %eq3A_1135 : vector<32x128xi32>
    %get3A_1137 = arith.constant 2 : index
    %get3A_1138 = arith.constant 1 : index
    %get3A_1139 = arith.constant 0 : index
    %get3A_1140 = arith.constant 6 : index
    %get3A_1141 = arith.constant 0 : index
    %get3A_1142 = vector.load %arg1[%get3A_1137, %get3A_1138, %get3A_1139, %get3A_1140, %get3A_1141] : memref<4x4x32x8x128xf32, #tpu.memory_space<vmem>>, vector<1x1x32x1x128xf32>
    %get3A_1143 = vector.shape_cast %get3A_1142 : vector<1x1x32x1x128xf32> to vector<32x128xf32>
    %jit3A_1144 = arith.constant 0.000000e+00 : f32
    %broadcast_in_dim3A_1145 = vector.broadcast %jit3A_1144 : f32 to vector<32x128xf32>
    %select_n3A_1146 = arith.select %eq3A_1136, %get3A_1143, %broadcast_in_dim3A_1145 : vector<32x128xi1>, vector<32x128xf32>
    %add3A_1147 = arith.addf %add3A_1133, %select_n3A_1146 : vector<32x128xf32>
    %eq3A_1148 = arith.constant 15 : i32
    %eq3A_1149 = vector.broadcast %eq3A_1148 : i32 to vector<32x128xi32>
    %eq3A_1150 = arith.cmpi eq, %get3A_930, %eq3A_1149 : vector<32x128xi32>
    %get3A_1151 = arith.constant 2 : index
    %get3A_1152 = arith.constant 1 : index
    %get3A_1153 = arith.constant 0 : index
    %get3A_1154 = arith.constant 7 : index
    %get3A_1155 = arith.constant 0 : index
    %get3A_1156 = vector.load %arg1[%get3A_1151, %get3A_1152, %get3A_1153, %get3A_1154, %get3A_1155] : memref<4x4x32x8x128xf32, #tpu.memory_space<vmem>>, vector<1x1x32x1x128xf32>
    %get3A_1157 = vector.shape_cast %get3A_1156 : vector<1x1x32x1x128xf32> to vector<32x128xf32>
    %jit3A_1158 = arith.constant 0.000000e+00 : f32
    %broadcast_in_dim3A_1159 = vector.broadcast %jit3A_1158 : f32 to vector<32x128xf32>
    %select_n3A_1160 = arith.select %eq3A_1150, %get3A_1157, %broadcast_in_dim3A_1159 : vector<32x128xi1>, vector<32x128xf32>
    %add3A_1161 = arith.addf %add3A_1147, %select_n3A_1160 : vector<32x128xf32>
    %eq3A_1162 = arith.constant 16 : i32
    %eq3A_1163 = vector.broadcast %eq3A_1162 : i32 to vector<32x128xi32>
    %eq3A_1164 = arith.cmpi eq, %get3A_930, %eq3A_1163 : vector<32x128xi32>
    %get3A_1165 = arith.constant 2 : index
    %get3A_1166 = arith.constant 2 : index
    %get3A_1167 = arith.constant 0 : index
    %get3A_1168 = arith.constant 0 : index
    %get3A_1169 = arith.constant 0 : index
    %get3A_1170 = vector.load %arg1[%get3A_1165, %get3A_1166, %get3A_1167, %get3A_1168, %get3A_1169] : memref<4x4x32x8x128xf32, #tpu.memory_space<vmem>>, vector<1x1x32x1x128xf32>
    %get3A_1171 = vector.shape_cast %get3A_1170 : vector<1x1x32x1x128xf32> to vector<32x128xf32>
    %jit3A_1172 = arith.constant 0.000000e+00 : f32
    %broadcast_in_dim3A_1173 = vector.broadcast %jit3A_1172 : f32 to vector<32x128xf32>
    %select_n3A_1174 = arith.select %eq3A_1164, %get3A_1171, %broadcast_in_dim3A_1173 : vector<32x128xi1>, vector<32x128xf32>
    %add3A_1175 = arith.addf %add3A_1161, %select_n3A_1174 : vector<32x128xf32>
    %eq3A_1176 = arith.constant 17 : i32
    %eq3A_1177 = vector.broadcast %eq3A_1176 : i32 to vector<32x128xi32>
    %eq3A_1178 = arith.cmpi eq, %get3A_930, %eq3A_1177 : vector<32x128xi32>
    %get3A_1179 = arith.constant 2 : index
    %get3A_1180 = arith.constant 2 : index
    %get3A_1181 = arith.constant 0 : index
    %get3A_1182 = arith.constant 1 : index
    %get3A_1183 = arith.constant 0 : index
    %get3A_1184 = vector.load %arg1[%get3A_1179, %get3A_1180, %get3A_1181, %get3A_1182, %get3A_1183] : memref<4x4x32x8x128xf32, #tpu.memory_space<vmem>>, vector<1x1x32x1x128xf32>
    %get3A_1185 = vector.shape_cast %get3A_1184 : vector<1x1x32x1x128xf32> to vector<32x128xf32>
    %jit3A_1186 = arith.constant 0.000000e+00 : f32
    %broadcast_in_dim3A_1187 = vector.broadcast %jit3A_1186 : f32 to vector<32x128xf32>
    %select_n3A_1188 = arith.select %eq3A_1178, %get3A_1185, %broadcast_in_dim3A_1187 : vector<32x128xi1>, vector<32x128xf32>
    %add3A_1189 = arith.addf %add3A_1175, %select_n3A_1188 : vector<32x128xf32>
    %eq3A_1190 = arith.constant 18 : i32
    %eq3A_1191 = vector.broadcast %eq3A_1190 : i32 to vector<32x128xi32>
    %eq3A_1192 = arith.cmpi eq, %get3A_930, %eq3A_1191 : vector<32x128xi32>
    %get3A_1193 = arith.constant 2 : index
    %get3A_1194 = arith.constant 2 : index
    %get3A_1195 = arith.constant 0 : index
    %get3A_1196 = arith.constant 2 : index
    %get3A_1197 = arith.constant 0 : index
    %get3A_1198 = vector.load %arg1[%get3A_1193, %get3A_1194, %get3A_1195, %get3A_1196, %get3A_1197] : memref<4x4x32x8x128xf32, #tpu.memory_space<vmem>>, vector<1x1x32x1x128xf32>
    %get3A_1199 = vector.shape_cast %get3A_1198 : vector<1x1x32x1x128xf32> to vector<32x128xf32>
    %jit3A_1200 = arith.constant 0.000000e+00 : f32
    %broadcast_in_dim3A_1201 = vector.broadcast %jit3A_1200 : f32 to vector<32x128xf32>
    %select_n3A_1202 = arith.select %eq3A_1192, %get3A_1199, %broadcast_in_dim3A_1201 : vector<32x128xi1>, vector<32x128xf32>
    %add3A_1203 = arith.addf %add3A_1189, %select_n3A_1202 : vector<32x128xf32>
    %eq3A_1204 = arith.constant 19 : i32
    %eq3A_1205 = vector.broadcast %eq3A_1204 : i32 to vector<32x128xi32>
    %eq3A_1206 = arith.cmpi eq, %get3A_930, %eq3A_1205 : vector<32x128xi32>
    %get3A_1207 = arith.constant 2 : index
    %get3A_1208 = arith.constant 2 : index
    %get3A_1209 = arith.constant 0 : index
    %get3A_1210 = arith.constant 3 : index
    %get3A_1211 = arith.constant 0 : index
    %get3A_1212 = vector.load %arg1[%get3A_1207, %get3A_1208, %get3A_1209, %get3A_1210, %get3A_1211] : memref<4x4x32x8x128xf32, #tpu.memory_space<vmem>>, vector<1x1x32x1x128xf32>
    %get3A_1213 = vector.shape_cast %get3A_1212 : vector<1x1x32x1x128xf32> to vector<32x128xf32>
    %jit3A_1214 = arith.constant 0.000000e+00 : f32
    %broadcast_in_dim3A_1215 = vector.broadcast %jit3A_1214 : f32 to vector<32x128xf32>
    %select_n3A_1216 = arith.select %eq3A_1206, %get3A_1213, %broadcast_in_dim3A_1215 : vector<32x128xi1>, vector<32x128xf32>
    %add3A_1217 = arith.addf %add3A_1203, %select_n3A_1216 : vector<32x128xf32>
    %eq3A_1218 = arith.constant 20 : i32
    %eq3A_1219 = vector.broadcast %eq3A_1218 : i32 to vector<32x128xi32>
    %eq3A_1220 = arith.cmpi eq, %get3A_930, %eq3A_1219 : vector<32x128xi32>
    %get3A_1221 = arith.constant 2 : index
    %get3A_1222 = arith.constant 2 : index
    %get3A_1223 = arith.constant 0 : index
    %get3A_1224 = arith.constant 4 : index
    %get3A_1225 = arith.constant 0 : index
    %get3A_1226 = vector.load %arg1[%get3A_1221, %get3A_1222, %get3A_1223, %get3A_1224, %get3A_1225] : memref<4x4x32x8x128xf32, #tpu.memory_space<vmem>>, vector<1x1x32x1x128xf32>
    %get3A_1227 = vector.shape_cast %get3A_1226 : vector<1x1x32x1x128xf32> to vector<32x128xf32>
    %jit3A_1228 = arith.constant 0.000000e+00 : f32
    %broadcast_in_dim3A_1229 = vector.broadcast %jit3A_1228 : f32 to vector<32x128xf32>
    %select_n3A_1230 = arith.select %eq3A_1220, %get3A_1227, %broadcast_in_dim3A_1229 : vector<32x128xi1>, vector<32x128xf32>
    %add3A_1231 = arith.addf %add3A_1217, %select_n3A_1230 : vector<32x128xf32>
    %eq3A_1232 = arith.constant 21 : i32
    %eq3A_1233 = vector.broadcast %eq3A_1232 : i32 to vector<32x128xi32>
    %eq3A_1234 = arith.cmpi eq, %get3A_930, %eq3A_1233 : vector<32x128xi32>
    %get3A_1235 = arith.constant 2 : index
    %get3A_1236 = arith.constant 2 : index
    %get3A_1237 = arith.constant 0 : index
    %get3A_1238 = arith.constant 5 : index
    %get3A_1239 = arith.constant 0 : index
    %get3A_1240 = vector.load %arg1[%get3A_1235, %get3A_1236, %get3A_1237, %get3A_1238, %get3A_1239] : memref<4x4x32x8x128xf32, #tpu.memory_space<vmem>>, vector<1x1x32x1x128xf32>
    %get3A_1241 = vector.shape_cast %get3A_1240 : vector<1x1x32x1x128xf32> to vector<32x128xf32>
    %jit3A_1242 = arith.constant 0.000000e+00 : f32
    %broadcast_in_dim3A_1243 = vector.broadcast %jit3A_1242 : f32 to vector<32x128xf32>
    %select_n3A_1244 = arith.select %eq3A_1234, %get3A_1241, %broadcast_in_dim3A_1243 : vector<32x128xi1>, vector<32x128xf32>
    %add3A_1245 = arith.addf %add3A_1231, %select_n3A_1244 : vector<32x128xf32>
    %eq3A_1246 = arith.constant 22 : i32
    %eq3A_1247 = vector.broadcast %eq3A_1246 : i32 to vector<32x128xi32>
    %eq3A_1248 = arith.cmpi eq, %get3A_930, %eq3A_1247 : vector<32x128xi32>
    %get3A_1249 = arith.constant 2 : index
    %get3A_1250 = arith.constant 2 : index
    %get3A_1251 = arith.constant 0 : index
    %get3A_1252 = arith.constant 6 : index
    %get3A_1253 = arith.constant 0 : index
    %get3A_1254 = vector.load %arg1[%get3A_1249, %get3A_1250, %get3A_1251, %get3A_1252, %get3A_1253] : memref<4x4x32x8x128xf32, #tpu.memory_space<vmem>>, vector<1x1x32x1x128xf32>
    %get3A_1255 = vector.shape_cast %get3A_1254 : vector<1x1x32x1x128xf32> to vector<32x128xf32>
    %jit3A_1256 = arith.constant 0.000000e+00 : f32
    %broadcast_in_dim3A_1257 = vector.broadcast %jit3A_1256 : f32 to vector<32x128xf32>
    %select_n3A_1258 = arith.select %eq3A_1248, %get3A_1255, %broadcast_in_dim3A_1257 : vector<32x128xi1>, vector<32x128xf32>
    %add3A_1259 = arith.addf %add3A_1245, %select_n3A_1258 : vector<32x128xf32>
    %eq3A_1260 = arith.constant 23 : i32
    %eq3A_1261 = vector.broadcast %eq3A_1260 : i32 to vector<32x128xi32>
    %eq3A_1262 = arith.cmpi eq, %get3A_930, %eq3A_1261 : vector<32x128xi32>
    %get3A_1263 = arith.constant 2 : index
    %get3A_1264 = arith.constant 2 : index
    %get3A_1265 = arith.constant 0 : index
    %get3A_1266 = arith.constant 7 : index
    %get3A_1267 = arith.constant 0 : index
    %get3A_1268 = vector.load %arg1[%get3A_1263, %get3A_1264, %get3A_1265, %get3A_1266, %get3A_1267] : memref<4x4x32x8x128xf32, #tpu.memory_space<vmem>>, vector<1x1x32x1x128xf32>
    %get3A_1269 = vector.shape_cast %get3A_1268 : vector<1x1x32x1x128xf32> to vector<32x128xf32>
    %jit3A_1270 = arith.constant 0.000000e+00 : f32
    %broadcast_in_dim3A_1271 = vector.broadcast %jit3A_1270 : f32 to vector<32x128xf32>
    %select_n3A_1272 = arith.select %eq3A_1262, %get3A_1269, %broadcast_in_dim3A_1271 : vector<32x128xi1>, vector<32x128xf32>
    %add3A_1273 = arith.addf %add3A_1259, %select_n3A_1272 : vector<32x128xf32>
    %eq3A_1274 = arith.constant 24 : i32
    %eq3A_1275 = vector.broadcast %eq3A_1274 : i32 to vector<32x128xi32>
    %eq3A_1276 = arith.cmpi eq, %get3A_930, %eq3A_1275 : vector<32x128xi32>
    %get3A_1277 = arith.constant 2 : index
    %get3A_1278 = arith.constant 3 : index
    %get3A_1279 = arith.constant 0 : index
    %get3A_1280 = arith.constant 0 : index
    %get3A_1281 = arith.constant 0 : index
    %get3A_1282 = vector.load %arg1[%get3A_1277, %get3A_1278, %get3A_1279, %get3A_1280, %get3A_1281] : memref<4x4x32x8x128xf32, #tpu.memory_space<vmem>>, vector<1x1x32x1x128xf32>
    %get3A_1283 = vector.shape_cast %get3A_1282 : vector<1x1x32x1x128xf32> to vector<32x128xf32>
    %jit3A_1284 = arith.constant 0.000000e+00 : f32
    %broadcast_in_dim3A_1285 = vector.broadcast %jit3A_1284 : f32 to vector<32x128xf32>
    %select_n3A_1286 = arith.select %eq3A_1276, %get3A_1283, %broadcast_in_dim3A_1285 : vector<32x128xi1>, vector<32x128xf32>
    %add3A_1287 = arith.addf %add3A_1273, %select_n3A_1286 : vector<32x128xf32>
    %eq3A_1288 = arith.constant 25 : i32
    %eq3A_1289 = vector.broadcast %eq3A_1288 : i32 to vector<32x128xi32>
    %eq3A_1290 = arith.cmpi eq, %get3A_930, %eq3A_1289 : vector<32x128xi32>
    %get3A_1291 = arith.constant 2 : index
    %get3A_1292 = arith.constant 3 : index
    %get3A_1293 = arith.constant 0 : index
    %get3A_1294 = arith.constant 1 : index
    %get3A_1295 = arith.constant 0 : index
    %get3A_1296 = vector.load %arg1[%get3A_1291, %get3A_1292, %get3A_1293, %get3A_1294, %get3A_1295] : memref<4x4x32x8x128xf32, #tpu.memory_space<vmem>>, vector<1x1x32x1x128xf32>
    %get3A_1297 = vector.shape_cast %get3A_1296 : vector<1x1x32x1x128xf32> to vector<32x128xf32>
    %jit3A_1298 = arith.constant 0.000000e+00 : f32
    %broadcast_in_dim3A_1299 = vector.broadcast %jit3A_1298 : f32 to vector<32x128xf32>
    %select_n3A_1300 = arith.select %eq3A_1290, %get3A_1297, %broadcast_in_dim3A_1299 : vector<32x128xi1>, vector<32x128xf32>
    %add3A_1301 = arith.addf %add3A_1287, %select_n3A_1300 : vector<32x128xf32>
    %eq3A_1302 = arith.constant 26 : i32
    %eq3A_1303 = vector.broadcast %eq3A_1302 : i32 to vector<32x128xi32>
    %eq3A_1304 = arith.cmpi eq, %get3A_930, %eq3A_1303 : vector<32x128xi32>
    %get3A_1305 = arith.constant 2 : index
    %get3A_1306 = arith.constant 3 : index
    %get3A_1307 = arith.constant 0 : index
    %get3A_1308 = arith.constant 2 : index
    %get3A_1309 = arith.constant 0 : index
    %get3A_1310 = vector.load %arg1[%get3A_1305, %get3A_1306, %get3A_1307, %get3A_1308, %get3A_1309] : memref<4x4x32x8x128xf32, #tpu.memory_space<vmem>>, vector<1x1x32x1x128xf32>
    %get3A_1311 = vector.shape_cast %get3A_1310 : vector<1x1x32x1x128xf32> to vector<32x128xf32>
    %jit3A_1312 = arith.constant 0.000000e+00 : f32
    %broadcast_in_dim3A_1313 = vector.broadcast %jit3A_1312 : f32 to vector<32x128xf32>
    %select_n3A_1314 = arith.select %eq3A_1304, %get3A_1311, %broadcast_in_dim3A_1313 : vector<32x128xi1>, vector<32x128xf32>
    %add3A_1315 = arith.addf %add3A_1301, %select_n3A_1314 : vector<32x128xf32>
    %eq3A_1316 = arith.constant 27 : i32
    %eq3A_1317 = vector.broadcast %eq3A_1316 : i32 to vector<32x128xi32>
    %eq3A_1318 = arith.cmpi eq, %get3A_930, %eq3A_1317 : vector<32x128xi32>
    %get3A_1319 = arith.constant 2 : index
    %get3A_1320 = arith.constant 3 : index
    %get3A_1321 = arith.constant 0 : index
    %get3A_1322 = arith.constant 3 : index
    %get3A_1323 = arith.constant 0 : index
    %get3A_1324 = vector.load %arg1[%get3A_1319, %get3A_1320, %get3A_1321, %get3A_1322, %get3A_1323] : memref<4x4x32x8x128xf32, #tpu.memory_space<vmem>>, vector<1x1x32x1x128xf32>
    %get3A_1325 = vector.shape_cast %get3A_1324 : vector<1x1x32x1x128xf32> to vector<32x128xf32>
    %jit3A_1326 = arith.constant 0.000000e+00 : f32
    %broadcast_in_dim3A_1327 = vector.broadcast %jit3A_1326 : f32 to vector<32x128xf32>
    %select_n3A_1328 = arith.select %eq3A_1318, %get3A_1325, %broadcast_in_dim3A_1327 : vector<32x128xi1>, vector<32x128xf32>
    %add3A_1329 = arith.addf %add3A_1315, %select_n3A_1328 : vector<32x128xf32>
    %eq3A_1330 = arith.constant 28 : i32
    %eq3A_1331 = vector.broadcast %eq3A_1330 : i32 to vector<32x128xi32>
    %eq3A_1332 = arith.cmpi eq, %get3A_930, %eq3A_1331 : vector<32x128xi32>
    %get3A_1333 = arith.constant 2 : index
    %get3A_1334 = arith.constant 3 : index
    %get3A_1335 = arith.constant 0 : index
    %get3A_1336 = arith.constant 4 : index
    %get3A_1337 = arith.constant 0 : index
    %get3A_1338 = vector.load %arg1[%get3A_1333, %get3A_1334, %get3A_1335, %get3A_1336, %get3A_1337] : memref<4x4x32x8x128xf32, #tpu.memory_space<vmem>>, vector<1x1x32x1x128xf32>
    %get3A_1339 = vector.shape_cast %get3A_1338 : vector<1x1x32x1x128xf32> to vector<32x128xf32>
    %jit3A_1340 = arith.constant 0.000000e+00 : f32
    %broadcast_in_dim3A_1341 = vector.broadcast %jit3A_1340 : f32 to vector<32x128xf32>
    %select_n3A_1342 = arith.select %eq3A_1332, %get3A_1339, %broadcast_in_dim3A_1341 : vector<32x128xi1>, vector<32x128xf32>
    %add3A_1343 = arith.addf %add3A_1329, %select_n3A_1342 : vector<32x128xf32>
    %eq3A_1344 = arith.constant 29 : i32
    %eq3A_1345 = vector.broadcast %eq3A_1344 : i32 to vector<32x128xi32>
    %eq3A_1346 = arith.cmpi eq, %get3A_930, %eq3A_1345 : vector<32x128xi32>
    %get3A_1347 = arith.constant 2 : index
    %get3A_1348 = arith.constant 3 : index
    %get3A_1349 = arith.constant 0 : index
    %get3A_1350 = arith.constant 5 : index
    %get3A_1351 = arith.constant 0 : index
    %get3A_1352 = vector.load %arg1[%get3A_1347, %get3A_1348, %get3A_1349, %get3A_1350, %get3A_1351] : memref<4x4x32x8x128xf32, #tpu.memory_space<vmem>>, vector<1x1x32x1x128xf32>
    %get3A_1353 = vector.shape_cast %get3A_1352 : vector<1x1x32x1x128xf32> to vector<32x128xf32>
    %jit3A_1354 = arith.constant 0.000000e+00 : f32
    %broadcast_in_dim3A_1355 = vector.broadcast %jit3A_1354 : f32 to vector<32x128xf32>
    %select_n3A_1356 = arith.select %eq3A_1346, %get3A_1353, %broadcast_in_dim3A_1355 : vector<32x128xi1>, vector<32x128xf32>
    %add3A_1357 = arith.addf %add3A_1343, %select_n3A_1356 : vector<32x128xf32>
    %eq3A_1358 = arith.constant 30 : i32
    %eq3A_1359 = vector.broadcast %eq3A_1358 : i32 to vector<32x128xi32>
    %eq3A_1360 = arith.cmpi eq, %get3A_930, %eq3A_1359 : vector<32x128xi32>
    %get3A_1361 = arith.constant 2 : index
    %get3A_1362 = arith.constant 3 : index
    %get3A_1363 = arith.constant 0 : index
    %get3A_1364 = arith.constant 6 : index
    %get3A_1365 = arith.constant 0 : index
    %get3A_1366 = vector.load %arg1[%get3A_1361, %get3A_1362, %get3A_1363, %get3A_1364, %get3A_1365] : memref<4x4x32x8x128xf32, #tpu.memory_space<vmem>>, vector<1x1x32x1x128xf32>
    %get3A_1367 = vector.shape_cast %get3A_1366 : vector<1x1x32x1x128xf32> to vector<32x128xf32>
    %jit3A_1368 = arith.constant 0.000000e+00 : f32
    %broadcast_in_dim3A_1369 = vector.broadcast %jit3A_1368 : f32 to vector<32x128xf32>
    %select_n3A_1370 = arith.select %eq3A_1360, %get3A_1367, %broadcast_in_dim3A_1369 : vector<32x128xi1>, vector<32x128xf32>
    %add3A_1371 = arith.addf %add3A_1357, %select_n3A_1370 : vector<32x128xf32>
    %eq3A_1372 = arith.constant 31 : i32
    %eq3A_1373 = vector.broadcast %eq3A_1372 : i32 to vector<32x128xi32>
    %eq3A_1374 = arith.cmpi eq, %get3A_930, %eq3A_1373 : vector<32x128xi32>
    %get3A_1375 = arith.constant 2 : index
    %get3A_1376 = arith.constant 3 : index
    %get3A_1377 = arith.constant 0 : index
    %get3A_1378 = arith.constant 7 : index
    %get3A_1379 = arith.constant 0 : index
    %get3A_1380 = vector.load %arg1[%get3A_1375, %get3A_1376, %get3A_1377, %get3A_1378, %get3A_1379] : memref<4x4x32x8x128xf32, #tpu.memory_space<vmem>>, vector<1x1x32x1x128xf32>
    %get3A_1381 = vector.shape_cast %get3A_1380 : vector<1x1x32x1x128xf32> to vector<32x128xf32>
    %jit3A_1382 = arith.constant 0.000000e+00 : f32
    %broadcast_in_dim3A_1383 = vector.broadcast %jit3A_1382 : f32 to vector<32x128xf32>
    %select_n3A_1384 = arith.select %eq3A_1374, %get3A_1381, %broadcast_in_dim3A_1383 : vector<32x128xi1>, vector<32x128xf32>
    %add3A_1385 = arith.addf %add3A_1371, %select_n3A_1384 : vector<32x128xf32>
    %mul3A_1386 = arith.mulf %add3A_1385, %get3A_935 : vector<32x128xf32>
    %swap3A_1387 = arith.constant 2 : index
    %swap3A_1388 = arith.constant 0 : index
    %swap3A_1389 = arith.constant 0 : index
    %swap3A_1390 = vector.load %arg4[%swap3A_1387, %swap3A_1388, %swap3A_1389] : memref<4x32x128xf32, #tpu.memory_space<vmem>>, vector<1x32x128xf32>
    %swap3A_1391 = vector.shape_cast %swap3A_1390 : vector<1x32x128xf32> to vector<32x128xf32>
    %swap3A_1392 = vector.shape_cast %mul3A_1386 : vector<32x128xf32> to vector<1x32x128xf32>
    tpu.vector_store %arg4[%swap3A_1387, %swap3A_1388, %swap3A_1389], %swap3A_1392 {strides = array<i32>} : memref<4x32x128xf32, #tpu.memory_space<vmem>>, vector<1x32x128xf32>,
    %get3A_1393 = arith.constant 3 : index
    %get3A_1394 = arith.constant 0 : index
    %get3A_1395 = arith.constant 0 : index
    %get3A_1396 = vector.load %arg2[%get3A_1393, %get3A_1394, %get3A_1395] : memref<4x32x128xi32, #tpu.memory_space<vmem>>, vector<1x32x128xi32>
    %get3A_1397 = vector.shape_cast %get3A_1396 : vector<1x32x128xi32> to vector<32x128xi32>
    %get3A_1398 = arith.constant 3 : index
    %get3A_1399 = arith.constant 0 : index
    %get3A_1400 = arith.constant 0 : index
    %get3A_1401 = vector.load %arg3[%get3A_1398, %get3A_1399, %get3A_1400] : memref<4x32x128xf32, #tpu.memory_space<vmem>>, vector<1x32x128xf32>
    %get3A_1402 = vector.shape_cast %get3A_1401 : vector<1x32x128xf32> to vector<32x128xf32>
    %broadcast_in_dim3A_1403 = arith.constant 0.000000e+00 : f32
    %broadcast_in_dim3A_1404 = vector.broadcast %broadcast_in_dim3A_1403 : f32 to vector<32x128xf32>
    %eq3A_1405 = arith.constant 0 : i32
    %eq3A_1406 = vector.broadcast %eq3A_1405 : i32 to vector<32x128xi32>
    %eq3A_1407 = arith.cmpi eq, %get3A_1397, %eq3A_1406 : vector<32x128xi32>
    %get3A_1408 = arith.constant 3 : index
    %get3A_1409 = arith.constant 0 : index
    %get3A_1410 = arith.constant 0 : index
    %get3A_1411 = arith.constant 0 : index
    %get3A_1412 = arith.constant 0 : index
    %get3A_1413 = vector.load %arg1[%get3A_1408, %get3A_1409, %get3A_1410, %get3A_1411, %get3A_1412] : memref<4x4x32x8x128xf32, #tpu.memory_space<vmem>>, vector<1x1x32x1x128xf32>
    %get3A_1414 = vector.shape_cast %get3A_1413 : vector<1x1x32x1x128xf32> to vector<32x128xf32>
    %jit3A_1415 = arith.constant 0.000000e+00 : f32
    %broadcast_in_dim3A_1416 = vector.broadcast %jit3A_1415 : f32 to vector<32x128xf32>
    %select_n3A_1417 = arith.select %eq3A_1407, %get3A_1414, %broadcast_in_dim3A_1416 : vector<32x128xi1>, vector<32x128xf32>
    %add3A_1418 = arith.addf %broadcast_in_dim3A_1404, %select_n3A_1417 : vector<32x128xf32>
    %eq3A_1419 = arith.constant 1 : i32
    %eq3A_1420 = vector.broadcast %eq3A_1419 : i32 to vector<32x128xi32>
    %eq3A_1421 = arith.cmpi eq, %get3A_1397, %eq3A_1420 : vector<32x128xi32>
    %get3A_1422 = arith.constant 3 : index
    %get3A_1423 = arith.constant 0 : index
    %get3A_1424 = arith.constant 0 : index
    %get3A_1425 = arith.constant 1 : index
    %get3A_1426 = arith.constant 0 : index
    %get3A_1427 = vector.load %arg1[%get3A_1422, %get3A_1423, %get3A_1424, %get3A_1425, %get3A_1426] : memref<4x4x32x8x128xf32, #tpu.memory_space<vmem>>, vector<1x1x32x1x128xf32>
    %get3A_1428 = vector.shape_cast %get3A_1427 : vector<1x1x32x1x128xf32> to vector<32x128xf32>
    %jit3A_1429 = arith.constant 0.000000e+00 : f32
    %broadcast_in_dim3A_1430 = vector.broadcast %jit3A_1429 : f32 to vector<32x128xf32>
    %select_n3A_1431 = arith.select %eq3A_1421, %get3A_1428, %broadcast_in_dim3A_1430 : vector<32x128xi1>, vector<32x128xf32>
    %add3A_1432 = arith.addf %add3A_1418, %select_n3A_1431 : vector<32x128xf32>
    %eq3A_1433 = arith.constant 2 : i32
    %eq3A_1434 = vector.broadcast %eq3A_1433 : i32 to vector<32x128xi32>
    %eq3A_1435 = arith.cmpi eq, %get3A_1397, %eq3A_1434 : vector<32x128xi32>
    %get3A_1436 = arith.constant 3 : index
    %get3A_1437 = arith.constant 0 : index
    %get3A_1438 = arith.constant 0 : index
    %get3A_1439 = arith.constant 2 : index
    %get3A_1440 = arith.constant 0 : index
    %get3A_1441 = vector.load %arg1[%get3A_1436, %get3A_1437, %get3A_1438, %get3A_1439, %get3A_1440] : memref<4x4x32x8x128xf32, #tpu.memory_space<vmem>>, vector<1x1x32x1x128xf32>
    %get3A_1442 = vector.shape_cast %get3A_1441 : vector<1x1x32x1x128xf32> to vector<32x128xf32>
    %jit3A_1443 = arith.constant 0.000000e+00 : f32
    %broadcast_in_dim3A_1444 = vector.broadcast %jit3A_1443 : f32 to vector<32x128xf32>
    %select_n3A_1445 = arith.select %eq3A_1435, %get3A_1442, %broadcast_in_dim3A_1444 : vector<32x128xi1>, vector<32x128xf32>
    %add3A_1446 = arith.addf %add3A_1432, %select_n3A_1445 : vector<32x128xf32>
    %eq3A_1447 = arith.constant 3 : i32
    %eq3A_1448 = vector.broadcast %eq3A_1447 : i32 to vector<32x128xi32>
    %eq3A_1449 = arith.cmpi eq, %get3A_1397, %eq3A_1448 : vector<32x128xi32>
    %get3A_1450 = arith.constant 3 : index
    %get3A_1451 = arith.constant 0 : index
    %get3A_1452 = arith.constant 0 : index
    %get3A_1453 = arith.constant 3 : index
    %get3A_1454 = arith.constant 0 : index
    %get3A_1455 = vector.load %arg1[%get3A_1450, %get3A_1451, %get3A_1452, %get3A_1453, %get3A_1454] : memref<4x4x32x8x128xf32, #tpu.memory_space<vmem>>, vector<1x1x32x1x128xf32>
    %get3A_1456 = vector.shape_cast %get3A_1455 : vector<1x1x32x1x128xf32> to vector<32x128xf32>
    %jit3A_1457 = arith.constant 0.000000e+00 : f32
    %broadcast_in_dim3A_1458 = vector.broadcast %jit3A_1457 : f32 to vector<32x128xf32>
    %select_n3A_1459 = arith.select %eq3A_1449, %get3A_1456, %broadcast_in_dim3A_1458 : vector<32x128xi1>, vector<32x128xf32>
    %add3A_1460 = arith.addf %add3A_1446, %select_n3A_1459 : vector<32x128xf32>
    %eq3A_1461 = arith.constant 4 : i32
    %eq3A_1462 = vector.broadcast %eq3A_1461 : i32 to vector<32x128xi32>
    %eq3A_1463 = arith.cmpi eq, %get3A_1397, %eq3A_1462 : vector<32x128xi32>
    %get3A_1464 = arith.constant 3 : index
    %get3A_1465 = arith.constant 0 : index
    %get3A_1466 = arith.constant 0 : index
    %get3A_1467 = arith.constant 4 : index
    %get3A_1468 = arith.constant 0 : index
    %get3A_1469 = vector.load %arg1[%get3A_1464, %get3A_1465, %get3A_1466, %get3A_1467, %get3A_1468] : memref<4x4x32x8x128xf32, #tpu.memory_space<vmem>>, vector<1x1x32x1x128xf32>
    %get3A_1470 = vector.shape_cast %get3A_1469 : vector<1x1x32x1x128xf32> to vector<32x128xf32>
    %jit3A_1471 = arith.constant 0.000000e+00 : f32
    %broadcast_in_dim3A_1472 = vector.broadcast %jit3A_1471 : f32 to vector<32x128xf32>
    %select_n3A_1473 = arith.select %eq3A_1463, %get3A_1470, %broadcast_in_dim3A_1472 : vector<32x128xi1>, vector<32x128xf32>
    %add3A_1474 = arith.addf %add3A_1460, %select_n3A_1473 : vector<32x128xf32>
    %eq3A_1475 = arith.constant 5 : i32
    %eq3A_1476 = vector.broadcast %eq3A_1475 : i32 to vector<32x128xi32>
    %eq3A_1477 = arith.cmpi eq, %get3A_1397, %eq3A_1476 : vector<32x128xi32>
    %get3A_1478 = arith.constant 3 : index
    %get3A_1479 = arith.constant 0 : index
    %get3A_1480 = arith.constant 0 : index
    %get3A_1481 = arith.constant 5 : index
    %get3A_1482 = arith.constant 0 : index
    %get3A_1483 = vector.load %arg1[%get3A_1478, %get3A_1479, %get3A_1480, %get3A_1481, %get3A_1482] : memref<4x4x32x8x128xf32, #tpu.memory_space<vmem>>, vector<1x1x32x1x128xf32>
    %get3A_1484 = vector.shape_cast %get3A_1483 : vector<1x1x32x1x128xf32> to vector<32x128xf32>
    %jit3A_1485 = arith.constant 0.000000e+00 : f32
    %broadcast_in_dim3A_1486 = vector.broadcast %jit3A_1485 : f32 to vector<32x128xf32>
    %select_n3A_1487 = arith.select %eq3A_1477, %get3A_1484, %broadcast_in_dim3A_1486 : vector<32x128xi1>, vector<32x128xf32>
    %add3A_1488 = arith.addf %add3A_1474, %select_n3A_1487 : vector<32x128xf32>
    %eq3A_1489 = arith.constant 6 : i32
    %eq3A_1490 = vector.broadcast %eq3A_1489 : i32 to vector<32x128xi32>
    %eq3A_1491 = arith.cmpi eq, %get3A_1397, %eq3A_1490 : vector<32x128xi32>
    %get3A_1492 = arith.constant 3 : index
    %get3A_1493 = arith.constant 0 : index
    %get3A_1494 = arith.constant 0 : index
    %get3A_1495 = arith.constant 6 : index
    %get3A_1496 = arith.constant 0 : index
    %get3A_1497 = vector.load %arg1[%get3A_1492, %get3A_1493, %get3A_1494, %get3A_1495, %get3A_1496] : memref<4x4x32x8x128xf32, #tpu.memory_space<vmem>>, vector<1x1x32x1x128xf32>
    %get3A_1498 = vector.shape_cast %get3A_1497 : vector<1x1x32x1x128xf32> to vector<32x128xf32>
    %jit3A_1499 = arith.constant 0.000000e+00 : f32
    %broadcast_in_dim3A_1500 = vector.broadcast %jit3A_1499 : f32 to vector<32x128xf32>
    %select_n3A_1501 = arith.select %eq3A_1491, %get3A_1498, %broadcast_in_dim3A_1500 : vector<32x128xi1>, vector<32x128xf32>
    %add3A_1502 = arith.addf %add3A_1488, %select_n3A_1501 : vector<32x128xf32>
    %eq3A_1503 = arith.constant 7 : i32
    %eq3A_1504 = vector.broadcast %eq3A_1503 : i32 to vector<32x128xi32>
    %eq3A_1505 = arith.cmpi eq, %get3A_1397, %eq3A_1504 : vector<32x128xi32>
    %get3A_1506 = arith.constant 3 : index
    %get3A_1507 = arith.constant 0 : index
    %get3A_1508 = arith.constant 0 : index
    %get3A_1509 = arith.constant 7 : index
    %get3A_1510 = arith.constant 0 : index
    %get3A_1511 = vector.load %arg1[%get3A_1506, %get3A_1507, %get3A_1508, %get3A_1509, %get3A_1510] : memref<4x4x32x8x128xf32, #tpu.memory_space<vmem>>, vector<1x1x32x1x128xf32>
    %get3A_1512 = vector.shape_cast %get3A_1511 : vector<1x1x32x1x128xf32> to vector<32x128xf32>
    %jit3A_1513 = arith.constant 0.000000e+00 : f32
    %broadcast_in_dim3A_1514 = vector.broadcast %jit3A_1513 : f32 to vector<32x128xf32>
    %select_n3A_1515 = arith.select %eq3A_1505, %get3A_1512, %broadcast_in_dim3A_1514 : vector<32x128xi1>, vector<32x128xf32>
    %add3A_1516 = arith.addf %add3A_1502, %select_n3A_1515 : vector<32x128xf32>
    %eq3A_1517 = arith.constant 8 : i32
    %eq3A_1518 = vector.broadcast %eq3A_1517 : i32 to vector<32x128xi32>
    %eq3A_1519 = arith.cmpi eq, %get3A_1397, %eq3A_1518 : vector<32x128xi32>
    %get3A_1520 = arith.constant 3 : index
    %get3A_1521 = arith.constant 1 : index
    %get3A_1522 = arith.constant 0 : index
    %get3A_1523 = arith.constant 0 : index
    %get3A_1524 = arith.constant 0 : index
    %get3A_1525 = vector.load %arg1[%get3A_1520, %get3A_1521, %get3A_1522, %get3A_1523, %get3A_1524] : memref<4x4x32x8x128xf32, #tpu.memory_space<vmem>>, vector<1x1x32x1x128xf32>
    %get3A_1526 = vector.shape_cast %get3A_1525 : vector<1x1x32x1x128xf32> to vector<32x128xf32>
    %jit3A_1527 = arith.constant 0.000000e+00 : f32
    %broadcast_in_dim3A_1528 = vector.broadcast %jit3A_1527 : f32 to vector<32x128xf32>
    %select_n3A_1529 = arith.select %eq3A_1519, %get3A_1526, %broadcast_in_dim3A_1528 : vector<32x128xi1>, vector<32x128xf32>
    %add3A_1530 = arith.addf %add3A_1516, %select_n3A_1529 : vector<32x128xf32>
    %eq3A_1531 = arith.constant 9 : i32
    %eq3A_1532 = vector.broadcast %eq3A_1531 : i32 to vector<32x128xi32>
    %eq3A_1533 = arith.cmpi eq, %get3A_1397, %eq3A_1532 : vector<32x128xi32>
    %get3A_1534 = arith.constant 3 : index
    %get3A_1535 = arith.constant 1 : index
    %get3A_1536 = arith.constant 0 : index
    %get3A_1537 = arith.constant 1 : index
    %get3A_1538 = arith.constant 0 : index
    %get3A_1539 = vector.load %arg1[%get3A_1534, %get3A_1535, %get3A_1536, %get3A_1537, %get3A_1538] : memref<4x4x32x8x128xf32, #tpu.memory_space<vmem>>, vector<1x1x32x1x128xf32>
    %get3A_1540 = vector.shape_cast %get3A_1539 : vector<1x1x32x1x128xf32> to vector<32x128xf32>
    %jit3A_1541 = arith.constant 0.000000e+00 : f32
    %broadcast_in_dim3A_1542 = vector.broadcast %jit3A_1541 : f32 to vector<32x128xf32>
    %select_n3A_1543 = arith.select %eq3A_1533, %get3A_1540, %broadcast_in_dim3A_1542 : vector<32x128xi1>, vector<32x128xf32>
    %add3A_1544 = arith.addf %add3A_1530, %select_n3A_1543 : vector<32x128xf32>
    %eq3A_1545 = arith.constant 10 : i32
    %eq3A_1546 = vector.broadcast %eq3A_1545 : i32 to vector<32x128xi32>
    %eq3A_1547 = arith.cmpi eq, %get3A_1397, %eq3A_1546 : vector<32x128xi32>
    %get3A_1548 = arith.constant 3 : index
    %get3A_1549 = arith.constant 1 : index
    %get3A_1550 = arith.constant 0 : index
    %get3A_1551 = arith.constant 2 : index
    %get3A_1552 = arith.constant 0 : index
    %get3A_1553 = vector.load %arg1[%get3A_1548, %get3A_1549, %get3A_1550, %get3A_1551, %get3A_1552] : memref<4x4x32x8x128xf32, #tpu.memory_space<vmem>>, vector<1x1x32x1x128xf32>
    %get3A_1554 = vector.shape_cast %get3A_1553 : vector<1x1x32x1x128xf32> to vector<32x128xf32>
    %jit3A_1555 = arith.constant 0.000000e+00 : f32
    %broadcast_in_dim3A_1556 = vector.broadcast %jit3A_1555 : f32 to vector<32x128xf32>
    %select_n3A_1557 = arith.select %eq3A_1547, %get3A_1554, %broadcast_in_dim3A_1556 : vector<32x128xi1>, vector<32x128xf32>
    %add3A_1558 = arith.addf %add3A_1544, %select_n3A_1557 : vector<32x128xf32>
    %eq3A_1559 = arith.constant 11 : i32
    %eq3A_1560 = vector.broadcast %eq3A_1559 : i32 to vector<32x128xi32>
    %eq3A_1561 = arith.cmpi eq, %get3A_1397, %eq3A_1560 : vector<32x128xi32>
    %get3A_1562 = arith.constant 3 : index
    %get3A_1563 = arith.constant 1 : index
    %get3A_1564 = arith.constant 0 : index
    %get3A_1565 = arith.constant 3 : index
    %get3A_1566 = arith.constant 0 : index
    %get3A_1567 = vector.load %arg1[%get3A_1562, %get3A_1563, %get3A_1564, %get3A_1565, %get3A_1566] : memref<4x4x32x8x128xf32, #tpu.memory_space<vmem>>, vector<1x1x32x1x128xf32>
    %get3A_1568 = vector.shape_cast %get3A_1567 : vector<1x1x32x1x128xf32> to vector<32x128xf32>
    %jit3A_1569 = arith.constant 0.000000e+00 : f32
    %broadcast_in_dim3A_1570 = vector.broadcast %jit3A_1569 : f32 to vector<32x128xf32>
    %select_n3A_1571 = arith.select %eq3A_1561, %get3A_1568, %broadcast_in_dim3A_1570 : vector<32x128xi1>, vector<32x128xf32>
    %add3A_1572 = arith.addf %add3A_1558, %select_n3A_1571 : vector<32x128xf32>
    %eq3A_1573 = arith.constant 12 : i32
    %eq3A_1574 = vector.broadcast %eq3A_1573 : i32 to vector<32x128xi32>
    %eq3A_1575 = arith.cmpi eq, %get3A_1397, %eq3A_1574 : vector<32x128xi32>
    %get3A_1576 = arith.constant 3 : index
    %get3A_1577 = arith.constant 1 : index
    %get3A_1578 = arith.constant 0 : index
    %get3A_1579 = arith.constant 4 : index
    %get3A_1580 = arith.constant 0 : index
    %get3A_1581 = vector.load %arg1[%get3A_1576, %get3A_1577, %get3A_1578, %get3A_1579, %get3A_1580] : memref<4x4x32x8x128xf32, #tpu.memory_space<vmem>>, vector<1x1x32x1x128xf32>
    %get3A_1582 = vector.shape_cast %get3A_1581 : vector<1x1x32x1x128xf32> to vector<32x128xf32>
    %jit3A_1583 = arith.constant 0.000000e+00 : f32
    %broadcast_in_dim3A_1584 = vector.broadcast %jit3A_1583 : f32 to vector<32x128xf32>
    %select_n3A_1585 = arith.select %eq3A_1575, %get3A_1582, %broadcast_in_dim3A_1584 : vector<32x128xi1>, vector<32x128xf32>
    %add3A_1586 = arith.addf %add3A_1572, %select_n3A_1585 : vector<32x128xf32>
    %eq3A_1587 = arith.constant 13 : i32
    %eq3A_1588 = vector.broadcast %eq3A_1587 : i32 to vector<32x128xi32>
    %eq3A_1589 = arith.cmpi eq, %get3A_1397, %eq3A_1588 : vector<32x128xi32>
    %get3A_1590 = arith.constant 3 : index
    %get3A_1591 = arith.constant 1 : index
    %get3A_1592 = arith.constant 0 : index
    %get3A_1593 = arith.constant 5 : index
    %get3A_1594 = arith.constant 0 : index
    %get3A_1595 = vector.load %arg1[%get3A_1590, %get3A_1591, %get3A_1592, %get3A_1593, %get3A_1594] : memref<4x4x32x8x128xf32, #tpu.memory_space<vmem>>, vector<1x1x32x1x128xf32>
    %get3A_1596 = vector.shape_cast %get3A_1595 : vector<1x1x32x1x128xf32> to vector<32x128xf32>
    %jit3A_1597 = arith.constant 0.000000e+00 : f32
    %broadcast_in_dim3A_1598 = vector.broadcast %jit3A_1597 : f32 to vector<32x128xf32>
    %select_n3A_1599 = arith.select %eq3A_1589, %get3A_1596, %broadcast_in_dim3A_1598 : vector<32x128xi1>, vector<32x128xf32>
    %add3A_1600 = arith.addf %add3A_1586, %select_n3A_1599 : vector<32x128xf32>
    %eq3A_1601 = arith.constant 14 : i32
    %eq3A_1602 = vector.broadcast %eq3A_1601 : i32 to vector<32x128xi32>
    %eq3A_1603 = arith.cmpi eq, %get3A_1397, %eq3A_1602 : vector<32x128xi32>
    %get3A_1604 = arith.constant 3 : index
    %get3A_1605 = arith.constant 1 : index
    %get3A_1606 = arith.constant 0 : index
    %get3A_1607 = arith.constant 6 : index
    %get3A_1608 = arith.constant 0 : index
    %get3A_1609 = vector.load %arg1[%get3A_1604, %get3A_1605, %get3A_1606, %get3A_1607, %get3A_1608] : memref<4x4x32x8x128xf32, #tpu.memory_space<vmem>>, vector<1x1x32x1x128xf32>
    %get3A_1610 = vector.shape_cast %get3A_1609 : vector<1x1x32x1x128xf32> to vector<32x128xf32>
    %jit3A_1611 = arith.constant 0.000000e+00 : f32
    %broadcast_in_dim3A_1612 = vector.broadcast %jit3A_1611 : f32 to vector<32x128xf32>
    %select_n3A_1613 = arith.select %eq3A_1603, %get3A_1610, %broadcast_in_dim3A_1612 : vector<32x128xi1>, vector<32x128xf32>
    %add3A_1614 = arith.addf %add3A_1600, %select_n3A_1613 : vector<32x128xf32>
    %eq3A_1615 = arith.constant 15 : i32
    %eq3A_1616 = vector.broadcast %eq3A_1615 : i32 to vector<32x128xi32>
    %eq3A_1617 = arith.cmpi eq, %get3A_1397, %eq3A_1616 : vector<32x128xi32>
    %get3A_1618 = arith.constant 3 : index
    %get3A_1619 = arith.constant 1 : index
    %get3A_1620 = arith.constant 0 : index
    %get3A_1621 = arith.constant 7 : index
    %get3A_1622 = arith.constant 0 : index
    %get3A_1623 = vector.load %arg1[%get3A_1618, %get3A_1619, %get3A_1620, %get3A_1621, %get3A_1622] : memref<4x4x32x8x128xf32, #tpu.memory_space<vmem>>, vector<1x1x32x1x128xf32>
    %get3A_1624 = vector.shape_cast %get3A_1623 : vector<1x1x32x1x128xf32> to vector<32x128xf32>
    %jit3A_1625 = arith.constant 0.000000e+00 : f32
    %broadcast_in_dim3A_1626 = vector.broadcast %jit3A_1625 : f32 to vector<32x128xf32>
    %select_n3A_1627 = arith.select %eq3A_1617, %get3A_1624, %broadcast_in_dim3A_1626 : vector<32x128xi1>, vector<32x128xf32>
    %add3A_1628 = arith.addf %add3A_1614, %select_n3A_1627 : vector<32x128xf32>
    %eq3A_1629 = arith.constant 16 : i32
    %eq3A_1630 = vector.broadcast %eq3A_1629 : i32 to vector<32x128xi32>
    %eq3A_1631 = arith.cmpi eq, %get3A_1397, %eq3A_1630 : vector<32x128xi32>
    %get3A_1632 = arith.constant 3 : index
    %get3A_1633 = arith.constant 2 : index
    %get3A_1634 = arith.constant 0 : index
    %get3A_1635 = arith.constant 0 : index
    %get3A_1636 = arith.constant 0 : index
    %get3A_1637 = vector.load %arg1[%get3A_1632, %get3A_1633, %get3A_1634, %get3A_1635, %get3A_1636] : memref<4x4x32x8x128xf32, #tpu.memory_space<vmem>>, vector<1x1x32x1x128xf32>
    %get3A_1638 = vector.shape_cast %get3A_1637 : vector<1x1x32x1x128xf32> to vector<32x128xf32>
    %jit3A_1639 = arith.constant 0.000000e+00 : f32
    %broadcast_in_dim3A_1640 = vector.broadcast %jit3A_1639 : f32 to vector<32x128xf32>
    %select_n3A_1641 = arith.select %eq3A_1631, %get3A_1638, %broadcast_in_dim3A_1640 : vector<32x128xi1>, vector<32x128xf32>
    %add3A_1642 = arith.addf %add3A_1628, %select_n3A_1641 : vector<32x128xf32>
    %eq3A_1643 = arith.constant 17 : i32
    %eq3A_1644 = vector.broadcast %eq3A_1643 : i32 to vector<32x128xi32>
    %eq3A_1645 = arith.cmpi eq, %get3A_1397, %eq3A_1644 : vector<32x128xi32>
    %get3A_1646 = arith.constant 3 : index
    %get3A_1647 = arith.constant 2 : index
    %get3A_1648 = arith.constant 0 : index
    %get3A_1649 = arith.constant 1 : index
    %get3A_1650 = arith.constant 0 : index
    %get3A_1651 = vector.load %arg1[%get3A_1646, %get3A_1647, %get3A_1648, %get3A_1649, %get3A_1650] : memref<4x4x32x8x128xf32, #tpu.memory_space<vmem>>, vector<1x1x32x1x128xf32>
    %get3A_1652 = vector.shape_cast %get3A_1651 : vector<1x1x32x1x128xf32> to vector<32x128xf32>
    %jit3A_1653 = arith.constant 0.000000e+00 : f32
    %broadcast_in_dim3A_1654 = vector.broadcast %jit3A_1653 : f32 to vector<32x128xf32>
    %select_n3A_1655 = arith.select %eq3A_1645, %get3A_1652, %broadcast_in_dim3A_1654 : vector<32x128xi1>, vector<32x128xf32>
    %add3A_1656 = arith.addf %add3A_1642, %select_n3A_1655 : vector<32x128xf32>
    %eq3A_1657 = arith.constant 18 : i32
    %eq3A_1658 = vector.broadcast %eq3A_1657 : i32 to vector<32x128xi32>
    %eq3A_1659 = arith.cmpi eq, %get3A_1397, %eq3A_1658 : vector<32x128xi32>
    %get3A_1660 = arith.constant 3 : index
    %get3A_1661 = arith.constant 2 : index
    %get3A_1662 = arith.constant 0 : index
    %get3A_1663 = arith.constant 2 : index
    %get3A_1664 = arith.constant 0 : index
    %get3A_1665 = vector.load %arg1[%get3A_1660, %get3A_1661, %get3A_1662, %get3A_1663, %get3A_1664] : memref<4x4x32x8x128xf32, #tpu.memory_space<vmem>>, vector<1x1x32x1x128xf32>
    %get3A_1666 = vector.shape_cast %get3A_1665 : vector<1x1x32x1x128xf32> to vector<32x128xf32>
    %jit3A_1667 = arith.constant 0.000000e+00 : f32
    %broadcast_in_dim3A_1668 = vector.broadcast %jit3A_1667 : f32 to vector<32x128xf32>
    %select_n3A_1669 = arith.select %eq3A_1659, %get3A_1666, %broadcast_in_dim3A_1668 : vector<32x128xi1>, vector<32x128xf32>
    %add3A_1670 = arith.addf %add3A_1656, %select_n3A_1669 : vector<32x128xf32>
    %eq3A_1671 = arith.constant 19 : i32
    %eq3A_1672 = vector.broadcast %eq3A_1671 : i32 to vector<32x128xi32>
    %eq3A_1673 = arith.cmpi eq, %get3A_1397, %eq3A_1672 : vector<32x128xi32>
    %get3A_1674 = arith.constant 3 : index
    %get3A_1675 = arith.constant 2 : index
    %get3A_1676 = arith.constant 0 : index
    %get3A_1677 = arith.constant 3 : index
    %get3A_1678 = arith.constant 0 : index
    %get3A_1679 = vector.load %arg1[%get3A_1674, %get3A_1675, %get3A_1676, %get3A_1677, %get3A_1678] : memref<4x4x32x8x128xf32, #tpu.memory_space<vmem>>, vector<1x1x32x1x128xf32>
    %get3A_1680 = vector.shape_cast %get3A_1679 : vector<1x1x32x1x128xf32> to vector<32x128xf32>
    %jit3A_1681 = arith.constant 0.000000e+00 : f32
    %broadcast_in_dim3A_1682 = vector.broadcast %jit3A_1681 : f32 to vector<32x128xf32>
    %select_n3A_1683 = arith.select %eq3A_1673, %get3A_1680, %broadcast_in_dim3A_1682 : vector<32x128xi1>, vector<32x128xf32>
    %add3A_1684 = arith.addf %add3A_1670, %select_n3A_1683 : vector<32x128xf32>
    %eq3A_1685 = arith.constant 20 : i32
    %eq3A_1686 = vector.broadcast %eq3A_1685 : i32 to vector<32x128xi32>
    %eq3A_1687 = arith.cmpi eq, %get3A_1397, %eq3A_1686 : vector<32x128xi32>
    %get3A_1688 = arith.constant 3 : index
    %get3A_1689 = arith.constant 2 : index
    %get3A_1690 = arith.constant 0 : index
    %get3A_1691 = arith.constant 4 : index
    %get3A_1692 = arith.constant 0 : index
    %get3A_1693 = vector.load %arg1[%get3A_1688, %get3A_1689, %get3A_1690, %get3A_1691, %get3A_1692] : memref<4x4x32x8x128xf32, #tpu.memory_space<vmem>>, vector<1x1x32x1x128xf32>
    %get3A_1694 = vector.shape_cast %get3A_1693 : vector<1x1x32x1x128xf32> to vector<32x128xf32>
    %jit3A_1695 = arith.constant 0.000000e+00 : f32
    %broadcast_in_dim3A_1696 = vector.broadcast %jit3A_1695 : f32 to vector<32x128xf32>
    %select_n3A_1697 = arith.select %eq3A_1687, %get3A_1694, %broadcast_in_dim3A_1696 : vector<32x128xi1>, vector<32x128xf32>
    %add3A_1698 = arith.addf %add3A_1684, %select_n3A_1697 : vector<32x128xf32>
    %eq3A_1699 = arith.constant 21 : i32
    %eq3A_1700 = vector.broadcast %eq3A_1699 : i32 to vector<32x128xi32>
    %eq3A_1701 = arith.cmpi eq, %get3A_1397, %eq3A_1700 : vector<32x128xi32>
    %get3A_1702 = arith.constant 3 : index
    %get3A_1703 = arith.constant 2 : index
    %get3A_1704 = arith.constant 0 : index
    %get3A_1705 = arith.constant 5 : index
    %get3A_1706 = arith.constant 0 : index
    %get3A_1707 = vector.load %arg1[%get3A_1702, %get3A_1703, %get3A_1704, %get3A_1705, %get3A_1706] : memref<4x4x32x8x128xf32, #tpu.memory_space<vmem>>, vector<1x1x32x1x128xf32>
    %get3A_1708 = vector.shape_cast %get3A_1707 : vector<1x1x32x1x128xf32> to vector<32x128xf32>
    %jit3A_1709 = arith.constant 0.000000e+00 : f32
    %broadcast_in_dim3A_1710 = vector.broadcast %jit3A_1709 : f32 to vector<32x128xf32>
    %select_n3A_1711 = arith.select %eq3A_1701, %get3A_1708, %broadcast_in_dim3A_1710 : vector<32x128xi1>, vector<32x128xf32>
    %add3A_1712 = arith.addf %add3A_1698, %select_n3A_1711 : vector<32x128xf32>
    %eq3A_1713 = arith.constant 22 : i32
    %eq3A_1714 = vector.broadcast %eq3A_1713 : i32 to vector<32x128xi32>
    %eq3A_1715 = arith.cmpi eq, %get3A_1397, %eq3A_1714 : vector<32x128xi32>
    %get3A_1716 = arith.constant 3 : index
    %get3A_1717 = arith.constant 2 : index
    %get3A_1718 = arith.constant 0 : index
    %get3A_1719 = arith.constant 6 : index
    %get3A_1720 = arith.constant 0 : index
    %get3A_1721 = vector.load %arg1[%get3A_1716, %get3A_1717, %get3A_1718, %get3A_1719, %get3A_1720] : memref<4x4x32x8x128xf32, #tpu.memory_space<vmem>>, vector<1x1x32x1x128xf32>
    %get3A_1722 = vector.shape_cast %get3A_1721 : vector<1x1x32x1x128xf32> to vector<32x128xf32>
    %jit3A_1723 = arith.constant 0.000000e+00 : f32
    %broadcast_in_dim3A_1724 = vector.broadcast %jit3A_1723 : f32 to vector<32x128xf32>
    %select_n3A_1725 = arith.select %eq3A_1715, %get3A_1722, %broadcast_in_dim3A_1724 : vector<32x128xi1>, vector<32x128xf32>
    %add3A_1726 = arith.addf %add3A_1712, %select_n3A_1725 : vector<32x128xf32>
    %eq3A_1727 = arith.constant 23 : i32
    %eq3A_1728 = vector.broadcast %eq3A_1727 : i32 to vector<32x128xi32>
    %eq3A_1729 = arith.cmpi eq, %get3A_1397, %eq3A_1728 : vector<32x128xi32>
    %get3A_1730 = arith.constant 3 : index
    %get3A_1731 = arith.constant 2 : index
    %get3A_1732 = arith.constant 0 : index
    %get3A_1733 = arith.constant 7 : index
    %get3A_1734 = arith.constant 0 : index
    %get3A_1735 = vector.load %arg1[%get3A_1730, %get3A_1731, %get3A_1732, %get3A_1733, %get3A_1734] : memref<4x4x32x8x128xf32, #tpu.memory_space<vmem>>, vector<1x1x32x1x128xf32>
    %get3A_1736 = vector.shape_cast %get3A_1735 : vector<1x1x32x1x128xf32> to vector<32x128xf32>
    %jit3A_1737 = arith.constant 0.000000e+00 : f32
    %broadcast_in_dim3A_1738 = vector.broadcast %jit3A_1737 : f32 to vector<32x128xf32>
    %select_n3A_1739 = arith.select %eq3A_1729, %get3A_1736, %broadcast_in_dim3A_1738 : vector<32x128xi1>, vector<32x128xf32>
    %add3A_1740 = arith.addf %add3A_1726, %select_n3A_1739 : vector<32x128xf32>
    %eq3A_1741 = arith.constant 24 : i32
    %eq3A_1742 = vector.broadcast %eq3A_1741 : i32 to vector<32x128xi32>
    %eq3A_1743 = arith.cmpi eq, %get3A_1397, %eq3A_1742 : vector<32x128xi32>
    %get3A_1744 = arith.constant 3 : index
    %get3A_1745 = arith.constant 3 : index
    %get3A_1746 = arith.constant 0 : index
    %get3A_1747 = arith.constant 0 : index
    %get3A_1748 = arith.constant 0 : index
    %get3A_1749 = vector.load %arg1[%get3A_1744, %get3A_1745, %get3A_1746, %get3A_1747, %get3A_1748] : memref<4x4x32x8x128xf32, #tpu.memory_space<vmem>>, vector<1x1x32x1x128xf32>
    %get3A_1750 = vector.shape_cast %get3A_1749 : vector<1x1x32x1x128xf32> to vector<32x128xf32>
    %jit3A_1751 = arith.constant 0.000000e+00 : f32
    %broadcast_in_dim3A_1752 = vector.broadcast %jit3A_1751 : f32 to vector<32x128xf32>
    %select_n3A_1753 = arith.select %eq3A_1743, %get3A_1750, %broadcast_in_dim3A_1752 : vector<32x128xi1>, vector<32x128xf32>
    %add3A_1754 = arith.addf %add3A_1740, %select_n3A_1753 : vector<32x128xf32>
    %eq3A_1755 = arith.constant 25 : i32
    %eq3A_1756 = vector.broadcast %eq3A_1755 : i32 to vector<32x128xi32>
    %eq3A_1757 = arith.cmpi eq, %get3A_1397, %eq3A_1756 : vector<32x128xi32>
    %get3A_1758 = arith.constant 3 : index
    %get3A_1759 = arith.constant 3 : index
    %get3A_1760 = arith.constant 0 : index
    %get3A_1761 = arith.constant 1 : index
    %get3A_1762 = arith.constant 0 : index
    %get3A_1763 = vector.load %arg1[%get3A_1758, %get3A_1759, %get3A_1760, %get3A_1761, %get3A_1762] : memref<4x4x32x8x128xf32, #tpu.memory_space<vmem>>, vector<1x1x32x1x128xf32>
    %get3A_1764 = vector.shape_cast %get3A_1763 : vector<1x1x32x1x128xf32> to vector<32x128xf32>
    %jit3A_1765 = arith.constant 0.000000e+00 : f32
    %broadcast_in_dim3A_1766 = vector.broadcast %jit3A_1765 : f32 to vector<32x128xf32>
    %select_n3A_1767 = arith.select %eq3A_1757, %get3A_1764, %broadcast_in_dim3A_1766 : vector<32x128xi1>, vector<32x128xf32>
    %add3A_1768 = arith.addf %add3A_1754, %select_n3A_1767 : vector<32x128xf32>
    %eq3A_1769 = arith.constant 26 : i32
    %eq3A_1770 = vector.broadcast %eq3A_1769 : i32 to vector<32x128xi32>
    %eq3A_1771 = arith.cmpi eq, %get3A_1397, %eq3A_1770 : vector<32x128xi32>
    %get3A_1772 = arith.constant 3 : index
    %get3A_1773 = arith.constant 3 : index
    %get3A_1774 = arith.constant 0 : index
    %get3A_1775 = arith.constant 2 : index
    %get3A_1776 = arith.constant 0 : index
    %get3A_1777 = vector.load %arg1[%get3A_1772, %get3A_1773, %get3A_1774, %get3A_1775, %get3A_1776] : memref<4x4x32x8x128xf32, #tpu.memory_space<vmem>>, vector<1x1x32x1x128xf32>
    %get3A_1778 = vector.shape_cast %get3A_1777 : vector<1x1x32x1x128xf32> to vector<32x128xf32>
    %jit3A_1779 = arith.constant 0.000000e+00 : f32
    %broadcast_in_dim3A_1780 = vector.broadcast %jit3A_1779 : f32 to vector<32x128xf32>
    %select_n3A_1781 = arith.select %eq3A_1771, %get3A_1778, %broadcast_in_dim3A_1780 : vector<32x128xi1>, vector<32x128xf32>
    %add3A_1782 = arith.addf %add3A_1768, %select_n3A_1781 : vector<32x128xf32>
    %eq3A_1783 = arith.constant 27 : i32
    %eq3A_1784 = vector.broadcast %eq3A_1783 : i32 to vector<32x128xi32>
    %eq3A_1785 = arith.cmpi eq, %get3A_1397, %eq3A_1784 : vector<32x128xi32>
    %get3A_1786 = arith.constant 3 : index
    %get3A_1787 = arith.constant 3 : index
    %get3A_1788 = arith.constant 0 : index
    %get3A_1789 = arith.constant 3 : index
    %get3A_1790 = arith.constant 0 : index
    %get3A_1791 = vector.load %arg1[%get3A_1786, %get3A_1787, %get3A_1788, %get3A_1789, %get3A_1790] : memref<4x4x32x8x128xf32, #tpu.memory_space<vmem>>, vector<1x1x32x1x128xf32>
    %get3A_1792 = vector.shape_cast %get3A_1791 : vector<1x1x32x1x128xf32> to vector<32x128xf32>
    %jit3A_1793 = arith.constant 0.000000e+00 : f32
    %broadcast_in_dim3A_1794 = vector.broadcast %jit3A_1793 : f32 to vector<32x128xf32>
    %select_n3A_1795 = arith.select %eq3A_1785, %get3A_1792, %broadcast_in_dim3A_1794 : vector<32x128xi1>, vector<32x128xf32>
    %add3A_1796 = arith.addf %add3A_1782, %select_n3A_1795 : vector<32x128xf32>
    %eq3A_1797 = arith.constant 28 : i32
    %eq3A_1798 = vector.broadcast %eq3A_1797 : i32 to vector<32x128xi32>
    %eq3A_1799 = arith.cmpi eq, %get3A_1397, %eq3A_1798 : vector<32x128xi32>
    %get3A_1800 = arith.constant 3 : index
    %get3A_1801 = arith.constant 3 : index
    %get3A_1802 = arith.constant 0 : index
    %get3A_1803 = arith.constant 4 : index
    %get3A_1804 = arith.constant 0 : index
    %get3A_1805 = vector.load %arg1[%get3A_1800, %get3A_1801, %get3A_1802, %get3A_1803, %get3A_1804] : memref<4x4x32x8x128xf32, #tpu.memory_space<vmem>>, vector<1x1x32x1x128xf32>
    %get3A_1806 = vector.shape_cast %get3A_1805 : vector<1x1x32x1x128xf32> to vector<32x128xf32>
    %jit3A_1807 = arith.constant 0.000000e+00 : f32
    %broadcast_in_dim3A_1808 = vector.broadcast %jit3A_1807 : f32 to vector<32x128xf32>
    %select_n3A_1809 = arith.select %eq3A_1799, %get3A_1806, %broadcast_in_dim3A_1808 : vector<32x128xi1>, vector<32x128xf32>
    %add3A_1810 = arith.addf %add3A_1796, %select_n3A_1809 : vector<32x128xf32>
    %eq3A_1811 = arith.constant 29 : i32
    %eq3A_1812 = vector.broadcast %eq3A_1811 : i32 to vector<32x128xi32>
    %eq3A_1813 = arith.cmpi eq, %get3A_1397, %eq3A_1812 : vector<32x128xi32>
    %get3A_1814 = arith.constant 3 : index
    %get3A_1815 = arith.constant 3 : index
    %get3A_1816 = arith.constant 0 : index
    %get3A_1817 = arith.constant 5 : index
    %get3A_1818 = arith.constant 0 : index
    %get3A_1819 = vector.load %arg1[%get3A_1814, %get3A_1815, %get3A_1816, %get3A_1817, %get3A_1818] : memref<4x4x32x8x128xf32, #tpu.memory_space<vmem>>, vector<1x1x32x1x128xf32>
    %get3A_1820 = vector.shape_cast %get3A_1819 : vector<1x1x32x1x128xf32> to vector<32x128xf32>
    %jit3A_1821 = arith.constant 0.000000e+00 : f32
    %broadcast_in_dim3A_1822 = vector.broadcast %jit3A_1821 : f32 to vector<32x128xf32>
    %select_n3A_1823 = arith.select %eq3A_1813, %get3A_1820, %broadcast_in_dim3A_1822 : vector<32x128xi1>, vector<32x128xf32>
    %add3A_1824 = arith.addf %add3A_1810, %select_n3A_1823 : vector<32x128xf32>
    %eq3A_1825 = arith.constant 30 : i32
    %eq3A_1826 = vector.broadcast %eq3A_1825 : i32 to vector<32x128xi32>
    %eq3A_1827 = arith.cmpi eq, %get3A_1397, %eq3A_1826 : vector<32x128xi32>
    %get3A_1828 = arith.constant 3 : index
    %get3A_1829 = arith.constant 3 : index
    %get3A_1830 = arith.constant 0 : index
    %get3A_1831 = arith.constant 6 : index
    %get3A_1832 = arith.constant 0 : index
    %get3A_1833 = vector.load %arg1[%get3A_1828, %get3A_1829, %get3A_1830, %get3A_1831, %get3A_1832] : memref<4x4x32x8x128xf32, #tpu.memory_space<vmem>>, vector<1x1x32x1x128xf32>
    %get3A_1834 = vector.shape_cast %get3A_1833 : vector<1x1x32x1x128xf32> to vector<32x128xf32>
    %jit3A_1835 = arith.constant 0.000000e+00 : f32
    %broadcast_in_dim3A_1836 = vector.broadcast %jit3A_1835 : f32 to vector<32x128xf32>
    %select_n3A_1837 = arith.select %eq3A_1827, %get3A_1834, %broadcast_in_dim3A_1836 : vector<32x128xi1>, vector<32x128xf32>
    %add3A_1838 = arith.addf %add3A_1824, %select_n3A_1837 : vector<32x128xf32>
    %eq3A_1839 = arith.constant 31 : i32
    %eq3A_1840 = vector.broadcast %eq3A_1839 : i32 to vector<32x128xi32>
    %eq3A_1841 = arith.cmpi eq, %get3A_1397, %eq3A_1840 : vector<32x128xi32>
    %get3A_1842 = arith.constant 3 : index
    %get3A_1843 = arith.constant 3 : index
    %get3A_1844 = arith.constant 0 : index
    %get3A_1845 = arith.constant 7 : index
    %get3A_1846 = arith.constant 0 : index
    %get3A_1847 = vector.load %arg1[%get3A_1842, %get3A_1843, %get3A_1844, %get3A_1845, %get3A_1846] : memref<4x4x32x8x128xf32, #tpu.memory_space<vmem>>, vector<1x1x32x1x128xf32>
    %get3A_1848 = vector.shape_cast %get3A_1847 : vector<1x1x32x1x128xf32> to vector<32x128xf32>
    %jit3A_1849 = arith.constant 0.000000e+00 : f32
    %broadcast_in_dim3A_1850 = vector.broadcast %jit3A_1849 : f32 to vector<32x128xf32>
    %select_n3A_1851 = arith.select %eq3A_1841, %get3A_1848, %broadcast_in_dim3A_1850 : vector<32x128xi1>, vector<32x128xf32>
    %add3A_1852 = arith.addf %add3A_1838, %select_n3A_1851 : vector<32x128xf32>
    %mul3A_1853 = arith.mulf %add3A_1852, %get3A_1402 : vector<32x128xf32>
    %swap3A_1854 = arith.constant 3 : index
    %swap3A_1855 = arith.constant 0 : index
    %swap3A_1856 = arith.constant 0 : index
    %swap3A_1857 = vector.load %arg4[%swap3A_1854, %swap3A_1855, %swap3A_1856] : memref<4x32x128xf32, #tpu.memory_space<vmem>>, vector<1x32x128xf32>
    %swap3A_1858 = vector.shape_cast %swap3A_1857 : vector<1x32x128xf32> to vector<32x128xf32>
    %swap3A_1859 = vector.shape_cast %mul3A_1853 : vector<32x128xf32> to vector<1x32x128xf32>
    tpu.vector_store %arg4[%swap3A_1854, %swap3A_1855, %swap3A_1856], %swap3A_1859 {strides = array<i32>} : memref<4x32x128xf32, #tpu.memory_space<vmem>>, vector<1x32x128xf32>,
    return
  }
  func.func @transform_0(%arg0: i32) -> (i32, i32, i32, i32, i32) {
    %add3A = arith.constant 72 : i32
    %add3A_0 = arith.addi %add3A, %arg0 : i32
    %c0_i32 = arith.constant 0 : i32
    %c0_i32_1 = arith.constant 0 : i32
    %c0_i32_2 = arith.constant 0 : i32
    %c0_i32_3 = arith.constant 0 : i32
    %c0_i32_4 = arith.constant 0 : i32
    return %add3A_0, %c0_i32, %c0_i32_1, %c0_i32_2, %c0_i32_3 : i32, i32, i32, i32, i32
  }
  func.func @transform_1(%arg0: i32) -> (i32, i32, i32) {
    %add3A = arith.constant 72 : i32
    %add3A_0 = arith.addi %add3A, %arg0 : i32
    %c0_i32 = arith.constant 0 : i32
    %c0_i32_1 = arith.constant 0 : i32
    %c0_i32_2 = arith.constant 0 : i32
    return %add3A_0, %c0_i32, %c0_i32_1 : i32, i32, i32
  }
  func.func @transform_2(%arg0: i32) -> (i32, i32, i32) {
    %add3A = arith.constant 72 : i32
    %add3A_0 = arith.addi %add3A, %arg0 : i32
    %c0_i32 = arith.constant 0 : i32
    %c0_i32_1 = arith.constant 0 : i32
    %c0_i32_2 = arith.constant 0 : i32
    return %add3A_0, %c0_i32, %c0_i32_1 : i32, i32, i32
  }
  func.func @transform_3(%arg0: i32) -> (i32, i32, i32) {
    %c0_i32 = arith.constant 0 : i32
    %c0_i32_0 = arith.constant 0 : i32
    %c0_i32_1 = arith.constant 0 : i32
    return %arg0, %c0_i32, %c0_i32_0 : i32, i32, i32
  }
}

</mosaic_0001>

<sc_bundles>
// kernel: kernel.4.cloned.1.call-start
scs
__scs_entry_jumppad:
0x0: {  	(pc) =	sbr.rel $0x88, $3  }
0x1: {  	(tag) =	ssettag $0x0;
	lr =	simm.s32 $0x1  }
0x2: {  	[smem:$0x3F9E] =	sst lr;
	_ =	strace $0xD0000000  }
0x3: {  	_ = 	snop  }
0x4: {  	_ = 	snop  }
0x5: {  	_ = 	snop  }
0x6: {  	_ = 	snop  }
0x7: {  	_ = 	snop  }
__scs_overlays_trampoline_lowered:
0x8: {  	[smem:$0x3FAD] =	sst s0  }
0x9: {  	[smem:$0x3FAE] =	sst s1  }
0xa: {  	[smem:$0x3FAF] =	sst s2  }
0xb: {  	[smem:$0x3FB0] =	sst s3  }
0xc: {  	[smem:$0x3FB1] =	sst s4  }
0xd: {  	[smem:$0x3FB2] =	sst s5  }
0xe: {  	[smem:$0x3FB3] =	sst s6  }
0xf: {  	[smem:$0x3FB4] =	sst s7  }
0x10: {  	[smem:$0x3FB5] =	sst s8  }
0x11: {  	[smem:$0x3FB6] =	sst s9;
	s0 =	simm.s32 @!p0 $0x0  }
0x12: {  	s1 =	sld [smem:$0x3F9C];
	s0 =	simm.s32 @p0 $0x1  }
0x13: {  	[smem:$0x3FB7] =	sst s0;
	s0 =	simm.s32 @!p1 $0x0  }
0x14: {  	s2 =	sld [smem:$0x3F9B];
	s0 =	simm.s32 @p1 $0x1  }
0x15: {  	[smem:$0x3FB8] =	sst s0;
	s0 =	simm.s32 @!p2 $0x0  }
0x16: {  	s3 =	sld [smem:$0x3FDB];
	s0 =	simm.s32 @p2 $0x1  }
0x17: {  	s4 =	simm.s32 $0x1BF5;
	[smem:$0x3FBA] =	sst s0  }
0x18: {  	s0 =	sld [smem:$0x3F9D];
	_ =	swait.ge [sflag:s4], $0x0  }
0x19: {  	s7 =	sld [smem:$0x3F9E]  }
0x1a: {  	s8 =	sadd.s32 $0xFFFFE003, lr  }
0x1b: {  	s9 =	sadd.s32 $0xFFFFFEF7, lr;
	s5 =	simm.s32 $0xFFFFFFFF;
	p2 =	slt.u32 s8, $0xFFFFF086  }
0x1c: {  	p1 =	slt.u32 s9, $0xF7A;
	s5 =	simm.s32 @!p2 $0x0  }
0x1d: {  	s5 =	simm.s32 @p1 $0x1;
	p0 =	seq.s32 s7, s2  }
0x1e: {  	s7 =	smul.u32 @!p0 $0xF7A, s2;
	p2 =	seq.s32 @!p0 s5, $0x0  }
0x1f: {  	s9 =	smul.u32 $0xF7A, s1;
	s8 =	simm.s32 @!p0 $0x1BF5;
	p2 =	por !p2, p0  }
0x20: {  	[sflag:s8] =	ssyncset.s32 @!p0 $0xFFFFF086;
	s6 =	sadd.s32 @!p0 s3, s7;
	s7 =	simm.s32 @!p0 $0x108  }
0x21: {  	s3 =	sadd.s32 s3, s9;
	s6 =	sadd.s32 @!p0 $0x88, s6;
	s7 =	simm.s32 @p2 $0x1082  }
0x22: {  	[simem:s7], [sflag:s8] =	dma.local @!p0 [hbm:s6], $0xF7A  }
0x23: {  	s9 =	sor.u32 $0xD0000000, s2;
	s6 =	simm.s32 $0x108;
	_ =	swait.ge @!p0 [sflag:s8], $0x0  }
0x24: {  	s3 =	sadd.s32 $0x88, s3;
	s6 =	simm.s32 @!p1 $0x1082;
	[sflag:s4] =	ssyncset.s32 $0xFFFFF086  }
0x25: {  	[simem:s6], [sflag:s4] =	dma.local [hbm:s3], $0xF7A  }
0x26: {  	[smem:$0x3F9E] =	sst s1;
	(tag) =	ssettag s2;
	_ =	strace s9  }
0x27: {  	s1 =	sld [smem:$0x3FAE]  }
0x28: {  	s2 =	sld [smem:$0x3FAF]  }
0x29: {  	s4 =	sld [smem:$0x3FB1]  }
0x2a: {  	p0 =	seq.s32 s5, $0x0;
	s5 =	sld [smem:$0x3FB2]  }
0x2b: {  	s6 =	sld [smem:$0x3FB3]  }
0x2c: {  	s7 =	sld [smem:$0x3FB4]  }
0x2d: {  	s3 =	simm.s32 $0x108;
	s8 =	sld [smem:$0x3FB5]  }
0x2e: {  	s3 =	simm.s32 @!p0 $0x1082;
	s9 =	sld [smem:$0x3FB6]  }
0x2f: {  	lr =	sadd.s32 s0, s3;
	s0 =	sld [smem:$0x3FAD]  }
0x30: {  	s3 =	sld [smem:$0x3FB0]  }
0x31: {  	[smem:$0x3FB9] =	sst s10  }
0x32: {  	s10 =	sld [smem:$0x3FB7];
	_ =	sdelay $0x3  }
0x33: {  	p0 =	seq.s32 s10, $0x1;
	s10 =	sld [smem:$0x3FB9];
	_ =	sdelay $0x3  }
0x34: {  	[smem:$0x3FB9] =	sst s10  }
0x35: {  	s10 =	sld [smem:$0x3FB8];
	_ =	sdelay $0x3  }
0x36: {  	p1 =	seq.s32 s10, $0x1;
	s10 =	sld [smem:$0x3FB9];
	_ =	sdelay $0x3  }
0x37: {  	[smem:$0x3FB9] =	sst s10  }
0x38: {  	s10 =	sld [smem:$0x3FBA]  }
0x39: {  	_ = 	snop;
	(pc) =	sbr.ind lr, $3  }
0x3a: {  	_ = 	snop  }
0x3b: {  	_ = 	snop  }
0x3c: {  	p2 =	seq.s32 s10, $0x1;
	s10 =	sld [smem:$0x3FB9]  }
0x3d: {  	_ =	shalt  }
0x3e: {  	_ =	shalt  }
0x3f: {  	_ =	shalt  }
0x40: {  	_ =	shalt  }
0x41: {  	_ =	shalt  }
0x42: {  	_ =	shalt  }
0x43: {  	_ =	shalt  }
0x44: {  	_ =	shalt  }
0x45: {  	_ =	shalt  }
0x46: {  	_ =	shalt  }
0x47: {  	_ =	shalt  }
0x48: {  	_ =	shalt  }
0x49: {  	_ =	shalt  }
0x4a: {  	_ =	shalt  }
0x4b: {  	_ =	shalt  }
0x4c: {  	_ =	shalt  }
0x4d: {  	_ =	shalt  }
0x4e: {  	_ =	shalt  }
0x4f: {  	_ =	shalt  }
0x50: {  	_ =	shalt  }
0x51: {  	_ =	shalt  }
0x52: {  	_ =	shalt  }
0x53: {  	_ =	shalt  }
0x54: {  	_ =	shalt  }
0x55: {  	_ =	shalt  }
0x56: {  	_ =	shalt  }
0x57: {  	_ =	shalt  }
0x58: {  	_ =	shalt  }
0x59: {  	_ =	shalt  }
0x5a: {  	_ =	shalt  }
0x5b: {  	_ =	shalt  }
0x5c: {  	_ =	shalt  }
0x5d: {  	_ =	shalt  }
0x5e: {  	_ =	shalt  }
0x5f: {  	_ =	shalt  }
0x60: {  	_ =	shalt  }
0x61: {  	_ =	shalt  }
0x62: {  	_ =	shalt  }
0x63: {  	_ =	shalt  }
0x64: {  	_ =	shalt  }
0x65: {  	_ =	shalt  }
0x66: {  	_ =	shalt  }
0x67: {  	_ =	shalt  }
0x68: {  	_ =	shalt  }
0x69: {  	_ =	shalt  }
0x6a: {  	_ =	shalt  }
0x6b: {  	_ =	shalt  }
0x6c: {  	_ =	shalt  }
0x6d: {  	_ =	shalt  }
0x6e: {  	_ =	shalt  }
0x6f: {  	_ =	shalt  }
0x70: {  	_ =	shalt  }
0x71: {  	_ =	shalt  }
0x72: {  	_ =	shalt  }
0x73: {  	_ =	shalt  }
0x74: {  	_ =	shalt  }
0x75: {  	_ =	shalt  }
0x76: {  	_ =	shalt  }
0x77: {  	_ =	shalt  }
0x78: {  	_ =	shalt  }
0x79: {  	_ =	shalt  }
0x7a: {  	_ =	shalt  }
0x7b: {  	_ =	shalt  }
0x7c: {  	_ =	shalt  }
0x7d: {  	_ =	shalt  }
0x7e: {  	_ =	shalt  }
0x7f: {  	_ =	shalt  }
0x80: {  	_ =	shalt  }
0x81: {  	_ =	shalt  }
0x82: {  	_ =	shalt  }
0x83: {  	_ =	shalt  }
0x84: {  	_ =	shalt  }
0x85: {  	_ =	shalt  }
0x86: {  	_ =	shalt  }
0x87: {  	_ =	shalt  }
.Lfunc_end0:
.L_simem_size_0:
called_computation_lowered:
.L_overlay_start_0:
0x88: {  	s2 =	sld [smem:$0x3FD9]  }
0x89: {  	s3 =	sld [smem:$0x3FFE];
	_ =	sdelay $0x1  }
0x8a: {  	s1 =	srdreg.scid  }
0x8b: {  	s0 =	sand.u32 $0x1, s1  }
0x8c: {  	s17 =	sshll.u32 s0, $0xA;
	s2 =	sadd.s32 s3, s2  }
0x8d: {  	s2 =	sadd.s32 s2, s17  }
0x8e: {  	[smem:$0x3FC5] =	sst s2  }
0x8f: {  	_ = 	snop  }
0x90: {  	s2 =	sld [smem:$0x3FC9]  }
0x91: {  	s18 =	sld [smem:$0x3FC8]  }
0x92: {  	s4 =	sld [smem:$0x3FC7];
	(tm) =	ssettm $0x1  }
0x93: {  	s5 =	sld [smem:$0x3FFB];
	_ =	sdelay $0x3  }
0x94: {  	_ =	strace s5  }
0x95: {  	s5 =	sld [smem:$0x3FFC];
	_ =	sdelay $0x3  }
0x96: {  	_ =	strace s5  }
0x97: {  	s5 =	sld [smem:$0x3FFD];
	_ =	sdelay $0x3  }
0x98: {  	_ =	strace s5  }
0x99: {  	_ =	strace $0x8FFFFFFF  }
0x9a: {  	s19 =	sld [smem:$0x3FDB];
	_ =	sdelay $0x1  }
0x9b: {  	s6 =	simm.s32 $_scs_section_size  }
0x9c: {  	s7 =	simm.s32 $_size__tile_overlayer_lowered;
	s8 =	simm.s32 $_tile_overlayer_lowered  }
0x9d: {  	s22 =	simm.s32 $0x1BFF;
	s21 =	sshll.u32 s8, $0x1;
	s5 =	sadd.s32 s6, s19  }
0x9e: {  	s9 =	simm.s32 $0x0;
	s20 =	sshll.u32 s7, $0x1;
	s7 =	sadd.s32 s21, s5  }
0x9f: {  	[timem:s9], [sflag:s22] =	dma.local [hbm:s7], s20  }
0xa0: {  	_ =	swait.ge [sflag:s22], s20  }
0xa1: {  	s6 =	ssub.s32 $0x0, s20;
	[sflag:s22] =	ssyncset.done $0x0  }
0xa2: {  	[sflag:s22] =	ssyncadd.s32 s6;
	_ =	sdelay $0x1  }
0xa3: {  	s23 =	simm.s32 $0x1B8B  }
0xa4: {  	_ =	swait.ge [sflag:s23], $0x1  }
0xa5: {  	[sflag:s23] =	ssyncset.done $0x0  }
0xa6: {  	s25 =	simm.s32 $0x1B8E;
	s24 =	sld [smem:$0x3FFE];
	[sflag:s23] =	ssyncadd.s32 $0xFFFFFFFF  }
0xa7: {  	s26 =	simm.s32 $execute0_lowered;
	[smem:$0x3FD2] =	sst s25  }
0xa8: {  	s7 =	sshll.u32 s26, $0x1;
	_ =	strace $0x80000046;
	[dreg:$0x1] =	wrdreg $0xFFFFFFFF  }
0xa9: {  	s28 =	simm.s32 $_size_execute0_lowered;
	s5 =	sadd.s32 s5, s7;
	[dreg:$0x0] =	wrdreg $0x0  }
0xaa: {  	s7 =	sshll.u32 s28, $0x1;
	[dreg:$0x2] =	wrdreg s5  }
0xab: {  	[dreg:$0x3] =	wrdreg s7  }
0xac: {  	[dreg:$0x4] =	wrdreg $0xC0  }
0xad: {  	_ =	task [dreg:s9], $0x5FFFF  }
0xae: {  	[dreg:$0x1] =	wrdreg $0xFFFFFFFF  }
0xaf: {  	[dreg:$0x0] =	wrdreg $0x60  }
0xb0: {  	[dreg:$0x2] =	wrdreg s2  }
0xb1: {  	[dreg:$0x3] =	wrdreg s4  }
0xb2: {  	[dreg:$0x4] =	wrdreg s18  }
0xb3: {  	[dreg:$0x5] =	wrdreg s24  }
0xb4: {  	[dreg:$0x6] =	wrdreg $0x9  }
0xb5: {  	_ =	task.clear_ibuf [dreg:s9], $0x7FFFF;
	_ =	strace $0x90000046  }
0xb6: {  	s29 =	simm.s32 $0x9;
	_ =	strace $0x80000048  }
0xb7: {  	_ =	swait.ge [sflag:s29], $0x1  }
0xb8: {  	[sflag:s29] =	ssyncadd.s32 $0xFFFFFFFF  }
0xb9: {  	_ =	strace $0x90000048  }
0xba: {  	_ =	sfence  }
0xbb: {  	s30 =	sld [smem:$0x0];
	_ =	sdelay $0x2  }
0xbc: {  	s31 =	sshll.u32 s1, $0xD;
	s1 =	sshrl.u32 s1, $0x2  }
0xbd: {  	s3 =	sand.u32 $0x4000, s31;
	s1 =	sadd.s32 s1, s30  }
0xbe: {  	s0 =	sor.u32 s3, s0;
	s1 =	sshll.u32 s1, $0x11  }
0xbf: {  	s0 =	sor.u32 s1, s0  }
0xc0: {  	s0 =	sadd.s32 $0x8F2B, s0  }
0xc1: {  	[sflag:s0] =	ssyncadd.remote.s32 $0x1  }
0xc2: {  	_ =	sfence.sel $0xFFFF  }
0xc3: {  	[dreg:$0x0] =	wrdreg $0xFFFFFFFF;
	(pc) =	sbr.abs _section_cstart, $3  }
0xc4: {  	[dreg:$0x1] =	wrdreg $0xFFFFFFFF  }
0xc5: {  	_ =	task.clear_ibuf [dreg:s9], $0x2FFFF;
	_ =	strace $0x9FFFFFFF  }
0xc6: {  	(tm) =	ssettm $0x7FFFFFFF  }
0xc7: {  	_ =	shalt  }
tec
execute0_lowered:
.L_overlay_start_1:
0x0: {  	(tag) =	ssettag $0x1  }
0x1: {  	s1 =	rddreg [dreg:$0x0]  }
0x2: {  	s2 =	rddreg [dreg:$0x1]  }
0x3: {  	s0 =	srdreg.scid;
	s4 =	rddreg [dreg:$0x2]  }
0x4: {  	s15 =	stileid.u32;
	s5 =	rddreg [dreg:$0x3]  }
0x5: {  	s8 =	simm.s32 $0x0;
	s19 =	simm.s32 $0x1;
	s14 =	smul.u32 $0x48, s15  }
0x6: {  	s31 =	simm.s32 $0x3;
	s10 =	sshrl.u32 s15, $0x2;
	s28 =	smul.u32 $0x240000, s15  }
0x7: {  	s0 =	sand.u32 $0x1, s0;
	s3 =	sshll.u32 s15, $0x1;
	s12 =	smul.u32 $0x1400, s10  }
0x8: {  	[smem:$0x7FF] =	sst s8;
	s3 =	sor.u32 s0, s3;
	s26 =	smul.u32 $0x24, s0  }
0x9: {  	s7 =	ssub.s32 $0x2, s0;
	_ =	strace $0x80000047;
	s0 =	smul.u32 $0x120000, s0  }
0xa: {  	s6 =	smul.u32 $0x9000, s3;
	s20 =	sshrl.u32 s7, $0x1;
	s3 =	sshll.u32 s3, $0x7  }
0xb: {  	s13 =	ssub.s32 s7, s20;
	s25 =	sand.u32 $0x380, s3;
	s3 =	sadd.s32 s26, s14  }
0xc: {  	s30 =	sadd.s32 s0, s28;
	s20 =	simm.s32 $0x2400;
	s26 =	simm.s32 $0xFC00  }
0xd: {  	s6 =	sshrl.u32 s6, $0x3;
	s13 =	smax.u32 s13, $0x1;
	s29 =	sshll.u32 s3, $0xF  }
0xe: {  	s21 =	sadd.s32 $0x480, s6;
	s22 =	sadd.s32 s2, s6;
	s23 =	sadd.s32 s4, s6  }
0xf: {  	s9 =	sadd.s32 $0x900, s6;
	s6 =	sadd.s32 $0xD80, s6;
	s15 =	sadd.s32 $0x48000, s29  }
0x10: {  	s16 =	sadd.s32 $0x90000, s29;
	s17 =	sadd.s32 $0xD8000, s29;
	[dreg:$0x5] =	wrdreg s22  }
0x11: {  	[dreg:$0x6] =	wrdreg s23;
	s24 =	sadd.s32 s2, s21;
	s7 =	sadd.s32 s4, s21  }
0x12: {  	s8 =	sadd.s32 s2, s9;
	s9 =	sadd.s32 s4, s9;
	s10 =	sadd.s32 s2, s6  }
0x13: {  	s11 =	sadd.s32 s4, s6;
	s2 =	sor.u32 s12, s25;
	s21 =	simm.s32 $0x9000  }
0x14: {  	s22 =	simm.s32 $0xD800;
	s23 =	simm.s32 $0x6C00;
	[dreg:$0x7] =	wrdreg s24  }
0x15: {  	s25 =	simm.s32 $0xB400;
	[dreg:$0x8] =	wrdreg s7;
	s2 =	sshrl.u32 s2, $0x3  }
0x16: {  	v0 =	vlaneseq.u32;
	s24 =	simm.s32 $0x2;
	s12 =	sadd.s32 s5, s2;
	s2 =	simm.s32 $0x0  }
.LBB2_1:
0x17: {  	s0 =	simm.s32 $0x0;
	s3 =	rddreg [dreg:$0x5]  }
0x18: {  	[tilespmem:s0], [sflag:$0x1] =	stream.linear.gather [hbm4b:s3+s0], $0x2400, $0x38;
	[tilespmem:$0x12280] =	vst v63  }
0x19: {  	s18 =	rddreg [dreg:$0x6];
	s4 =	simm.s32 $0x4800  }
0x1a: {  	[tilespmem:s4], [sflag:$0x1] =	stream.linear.gather [hbm4b:s18+s0], $0x2400, $0x38;
	[tilespmem:$0x12280] =	vst v63  }
0x1b: {  	_ =	swait.ge [sflag:s19], $0x2400  }
0x1c: {  	[sflag:s19] =	ssyncset.done $0x0  }
0x1d: {  	[sflag:s19] =	ssyncadd.s32 $0xFFFFDC00  }
0x1e: {  	s28 =	simm.s32 $0x40;
	_ =	swait.ge [sflag:s19], $0x2400  }
0x1f: {  	s29 =	simm.s32 $0x0;
	s14 =	smov.u32 s30;
	[sflag:s19] =	ssyncset.done $0x0  }
0x20: {  	s3 =	simm.s32 $0x0;
	s18 =	simm.s32 $0x9040;
	[sflag:s19] =	ssyncadd.s32 $0xFFFFDC00  }
.LBB2_2:
0x21: {  	v1 =	vld [tilespmem:s28+$0xFFFFFFC0];
	_ =	sdelay $0x3  }
0x22: {  	s0 =	sand.u32 $0x3, s29  }
0x23: {  	s4 =	sand.u32 $0xFFFE0000, s14;
	s0 =	sshll.u32 s0, $0xD;
	v2 =	vshll.u32 v1, $0xC  }
0x24: {  	s4 =	sor.u32 s0, s4;
	v1 =	vshll.u32 v1, $0x7;
	v2 =	vand.u32 $0xFFFF8000, v2  }
0x25: {  	v1 =	vand.u32 $0x380, v1;
	v2 =	vadd.s32 s4, v2  }
0x26: {  	v1 =	vadd.s32 v1, v2  }
0x27: {  	v1 =	vadd.s32 v0, v1  }
0x28: {  	[tilespmem:s18+$0xFFFFFFC0] =	vst v1  }
0x29: {  	v1 =	vld [tilespmem:s28+$0xFFFFFFD0];
	_ =	sdelay $0x4  }
0x2a: {  	v2 =	vshll.u32 v1, $0xC  }
0x2b: {  	s0 =	sadd.s32 $0x10, s4;
	v1 =	vshll.u32 v1, $0x7;
	v2 =	vand.u32 $0xFFFF8000, v2  }
0x2c: {  	v1 =	vand.u32 $0x380, v1;
	v2 =	vadd.s32 s0, v2  }
0x2d: {  	v1 =	vadd.s32 v1, v2  }
0x2e: {  	v1 =	vadd.s32 v0, v1  }
0x2f: {  	[tilespmem:s18+$0xFFFFFFD0] =	vst v1  }
0x30: {  	v1 =	vld [tilespmem:s28+$0xFFFFFFE0];
	_ =	sdelay $0x4  }
0x31: {  	v2 =	vshll.u32 v1, $0xC  }
0x32: {  	s5 =	sadd.s32 $0x20, s4;
	v1 =	vshll.u32 v1, $0x7;
	v2 =	vand.u32 $0xFFFF8000, v2  }
0x33: {  	v1 =	vand.u32 $0x380, v1;
	v2 =	vadd.s32 s5, v2  }
0x34: {  	v1 =	vadd.s32 v1, v2  }
0x35: {  	v1 =	vadd.s32 v0, v1  }
0x36: {  	[tilespmem:s18+$0xFFFFFFE0] =	vst v1  }
0x37: {  	v1 =	vld [tilespmem:s28+$0xFFFFFFF0];
	_ =	sdelay $0x4  }
0x38: {  	v2 =	vshll.u32 v1, $0xC  }
0x39: {  	s6 =	sadd.s32 $0x30, s4;
	v1 =	vshll.u32 v1, $0x7;
	v2 =	vand.u32 $0xFFFF8000, v2  }
0x3a: {  	v1 =	vand.u32 $0x380, v1;
	v2 =	vadd.s32 s6, v2  }
0x3b: {  	v1 =	vadd.s32 v1, v2  }
0x3c: {  	v1 =	vadd.s32 v0, v1  }
0x3d: {  	[tilespmem:s18+$0xFFFFFFF0] =	vst v1  }
0x3e: {  	v1 =	vld [tilespmem:s28+$0x0];
	_ =	sdelay $0x4  }
0x3f: {  	v2 =	vshll.u32 v1, $0xC  }
0x40: {  	s7 =	sadd.s32 $0x40, s4;
	v1 =	vshll.u32 v1, $0x7;
	v2 =	vand.u32 $0xFFFF8000, v2  }
0x41: {  	v1 =	vand.u32 $0x380, v1;
	v2 =	vadd.s32 s7, v2  }
0x42: {  	v1 =	vadd.s32 v1, v2  }
0x43: {  	v1 =	vadd.s32 v0, v1  }
0x44: {  	[tilespmem:s18+$0x0] =	vst v1  }
0x45: {  	v1 =	vld [tilespmem:s28+$0x10];
	_ =	sdelay $0x4  }
0x46: {  	v2 =	vshll.u32 v1, $0xC  }
0x47: {  	s5 =	sadd.s32 $0x50, s4;
	v1 =	vshll.u32 v1, $0x7;
	v2 =	vand.u32 $0xFFFF8000, v2  }
0x48: {  	v1 =	vand.u32 $0x380, v1;
	v2 =	vadd.s32 s5, v2  }
0x49: {  	v1 =	vadd.s32 v1, v2  }
0x4a: {  	v1 =	vadd.s32 v0, v1  }
0x4b: {  	[tilespmem:s18+$0x10] =	vst v1  }
0x4c: {  	v1 =	vld [tilespmem:s28+$0x20];
	_ =	sdelay $0x4  }
0x4d: {  	v2 =	vshll.u32 v1, $0xC  }
0x4e: {  	s6 =	sadd.s32 $0x60, s4;
	v1 =	vshll.u32 v1, $0x7;
	v2 =	vand.u32 $0xFFFF8000, v2  }
0x4f: {  	v1 =	vand.u32 $0x380, v1;
	v2 =	vadd.s32 s6, v2  }
0x50: {  	v1 =	vadd.s32 v1, v2  }
0x51: {  	v1 =	vadd.s32 v0, v1  }
0x52: {  	[tilespmem:s18+$0x20] =	vst v1  }
0x53: {  	v1 =	vld [tilespmem:s28+$0x30];
	_ =	sdelay $0x4  }
0x54: {  	v2 =	vshll.u32 v1, $0xC  }
0x55: {  	s7 =	sadd.s32 $0x70, s4;
	v1 =	vshll.u32 v1, $0x7;
	v2 =	vand.u32 $0xFFFF8000, v2  }
0x56: {  	v1 =	vand.u32 $0x380, v1;
	v2 =	vadd.s32 s7, v2  }
0x57: {  	v1 =	vadd.s32 v1, v2  }
0x58: {  	v1 =	vadd.s32 v0, v1  }
0x59: {  	s0 =	smov.u32 s18;
	s5 =	simm.s32 $0x0;
	s6 =	sadd.s32 $0x80, s28;
	[tilespmem:s18+$0x30] =	vst v1  }
.LBB2_3:
0x5a: {  	v1 =	vld [tilespmem:s6+$0xFFFFFFC0];
	s5 =	sadd.s32 $0x8, s5  }
0x5b: {  	p0 =	slt.u32 s5, $0x38;
	_ =	sdelay $0x3  }
0x5c: {  	v2 =	vshll.u32 v1, $0xC  }
0x5d: {  	s4 =	sadd.s32 $0x400, s4;
	v1 =	vshll.u32 v1, $0x7;
	v2 =	vand.u32 $0xFFFF8000, v2  }
0x5e: {  	v1 =	vand.u32 $0x380, v1;
	v2 =	vadd.s32 s4, v2  }
0x5f: {  	v1 =	vadd.s32 v1, v2  }
0x60: {  	s0 =	sadd.s32 $0x80, s0;
	v1 =	vadd.s32 v0, v1  }
0x61: {  	[tilespmem:s0+$0xFFFFFFC0] =	vst v1  }
0x62: {  	v1 =	vld [tilespmem:s6+$0xFFFFFFD0];
	_ =	sdelay $0x4  }
0x63: {  	v2 =	vshll.u32 v1, $0xC  }
0x64: {  	s7 =	sadd.s32 $0x10, s4;
	v1 =	vshll.u32 v1, $0x7;
	v2 =	vand.u32 $0xFFFF8000, v2  }
0x65: {  	v1 =	vand.u32 $0x380, v1;
	v2 =	vadd.s32 s7, v2  }
0x66: {  	v1 =	vadd.s32 v1, v2  }
0x67: {  	v1 =	vadd.s32 v0, v1  }
0x68: {  	[tilespmem:s0+$0xFFFFFFD0] =	vst v1  }
0x69: {  	v1 =	vld [tilespmem:s6+$0xFFFFFFE0];
	_ =	sdelay $0x4  }
0x6a: {  	v2 =	vshll.u32 v1, $0xC  }
0x6b: {  	s7 =	sadd.s32 $0x20, s4;
	v1 =	vshll.u32 v1, $0x7;
	v2 =	vand.u32 $0xFFFF8000, v2  }
0x6c: {  	v1 =	vand.u32 $0x380, v1;
	v2 =	vadd.s32 s7, v2  }
0x6d: {  	v1 =	vadd.s32 v1, v2  }
0x6e: {  	v1 =	vadd.s32 v0, v1  }
0x6f: {  	[tilespmem:s0+$0xFFFFFFE0] =	vst v1  }
0x70: {  	v1 =	vld [tilespmem:s6+$0xFFFFFFF0];
	_ =	sdelay $0x4  }
0x71: {  	v2 =	vshll.u32 v1, $0xC  }
0x72: {  	s7 =	sadd.s32 $0x30, s4;
	v1 =	vshll.u32 v1, $0x7;
	v2 =	vand.u32 $0xFFFF8000, v2  }
0x73: {  	v1 =	vand.u32 $0x380, v1;
	v2 =	vadd.s32 s7, v2  }
0x74: {  	v1 =	vadd.s32 v1, v2  }
0x75: {  	v1 =	vadd.s32 v0, v1  }
0x76: {  	[tilespmem:s0+$0xFFFFFFF0] =	vst v1  }
0x77: {  	v1 =	vld [tilespmem:s6+$0x0];
	_ =	sdelay $0x4  }
0x78: {  	v2 =	vshll.u32 v1, $0xC  }
0x79: {  	s7 =	sadd.s32 $0x40, s4;
	v1 =	vshll.u32 v1, $0x7;
	v2 =	vand.u32 $0xFFFF8000, v2  }
0x7a: {  	v1 =	vand.u32 $0x380, v1;
	v2 =	vadd.s32 s7, v2  }
0x7b: {  	v1 =	vadd.s32 v1, v2  }
0x7c: {  	v1 =	vadd.s32 v0, v1  }
0x7d: {  	[tilespmem:s0+$0x0] =	vst v1  }
0x7e: {  	v1 =	vld [tilespmem:s6+$0x10];
	_ =	sdelay $0x4  }
0x7f: {  	v2 =	vshll.u32 v1, $0xC  }
0x80: {  	s7 =	sadd.s32 $0x50, s4;
	v1 =	vshll.u32 v1, $0x7;
	v2 =	vand.u32 $0xFFFF8000, v2  }
0x81: {  	v1 =	vand.u32 $0x380, v1;
	v2 =	vadd.s32 s7, v2  }
0x82: {  	v1 =	vadd.s32 v1, v2  }
0x83: {  	v1 =	vadd.s32 v0, v1  }
0x84: {  	[tilespmem:s0+$0x10] =	vst v1  }
0x85: {  	v1 =	vld [tilespmem:s6+$0x20];
	_ =	sdelay $0x4  }
0x86: {  	v2 =	vshll.u32 v1, $0xC  }
0x87: {  	s7 =	sadd.s32 $0x60, s4;
	v1 =	vshll.u32 v1, $0x7;
	v2 =	vand.u32 $0xFFFF8000, v2  }
0x88: {  	v1 =	vand.u32 $0x380, v1;
	v2 =	vadd.s32 s7, v2  }
0x89: {  	v1 =	vadd.s32 v1, v2  }
0x8a: {  	v1 =	vadd.s32 v0, v1  }
0x8b: {  	[tilespmem:s0+$0x20] =	vst v1  }
0x8c: {  	v1 =	vld [tilespmem:s6+$0x30];
	_ =	sdelay $0x4  }
0x8d: {  	v2 =	vshll.u32 v1, $0xC  }
.Ltmp0:
0x8e: {  	s7 =	sadd.s32 $0x70, s4;
	v1 =	vshll.u32 v1, $0x7;
	v2 =	vand.u32 $0xFFFF8000, v2;
	(pc) =	sbr.rel @p0 .LBB2_3-.Ltmp0, $4  }
0x8f: {  	v1 =	vand.u32 $0x380, v1;
	v2 =	vadd.s32 s7, v2  }
0x90: {  	v1 =	vadd.s32 v1, v2  }
0x91: {  	v1 =	vadd.s32 v0, v1  }
0x92: {  	s6 =	sadd.s32 $0x80, s6;
	[tilespmem:s0+$0x30] =	vst v1  }
0x93: {  	s3 =	sadd.s32 $0x1, s3  }
0x94: {  	p0 =	sne.s32 s3, $0x9  }
.Ltmp1:
0x95: {  	_ = 	snop;
	(pc) =	sbr.rel @p0 .LBB2_2-.Ltmp1, $3  }
0x96: {  	_ =	sdelay $0x1  }
0x97: {  	s14 =	sadd.s32 $0x8000, s14  }
0x98: {  	s29 =	sadd.s32 $0x1, s29;
	s18 =	sadd.s32 $0x400, s18;
	s28 =	sadd.s32 $0x400, s28  }
0x99: {  	[tilespmem:s22], [sflag:$0x2] =	stream.indirect.gather [hbm4b:s1+s20], $0x1, s21, s20, $0xb8;
	[tilespmem:$0x12280] =	vst v63  }
0x9a: {  	s0 =	simm.s32 $0x0;
	s3 =	rddreg [dreg:$0x7]  }
0x9b: {  	[tilespmem:s20], [sflag:$0x1] =	stream.linear.gather [hbm4b:s3+s0], $0x2400, $0x38;
	[tilespmem:$0x12280] =	vst v63  }
0x9c: {  	s18 =	rddreg [dreg:$0x8];
	s28 =	simm.s32 $0x1  }
0x9d: {  	[tilespmem:s23], [sflag:$0x1] =	stream.linear.gather [hbm4b:s18+s0], $0x2400, $0x38;
	[tilespmem:$0x12280] =	vst v63  }
0x9e: {  	_ =	swait.ge [sflag:s28], $0x2400  }
0x9f: {  	[sflag:s28] =	ssyncset.done $0x0  }
0xa0: {  	[sflag:s28] =	ssyncadd.s32 $0xFFFFDC00  }
0xa1: {  	_ =	swait.ge [sflag:s28], $0x2400  }
0xa2: {  	s29 =	simm.s32 $0xB440;
	[sflag:s28] =	ssyncset.done $0x0  }
0xa3: {  	s14 =	simm.s32 $0x2440;
	s3 =	smov.u32 s15;
	[sflag:s28] =	ssyncadd.s32 $0xFFFFDC00  }
.LBB2_6:
0xa4: {  	v1 =	vld [tilespmem:s14+$0xFFFFFFC0];
	_ =	sdelay $0x3  }
0xa5: {  	s4 =	sand.u32 $0x3, s28  }
0xa6: {  	s5 =	sand.u32 $0xFFFE0000, s3;
	s4 =	sshll.u32 s4, $0xD;
	v2 =	vshll.u32 v1, $0xC  }
0xa7: {  	s4 =	sor.u32 s4, s5;
	v1 =	vshll.u32 v1, $0x7;
	v2 =	vand.u32 $0xFFFF8000, v2  }
0xa8: {  	v1 =	vand.u32 $0x380, v1;
	v2 =	vadd.s32 s4, v2  }
0xa9: {  	v1 =	vadd.s32 v1, v2  }
0xaa: {  	v1 =	vadd.s32 v0, v1  }
0xab: {  	[tilespmem:s29+$0xFFFFFFC0] =	vst v1  }
0xac: {  	v1 =	vld [tilespmem:s14+$0xFFFFFFD0];
	_ =	sdelay $0x4  }
0xad: {  	v2 =	vshll.u32 v1, $0xC  }
0xae: {  	s5 =	sadd.s32 $0x10, s4;
	v1 =	vshll.u32 v1, $0x7;
	v2 =	vand.u32 $0xFFFF8000, v2  }
0xaf: {  	v1 =	vand.u32 $0x380, v1;
	v2 =	vadd.s32 s5, v2  }
0xb0: {  	v1 =	vadd.s32 v1, v2  }
0xb1: {  	v1 =	vadd.s32 v0, v1  }
0xb2: {  	[tilespmem:s29+$0xFFFFFFD0] =	vst v1  }
0xb3: {  	v1 =	vld [tilespmem:s14+$0xFFFFFFE0];
	_ =	sdelay $0x4  }
0xb4: {  	v2 =	vshll.u32 v1, $0xC  }
0xb5: {  	s6 =	sadd.s32 $0x20, s4;
	v1 =	vshll.u32 v1, $0x7;
	v2 =	vand.u32 $0xFFFF8000, v2  }
0xb6: {  	v1 =	vand.u32 $0x380, v1;
	v2 =	vadd.s32 s6, v2  }
0xb7: {  	v1 =	vadd.s32 v1, v2  }
0xb8: {  	v1 =	vadd.s32 v0, v1  }
0xb9: {  	[tilespmem:s29+$0xFFFFFFE0] =	vst v1  }
0xba: {  	v1 =	vld [tilespmem:s14+$0xFFFFFFF0];
	_ =	sdelay $0x4  }
0xbb: {  	v2 =	vshll.u32 v1, $0xC  }
0xbc: {  	s7 =	sadd.s32 $0x30, s4;
	v1 =	vshll.u32 v1, $0x7;
	v2 =	vand.u32 $0xFFFF8000, v2  }
0xbd: {  	v1 =	vand.u32 $0x380, v1;
	v2 =	vadd.s32 s7, v2  }
0xbe: {  	v1 =	vadd.s32 v1, v2  }
0xbf: {  	v1 =	vadd.s32 v0, v1  }
0xc0: {  	[tilespmem:s29+$0xFFFFFFF0] =	vst v1  }
0xc1: {  	v1 =	vld [tilespmem:s14+$0x0];
	_ =	sdelay $0x4  }
0xc2: {  	v2 =	vshll.u32 v1, $0xC  }
0xc3: {  	s18 =	sadd.s32 $0x40, s4;
	v1 =	vshll.u32 v1, $0x7;
	v2 =	vand.u32 $0xFFFF8000, v2  }
0xc4: {  	v1 =	vand.u32 $0x380, v1;
	v2 =	vadd.s32 s18, v2  }
0xc5: {  	v1 =	vadd.s32 v1, v2  }
0xc6: {  	v1 =	vadd.s32 v0, v1  }
0xc7: {  	[tilespmem:s29+$0x0] =	vst v1  }
0xc8: {  	v1 =	vld [tilespmem:s14+$0x10];
	_ =	sdelay $0x4  }
0xc9: {  	v2 =	vshll.u32 v1, $0xC  }
0xca: {  	s6 =	sadd.s32 $0x50, s4;
	v1 =	vshll.u32 v1, $0x7;
	v2 =	vand.u32 $0xFFFF8000, v2  }
0xcb: {  	v1 =	vand.u32 $0x380, v1;
	v2 =	vadd.s32 s6, v2  }
0xcc: {  	v1 =	vadd.s32 v1, v2  }
0xcd: {  	v1 =	vadd.s32 v0, v1  }
0xce: {  	[tilespmem:s29+$0x10] =	vst v1  }
0xcf: {  	v1 =	vld [tilespmem:s14+$0x20];
	_ =	sdelay $0x4  }
0xd0: {  	v2 =	vshll.u32 v1, $0xC  }
0xd1: {  	s7 =	sadd.s32 $0x60, s4;
	v1 =	vshll.u32 v1, $0x7;
	v2 =	vand.u32 $0xFFFF8000, v2  }
0xd2: {  	v1 =	vand.u32 $0x380, v1;
	v2 =	vadd.s32 s7, v2  }
0xd3: {  	v1 =	vadd.s32 v1, v2  }
0xd4: {  	v1 =	vadd.s32 v0, v1  }
0xd5: {  	[tilespmem:s29+$0x20] =	vst v1  }
0xd6: {  	v1 =	vld [tilespmem:s14+$0x30];
	_ =	sdelay $0x4  }
0xd7: {  	v2 =	vshll.u32 v1, $0xC  }
0xd8: {  	s18 =	sadd.s32 $0x70, s4;
	v1 =	vshll.u32 v1, $0x7;
	v2 =	vand.u32 $0xFFFF8000, v2  }
0xd9: {  	v1 =	vand.u32 $0x380, v1;
	v2 =	vadd.s32 s18, v2  }
0xda: {  	v1 =	vadd.s32 v1, v2  }
0xdb: {  	v1 =	vadd.s32 v0, v1  }
0xdc: {  	s5 =	simm.s32 $0x0;
	s6 =	sadd.s32 $0x80, s14;
	s18 =	smov.u32 s29;
	[tilespmem:s29+$0x30] =	vst v1  }
.LBB2_7:
0xdd: {  	v1 =	vld [tilespmem:s6+$0xFFFFFFC0];
	s5 =	sadd.s32 $0x8, s5  }
0xde: {  	p0 =	slt.u32 s5, $0x38;
	_ =	sdelay $0x3  }
0xdf: {  	v2 =	vshll.u32 v1, $0xC  }
0xe0: {  	s4 =	sadd.s32 $0x400, s4;
	v1 =	vshll.u32 v1, $0x7;
	v2 =	vand.u32 $0xFFFF8000, v2  }
0xe1: {  	v1 =	vand.u32 $0x380, v1;
	v2 =	vadd.s32 s4, v2  }
0xe2: {  	v1 =	vadd.s32 v1, v2  }
0xe3: {  	s18 =	sadd.s32 $0x80, s18;
	v1 =	vadd.s32 v0, v1  }
0xe4: {  	[tilespmem:s18+$0xFFFFFFC0] =	vst v1  }
0xe5: {  	v1 =	vld [tilespmem:s6+$0xFFFFFFD0];
	_ =	sdelay $0x4  }
0xe6: {  	v2 =	vshll.u32 v1, $0xC  }
0xe7: {  	s7 =	sadd.s32 $0x10, s4;
	v1 =	vshll.u32 v1, $0x7;
	v2 =	vand.u32 $0xFFFF8000, v2  }
0xe8: {  	v1 =	vand.u32 $0x380, v1;
	v2 =	vadd.s32 s7, v2  }
0xe9: {  	v1 =	vadd.s32 v1, v2  }
0xea: {  	v1 =	vadd.s32 v0, v1  }
0xeb: {  	[tilespmem:s18+$0xFFFFFFD0] =	vst v1  }
0xec: {  	v1 =	vld [tilespmem:s6+$0xFFFFFFE0];
	_ =	sdelay $0x4  }
0xed: {  	v2 =	vshll.u32 v1, $0xC  }
0xee: {  	s7 =	sadd.s32 $0x20, s4;
	v1 =	vshll.u32 v1, $0x7;
	v2 =	vand.u32 $0xFFFF8000, v2  }
0xef: {  	v1 =	vand.u32 $0x380, v1;
	v2 =	vadd.s32 s7, v2  }
0xf0: {  	v1 =	vadd.s32 v1, v2  }
0xf1: {  	v1 =	vadd.s32 v0, v1  }
0xf2: {  	[tilespmem:s18+$0xFFFFFFE0] =	vst v1  }
0xf3: {  	v1 =	vld [tilespmem:s6+$0xFFFFFFF0];
	_ =	sdelay $0x4  }
0xf4: {  	v2 =	vshll.u32 v1, $0xC  }
0xf5: {  	s7 =	sadd.s32 $0x30, s4;
	v1 =	vshll.u32 v1, $0x7;
	v2 =	vand.u32 $0xFFFF8000, v2  }
0xf6: {  	v1 =	vand.u32 $0x380, v1;
	v2 =	vadd.s32 s7, v2  }
0xf7: {  	v1 =	vadd.s32 v1, v2  }
0xf8: {  	v1 =	vadd.s32 v0, v1  }
0xf9: {  	[tilespmem:s18+$0xFFFFFFF0] =	vst v1  }
0xfa: {  	v1 =	vld [tilespmem:s6+$0x0];
	_ =	sdelay $0x4  }
0xfb: {  	v2 =	vshll.u32 v1, $0xC  }
0xfc: {  	s7 =	sadd.s32 $0x40, s4;
	v1 =	vshll.u32 v1, $0x7;
	v2 =	vand.u32 $0xFFFF8000, v2  }
0xfd: {  	v1 =	vand.u32 $0x380, v1;
	v2 =	vadd.s32 s7, v2  }
0xfe: {  	v1 =	vadd.s32 v1, v2  }
0xff: {  	v1 =	vadd.s32 v0, v1  }
0x100: {  	[tilespmem:s18+$0x0] =	vst v1  }
0x101: {  	v1 =	vld [tilespmem:s6+$0x10];
	_ =	sdelay $0x4  }
0x102: {  	v2 =	vshll.u32 v1, $0xC  }
0x103: {  	s7 =	sadd.s32 $0x50, s4;
	v1 =	vshll.u32 v1, $0x7;
	v2 =	vand.u32 $0xFFFF8000, v2  }
0x104: {  	v1 =	vand.u32 $0x380, v1;
	v2 =	vadd.s32 s7, v2  }
0x105: {  	v1 =	vadd.s32 v1, v2  }
0x106: {  	v1 =	vadd.s32 v0, v1  }
0x107: {  	[tilespmem:s18+$0x10] =	vst v1  }
0x108: {  	v1 =	vld [tilespmem:s6+$0x20];
	_ =	sdelay $0x4  }
0x109: {  	v2 =	vshll.u32 v1, $0xC  }
0x10a: {  	s7 =	sadd.s32 $0x60, s4;
	v1 =	vshll.u32 v1, $0x7;
	v2 =	vand.u32 $0xFFFF8000, v2  }
0x10b: {  	v1 =	vand.u32 $0x380, v1;
	v2 =	vadd.s32 s7, v2  }
0x10c: {  	v1 =	vadd.s32 v1, v2  }
0x10d: {  	v1 =	vadd.s32 v0, v1  }
0x10e: {  	[tilespmem:s18+$0x20] =	vst v1  }
0x10f: {  	v1 =	vld [tilespmem:s6+$0x30];
	_ =	sdelay $0x4  }
0x110: {  	v2 =	vshll.u32 v1, $0xC  }
.Ltmp2:
0x111: {  	s7 =	sadd.s32 $0x70, s4;
	v1 =	vshll.u32 v1, $0x7;
	v2 =	vand.u32 $0xFFFF8000, v2;
	(pc) =	sbr.rel @p0 .LBB2_7-.Ltmp2, $4  }
0x112: {  	v1 =	vand.u32 $0x380, v1;
	v2 =	vadd.s32 s7, v2  }
0x113: {  	v1 =	vadd.s32 v1, v2  }
0x114: {  	v1 =	vadd.s32 v0, v1  }
0x115: {  	s6 =	sadd.s32 $0x80, s6;
	[tilespmem:s18+$0x30] =	vst v1  }
0x116: {  	s0 =	sadd.s32 $0x1, s0  }
0x117: {  	p0 =	sne.s32 s0, $0x9  }
.Ltmp3:
0x118: {  	_ = 	snop;
	(pc) =	sbr.rel @p0 .LBB2_6-.Ltmp3, $3  }
0x119: {  	_ =	sdelay $0x1  }
0x11a: {  	s3 =	sadd.s32 $0x8000, s3  }
0x11b: {  	s28 =	sadd.s32 $0x1, s28;
	s29 =	sadd.s32 $0x400, s29;
	s14 =	sadd.s32 $0x400, s14  }
0x11c: {  	_ =	swait.ge [sflag:s24], $0x2400  }
0x11d: {  	s0 =	simm.s32 $0x0;
	[sflag:s24] =	ssyncset.done $0x0  }
0x11e: {  	s3 =	simm.s32 $0x4840;
	s4 =	simm.s32 $0xD840;
	[sflag:s24] =	ssyncadd.s32 $0xFFFFDC00  }
0x11f: {  	[tilespmem:s26], [sflag:$0x2] =	stream.indirect.gather [hbm4b:s1+s20], $0x1, s25, s20, $0xb8;
	[tilespmem:$0x12280] =	vst v63  }
.LBB2_10:
0x120: {  	v1 =	vld [tilespmem:s4+$0xFFFFFFC0]  }
0x121: {  	v2 =	vld [tilespmem:s3+$0xFFFFFFC0]  }
0x122: {  	v3 =	vld [tilespmem:s4+$0xFFFFFFD0]  }
0x123: {  	v4 =	vld [tilespmem:s3+$0xFFFFFFD0]  }
0x124: {  	v5 =	vld [tilespmem:s4+$0xFFFFFFE0]  }
0x125: {  	v6 =	vld [tilespmem:s3+$0xFFFFFFE0]  }
0x126: {  	v7 =	vld [tilespmem:s4+$0xFFFFFFF0];
	v1 =	vmul.f32 v2, v1  }
0x127: {  	v8 =	vld [tilespmem:s3+$0xFFFFFFF0];
	v2 =	vimm.f32 $0.0e+00  }
0x128: {  	v9 =	vld [tilespmem:s4+$0x0];
	v3 =	vmul.f32 v4, v3;
	v1 =	vadd.f32 v1, v2  }
0x129: {  	v10 =	vld [tilespmem:s3+$0x0]  }
0x12a: {  	v4 =	vmul.f32 v6, v5;
	v5 =	vld [tilespmem:s3+$0x10];
	v3 =	vadd.f32 v3, v1  }
0x12b: {  	v2 =	vld [tilespmem:s4+$0x10]  }
0x12c: {  	v7 =	vmul.f32 v8, v7;
	v1 =	vld [tilespmem:s4+$0x20];
	v6 =	vadd.f32 v4, v3  }
0x12d: {  	v4 =	vld [tilespmem:s3+$0x20]  }
0x12e: {  	v8 =	vmul.f32 v10, v9;
	v3 =	vld [tilespmem:s4+$0x30];
	v7 =	vadd.f32 v7, v6  }
0x12f: {  	s5 =	simm.s32 $0x0;
	s6 =	sadd.s32 $0x80, s4;
	s14 =	smov.u32 s3;
	v6 =	vld [tilespmem:s3+$0x30]  }
.LBB2_11:
0x130: {  	v9 =	vld [tilespmem:s6+$0xFFFFFFC0];
	v7 =	vadd.f32 v8, v7;
	v2 =	vmul.f32 v5, v2;
	s14 =	sadd.s32 $0x80, s14  }
0x131: {  	s5 =	sadd.s32 $0x8, s5;
	v5 =	vld [tilespmem:s14+$0xFFFFFFC0]  }
0x132: {  	p0 =	slt.u32 s5, $0x38;
	v8 =	vld [tilespmem:s6+$0xFFFFFFD0];
	v2 =	vadd.f32 v2, v7;
	v1 =	vmul.f32 v4, v1  }
0x133: {  	v4 =	vld [tilespmem:s14+$0xFFFFFFD0]  }
0x134: {  	v7 =	vld [tilespmem:s6+$0xFFFFFFE0];
	v1 =	vadd.f32 v1, v2;
	v2 =	vmul.f32 v6, v3  }
0x135: {  	v3 =	vld [tilespmem:s14+$0xFFFFFFE0]  }
0x136: {  	v5 =	vmul.f32 v5, v9;
	v6 =	vld [tilespmem:s6+$0xFFFFFFF0];
	v1 =	vadd.f32 v2, v1  }
0x137: {  	v9 =	vld [tilespmem:s14+$0xFFFFFFF0]  }
0x138: {  	v1 =	vadd.f32 v5, v1;
	v2 =	vmul.f32 v4, v8;
	v8 =	vld [tilespmem:s6+$0x0]  }
0x139: {  	v10 =	vld [tilespmem:s14+$0x0]  }
0x13a: {  	v1 =	vadd.f32 v2, v1;
	v3 =	vmul.f32 v3, v7;
	v2 =	vld [tilespmem:s6+$0x10]  }
.Ltmp4:
0x13b: {  	v5 =	vld [tilespmem:s14+$0x10];
	(pc) =	sbr.rel @p0 .LBB2_11-.Ltmp4, $4  }
0x13c: {  	v3 =	vadd.f32 v3, v1;
	v6 =	vmul.f32 v9, v6;
	v1 =	vld [tilespmem:s6+$0x20]  }
0x13d: {  	v4 =	vld [tilespmem:s14+$0x20]  }
0x13e: {  	v7 =	vadd.f32 v6, v3;
	v8 =	vmul.f32 v10, v8;
	v3 =	vld [tilespmem:s6+$0x30]  }
0x13f: {  	s6 =	sadd.s32 $0x80, s6;
	v6 =	vld [tilespmem:s14+$0x30]  }
0x140: {  	v7 =	vadd.f32 v8, v7;
	v2 =	vmul.f32 v5, v2;
	_ =	sdelay $0x1  }
0x141: {  	s5 =	sshll.u32 s0, $0x4;
	s0 =	sadd.s32 $0x1, s0;
	v2 =	vadd.f32 v2, v7;
	v1 =	vmul.f32 v4, v1  }
0x142: {  	p0 =	sne.s32 s0, $0x9  }
.Ltmp5:
0x143: {  	v1 =	vadd.f32 v1, v2;
	v2 =	vmul.f32 v6, v3;
	(pc) =	sbr.rel @p0 .LBB2_10-.Ltmp5, $4  }
0x144: {  	_ = 	snop  }
0x145: {  	v1 =	vadd.f32 v2, v1  }
0x146: {  	s5 =	sand.u32 $0x3FFFFFF0, s5  }
0x147: {  	s3 =	sadd.s32 $0x400, s3;
	s4 =	sadd.s32 $0x400, s4;
	[tilespmem:s5+$0x12000] =	vst v1  }
0x148: {  	s0 =	simm.s32 $0x0  }
0x149: {  	[tilespmem:s0], [sflag:$0x1] =	stream.linear.gather [hbm4b:s8+s0], $0x2400, $0x38;
	[tilespmem:$0x12280] =	vst v63  }
0x14a: {  	s3 =	simm.s32 $0x4800  }
0x14b: {  	[tilespmem:s3], [sflag:$0x1] =	stream.linear.gather [hbm4b:s9+s0], $0x2400, $0x38;
	[tilespmem:$0x12280] =	vst v63  }
0x14c: {  	_ =	swait.ge [sflag:s19], $0x2400  }
0x14d: {  	[sflag:s19] =	ssyncset.done $0x0  }
0x14e: {  	[sflag:s19] =	ssyncadd.s32 $0xFFFFDC00  }
0x14f: {  	_ =	swait.ge [sflag:s19], $0x2400  }
0x150: {  	s28 =	simm.s32 $0x2;
	s29 =	simm.s32 $0x9040;
	[sflag:s19] =	ssyncset.done $0x0  }
0x151: {  	s14 =	simm.s32 $0x40;
	s3 =	smov.u32 s16;
	[sflag:s19] =	ssyncadd.s32 $0xFFFFDC00  }
.LBB2_14:
0x152: {  	v1 =	vld [tilespmem:s14+$0xFFFFFFC0];
	_ =	sdelay $0x3  }
0x153: {  	s4 =	sand.u32 $0x3, s28  }
0x154: {  	s5 =	sand.u32 $0xFFFE0000, s3;
	s4 =	sshll.u32 s4, $0xD;
	v2 =	vshll.u32 v1, $0xC  }
0x155: {  	s4 =	sor.u32 s4, s5;
	v1 =	vshll.u32 v1, $0x7;
	v2 =	vand.u32 $0xFFFF8000, v2  }
0x156: {  	v1 =	vand.u32 $0x380, v1;
	v2 =	vadd.s32 s4, v2  }
0x157: {  	v1 =	vadd.s32 v1, v2  }
0x158: {  	v1 =	vadd.s32 v0, v1  }
0x159: {  	[tilespmem:s29+$0xFFFFFFC0] =	vst v1  }
0x15a: {  	v1 =	vld [tilespmem:s14+$0xFFFFFFD0];
	_ =	sdelay $0x4  }
0x15b: {  	v2 =	vshll.u32 v1, $0xC  }
0x15c: {  	s5 =	sadd.s32 $0x10, s4;
	v1 =	vshll.u32 v1, $0x7;
	v2 =	vand.u32 $0xFFFF8000, v2  }
0x15d: {  	v1 =	vand.u32 $0x380, v1;
	v2 =	vadd.s32 s5, v2  }
0x15e: {  	v1 =	vadd.s32 v1, v2  }
0x15f: {  	v1 =	vadd.s32 v0, v1  }
0x160: {  	[tilespmem:s29+$0xFFFFFFD0] =	vst v1  }
0x161: {  	v1 =	vld [tilespmem:s14+$0xFFFFFFE0];
	_ =	sdelay $0x4  }
0x162: {  	v2 =	vshll.u32 v1, $0xC  }
0x163: {  	s6 =	sadd.s32 $0x20, s4;
	v1 =	vshll.u32 v1, $0x7;
	v2 =	vand.u32 $0xFFFF8000, v2  }
0x164: {  	v1 =	vand.u32 $0x380, v1;
	v2 =	vadd.s32 s6, v2  }
0x165: {  	v1 =	vadd.s32 v1, v2  }
0x166: {  	v1 =	vadd.s32 v0, v1  }
0x167: {  	[tilespmem:s29+$0xFFFFFFE0] =	vst v1  }
0x168: {  	v1 =	vld [tilespmem:s14+$0xFFFFFFF0];
	_ =	sdelay $0x4  }
0x169: {  	v2 =	vshll.u32 v1, $0xC  }
0x16a: {  	s7 =	sadd.s32 $0x30, s4;
	v1 =	vshll.u32 v1, $0x7;
	v2 =	vand.u32 $0xFFFF8000, v2  }
0x16b: {  	v1 =	vand.u32 $0x380, v1;
	v2 =	vadd.s32 s7, v2  }
0x16c: {  	v1 =	vadd.s32 v1, v2  }
0x16d: {  	v1 =	vadd.s32 v0, v1  }
0x16e: {  	[tilespmem:s29+$0xFFFFFFF0] =	vst v1  }
0x16f: {  	v1 =	vld [tilespmem:s14+$0x0];
	_ =	sdelay $0x4  }
0x170: {  	v2 =	vshll.u32 v1, $0xC  }
0x171: {  	s18 =	sadd.s32 $0x40, s4;
	v1 =	vshll.u32 v1, $0x7;
	v2 =	vand.u32 $0xFFFF8000, v2  }
0x172: {  	v1 =	vand.u32 $0x380, v1;
	v2 =	vadd.s32 s18, v2  }
0x173: {  	v1 =	vadd.s32 v1, v2  }
0x174: {  	v1 =	vadd.s32 v0, v1  }
0x175: {  	[tilespmem:s29+$0x0] =	vst v1  }
0x176: {  	v1 =	vld [tilespmem:s14+$0x10];
	_ =	sdelay $0x4  }
0x177: {  	v2 =	vshll.u32 v1, $0xC  }
0x178: {  	s6 =	sadd.s32 $0x50, s4;
	v1 =	vshll.u32 v1, $0x7;
	v2 =	vand.u32 $0xFFFF8000, v2  }
0x179: {  	v1 =	vand.u32 $0x380, v1;
	v2 =	vadd.s32 s6, v2  }
0x17a: {  	v1 =	vadd.s32 v1, v2  }
0x17b: {  	v1 =	vadd.s32 v0, v1  }
0x17c: {  	[tilespmem:s29+$0x10] =	vst v1  }
0x17d: {  	v1 =	vld [tilespmem:s14+$0x20];
	_ =	sdelay $0x4  }
0x17e: {  	v2 =	vshll.u32 v1, $0xC  }
0x17f: {  	s7 =	sadd.s32 $0x60, s4;
	v1 =	vshll.u32 v1, $0x7;
	v2 =	vand.u32 $0xFFFF8000, v2  }
0x180: {  	v1 =	vand.u32 $0x380, v1;
	v2 =	vadd.s32 s7, v2  }
0x181: {  	v1 =	vadd.s32 v1, v2  }
0x182: {  	v1 =	vadd.s32 v0, v1  }
0x183: {  	[tilespmem:s29+$0x20] =	vst v1  }
0x184: {  	v1 =	vld [tilespmem:s14+$0x30];
	_ =	sdelay $0x4  }
0x185: {  	v2 =	vshll.u32 v1, $0xC  }
0x186: {  	s18 =	sadd.s32 $0x70, s4;
	v1 =	vshll.u32 v1, $0x7;
	v2 =	vand.u32 $0xFFFF8000, v2  }
0x187: {  	v1 =	vand.u32 $0x380, v1;
	v2 =	vadd.s32 s18, v2  }
0x188: {  	v1 =	vadd.s32 v1, v2  }
0x189: {  	v1 =	vadd.s32 v0, v1  }
0x18a: {  	s5 =	simm.s32 $0x0;
	s6 =	sadd.s32 $0x80, s14;
	s18 =	smov.u32 s29;
	[tilespmem:s29+$0x30] =	vst v1  }
.LBB2_15:
0x18b: {  	v1 =	vld [tilespmem:s6+$0xFFFFFFC0];
	s5 =	sadd.s32 $0x8, s5  }
0x18c: {  	p0 =	slt.u32 s5, $0x38;
	_ =	sdelay $0x3  }
0x18d: {  	v2 =	vshll.u32 v1, $0xC  }
0x18e: {  	s4 =	sadd.s32 $0x400, s4;
	v1 =	vshll.u32 v1, $0x7;
	v2 =	vand.u32 $0xFFFF8000, v2  }
0x18f: {  	v1 =	vand.u32 $0x380, v1;
	v2 =	vadd.s32 s4, v2  }
0x190: {  	v1 =	vadd.s32 v1, v2  }
0x191: {  	s18 =	sadd.s32 $0x80, s18;
	v1 =	vadd.s32 v0, v1  }
0x192: {  	[tilespmem:s18+$0xFFFFFFC0] =	vst v1  }
0x193: {  	v1 =	vld [tilespmem:s6+$0xFFFFFFD0];
	_ =	sdelay $0x4  }
0x194: {  	v2 =	vshll.u32 v1, $0xC  }
0x195: {  	s7 =	sadd.s32 $0x10, s4;
	v1 =	vshll.u32 v1, $0x7;
	v2 =	vand.u32 $0xFFFF8000, v2  }
0x196: {  	v1 =	vand.u32 $0x380, v1;
	v2 =	vadd.s32 s7, v2  }
0x197: {  	v1 =	vadd.s32 v1, v2  }
0x198: {  	v1 =	vadd.s32 v0, v1  }
0x199: {  	[tilespmem:s18+$0xFFFFFFD0] =	vst v1  }
0x19a: {  	v1 =	vld [tilespmem:s6+$0xFFFFFFE0];
	_ =	sdelay $0x4  }
0x19b: {  	v2 =	vshll.u32 v1, $0xC  }
0x19c: {  	s7 =	sadd.s32 $0x20, s4;
	v1 =	vshll.u32 v1, $0x7;
	v2 =	vand.u32 $0xFFFF8000, v2  }
0x19d: {  	v1 =	vand.u32 $0x380, v1;
	v2 =	vadd.s32 s7, v2  }
0x19e: {  	v1 =	vadd.s32 v1, v2  }
0x19f: {  	v1 =	vadd.s32 v0, v1  }
0x1a0: {  	[tilespmem:s18+$0xFFFFFFE0] =	vst v1  }
0x1a1: {  	v1 =	vld [tilespmem:s6+$0xFFFFFFF0];
	_ =	sdelay $0x4  }
0x1a2: {  	v2 =	vshll.u32 v1, $0xC  }
0x1a3: {  	s7 =	sadd.s32 $0x30, s4;
	v1 =	vshll.u32 v1, $0x7;
	v2 =	vand.u32 $0xFFFF8000, v2  }
0x1a4: {  	v1 =	vand.u32 $0x380, v1;
	v2 =	vadd.s32 s7, v2  }
0x1a5: {  	v1 =	vadd.s32 v1, v2  }
0x1a6: {  	v1 =	vadd.s32 v0, v1  }
0x1a7: {  	[tilespmem:s18+$0xFFFFFFF0] =	vst v1  }
0x1a8: {  	v1 =	vld [tilespmem:s6+$0x0];
	_ =	sdelay $0x4  }
0x1a9: {  	v2 =	vshll.u32 v1, $0xC  }
0x1aa: {  	s7 =	sadd.s32 $0x40, s4;
	v1 =	vshll.u32 v1, $0x7;
	v2 =	vand.u32 $0xFFFF8000, v2  }
0x1ab: {  	v1 =	vand.u32 $0x380, v1;
	v2 =	vadd.s32 s7, v2  }
0x1ac: {  	v1 =	vadd.s32 v1, v2  }
0x1ad: {  	v1 =	vadd.s32 v0, v1  }
0x1ae: {  	[tilespmem:s18+$0x0] =	vst v1  }
0x1af: {  	v1 =	vld [tilespmem:s6+$0x10];
	_ =	sdelay $0x4  }
0x1b0: {  	v2 =	vshll.u32 v1, $0xC  }
0x1b1: {  	s7 =	sadd.s32 $0x50, s4;
	v1 =	vshll.u32 v1, $0x7;
	v2 =	vand.u32 $0xFFFF8000, v2  }
0x1b2: {  	v1 =	vand.u32 $0x380, v1;
	v2 =	vadd.s32 s7, v2  }
0x1b3: {  	v1 =	vadd.s32 v1, v2  }
0x1b4: {  	v1 =	vadd.s32 v0, v1  }
0x1b5: {  	[tilespmem:s18+$0x10] =	vst v1  }
0x1b6: {  	v1 =	vld [tilespmem:s6+$0x20];
	_ =	sdelay $0x4  }
0x1b7: {  	v2 =	vshll.u32 v1, $0xC  }
0x1b8: {  	s7 =	sadd.s32 $0x60, s4;
	v1 =	vshll.u32 v1, $0x7;
	v2 =	vand.u32 $0xFFFF8000, v2  }
0x1b9: {  	v1 =	vand.u32 $0x380, v1;
	v2 =	vadd.s32 s7, v2  }
0x1ba: {  	v1 =	vadd.s32 v1, v2  }
0x1bb: {  	v1 =	vadd.s32 v0, v1  }
0x1bc: {  	[tilespmem:s18+$0x20] =	vst v1  }
0x1bd: {  	v1 =	vld [tilespmem:s6+$0x30];
	_ =	sdelay $0x4  }
0x1be: {  	v2 =	vshll.u32 v1, $0xC  }
.Ltmp6:
0x1bf: {  	s7 =	sadd.s32 $0x70, s4;
	v1 =	vshll.u32 v1, $0x7;
	v2 =	vand.u32 $0xFFFF8000, v2;
	(pc) =	sbr.rel @p0 .LBB2_15-.Ltmp6, $4  }
0x1c0: {  	v1 =	vand.u32 $0x380, v1;
	v2 =	vadd.s32 s7, v2  }
0x1c1: {  	v1 =	vadd.s32 v1, v2  }
0x1c2: {  	v1 =	vadd.s32 v0, v1  }
0x1c3: {  	s6 =	sadd.s32 $0x80, s6;
	[tilespmem:s18+$0x30] =	vst v1  }
0x1c4: {  	s0 =	sadd.s32 $0x1, s0  }
0x1c5: {  	p0 =	sne.s32 s0, $0x9  }
.Ltmp7:
0x1c6: {  	_ = 	snop;
	(pc) =	sbr.rel @p0 .LBB2_14-.Ltmp7, $3  }
0x1c7: {  	_ =	sdelay $0x1  }
0x1c8: {  	s3 =	sadd.s32 $0x8000, s3  }
0x1c9: {  	s28 =	sadd.s32 $0x1, s28;
	s29 =	sadd.s32 $0x400, s29;
	s14 =	sadd.s32 $0x400, s14  }
0x1ca: {  	_ =	swait.ge [sflag:s24], $0x2400  }
0x1cb: {  	s0 =	simm.s32 $0x0;
	[sflag:s24] =	ssyncset.done $0x0  }
0x1cc: {  	s3 =	simm.s32 $0x6C40;
	s4 =	simm.s32 $0xFC40;
	[sflag:s24] =	ssyncadd.s32 $0xFFFFDC00  }
0x1cd: {  	[tilespmem:s22], [sflag:$0x2] =	stream.indirect.gather [hbm4b:s1+s20], $0x1, s21, s20, $0xb8;
	[tilespmem:$0x12280] =	vst v63  }
.LBB2_18:
0x1ce: {  	v1 =	vld [tilespmem:s4+$0xFFFFFFC0]  }
0x1cf: {  	v2 =	vld [tilespmem:s3+$0xFFFFFFC0]  }
0x1d0: {  	v3 =	vld [tilespmem:s4+$0xFFFFFFD0]  }
0x1d1: {  	v4 =	vld [tilespmem:s3+$0xFFFFFFD0]  }
0x1d2: {  	v5 =	vld [tilespmem:s4+$0xFFFFFFE0]  }
0x1d3: {  	v6 =	vld [tilespmem:s3+$0xFFFFFFE0]  }
0x1d4: {  	v7 =	vld [tilespmem:s4+$0xFFFFFFF0];
	v1 =	vmul.f32 v2, v1  }
0x1d5: {  	v8 =	vld [tilespmem:s3+$0xFFFFFFF0];
	v2 =	vimm.f32 $0.0e+00  }
0x1d6: {  	v9 =	vld [tilespmem:s4+$0x0];
	v3 =	vmul.f32 v4, v3;
	v1 =	vadd.f32 v1, v2  }
0x1d7: {  	v10 =	vld [tilespmem:s3+$0x0]  }
0x1d8: {  	v4 =	vmul.f32 v6, v5;
	v5 =	vld [tilespmem:s3+$0x10];
	v3 =	vadd.f32 v3, v1  }
0x1d9: {  	v2 =	vld [tilespmem:s4+$0x10]  }
0x1da: {  	v7 =	vmul.f32 v8, v7;
	v1 =	vld [tilespmem:s4+$0x20];
	v6 =	vadd.f32 v4, v3  }
0x1db: {  	v4 =	vld [tilespmem:s3+$0x20]  }
0x1dc: {  	v8 =	vmul.f32 v10, v9;
	v3 =	vld [tilespmem:s4+$0x30];
	v7 =	vadd.f32 v7, v6  }
0x1dd: {  	s5 =	simm.s32 $0x0;
	s6 =	sadd.s32 $0x80, s4;
	s14 =	smov.u32 s3;
	v6 =	vld [tilespmem:s3+$0x30]  }
.LBB2_19:
0x1de: {  	v9 =	vld [tilespmem:s6+$0xFFFFFFC0];
	v7 =	vadd.f32 v8, v7;
	v2 =	vmul.f32 v5, v2;
	s14 =	sadd.s32 $0x80, s14  }
0x1df: {  	s5 =	sadd.s32 $0x8, s5;
	v5 =	vld [tilespmem:s14+$0xFFFFFFC0]  }
0x1e0: {  	p0 =	slt.u32 s5, $0x38;
	v8 =	vld [tilespmem:s6+$0xFFFFFFD0];
	v2 =	vadd.f32 v2, v7;
	v1 =	vmul.f32 v4, v1  }
0x1e1: {  	v4 =	vld [tilespmem:s14+$0xFFFFFFD0]  }
0x1e2: {  	v7 =	vld [tilespmem:s6+$0xFFFFFFE0];
	v1 =	vadd.f32 v1, v2;
	v2 =	vmul.f32 v6, v3  }
0x1e3: {  	v3 =	vld [tilespmem:s14+$0xFFFFFFE0]  }
0x1e4: {  	v5 =	vmul.f32 v5, v9;
	v6 =	vld [tilespmem:s6+$0xFFFFFFF0];
	v1 =	vadd.f32 v2, v1  }
0x1e5: {  	v9 =	vld [tilespmem:s14+$0xFFFFFFF0]  }
0x1e6: {  	v1 =	vadd.f32 v5, v1;
	v2 =	vmul.f32 v4, v8;
	v8 =	vld [tilespmem:s6+$0x0]  }
0x1e7: {  	v10 =	vld [tilespmem:s14+$0x0]  }
0x1e8: {  	v1 =	vadd.f32 v2, v1;
	v3 =	vmul.f32 v3, v7;
	v2 =	vld [tilespmem:s6+$0x10]  }
.Ltmp8:
0x1e9: {  	v5 =	vld [tilespmem:s14+$0x10];
	(pc) =	sbr.rel @p0 .LBB2_19-.Ltmp8, $4  }
0x1ea: {  	v3 =	vadd.f32 v3, v1;
	v6 =	vmul.f32 v9, v6;
	v1 =	vld [tilespmem:s6+$0x20]  }
0x1eb: {  	v4 =	vld [tilespmem:s14+$0x20]  }
0x1ec: {  	v7 =	vadd.f32 v6, v3;
	v8 =	vmul.f32 v10, v8;
	v3 =	vld [tilespmem:s6+$0x30]  }
0x1ed: {  	s6 =	sadd.s32 $0x80, s6;
	v6 =	vld [tilespmem:s14+$0x30]  }
0x1ee: {  	v7 =	vadd.f32 v8, v7;
	v2 =	vmul.f32 v5, v2;
	_ =	sdelay $0x1  }
0x1ef: {  	s5 =	sshll.u32 s0, $0x4;
	s0 =	sadd.s32 $0x1, s0;
	v2 =	vadd.f32 v2, v7;
	v1 =	vmul.f32 v4, v1  }
0x1f0: {  	p0 =	sne.s32 s0, $0x9  }
.Ltmp9:
0x1f1: {  	v1 =	vadd.f32 v1, v2;
	v2 =	vmul.f32 v6, v3;
	(pc) =	sbr.rel @p0 .LBB2_18-.Ltmp9, $4  }
0x1f2: {  	_ = 	snop  }
0x1f3: {  	v1 =	vadd.f32 v2, v1  }
0x1f4: {  	s5 =	sand.u32 $0x3FFFFFF0, s5  }
0x1f5: {  	s3 =	sadd.s32 $0x400, s3;
	s4 =	sadd.s32 $0x400, s4;
	[tilespmem:s5+$0x12090] =	vst v1  }
0x1f6: {  	s0 =	simm.s32 $0x0  }
0x1f7: {  	[tilespmem:s20], [sflag:$0x1] =	stream.linear.gather [hbm4b:s10+s0], $0x2400, $0x38;
	[tilespmem:$0x12280] =	vst v63  }
0x1f8: {  	_ = 	snop  }
0x1f9: {  	[tilespmem:s23], [sflag:$0x1] =	stream.linear.gather [hbm4b:s11+s0], $0x2400, $0x38;
	[tilespmem:$0x12280] =	vst v63  }
0x1fa: {  	_ =	swait.ge [sflag:s19], $0x2400  }
0x1fb: {  	[sflag:s19] =	ssyncset.done $0x0  }
0x1fc: {  	[sflag:s19] =	ssyncadd.s32 $0xFFFFDC00  }
0x1fd: {  	_ =	swait.ge [sflag:s19], $0x2400  }
0x1fe: {  	s28 =	simm.s32 $0x3;
	s29 =	simm.s32 $0xB440;
	[sflag:s19] =	ssyncset.done $0x0  }
0x1ff: {  	s14 =	simm.s32 $0x2440;
	s3 =	smov.u32 s17;
	[sflag:s19] =	ssyncadd.s32 $0xFFFFDC00  }
.LBB2_22:
0x200: {  	v1 =	vld [tilespmem:s14+$0xFFFFFFC0];
	_ =	sdelay $0x3  }
0x201: {  	s4 =	sand.u32 $0x3, s28  }
0x202: {  	s5 =	sand.u32 $0xFFFE0000, s3;
	s4 =	sshll.u32 s4, $0xD;
	v2 =	vshll.u32 v1, $0xC  }
0x203: {  	s4 =	sor.u32 s4, s5;
	v1 =	vshll.u32 v1, $0x7;
	v2 =	vand.u32 $0xFFFF8000, v2  }
0x204: {  	v1 =	vand.u32 $0x380, v1;
	v2 =	vadd.s32 s4, v2  }
0x205: {  	v1 =	vadd.s32 v1, v2  }
0x206: {  	v1 =	vadd.s32 v0, v1  }
0x207: {  	[tilespmem:s29+$0xFFFFFFC0] =	vst v1  }
0x208: {  	v1 =	vld [tilespmem:s14+$0xFFFFFFD0];
	_ =	sdelay $0x4  }
0x209: {  	v2 =	vshll.u32 v1, $0xC  }
0x20a: {  	s5 =	sadd.s32 $0x10, s4;
	v1 =	vshll.u32 v1, $0x7;
	v2 =	vand.u32 $0xFFFF8000, v2  }
0x20b: {  	v1 =	vand.u32 $0x380, v1;
	v2 =	vadd.s32 s5, v2  }
0x20c: {  	v1 =	vadd.s32 v1, v2  }
0x20d: {  	v1 =	vadd.s32 v0, v1  }
0x20e: {  	[tilespmem:s29+$0xFFFFFFD0] =	vst v1  }
0x20f: {  	v1 =	vld [tilespmem:s14+$0xFFFFFFE0];
	_ =	sdelay $0x4  }
0x210: {  	v2 =	vshll.u32 v1, $0xC  }
0x211: {  	s6 =	sadd.s32 $0x20, s4;
	v1 =	vshll.u32 v1, $0x7;
	v2 =	vand.u32 $0xFFFF8000, v2  }
0x212: {  	v1 =	vand.u32 $0x380, v1;
	v2 =	vadd.s32 s6, v2  }
0x213: {  	v1 =	vadd.s32 v1, v2  }
0x214: {  	v1 =	vadd.s32 v0, v1  }
0x215: {  	[tilespmem:s29+$0xFFFFFFE0] =	vst v1  }
0x216: {  	v1 =	vld [tilespmem:s14+$0xFFFFFFF0];
	_ =	sdelay $0x4  }
0x217: {  	v2 =	vshll.u32 v1, $0xC  }
0x218: {  	s7 =	sadd.s32 $0x30, s4;
	v1 =	vshll.u32 v1, $0x7;
	v2 =	vand.u32 $0xFFFF8000, v2  }
0x219: {  	v1 =	vand.u32 $0x380, v1;
	v2 =	vadd.s32 s7, v2  }
0x21a: {  	v1 =	vadd.s32 v1, v2  }
0x21b: {  	v1 =	vadd.s32 v0, v1  }
0x21c: {  	[tilespmem:s29+$0xFFFFFFF0] =	vst v1  }
0x21d: {  	v1 =	vld [tilespmem:s14+$0x0];
	_ =	sdelay $0x4  }
0x21e: {  	v2 =	vshll.u32 v1, $0xC  }
0x21f: {  	s18 =	sadd.s32 $0x40, s4;
	v1 =	vshll.u32 v1, $0x7;
	v2 =	vand.u32 $0xFFFF8000, v2  }
0x220: {  	v1 =	vand.u32 $0x380, v1;
	v2 =	vadd.s32 s18, v2  }
0x221: {  	v1 =	vadd.s32 v1, v2  }
0x222: {  	v1 =	vadd.s32 v0, v1  }
0x223: {  	[tilespmem:s29+$0x0] =	vst v1  }
0x224: {  	v1 =	vld [tilespmem:s14+$0x10];
	_ =	sdelay $0x4  }
0x225: {  	v2 =	vshll.u32 v1, $0xC  }
0x226: {  	s6 =	sadd.s32 $0x50, s4;
	v1 =	vshll.u32 v1, $0x7;
	v2 =	vand.u32 $0xFFFF8000, v2  }
0x227: {  	v1 =	vand.u32 $0x380, v1;
	v2 =	vadd.s32 s6, v2  }
0x228: {  	v1 =	vadd.s32 v1, v2  }
0x229: {  	v1 =	vadd.s32 v0, v1  }
0x22a: {  	[tilespmem:s29+$0x10] =	vst v1  }
0x22b: {  	v1 =	vld [tilespmem:s14+$0x20];
	_ =	sdelay $0x4  }
0x22c: {  	v2 =	vshll.u32 v1, $0xC  }
0x22d: {  	s7 =	sadd.s32 $0x60, s4;
	v1 =	vshll.u32 v1, $0x7;
	v2 =	vand.u32 $0xFFFF8000, v2  }
0x22e: {  	v1 =	vand.u32 $0x380, v1;
	v2 =	vadd.s32 s7, v2  }
0x22f: {  	v1 =	vadd.s32 v1, v2  }
0x230: {  	v1 =	vadd.s32 v0, v1  }
0x231: {  	[tilespmem:s29+$0x20] =	vst v1  }
0x232: {  	v1 =	vld [tilespmem:s14+$0x30];
	_ =	sdelay $0x4  }
0x233: {  	v2 =	vshll.u32 v1, $0xC  }
0x234: {  	s18 =	sadd.s32 $0x70, s4;
	v1 =	vshll.u32 v1, $0x7;
	v2 =	vand.u32 $0xFFFF8000, v2  }
0x235: {  	v1 =	vand.u32 $0x380, v1;
	v2 =	vadd.s32 s18, v2  }
0x236: {  	v1 =	vadd.s32 v1, v2  }
0x237: {  	v1 =	vadd.s32 v0, v1  }
0x238: {  	s5 =	simm.s32 $0x0;
	s6 =	sadd.s32 $0x80, s14;
	s18 =	smov.u32 s29;
	[tilespmem:s29+$0x30] =	vst v1  }
.LBB2_23:
0x239: {  	v1 =	vld [tilespmem:s6+$0xFFFFFFC0];
	s5 =	sadd.s32 $0x8, s5  }
0x23a: {  	p0 =	slt.u32 s5, $0x38;
	_ =	sdelay $0x3  }
0x23b: {  	v2 =	vshll.u32 v1, $0xC  }
0x23c: {  	s4 =	sadd.s32 $0x400, s4;
	v1 =	vshll.u32 v1, $0x7;
	v2 =	vand.u32 $0xFFFF8000, v2  }
0x23d: {  	v1 =	vand.u32 $0x380, v1;
	v2 =	vadd.s32 s4, v2  }
0x23e: {  	v1 =	vadd.s32 v1, v2  }
0x23f: {  	s18 =	sadd.s32 $0x80, s18;
	v1 =	vadd.s32 v0, v1  }
0x240: {  	[tilespmem:s18+$0xFFFFFFC0] =	vst v1  }
0x241: {  	v1 =	vld [tilespmem:s6+$0xFFFFFFD0];
	_ =	sdelay $0x4  }
0x242: {  	v2 =	vshll.u32 v1, $0xC  }
0x243: {  	s7 =	sadd.s32 $0x10, s4;
	v1 =	vshll.u32 v1, $0x7;
	v2 =	vand.u32 $0xFFFF8000, v2  }
0x244: {  	v1 =	vand.u32 $0x380, v1;
	v2 =	vadd.s32 s7, v2  }
0x245: {  	v1 =	vadd.s32 v1, v2  }
0x246: {  	v1 =	vadd.s32 v0, v1  }
0x247: {  	[tilespmem:s18+$0xFFFFFFD0] =	vst v1  }
0x248: {  	v1 =	vld [tilespmem:s6+$0xFFFFFFE0];
	_ =	sdelay $0x4  }
0x249: {  	v2 =	vshll.u32 v1, $0xC  }
0x24a: {  	s7 =	sadd.s32 $0x20, s4;
	v1 =	vshll.u32 v1, $0x7;
	v2 =	vand.u32 $0xFFFF8000, v2  }
0x24b: {  	v1 =	vand.u32 $0x380, v1;
	v2 =	vadd.s32 s7, v2  }
0x24c: {  	v1 =	vadd.s32 v1, v2  }
0x24d: {  	v1 =	vadd.s32 v0, v1  }
0x24e: {  	[tilespmem:s18+$0xFFFFFFE0] =	vst v1  }
0x24f: {  	v1 =	vld [tilespmem:s6+$0xFFFFFFF0];
	_ =	sdelay $0x4  }
0x250: {  	v2 =	vshll.u32 v1, $0xC  }
0x251: {  	s7 =	sadd.s32 $0x30, s4;
	v1 =	vshll.u32 v1, $0x7;
	v2 =	vand.u32 $0xFFFF8000, v2  }
0x252: {  	v1 =	vand.u32 $0x380, v1;
	v2 =	vadd.s32 s7, v2  }
0x253: {  	v1 =	vadd.s32 v1, v2  }
0x254: {  	v1 =	vadd.s32 v0, v1  }
0x255: {  	[tilespmem:s18+$0xFFFFFFF0] =	vst v1  }
0x256: {  	v1 =	vld [tilespmem:s6+$0x0];
	_ =	sdelay $0x4  }
0x257: {  	v2 =	vshll.u32 v1, $0xC  }
0x258: {  	s7 =	sadd.s32 $0x40, s4;
	v1 =	vshll.u32 v1, $0x7;
	v2 =	vand.u32 $0xFFFF8000, v2  }
0x259: {  	v1 =	vand.u32 $0x380, v1;
	v2 =	vadd.s32 s7, v2  }
0x25a: {  	v1 =	vadd.s32 v1, v2  }
0x25b: {  	v1 =	vadd.s32 v0, v1  }
0x25c: {  	[tilespmem:s18+$0x0] =	vst v1  }
0x25d: {  	v1 =	vld [tilespmem:s6+$0x10];
	_ =	sdelay $0x4  }
0x25e: {  	v2 =	vshll.u32 v1, $0xC  }
0x25f: {  	s7 =	sadd.s32 $0x50, s4;
	v1 =	vshll.u32 v1, $0x7;
	v2 =	vand.u32 $0xFFFF8000, v2  }
0x260: {  	v1 =	vand.u32 $0x380, v1;
	v2 =	vadd.s32 s7, v2  }
0x261: {  	v1 =	vadd.s32 v1, v2  }
0x262: {  	v1 =	vadd.s32 v0, v1  }
0x263: {  	[tilespmem:s18+$0x10] =	vst v1  }
0x264: {  	v1 =	vld [tilespmem:s6+$0x20];
	_ =	sdelay $0x4  }
0x265: {  	v2 =	vshll.u32 v1, $0xC  }
0x266: {  	s7 =	sadd.s32 $0x60, s4;
	v1 =	vshll.u32 v1, $0x7;
	v2 =	vand.u32 $0xFFFF8000, v2  }
0x267: {  	v1 =	vand.u32 $0x380, v1;
	v2 =	vadd.s32 s7, v2  }
0x268: {  	v1 =	vadd.s32 v1, v2  }
0x269: {  	v1 =	vadd.s32 v0, v1  }
0x26a: {  	[tilespmem:s18+$0x20] =	vst v1  }
0x26b: {  	v1 =	vld [tilespmem:s6+$0x30];
	_ =	sdelay $0x4  }
0x26c: {  	v2 =	vshll.u32 v1, $0xC  }
.Ltmp10:
0x26d: {  	s7 =	sadd.s32 $0x70, s4;
	v1 =	vshll.u32 v1, $0x7;
	v2 =	vand.u32 $0xFFFF8000, v2;
	(pc) =	sbr.rel @p0 .LBB2_23-.Ltmp10, $4  }
0x26e: {  	v1 =	vand.u32 $0x380, v1;
	v2 =	vadd.s32 s7, v2  }
0x26f: {  	v1 =	vadd.s32 v1, v2  }
0x270: {  	v1 =	vadd.s32 v0, v1  }
0x271: {  	s6 =	sadd.s32 $0x80, s6;
	[tilespmem:s18+$0x30] =	vst v1  }
0x272: {  	s0 =	sadd.s32 $0x1, s0  }
0x273: {  	p0 =	sne.s32 s0, $0x9  }
.Ltmp11:
0x274: {  	_ = 	snop;
	(pc) =	sbr.rel @p0 .LBB2_22-.Ltmp11, $3  }
0x275: {  	_ =	sdelay $0x1  }
0x276: {  	s3 =	sadd.s32 $0x8000, s3  }
0x277: {  	s28 =	sadd.s32 $0x1, s28;
	s29 =	sadd.s32 $0x400, s29;
	s14 =	sadd.s32 $0x400, s14  }
0x278: {  	_ =	swait.ge [sflag:s24], $0x2400  }
0x279: {  	s0 =	simm.s32 $0x0;
	[sflag:s24] =	ssyncset.done $0x0  }
0x27a: {  	s3 =	simm.s32 $0x4840;
	s4 =	simm.s32 $0xD840;
	[sflag:s24] =	ssyncadd.s32 $0xFFFFDC00  }
0x27b: {  	[tilespmem:s26], [sflag:$0x2] =	stream.indirect.gather [hbm4b:s1+s20], $0x1, s25, s20, $0xb8;
	[tilespmem:$0x12280] =	vst v63  }
.LBB2_26:
0x27c: {  	v1 =	vld [tilespmem:s4+$0xFFFFFFC0]  }
0x27d: {  	v2 =	vld [tilespmem:s3+$0xFFFFFFC0]  }
0x27e: {  	v3 =	vld [tilespmem:s4+$0xFFFFFFD0]  }
0x27f: {  	v4 =	vld [tilespmem:s3+$0xFFFFFFD0]  }
0x280: {  	v5 =	vld [tilespmem:s4+$0xFFFFFFE0]  }
0x281: {  	v6 =	vld [tilespmem:s3+$0xFFFFFFE0]  }
0x282: {  	v7 =	vld [tilespmem:s4+$0xFFFFFFF0];
	v1 =	vmul.f32 v2, v1  }
0x283: {  	v8 =	vld [tilespmem:s3+$0xFFFFFFF0];
	v2 =	vimm.f32 $0.0e+00  }
0x284: {  	v9 =	vld [tilespmem:s4+$0x0];
	v3 =	vmul.f32 v4, v3;
	v1 =	vadd.f32 v1, v2  }
0x285: {  	v10 =	vld [tilespmem:s3+$0x0]  }
0x286: {  	v4 =	vmul.f32 v6, v5;
	v5 =	vld [tilespmem:s3+$0x10];
	v3 =	vadd.f32 v3, v1  }
0x287: {  	v2 =	vld [tilespmem:s4+$0x10]  }
0x288: {  	v7 =	vmul.f32 v8, v7;
	v1 =	vld [tilespmem:s4+$0x20];
	v6 =	vadd.f32 v4, v3  }
0x289: {  	v4 =	vld [tilespmem:s3+$0x20]  }
0x28a: {  	v8 =	vmul.f32 v10, v9;
	v3 =	vld [tilespmem:s4+$0x30];
	v7 =	vadd.f32 v7, v6  }
0x28b: {  	s5 =	simm.s32 $0x0;
	s6 =	sadd.s32 $0x80, s4;
	s14 =	smov.u32 s3;
	v6 =	vld [tilespmem:s3+$0x30]  }
.LBB2_27:
0x28c: {  	v9 =	vld [tilespmem:s6+$0xFFFFFFC0];
	v7 =	vadd.f32 v8, v7;
	v2 =	vmul.f32 v5, v2;
	s14 =	sadd.s32 $0x80, s14  }
0x28d: {  	s5 =	sadd.s32 $0x8, s5;
	v5 =	vld [tilespmem:s14+$0xFFFFFFC0]  }
0x28e: {  	p0 =	slt.u32 s5, $0x38;
	v8 =	vld [tilespmem:s6+$0xFFFFFFD0];
	v2 =	vadd.f32 v2, v7;
	v1 =	vmul.f32 v4, v1  }
0x28f: {  	v4 =	vld [tilespmem:s14+$0xFFFFFFD0]  }
0x290: {  	v7 =	vld [tilespmem:s6+$0xFFFFFFE0];
	v1 =	vadd.f32 v1, v2;
	v2 =	vmul.f32 v6, v3  }
0x291: {  	v3 =	vld [tilespmem:s14+$0xFFFFFFE0]  }
0x292: {  	v5 =	vmul.f32 v5, v9;
	v6 =	vld [tilespmem:s6+$0xFFFFFFF0];
	v1 =	vadd.f32 v2, v1  }
0x293: {  	v9 =	vld [tilespmem:s14+$0xFFFFFFF0]  }
0x294: {  	v1 =	vadd.f32 v5, v1;
	v2 =	vmul.f32 v4, v8;
	v8 =	vld [tilespmem:s6+$0x0]  }
0x295: {  	v10 =	vld [tilespmem:s14+$0x0]  }
0x296: {  	v1 =	vadd.f32 v2, v1;
	v3 =	vmul.f32 v3, v7;
	v2 =	vld [tilespmem:s6+$0x10]  }
.Ltmp12:
0x297: {  	v5 =	vld [tilespmem:s14+$0x10];
	(pc) =	sbr.rel @p0 .LBB2_27-.Ltmp12, $4  }
0x298: {  	v3 =	vadd.f32 v3, v1;
	v6 =	vmul.f32 v9, v6;
	v1 =	vld [tilespmem:s6+$0x20]  }
0x299: {  	v4 =	vld [tilespmem:s14+$0x20]  }
0x29a: {  	v7 =	vadd.f32 v6, v3;
	v8 =	vmul.f32 v10, v8;
	v3 =	vld [tilespmem:s6+$0x30]  }
0x29b: {  	s6 =	sadd.s32 $0x80, s6;
	v6 =	vld [tilespmem:s14+$0x30]  }
0x29c: {  	v7 =	vadd.f32 v8, v7;
	v2 =	vmul.f32 v5, v2;
	_ =	sdelay $0x1  }
0x29d: {  	s5 =	sshll.u32 s0, $0x4;
	s0 =	sadd.s32 $0x1, s0;
	v2 =	vadd.f32 v2, v7;
	v1 =	vmul.f32 v4, v1  }
0x29e: {  	p0 =	sne.s32 s0, $0x9  }
.Ltmp13:
0x29f: {  	v1 =	vadd.f32 v1, v2;
	v2 =	vmul.f32 v6, v3;
	(pc) =	sbr.rel @p0 .LBB2_26-.Ltmp13, $4  }
0x2a0: {  	_ = 	snop  }
0x2a1: {  	v1 =	vadd.f32 v2, v1  }
0x2a2: {  	s5 =	sand.u32 $0x3FFFFFF0, s5  }
0x2a3: {  	s3 =	sadd.s32 $0x400, s3;
	s4 =	sadd.s32 $0x400, s4;
	[tilespmem:s5+$0x12120] =	vst v1  }
0x2a4: {  	_ =	swait.ge [sflag:s24], $0x2400  }
0x2a5: {  	s0 =	simm.s32 $0x0;
	[sflag:s24] =	ssyncset.done $0x0  }
0x2a6: {  	s3 =	simm.s32 $0x6C40;
	s4 =	simm.s32 $0xFC40;
	[sflag:s24] =	ssyncadd.s32 $0xFFFFDC00  }
.LBB2_30:
0x2a7: {  	v1 =	vld [tilespmem:s4+$0xFFFFFFC0]  }
0x2a8: {  	v2 =	vld [tilespmem:s3+$0xFFFFFFC0]  }
0x2a9: {  	v3 =	vld [tilespmem:s4+$0xFFFFFFD0]  }
0x2aa: {  	v4 =	vld [tilespmem:s3+$0xFFFFFFD0]  }
0x2ab: {  	v5 =	vld [tilespmem:s4+$0xFFFFFFE0]  }
0x2ac: {  	v6 =	vld [tilespmem:s3+$0xFFFFFFE0]  }
0x2ad: {  	v7 =	vld [tilespmem:s4+$0xFFFFFFF0];
	v1 =	vmul.f32 v2, v1  }
0x2ae: {  	v8 =	vld [tilespmem:s3+$0xFFFFFFF0];
	v2 =	vimm.f32 $0.0e+00  }
0x2af: {  	v9 =	vld [tilespmem:s4+$0x0];
	v3 =	vmul.f32 v4, v3;
	v1 =	vadd.f32 v1, v2  }
0x2b0: {  	v10 =	vld [tilespmem:s3+$0x0]  }
0x2b1: {  	v4 =	vmul.f32 v6, v5;
	v5 =	vld [tilespmem:s3+$0x10];
	v3 =	vadd.f32 v3, v1  }
0x2b2: {  	v2 =	vld [tilespmem:s4+$0x10]  }
0x2b3: {  	v7 =	vmul.f32 v8, v7;
	v1 =	vld [tilespmem:s4+$0x20];
	v6 =	vadd.f32 v4, v3  }
0x2b4: {  	v4 =	vld [tilespmem:s3+$0x20]  }
0x2b5: {  	v8 =	vmul.f32 v10, v9;
	v3 =	vld [tilespmem:s4+$0x30];
	v7 =	vadd.f32 v7, v6  }
0x2b6: {  	s5 =	simm.s32 $0x0;
	s6 =	sadd.s32 $0x80, s4;
	s14 =	smov.u32 s3;
	v6 =	vld [tilespmem:s3+$0x30]  }
.LBB2_31:
0x2b7: {  	v9 =	vld [tilespmem:s6+$0xFFFFFFC0];
	v7 =	vadd.f32 v8, v7;
	v2 =	vmul.f32 v5, v2;
	s14 =	sadd.s32 $0x80, s14  }
0x2b8: {  	s5 =	sadd.s32 $0x8, s5;
	v5 =	vld [tilespmem:s14+$0xFFFFFFC0]  }
0x2b9: {  	p0 =	slt.u32 s5, $0x38;
	v8 =	vld [tilespmem:s6+$0xFFFFFFD0];
	v2 =	vadd.f32 v2, v7;
	v1 =	vmul.f32 v4, v1  }
0x2ba: {  	v4 =	vld [tilespmem:s14+$0xFFFFFFD0]  }
0x2bb: {  	v7 =	vld [tilespmem:s6+$0xFFFFFFE0];
	v1 =	vadd.f32 v1, v2;
	v2 =	vmul.f32 v6, v3  }
0x2bc: {  	v3 =	vld [tilespmem:s14+$0xFFFFFFE0]  }
0x2bd: {  	v5 =	vmul.f32 v5, v9;
	v6 =	vld [tilespmem:s6+$0xFFFFFFF0];
	v1 =	vadd.f32 v2, v1  }
0x2be: {  	v9 =	vld [tilespmem:s14+$0xFFFFFFF0]  }
0x2bf: {  	v1 =	vadd.f32 v5, v1;
	v2 =	vmul.f32 v4, v8;
	v8 =	vld [tilespmem:s6+$0x0]  }
0x2c0: {  	v10 =	vld [tilespmem:s14+$0x0]  }
0x2c1: {  	v1 =	vadd.f32 v2, v1;
	v3 =	vmul.f32 v3, v7;
	v2 =	vld [tilespmem:s6+$0x10]  }
.Ltmp14:
0x2c2: {  	v5 =	vld [tilespmem:s14+$0x10];
	(pc) =	sbr.rel @p0 .LBB2_31-.Ltmp14, $4  }
0x2c3: {  	v3 =	vadd.f32 v3, v1;
	v6 =	vmul.f32 v9, v6;
	v1 =	vld [tilespmem:s6+$0x20]  }
0x2c4: {  	v4 =	vld [tilespmem:s14+$0x20]  }
0x2c5: {  	v7 =	vadd.f32 v6, v3;
	v8 =	vmul.f32 v10, v8;
	v3 =	vld [tilespmem:s6+$0x30]  }
0x2c6: {  	s6 =	sadd.s32 $0x80, s6;
	v6 =	vld [tilespmem:s14+$0x30]  }
0x2c7: {  	v7 =	vadd.f32 v8, v7;
	v2 =	vmul.f32 v5, v2;
	_ =	sdelay $0x1  }
0x2c8: {  	s5 =	sshll.u32 s0, $0x4;
	s0 =	sadd.s32 $0x1, s0;
	v2 =	vadd.f32 v2, v7;
	v1 =	vmul.f32 v4, v1  }
0x2c9: {  	p0 =	sne.s32 s0, $0x9  }
.Ltmp15:
0x2ca: {  	v1 =	vadd.f32 v1, v2;
	v2 =	vmul.f32 v6, v3;
	(pc) =	sbr.rel @p0 .LBB2_30-.Ltmp15, $4  }
0x2cb: {  	_ = 	snop  }
0x2cc: {  	v1 =	vadd.f32 v2, v1  }
0x2cd: {  	s5 =	sand.u32 $0x3FFFFFF0, s5  }
0x2ce: {  	s3 =	sadd.s32 $0x400, s3;
	s4 =	sadd.s32 $0x400, s4;
	[tilespmem:s5+$0x121B0] =	vst v1  }
0x2cf: {  	s2 =	sadd.s32 $0x1, s2  }
0x2d0: {  	s0 =	simm.s32 $0x80;
	p0 =	sne.s32 s2, s13  }
.Ltmp16:
0x2d1: {  	s3 =	simm.s32 $0x400;
	s4 =	simm.s32 $0x12000;
	(pc) =	sbr.rel @p0 .LBB2_1-.Ltmp16, $4  }
0x2d2: {  	[hbm4b:s12+s0] =	stream.strided.scatter [tilespmem:s4], [sflag:$0x3], $0x280, s3, s0, $0x38;
	[tilespmem:$0x12280] =	vst v63  }
0x2d3: {  	_ =	swait.ge [sflag:s31], $0x280  }
0x2d4: {  	[sflag:s31] =	ssyncset.done $0x0  }
0x2d5: {  	[sflag:s31] =	ssyncadd.s32 $0xFFFFFD80  }
0x2d6: {  	_ =	sfence.sel $0x180000  }
0x2d7: {  	[bflag:$0x0] =	sbarrier.arrive $0xFFFF  }
0x2d8: {  	_ =	strace $0x90000047  }
0x2d9: {  	s0 =	stileid.u32;
	[bflag:$0x2] =	sbarrier.arrive $0xFFFF  }
0x2da: {  	p0 =	sne.s32 s0, $0x0;
	s0 =	rddreg [dreg:$0x4]  }
0x2db: {  	s0 =	sadd.s32 @!p0 $0x100000, s0  }
0x2dc: {  	[sflag:s0] =	ssyncadd.tile.s32 @!p0 $0x1;
	_ =	shalt  }
.Lfunc_end2:
_tile_overlayer_lowered:
.L_overlay_start_2:
0x2dd: {  	(tag) =	ssettag $0x2  }
0x2de: {  	s0 =	rddreg [dreg:$0x0];
	s2 =	stileid.u32  }
0x2df: {  	s1 =	rddreg [dreg:$0x1];
	p0 =	sne.s32 s2, $0x0  }
0x2e0: {  	s3 =	rddreg [dreg:$0x2];
	[bflag:$0x3] =	sbarrier.arrive $0xFFFF;
	s2 =	simm.s32 @!p0 $0x1C03  }
0x2e1: {  	[timem:s3], [sflag:s2] =	dma.local @!p0 [hbm:s0], s1  }
0x2e2: {  	s0 =	simm.s32 @!p0 $0x3  }
0x2e3: {  	_ =	swait.ge @!p0 [sflag:s0], s1  }
0x2e4: {  	s1 =	ssub.s32 @!p0 $0x0, s1;
	[sflag:s0] =	ssyncset.done @!p0 $0x0  }
0x2e5: {  	[sflag:s0] =	ssyncadd.s32 @!p0 s1  }
0x2e6: {  	[bflag:$0x3] =	sbarrier.arrive $0xFFFF  }
0x2e7: {  	_ =	shalt  }

</sc_bundles>
